<compile_context>
chip_gen: v7x
topology: tpu7x:2x2x1
jax: 0.10.2.dev20260603
libtpu: 0.0.44.dev20260713+nightly
codegen_flags: <defaults>
</compile_context>

<pallas_src>
import functools

import jax
import jax.numpy as jnp
from jax import lax
from jax.experimental import pallas as pl
from jax.experimental.pallas import tpu as pltpu
from jax.experimental.pallas import tpu_sc as plsc

N_NODE = 10000
D_IN = 128
H = 64
E = 320000

NC = 2
NS = 16
TILES = NC * NS
CHUNK = 128
N_ROWS = E // CHUNK
BASE_ROWS = N_ROWS // TILES
EXTRA = N_ROWS - BASE_ROWS * TILES
ROWS_MAX = BASE_ROWS + 1
ROWS_LOOP = 80
ACC_ROWS = 10240
SEG_PER_TILE = ACC_ROWS // NS
CW = 16
NBUF = 5
AHEAD = 3

BLK = 1000


def _proj_body(u_ref, p_ref, wld, wls, wlp, wrd, wrs, wrp, bld, bls, blp,
               yd, ys, yp, ru, rp):
    u = u_ref[...]
    p = p_ref[...]
    f32 = jnp.float32
    yd[...] = jnp.dot(p, wld[...], preferred_element_type=f32)
    ys[...] = jnp.dot(u, wls[...], preferred_element_type=f32)
    yp[...] = jnp.dot(u, wlp[...], preferred_element_type=f32)
    ru[...] = (jnp.dot(u, wrd[...], preferred_element_type=f32)
               + 0.75 * jnp.dot(u, wrs[...], preferred_element_type=f32)
               + bld[...] + 0.75 * bls[...])
    rp[...] = jnp.dot(p, wrp[...], preferred_element_type=f32) + blp[...]


def _project(user_x, post_x, Wl_d, Wl_s, Wl_p, Wr_d, Wr_s, Wr_p, bl_d, bl_s, bl_p):
    n_blk = N_NODE // BLK
    row_spec = pl.BlockSpec((BLK, D_IN), lambda i: (i, 0))
    w_spec = pl.BlockSpec((D_IN, H), lambda i: (0, 0))
    b_spec = pl.BlockSpec((1, H), lambda i: (0, 0))
    out_spec = pl.BlockSpec((BLK, H), lambda i: (i, 0))
    out_shape = jax.ShapeDtypeStruct((N_NODE, H), jnp.float32)
    return pl.pallas_call(
        _proj_body,
        grid=(n_blk,),
        in_specs=[row_spec, row_spec] + [w_spec] * 6 + [b_spec] * 3,
        out_specs=[out_spec] * 5,
        out_shape=[out_shape] * 5,
    )(user_x, post_x, Wl_d, Wl_s, Wl_p, Wr_d, Wr_s, Wr_p,
      bl_d.reshape(1, H), bl_s.reshape(1, H), bl_p.reshape(1, H))


def _sc_body(yd_h, ys_h, yp_h, ed_h, es_h, ep_h,
             ones_h, zseg_h, zcnt_h,
             segd_o, segs_o, segp_o, cntd_o, cnts_o, cntp_o,
             src_v, dst_v, rows_v, ones_v,
             seg_sh, cnt_sh,
             g0, g1, g2, g3, g4, s0, s1, s2, s3, s4):
    cid = lax.axis_index("c")
    sid = lax.axis_index("s")
    tid = sid * NC + cid
    g_sems = (g0, g1, g2, g3, g4)
    s_sems = (s0, s1, s2, s3, s4)

    row0 = tid * BASE_ROWS + jnp.minimum(tid, EXTRA)
    nrows = jnp.where(tid < EXTRA, BASE_ROWS + 1, BASE_ROWS)

    pltpu.sync_copy(ones_h, ones_v)

    my_acc = pl.ds(sid * SEG_PER_TILE, SEG_PER_TILE)

    def run_rel(e_h, y_h, seg_o, cnt_o):
        pltpu.sync_copy(zseg_h, seg_sh.at[my_acc])
        pltpu.sync_copy(zcnt_h, cnt_sh.at[my_acc])
        pltpu.sync_copy(e_h.at[0, pl.ds(row0, BASE_ROWS)],
                        src_v.at[pl.ds(0, BASE_ROWS)])
        pltpu.sync_copy(e_h.at[1, pl.ds(row0, BASE_ROWS)],
                        dst_v.at[pl.ds(0, BASE_ROWS)])

        @pl.when(tid < EXTRA)
        def _():
            pltpu.sync_copy(e_h.at[0, row0 + BASE_ROWS], src_v.at[BASE_ROWS])
            pltpu.sync_copy(e_h.at[1, row0 + BASE_ROWS], dst_v.at[BASE_ROWS])

        plsc.subcore_barrier()

        def start_gather(row, b):
            pltpu.async_copy(y_h.at[src_v.at[row]], rows_v.at[b], g_sems[b])

        def wait_gather(row, b):
            pltpu.make_async_copy(y_h.at[src_v.at[row]], rows_v.at[b],
                                  g_sems[b]).wait()

        def start_scatter(row, b):
            pltpu.async_copy(rows_v.at[b], seg_sh.at[dst_v.at[row]],
                             s_sems[b], add=True)
            pltpu.async_copy(ones_v, cnt_sh.at[dst_v.at[row]],
                             s_sems[b], add=True)

        def wait_scatter(row, b):
            pltpu.make_async_copy(rows_v.at[b], seg_sh.at[dst_v.at[row]],
                                  s_sems[b]).wait()
            pltpu.make_async_copy(ones_v, cnt_sh.at[dst_v.at[row]],
                                  s_sems[b]).wait()

        for b in range(AHEAD):
            start_gather(b, b)

        def step(jn, _):
            j0 = jn * NBUF
            for b in range(NBUF):
                j = j0 + b
                live = j < nrows

                @pl.when(live)
                def _():
                    wait_gather(j, b)
                    start_scatter(j, b)

                bn = (b + AHEAD) % NBUF

                @pl.when((j >= NBUF - AHEAD)
                         & (j - (NBUF - AHEAD) < nrows))
                def _():
                    wait_scatter(j - (NBUF - AHEAD), bn)

                @pl.when(j + AHEAD < nrows)
                def _():
                    start_gather(j + AHEAD, bn)
            return _

        lax.fori_loop(0, ROWS_LOOP // NBUF, step, None)
        for j in range(ROWS_LOOP - (NBUF - AHEAD), ROWS_LOOP):
            @pl.when(j < nrows)
            def _():
                wait_scatter(j, j % NBUF)
        plsc.subcore_barrier()
        pltpu.sync_copy(seg_sh.at[my_acc], seg_o.at[cid, my_acc])
        pltpu.sync_copy(cnt_sh.at[my_acc], cnt_o.at[cid, my_acc])

    run_rel(ed_h, yd_h, segd_o, cntd_o)
    run_rel(es_h, ys_h, segs_o, cnts_o)
    run_rel(ep_h, yp_h, segp_o, cntp_o)


def _sc_scatter(yd, ys, yp, ed, es, ep):
    mesh = plsc.VectorSubcoreMesh(core_axis_name="c", subcore_axis_name="s")
    f32 = jnp.float32
    ones = jnp.ones((CHUNK, CW), f32)
    zseg = jnp.zeros((SEG_PER_TILE, H), f32)
    zcnt = jnp.zeros((SEG_PER_TILE, CW), f32)
    call = pl.kernel(
        _sc_body,
        out_type=[jax.ShapeDtypeStruct((NC, ACC_ROWS, H), f32)] * 3
                 + [jax.ShapeDtypeStruct((NC, ACC_ROWS, CW), f32)] * 3,
        mesh=mesh,
        compiler_params=pltpu.CompilerParams(use_tc_tiling_on_sc=False),
        scratch_types=[
            pltpu.VMEM((ROWS_MAX, CHUNK), jnp.int32),
            pltpu.VMEM((ROWS_MAX, CHUNK), jnp.int32),
            pltpu.VMEM((NBUF, CHUNK, H), f32),
            pltpu.VMEM((CHUNK, CW), f32),
            pltpu.VMEM_SHARED((ACC_ROWS, H), f32),
            pltpu.VMEM_SHARED((ACC_ROWS, CW), f32),
        ] + [pltpu.SemaphoreType.DMA] * (2 * NBUF),
    )
    return call(yd, ys, yp, ed, es, ep, ones, zseg, zcnt)


def _comb_body(segd, segs, segp, cntd, cnts, cntp, ru, rp, uo, po):
    def mean(seg_ref, cnt_ref):
        s = seg_ref[0] + seg_ref[1]
        c = cnt_ref[0][:, 0:1] + cnt_ref[1][:, 0:1]
        return s / jnp.maximum(c, 1.0)

    uo[...] = jnp.maximum(
        mean(segd, cntd) + 0.75 * mean(segs, cnts) + ru[...], 0.0)
    po[...] = jnp.maximum(mean(segp, cntp) + rp[...], 0.0)


def _combine(segd, segs, segp, cntd, cnts, cntp, ru, rp):
    n_blk = N_NODE // BLK
    seg_spec = pl.BlockSpec((NC, BLK, H), lambda i: (0, i, 0))
    cnt_spec = pl.BlockSpec((NC, BLK, CW), lambda i: (0, i, 0))
    r_spec = pl.BlockSpec((BLK, H), lambda i: (i, 0))
    out_shape = jax.ShapeDtypeStruct((N_NODE, H), jnp.float32)
    return pl.pallas_call(
        _comb_body,
        grid=(n_blk,),
        in_specs=[seg_spec] * 3 + [cnt_spec] * 3 + [r_spec] * 2,
        out_specs=[r_spec] * 2,
        out_shape=[out_shape] * 2,
    )(segd, segs, segp, cntd, cnts, cntp, ru, rp)


def kernel(user_x, post_x, edge_index_rev_engages, edge_index_social,
           edge_index_engages, Wl_d, bl_d, Wr_d, Wl_s, bl_s, Wr_s,
           Wl_p, bl_p, Wr_p):
    yd, ys, yp, ru, rp = _project(user_x, post_x, Wl_d, Wl_s, Wl_p,
                                  Wr_d, Wr_s, Wr_p, bl_d, bl_s, bl_p)

    ed = edge_index_rev_engages.reshape(2, N_ROWS, CHUNK)
    es = edge_index_social.reshape(2, N_ROWS, CHUNK)
    ep = edge_index_engages.reshape(2, N_ROWS, CHUNK)

    segd, segs, segp, cntd, cnts, cntp = _sc_scatter(yd, ys, yp, ed, es, ep)

    user_out, post_out = _combine(segd, segs, segp, cntd, cnts, cntp, ru, rp)
    return (user_out, post_out)

# --- scband reference (transcript-rebuilt; emitter-appended) ---
"""Pipeline reference for scband-weighted-rgcn-9113920602330 (READ-ONLY COPY).

The authoritative reference and input builder live on the scoring server;
editing this copy changes nothing except your own understanding.
"""

import jax, jax.numpy as jnp
import numpy as np

N_USER = 10000
N_POST = 10000
E = 320000
D_IN = 128
H = 64


def _lin(k, din, dout):
    return (jax.random.normal(k, (din, dout), dtype=jnp.float32) / np.sqrt(din)).astype(jnp.float32)


def setup_inputs(seed: int = 0):
    key = jax.random.key(seed)
    ks = jax.random.split(key, 12)
    inp = {}
    inp['user_x'] = jax.random.normal(ks[0], (N_USER, D_IN), dtype=jnp.float32)
    inp['post_x'] = jax.random.normal(ks[1], (N_POST, D_IN), dtype=jnp.float32)
    # edge_index[0] = src node ids, edge_index[1] = dst node ids
    inp['edge_index_rev_engages'] = jax.random.randint(ks[2], (2, E), 0, N_USER, dtype=jnp.int32)  # post -> user
    inp['edge_index_social'] = jax.random.randint(ks[3], (2, E), 0, N_USER, dtype=jnp.int32)       # user -> user
    inp['edge_index_engages'] = jax.random.randint(ks[4], (2, E), 0, N_POST, dtype=jnp.int32)      # user -> post
    # SAGEConv params: lin_l (applied to mean-aggregated src msgs, with bias), lin_r (root/dst, no bias)
    inp['Wl_d'] = _lin(ks[5], D_IN, H); inp['bl_d'] = jnp.zeros((H,), jnp.float32); inp['Wr_d'] = _lin(ks[6], D_IN, H)
    inp['Wl_s'] = _lin(ks[7], D_IN, H); inp['bl_s'] = jnp.zeros((H,), jnp.float32); inp['Wr_s'] = _lin(ks[8], D_IN, H)
    inp['Wl_p'] = _lin(ks[9], D_IN, H); inp['bl_p'] = jnp.zeros((H,), jnp.float32); inp['Wr_p'] = _lin(ks[10], D_IN, H)
    return inp


def _sage(x_src, x_dst, edge_index, Wl, bl, Wr):
    # PyG SAGEConv with mean aggregation: lin_l(mean_{j in N(i)} x_src_j) + lin_r(x_dst_i)
    src = edge_index[0]
    dst = edge_index[1]
    msgs = jnp.take(x_src, src, axis=0)
    agg = jax.ops.segment_sum(msgs, dst, num_segments=x_dst.shape[0])
    cnt = jax.ops.segment_sum(jnp.ones((src.shape[0],), jnp.float32), dst, num_segments=x_dst.shape[0])
    mean = agg / jnp.clip(cnt, 1.0, None)[:, None]
    return mean @ Wl + bl + x_dst @ Wr


def reference(user_x, post_x, edge_index_rev_engages, edge_index_social, edge_index_engages,
              Wl_d, bl_d, Wr_d, Wl_s, bl_s, Wr_s, Wl_p, bl_p, Wr_p):
    w_direct = 1.0
    w_social = 0.75
    msg_direct = _sage(post_x, user_x, edge_index_rev_engages, Wl_d, bl_d, Wr_d)
    msg_social = _sage(user_x, user_x, edge_index_social, Wl_s, bl_s, Wr_s)
    user_out = jax.nn.relu(w_direct * msg_direct + w_social * msg_social)
    post_out = jax.nn.relu(_sage(user_x, post_x, edge_index_engages, Wl_p, bl_p, Wr_p))
    return (user_out, post_out)

if __name__ == "__main__":
    import jax
    _d = setup_inputs()
    print(jax.jit(kernel)(*tuple(_d.values())))

</pallas_src>

<mosaic_0001>
#map = affine_map<(d0, d1) -> (0, 0)>
#map1 = affine_map<(d0, d1) -> (0, 0, 0)>
module attributes {stable_mosaic.version = 14 : i64} {
  func.func @_sc_body(%arg0: i32, %arg1: i32, %arg2: memref<10000x64xf32, #tpu.memory_space<hbm>>, %arg3: memref<10000x64xf32, #tpu.memory_space<hbm>>, %arg4: memref<10000x64xf32, #tpu.memory_space<hbm>>, %arg5: memref<2x2500x128xi32, #tpu.memory_space<hbm>>, %arg6: memref<2x2500x128xi32, #tpu.memory_space<hbm>>, %arg7: memref<2x2500x128xi32, #tpu.memory_space<hbm>>, %arg8: memref<128x16xf32, #tpu.memory_space<hbm>>, %arg9: memref<640x64xf32, #tpu.memory_space<hbm>>, %arg10: memref<640x16xf32, #tpu.memory_space<hbm>>, %arg11: memref<2x10240x64xf32, #tpu.memory_space<hbm>>, %arg12: memref<2x10240x64xf32, #tpu.memory_space<hbm>>, %arg13: memref<2x10240x64xf32, #tpu.memory_space<hbm>>, %arg14: memref<2x10240x16xf32, #tpu.memory_space<hbm>>, %arg15: memref<2x10240x16xf32, #tpu.memory_space<hbm>>, %arg16: memref<2x10240x16xf32, #tpu.memory_space<hbm>>, %arg17: memref<79x128xi32, #tpu.memory_space<vmem>>, %arg18: memref<79x128xi32, #tpu.memory_space<vmem>>, %arg19: memref<5x128x64xf32, #tpu.memory_space<vmem>>, %arg20: memref<128x16xf32, #tpu.memory_space<vmem>>, %arg21: memref<10240x64xf32, #tpu.memory_space<vmem_shared>>, %arg22: memref<10240x16xf32, #tpu.memory_space<vmem_shared>>, %arg23: memref<!tpu.dma_semaphore, #tpu.memory_space<semaphore_mem>>, %arg24: memref<!tpu.dma_semaphore, #tpu.memory_space<semaphore_mem>>, %arg25: memref<!tpu.dma_semaphore, #tpu.memory_space<semaphore_mem>>, %arg26: memref<!tpu.dma_semaphore, #tpu.memory_space<semaphore_mem>>, %arg27: memref<!tpu.dma_semaphore, #tpu.memory_space<semaphore_mem>>, %arg28: memref<!tpu.dma_semaphore, #tpu.memory_space<semaphore_mem>>, %arg29: memref<!tpu.dma_semaphore, #tpu.memory_space<semaphore_mem>>, %arg30: memref<!tpu.dma_semaphore, #tpu.memory_space<semaphore_mem>>, %arg31: memref<!tpu.dma_semaphore, #tpu.memory_space<semaphore_mem>>, %arg32: memref<!tpu.dma_semaphore, #tpu.memory_space<semaphore_mem>>) attributes {dimension_semantics = [#tpu.dimension_semantics<core_parallel>, #tpu.dimension_semantics<subcore_parallel>], iteration_bounds = array<i64: 2, 16>, scalar_prefetch = 0 : i64, scratch_operands = 16 : i64, tpu.core_type = #tpu.core_type<sc_vector_subcore>, window_params = [{transform_indices = #map}, {transform_indices = #map}, {transform_indices = #map}, {transform_indices = #map1}, {transform_indices = #map1}, {transform_indices = #map1}, {transform_indices = #map}, {transform_indices = #map}, {transform_indices = #map}, {transform_indices = #map1}, {transform_indices = #map1}, {transform_indices = #map1}, {transform_indices = #map1}, {transform_indices = #map1}, {transform_indices = #map1}]} {
    %mul3A = arith.constant 2 : i32
    %mul3A_0 = arith.muli %arg1, %mul3A : i32
    %add3A = arith.addi %mul3A_0, %arg0 : i32
    %mul3A_1 = arith.constant 78 : i32
    %mul3A_2 = arith.muli %add3A, %mul3A_1 : i32
    %min3A = arith.constant 4 : i32
    %min3A_3 = arith.minsi %add3A, %min3A : i32
    %add3A_4 = arith.addi %mul3A_2, %min3A_3 : i32
    %lt3A = arith.constant 4 : i32
    %lt3A_5 = arith.cmpi slt, %add3A, %lt3A : i32
    %jit3A = arith.constant 79 : i32
    %jit3A_6 = arith.constant 78 : i32
    %select_n3A = arith.select %lt3A_5, %jit3A, %jit3A_6 : i32
    "tpu.region"() ({
      %run_scoped3A_182 = tpu.sem_alloc : memref<!tpu.dma_semaphore, #tpu.memory_space<semaphore_mem>>
      tpu.enqueue_dma source(%arg8 : memref<128x16xf32, #tpu.memory_space<hbm>>) target(%arg20 : memref<128x16xf32, #tpu.memory_space<vmem>>) target_semaphore(%run_scoped3A_182 : memref<!tpu.dma_semaphore, #tpu.memory_space<semaphore_mem>>)
      tpu.wait_dma2 semaphore(%run_scoped3A_182 : memref<!tpu.dma_semaphore, #tpu.memory_space<semaphore_mem>>) src(%arg8 : memref<128x16xf32, #tpu.memory_space<hbm>>) dst(%arg20 : memref<128x16xf32, #tpu.memory_space<vmem>>)
      tpu.yield
    }) : () -> ()
    %mul3A_7 = arith.constant 640 : i32
    %mul3A_8 = arith.muli %arg1, %mul3A_7 : i32
    "tpu.region"() ({
      %run_scoped3A_182 = tpu.sem_alloc : memref<!tpu.dma_semaphore, #tpu.memory_space<semaphore_mem>>
      %dma_start3A_183 = arith.constant 0 : i32
      %dma_start3A_184 = tpu.memref_slice %arg21[%mul3A_8, %dma_start3A_183] : memref<10240x64xf32, #tpu.memory_space<vmem_shared>> -> memref<640x64xf32, #tpu.memory_space<vmem_shared>>
      tpu.enqueue_dma source(%arg9 : memref<640x64xf32, #tpu.memory_space<hbm>>) target(%dma_start3A_184 : memref<640x64xf32, #tpu.memory_space<vmem_shared>>) target_semaphore(%run_scoped3A_182 : memref<!tpu.dma_semaphore, #tpu.memory_space<semaphore_mem>>)
      %dma_wait3A = arith.constant 0 : i32
      %dma_wait3A_185 = tpu.memref_slice %arg21[%mul3A_8, %dma_wait3A] : memref<10240x64xf32, #tpu.memory_space<vmem_shared>> -> memref<640x64xf32, #tpu.memory_space<vmem_shared>>
      tpu.wait_dma2 semaphore(%run_scoped3A_182 : memref<!tpu.dma_semaphore, #tpu.memory_space<semaphore_mem>>) src(%arg9 : memref<640x64xf32, #tpu.memory_space<hbm>>) dst(%dma_wait3A_185 : memref<640x64xf32, #tpu.memory_space<vmem_shared>>)
      tpu.yield
    }) : () -> ()
    "tpu.region"() ({
      %run_scoped3A_182 = tpu.sem_alloc : memref<!tpu.dma_semaphore, #tpu.memory_space<semaphore_mem>>
      %dma_start3A_183 = arith.constant 0 : i32
      %dma_start3A_184 = tpu.memref_slice %arg22[%mul3A_8, %dma_start3A_183] : memref<10240x16xf32, #tpu.memory_space<vmem_shared>> -> memref<640x16xf32, #tpu.memory_space<vmem_shared>>
      tpu.enqueue_dma source(%arg10 : memref<640x16xf32, #tpu.memory_space<hbm>>) target(%dma_start3A_184 : memref<640x16xf32, #tpu.memory_space<vmem_shared>>) target_semaphore(%run_scoped3A_182 : memref<!tpu.dma_semaphore, #tpu.memory_space<semaphore_mem>>)
      %dma_wait3A = arith.constant 0 : i32
      %dma_wait3A_185 = tpu.memref_slice %arg22[%mul3A_8, %dma_wait3A] : memref<10240x16xf32, #tpu.memory_space<vmem_shared>> -> memref<640x16xf32, #tpu.memory_space<vmem_shared>>
      tpu.wait_dma2 semaphore(%run_scoped3A_182 : memref<!tpu.dma_semaphore, #tpu.memory_space<semaphore_mem>>) src(%arg10 : memref<640x16xf32, #tpu.memory_space<hbm>>) dst(%dma_wait3A_185 : memref<640x16xf32, #tpu.memory_space<vmem_shared>>)
      tpu.yield
    }) : () -> ()
    %run_scoped3A = arith.constant 0 : i32
    "tpu.region"() ({
      %run_scoped3A_182 = tpu.sem_alloc : memref<!tpu.dma_semaphore, #tpu.memory_space<semaphore_mem>>
      %dma_start3A_183 = arith.constant 0 : i32
      %dma_start3A_184 = arith.constant 0 : i32
      %dma_start3A_185 = tpu.memref_slice %arg17[%dma_start3A_183, %dma_start3A_184] : memref<79x128xi32, #tpu.memory_space<vmem>> -> memref<78x128xi32, #tpu.memory_space<vmem>>
      %dma_start3A_186 = arith.constant 0 : i32
      %dma_start3A_187 = tpu.memref_slice %arg5[%run_scoped3A, %add3A_4, %dma_start3A_186] : memref<2x2500x128xi32, #tpu.memory_space<hbm>> -> memref<1x78x128xi32, #tpu.memory_space<hbm>>
      %dma_start3A_188 = tpu.memref_squeeze %dma_start3A_187 : memref<1x78x128xi32, #tpu.memory_space<hbm>> -> memref<78x128xi32, #tpu.memory_space<hbm>>
      %dma_start3A_189 = arith.constant 0 : i32
      %dma_start3A_190 = arith.constant 0 : i32
      %dma_start3A_191 = tpu.memref_slice %arg17[%dma_start3A_189, %dma_start3A_190] : memref<79x128xi32, #tpu.memory_space<vmem>> -> memref<78x128xi32, #tpu.memory_space<vmem>>
      %dma_start3A_192 = arith.constant 0 : i32
      %dma_start3A_193 = tpu.memref_slice %arg5[%run_scoped3A, %add3A_4, %dma_start3A_192] : memref<2x2500x128xi32, #tpu.memory_space<hbm>> -> memref<1x78x128xi32, #tpu.memory_space<hbm>>
      %dma_start3A_194 = tpu.memref_squeeze %dma_start3A_193 : memref<1x78x128xi32, #tpu.memory_space<hbm>> -> memref<78x128xi32, #tpu.memory_space<hbm>>
      tpu.enqueue_dma source(%dma_start3A_194 : memref<78x128xi32, #tpu.memory_space<hbm>>) target(%dma_start3A_191 : memref<78x128xi32, #tpu.memory_space<vmem>>) target_semaphore(%run_scoped3A_182 : memref<!tpu.dma_semaphore, #tpu.memory_space<semaphore_mem>>)
      %dma_wait3A = arith.constant 0 : i32
      %dma_wait3A_195 = arith.constant 0 : i32
      %dma_wait3A_196 = tpu.memref_slice %arg17[%dma_wait3A, %dma_wait3A_195] : memref<79x128xi32, #tpu.memory_space<vmem>> -> memref<78x128xi32, #tpu.memory_space<vmem>>
      %dma_wait3A_197 = arith.constant 0 : i32
      %dma_wait3A_198 = tpu.memref_slice %arg5[%run_scoped3A, %add3A_4, %dma_wait3A_197] : memref<2x2500x128xi32, #tpu.memory_space<hbm>> -> memref<1x78x128xi32, #tpu.memory_space<hbm>>
      %dma_wait3A_199 = tpu.memref_squeeze %dma_wait3A_198 : memref<1x78x128xi32, #tpu.memory_space<hbm>> -> memref<78x128xi32, #tpu.memory_space<hbm>>
      %dma_wait3A_200 = arith.constant 0 : i32
      %dma_wait3A_201 = arith.constant 0 : i32
      %dma_wait3A_202 = tpu.memref_slice %arg17[%dma_wait3A_200, %dma_wait3A_201] : memref<79x128xi32, #tpu.memory_space<vmem>> -> memref<78x128xi32, #tpu.memory_space<vmem>>
      %dma_wait3A_203 = arith.constant 0 : i32
      %dma_wait3A_204 = tpu.memref_slice %arg5[%run_scoped3A, %add3A_4, %dma_wait3A_203] : memref<2x2500x128xi32, #tpu.memory_space<hbm>> -> memref<1x78x128xi32, #tpu.memory_space<hbm>>
      %dma_wait3A_205 = tpu.memref_squeeze %dma_wait3A_204 : memref<1x78x128xi32, #tpu.memory_space<hbm>> -> memref<78x128xi32, #tpu.memory_space<hbm>>
      tpu.wait_dma2 semaphore(%run_scoped3A_182 : memref<!tpu.dma_semaphore, #tpu.memory_space<semaphore_mem>>) src(%dma_wait3A_205 : memref<78x128xi32, #tpu.memory_space<hbm>>) dst(%dma_wait3A_202 : memref<78x128xi32, #tpu.memory_space<vmem>>)
      tpu.yield
    }) : () -> ()
    %run_scoped3A_9 = arith.constant 1 : i32
    "tpu.region"() ({
      %run_scoped3A_182 = tpu.sem_alloc : memref<!tpu.dma_semaphore, #tpu.memory_space<semaphore_mem>>
      %dma_start3A_183 = arith.constant 0 : i32
      %dma_start3A_184 = arith.constant 0 : i32
      %dma_start3A_185 = tpu.memref_slice %arg18[%dma_start3A_183, %dma_start3A_184] : memref<79x128xi32, #tpu.memory_space<vmem>> -> memref<78x128xi32, #tpu.memory_space<vmem>>
      %dma_start3A_186 = arith.constant 0 : i32
      %dma_start3A_187 = tpu.memref_slice %arg5[%run_scoped3A_9, %add3A_4, %dma_start3A_186] : memref<2x2500x128xi32, #tpu.memory_space<hbm>> -> memref<1x78x128xi32, #tpu.memory_space<hbm>>
      %dma_start3A_188 = tpu.memref_squeeze %dma_start3A_187 : memref<1x78x128xi32, #tpu.memory_space<hbm>> -> memref<78x128xi32, #tpu.memory_space<hbm>>
      %dma_start3A_189 = arith.constant 0 : i32
      %dma_start3A_190 = arith.constant 0 : i32
      %dma_start3A_191 = tpu.memref_slice %arg18[%dma_start3A_189, %dma_start3A_190] : memref<79x128xi32, #tpu.memory_space<vmem>> -> memref<78x128xi32, #tpu.memory_space<vmem>>
      %dma_start3A_192 = arith.constant 0 : i32
      %dma_start3A_193 = tpu.memref_slice %arg5[%run_scoped3A_9, %add3A_4, %dma_start3A_192] : memref<2x2500x128xi32, #tpu.memory_space<hbm>> -> memref<1x78x128xi32, #tpu.memory_space<hbm>>
      %dma_start3A_194 = tpu.memref_squeeze %dma_start3A_193 : memref<1x78x128xi32, #tpu.memory_space<hbm>> -> memref<78x128xi32, #tpu.memory_space<hbm>>
      tpu.enqueue_dma source(%dma_start3A_194 : memref<78x128xi32, #tpu.memory_space<hbm>>) target(%dma_start3A_191 : memref<78x128xi32, #tpu.memory_space<vmem>>) target_semaphore(%run_scoped3A_182 : memref<!tpu.dma_semaphore, #tpu.memory_space<semaphore_mem>>)
      %dma_wait3A = arith.constant 0 : i32
      %dma_wait3A_195 = arith.constant 0 : i32
      %dma_wait3A_196 = tpu.memref_slice %arg18[%dma_wait3A, %dma_wait3A_195] : memref<79x128xi32, #tpu.memory_space<vmem>> -> memref<78x128xi32, #tpu.memory_space<vmem>>
      %dma_wait3A_197 = arith.constant 0 : i32
      %dma_wait3A_198 = tpu.memref_slice %arg5[%run_scoped3A_9, %add3A_4, %dma_wait3A_197] : memref<2x2500x128xi32, #tpu.memory_space<hbm>> -> memref<1x78x128xi32, #tpu.memory_space<hbm>>
      %dma_wait3A_199 = tpu.memref_squeeze %dma_wait3A_198 : memref<1x78x128xi32, #tpu.memory_space<hbm>> -> memref<78x128xi32, #tpu.memory_space<hbm>>
      %dma_wait3A_200 = arith.constant 0 : i32
      %dma_wait3A_201 = arith.constant 0 : i32
      %dma_wait3A_202 = tpu.memref_slice %arg18[%dma_wait3A_200, %dma_wait3A_201] : memref<79x128xi32, #tpu.memory_space<vmem>> -> memref<78x128xi32, #tpu.memory_space<vmem>>
      %dma_wait3A_203 = arith.constant 0 : i32
      %dma_wait3A_204 = tpu.memref_slice %arg5[%run_scoped3A_9, %add3A_4, %dma_wait3A_203] : memref<2x2500x128xi32, #tpu.memory_space<hbm>> -> memref<1x78x128xi32, #tpu.memory_space<hbm>>
      %dma_wait3A_205 = tpu.memref_squeeze %dma_wait3A_204 : memref<1x78x128xi32, #tpu.memory_space<hbm>> -> memref<78x128xi32, #tpu.memory_space<hbm>>
      tpu.wait_dma2 semaphore(%run_scoped3A_182 : memref<!tpu.dma_semaphore, #tpu.memory_space<semaphore_mem>>) src(%dma_wait3A_205 : memref<78x128xi32, #tpu.memory_space<hbm>>) dst(%dma_wait3A_202 : memref<78x128xi32, #tpu.memory_space<vmem>>)
      tpu.yield
    }) : () -> ()
    %lt3A_10 = arith.constant 4 : i32
    %lt3A_11 = arith.cmpi slt, %add3A, %lt3A_10 : i32
    %convert_element_type3A = arith.extui %lt3A_11 : i1 to i32
    %cond3A = arith.constant 0 : i32
    %cond3A_12 = arith.cmpi ne, %convert_element_type3A, %cond3A : i32
    scf.if %cond3A_12 {
      %add3A_182 = arith.constant 78 : i32
      %add3A_183 = arith.addi %add3A_4, %add3A_182 : i32
      %run_scoped3A_184 = arith.constant 0 : i32
      %run_scoped3A_185 = arith.constant 78 : i32
      "tpu.region"() ({
        %run_scoped3A_190 = tpu.sem_alloc : memref<!tpu.dma_semaphore, #tpu.memory_space<semaphore_mem>>
        %dma_start3A_191 = arith.constant 0 : i32
        %dma_start3A_192 = tpu.memref_slice %arg17[%run_scoped3A_185, %dma_start3A_191] : memref<79x128xi32, #tpu.memory_space<vmem>> -> memref<1x128xi32, #tpu.memory_space<vmem>>
        %dma_start3A_193 = tpu.memref_squeeze %dma_start3A_192 : memref<1x128xi32, #tpu.memory_space<vmem>> -> memref<128xi32, #tpu.memory_space<vmem>>
        %dma_start3A_194 = arith.constant 0 : i32
        %dma_start3A_195 = tpu.memref_slice %arg5[%run_scoped3A_184, %add3A_183, %dma_start3A_194] : memref<2x2500x128xi32, #tpu.memory_space<hbm>> -> memref<1x1x128xi32, #tpu.memory_space<hbm>>
        %dma_start3A_196 = tpu.memref_squeeze %dma_start3A_195 : memref<1x1x128xi32, #tpu.memory_space<hbm>> -> memref<128xi32, #tpu.memory_space<hbm>>
        %dma_start3A_197 = arith.constant 0 : i32
        %dma_start3A_198 = tpu.memref_slice %arg17[%run_scoped3A_185, %dma_start3A_197] : memref<79x128xi32, #tpu.memory_space<vmem>> -> memref<1x128xi32, #tpu.memory_space<vmem>>
        %dma_start3A_199 = tpu.memref_squeeze %dma_start3A_198 : memref<1x128xi32, #tpu.memory_space<vmem>> -> memref<128xi32, #tpu.memory_space<vmem>>
        %dma_start3A_200 = arith.constant 0 : i32
        %dma_start3A_201 = tpu.memref_slice %arg5[%run_scoped3A_184, %add3A_183, %dma_start3A_200] : memref<2x2500x128xi32, #tpu.memory_space<hbm>> -> memref<1x1x128xi32, #tpu.memory_space<hbm>>
        %dma_start3A_202 = tpu.memref_squeeze %dma_start3A_201 : memref<1x1x128xi32, #tpu.memory_space<hbm>> -> memref<128xi32, #tpu.memory_space<hbm>>
        tpu.enqueue_dma source(%dma_start3A_202 : memref<128xi32, #tpu.memory_space<hbm>>) target(%dma_start3A_199 : memref<128xi32, #tpu.memory_space<vmem>>) target_semaphore(%run_scoped3A_190 : memref<!tpu.dma_semaphore, #tpu.memory_space<semaphore_mem>>)
        %dma_wait3A = arith.constant 0 : i32
        %dma_wait3A_203 = tpu.memref_slice %arg17[%run_scoped3A_185, %dma_wait3A] : memref<79x128xi32, #tpu.memory_space<vmem>> -> memref<1x128xi32, #tpu.memory_space<vmem>>
        %dma_wait3A_204 = tpu.memref_squeeze %dma_wait3A_203 : memref<1x128xi32, #tpu.memory_space<vmem>> -> memref<128xi32, #tpu.memory_space<vmem>>
        %dma_wait3A_205 = arith.constant 0 : i32
        %dma_wait3A_206 = tpu.memref_slice %arg5[%run_scoped3A_184, %add3A_183, %dma_wait3A_205] : memref<2x2500x128xi32, #tpu.memory_space<hbm>> -> memref<1x1x128xi32, #tpu.memory_space<hbm>>
        %dma_wait3A_207 = tpu.memref_squeeze %dma_wait3A_206 : memref<1x1x128xi32, #tpu.memory_space<hbm>> -> memref<128xi32, #tpu.memory_space<hbm>>
        %dma_wait3A_208 = arith.constant 0 : i32
        %dma_wait3A_209 = tpu.memref_slice %arg17[%run_scoped3A_185, %dma_wait3A_208] : memref<79x128xi32, #tpu.memory_space<vmem>> -> memref<1x128xi32, #tpu.memory_space<vmem>>
        %dma_wait3A_210 = tpu.memref_squeeze %dma_wait3A_209 : memref<1x128xi32, #tpu.memory_space<vmem>> -> memref<128xi32, #tpu.memory_space<vmem>>
        %dma_wait3A_211 = arith.constant 0 : i32
        %dma_wait3A_212 = tpu.memref_slice %arg5[%run_scoped3A_184, %add3A_183, %dma_wait3A_211] : memref<2x2500x128xi32, #tpu.memory_space<hbm>> -> memref<1x1x128xi32, #tpu.memory_space<hbm>>
        %dma_wait3A_213 = tpu.memref_squeeze %dma_wait3A_212 : memref<1x1x128xi32, #tpu.memory_space<hbm>> -> memref<128xi32, #tpu.memory_space<hbm>>
        tpu.wait_dma2 semaphore(%run_scoped3A_190 : memref<!tpu.dma_semaphore, #tpu.memory_space<semaphore_mem>>) src(%dma_wait3A_213 : memref<128xi32, #tpu.memory_space<hbm>>) dst(%dma_wait3A_210 : memref<128xi32, #tpu.memory_space<vmem>>)
        tpu.yield
      }) : () -> ()
      %add3A_186 = arith.constant 78 : i32
      %add3A_187 = arith.addi %add3A_4, %add3A_186 : i32
      %run_scoped3A_188 = arith.constant 1 : i32
      %run_scoped3A_189 = arith.constant 78 : i32
      "tpu.region"() ({
        %run_scoped3A_190 = tpu.sem_alloc : memref<!tpu.dma_semaphore, #tpu.memory_space<semaphore_mem>>
        %dma_start3A_191 = arith.constant 0 : i32
        %dma_start3A_192 = tpu.memref_slice %arg18[%run_scoped3A_189, %dma_start3A_191] : memref<79x128xi32, #tpu.memory_space<vmem>> -> memref<1x128xi32, #tpu.memory_space<vmem>>
        %dma_start3A_193 = tpu.memref_squeeze %dma_start3A_192 : memref<1x128xi32, #tpu.memory_space<vmem>> -> memref<128xi32, #tpu.memory_space<vmem>>
        %dma_start3A_194 = arith.constant 0 : i32
        %dma_start3A_195 = tpu.memref_slice %arg5[%run_scoped3A_188, %add3A_187, %dma_start3A_194] : memref<2x2500x128xi32, #tpu.memory_space<hbm>> -> memref<1x1x128xi32, #tpu.memory_space<hbm>>
        %dma_start3A_196 = tpu.memref_squeeze %dma_start3A_195 : memref<1x1x128xi32, #tpu.memory_space<hbm>> -> memref<128xi32, #tpu.memory_space<hbm>>
        %dma_start3A_197 = arith.constant 0 : i32
        %dma_start3A_198 = tpu.memref_slice %arg18[%run_scoped3A_189, %dma_start3A_197] : memref<79x128xi32, #tpu.memory_space<vmem>> -> memref<1x128xi32, #tpu.memory_space<vmem>>
        %dma_start3A_199 = tpu.memref_squeeze %dma_start3A_198 : memref<1x128xi32, #tpu.memory_space<vmem>> -> memref<128xi32, #tpu.memory_space<vmem>>
        %dma_start3A_200 = arith.constant 0 : i32
        %dma_start3A_201 = tpu.memref_slice %arg5[%run_scoped3A_188, %add3A_187, %dma_start3A_200] : memref<2x2500x128xi32, #tpu.memory_space<hbm>> -> memref<1x1x128xi32, #tpu.memory_space<hbm>>
        %dma_start3A_202 = tpu.memref_squeeze %dma_start3A_201 : memref<1x1x128xi32, #tpu.memory_space<hbm>> -> memref<128xi32, #tpu.memory_space<hbm>>
        tpu.enqueue_dma source(%dma_start3A_202 : memref<128xi32, #tpu.memory_space<hbm>>) target(%dma_start3A_199 : memref<128xi32, #tpu.memory_space<vmem>>) target_semaphore(%run_scoped3A_190 : memref<!tpu.dma_semaphore, #tpu.memory_space<semaphore_mem>>)
        %dma_wait3A = arith.constant 0 : i32
        %dma_wait3A_203 = tpu.memref_slice %arg18[%run_scoped3A_189, %dma_wait3A] : memref<79x128xi32, #tpu.memory_space<vmem>> -> memref<1x128xi32, #tpu.memory_space<vmem>>
        %dma_wait3A_204 = tpu.memref_squeeze %dma_wait3A_203 : memref<1x128xi32, #tpu.memory_space<vmem>> -> memref<128xi32, #tpu.memory_space<vmem>>
        %dma_wait3A_205 = arith.constant 0 : i32
        %dma_wait3A_206 = tpu.memref_slice %arg5[%run_scoped3A_188, %add3A_187, %dma_wait3A_205] : memref<2x2500x128xi32, #tpu.memory_space<hbm>> -> memref<1x1x128xi32, #tpu.memory_space<hbm>>
        %dma_wait3A_207 = tpu.memref_squeeze %dma_wait3A_206 : memref<1x1x128xi32, #tpu.memory_space<hbm>> -> memref<128xi32, #tpu.memory_space<hbm>>
        %dma_wait3A_208 = arith.constant 0 : i32
        %dma_wait3A_209 = tpu.memref_slice %arg18[%run_scoped3A_189, %dma_wait3A_208] : memref<79x128xi32, #tpu.memory_space<vmem>> -> memref<1x128xi32, #tpu.memory_space<vmem>>
        %dma_wait3A_210 = tpu.memref_squeeze %dma_wait3A_209 : memref<1x128xi32, #tpu.memory_space<vmem>> -> memref<128xi32, #tpu.memory_space<vmem>>
        %dma_wait3A_211 = arith.constant 0 : i32
        %dma_wait3A_212 = tpu.memref_slice %arg5[%run_scoped3A_188, %add3A_187, %dma_wait3A_211] : memref<2x2500x128xi32, #tpu.memory_space<hbm>> -> memref<1x1x128xi32, #tpu.memory_space<hbm>>
        %dma_wait3A_213 = tpu.memref_squeeze %dma_wait3A_212 : memref<1x1x128xi32, #tpu.memory_space<hbm>> -> memref<128xi32, #tpu.memory_space<hbm>>
        tpu.wait_dma2 semaphore(%run_scoped3A_190 : memref<!tpu.dma_semaphore, #tpu.memory_space<semaphore_mem>>) src(%dma_wait3A_213 : memref<128xi32, #tpu.memory_space<hbm>>) dst(%dma_wait3A_210 : memref<128xi32, #tpu.memory_space<vmem>>)
        tpu.yield
      }) : () -> ()
    } else {
    }
    %barrier3A = arith.constant 0 : index
    tpu.barrier barrier_id(%barrier3A)
    %dma_start3A = arith.constant 0 : i32
    %dma_start3A_13 = arith.constant 0 : i32
    %dma_start3A_14 = arith.constant 0 : i32
    %dma_start3A_15 = arith.constant 0 : i32
    %dma_start3A_16 = tpu.memref_slice %arg19[%dma_start3A_13, %dma_start3A_14, %dma_start3A_15] : memref<5x128x64xf32, #tpu.memory_space<vmem>> -> memref<1x128x64xf32, #tpu.memory_space<vmem>>
    %dma_start3A_17 = tpu.memref_squeeze %dma_start3A_16 : memref<1x128x64xf32, #tpu.memory_space<vmem>> -> memref<128x64xf32, #tpu.memory_space<vmem>>
    %dma_start3A_18 = arith.constant 0 : i32
    %dma_start3A_19 = tpu.memref_slice %arg17[%dma_start3A, %dma_start3A_18] : memref<79x128xi32, #tpu.memory_space<vmem>> -> memref<1x128xi32, #tpu.memory_space<vmem>>
    %dma_start3A_20 = tpu.memref_squeeze %dma_start3A_19 : memref<1x128xi32, #tpu.memory_space<vmem>> -> memref<128xi32, #tpu.memory_space<vmem>>
    %dma_start3A_21 = arith.constant 0 : i32
    %dma_start3A_22 = arith.constant 0 : i32
    %dma_start3A_23 = tpu.memref_slice %arg2[%dma_start3A_21, %dma_start3A_22] : memref<10000x64xf32, #tpu.memory_space<hbm>> -> memref<10000x64xf32, #tpu.memory_space<hbm>>
    tpu.enqueue_indirect_dma source(%dma_start3A_23 : memref<10000x64xf32, #tpu.memory_space<hbm>>) target(%dma_start3A_17 : memref<128x64xf32, #tpu.memory_space<vmem>>) offsets(%dma_start3A_20 : memref<128xi32, #tpu.memory_space<vmem>>) semaphore(%arg23 : memref<!tpu.dma_semaphore, #tpu.memory_space<semaphore_mem>>)
    %dma_start3A_24 = arith.constant 1 : i32
    %dma_start3A_25 = arith.constant 1 : i32
    %dma_start3A_26 = arith.constant 0 : i32
    %dma_start3A_27 = arith.constant 0 : i32
    %dma_start3A_28 = tpu.memref_slice %arg19[%dma_start3A_25, %dma_start3A_26, %dma_start3A_27] : memref<5x128x64xf32, #tpu.memory_space<vmem>> -> memref<1x128x64xf32, #tpu.memory_space<vmem>>
    %dma_start3A_29 = tpu.memref_squeeze %dma_start3A_28 : memref<1x128x64xf32, #tpu.memory_space<vmem>> -> memref<128x64xf32, #tpu.memory_space<vmem>>
    %dma_start3A_30 = arith.constant 0 : i32
    %dma_start3A_31 = tpu.memref_slice %arg17[%dma_start3A_24, %dma_start3A_30] : memref<79x128xi32, #tpu.memory_space<vmem>> -> memref<1x128xi32, #tpu.memory_space<vmem>>
    %dma_start3A_32 = tpu.memref_squeeze %dma_start3A_31 : memref<1x128xi32, #tpu.memory_space<vmem>> -> memref<128xi32, #tpu.memory_space<vmem>>
    %dma_start3A_33 = arith.constant 0 : i32
    %dma_start3A_34 = arith.constant 0 : i32
    %dma_start3A_35 = tpu.memref_slice %arg2[%dma_start3A_33, %dma_start3A_34] : memref<10000x64xf32, #tpu.memory_space<hbm>> -> memref<10000x64xf32, #tpu.memory_space<hbm>>
    tpu.enqueue_indirect_dma source(%dma_start3A_35 : memref<10000x64xf32, #tpu.memory_space<hbm>>) target(%dma_start3A_29 : memref<128x64xf32, #tpu.memory_space<vmem>>) offsets(%dma_start3A_32 : memref<128xi32, #tpu.memory_space<vmem>>) semaphore(%arg24 : memref<!tpu.dma_semaphore, #tpu.memory_space<semaphore_mem>>)
    %dma_start3A_36 = arith.constant 2 : i32
    %dma_start3A_37 = arith.constant 2 : i32
    %dma_start3A_38 = arith.constant 0 : i32
    %dma_start3A_39 = arith.constant 0 : i32
    %dma_start3A_40 = tpu.memref_slice %arg19[%dma_start3A_37, %dma_start3A_38, %dma_start3A_39] : memref<5x128x64xf32, #tpu.memory_space<vmem>> -> memref<1x128x64xf32, #tpu.memory_space<vmem>>
    %dma_start3A_41 = tpu.memref_squeeze %dma_start3A_40 : memref<1x128x64xf32, #tpu.memory_space<vmem>> -> memref<128x64xf32, #tpu.memory_space<vmem>>
    %dma_start3A_42 = arith.constant 0 : i32
    %dma_start3A_43 = tpu.memref_slice %arg17[%dma_start3A_36, %dma_start3A_42] : memref<79x128xi32, #tpu.memory_space<vmem>> -> memref<1x128xi32, #tpu.memory_space<vmem>>
    %dma_start3A_44 = tpu.memref_squeeze %dma_start3A_43 : memref<1x128xi32, #tpu.memory_space<vmem>> -> memref<128xi32, #tpu.memory_space<vmem>>
    %dma_start3A_45 = arith.constant 0 : i32
    %dma_start3A_46 = arith.constant 0 : i32
    %dma_start3A_47 = tpu.memref_slice %arg2[%dma_start3A_45, %dma_start3A_46] : memref<10000x64xf32, #tpu.memory_space<hbm>> -> memref<10000x64xf32, #tpu.memory_space<hbm>>
    tpu.enqueue_indirect_dma source(%dma_start3A_47 : memref<10000x64xf32, #tpu.memory_space<hbm>>) target(%dma_start3A_41 : memref<128x64xf32, #tpu.memory_space<vmem>>) offsets(%dma_start3A_44 : memref<128xi32, #tpu.memory_space<vmem>>) semaphore(%arg25 : memref<!tpu.dma_semaphore, #tpu.memory_space<semaphore_mem>>)
    %scan3A = arith.constant 0 : i32
    %scan3A_48 = arith.constant 16 : i32
    %scan3A_49 = arith.addi %scan3A, %scan3A_48 : i32
    %scan3A_50 = arith.constant 1 : i32
    scf.for %scan3A_182 = %scan3A to %scan3A_49 step %scan3A_50  : i32 {
      %mul3A_183 = arith.constant 5 : i32
      %mul3A_184 = arith.muli %scan3A_182, %mul3A_183 : i32
      %add3A_185 = arith.constant 0 : i32
      %add3A_186 = arith.addi %mul3A_184, %add3A_185 : i32
      %lt3A_187 = arith.cmpi slt, %add3A_186, %select_n3A : i32
      %convert_element_type3A_188 = arith.extui %lt3A_187 : i1 to i32
      %cond3A_189 = arith.constant 0 : i32
      %cond3A_190 = arith.cmpi ne, %convert_element_type3A_188, %cond3A_189 : i32
      scf.if %cond3A_190 {
        %dma_wait3A = arith.constant 0 : i32
        %dma_wait3A_287 = arith.constant 0 : i32
        %dma_wait3A_288 = arith.constant 0 : i32
        %dma_wait3A_289 = tpu.memref_slice %arg19[%dma_wait3A, %dma_wait3A_287, %dma_wait3A_288] : memref<5x128x64xf32, #tpu.memory_space<vmem>> -> memref<1x128x64xf32, #tpu.memory_space<vmem>>
        %dma_wait3A_290 = tpu.memref_squeeze %dma_wait3A_289 : memref<1x128x64xf32, #tpu.memory_space<vmem>> -> memref<128x64xf32, #tpu.memory_space<vmem>>
        %dma_wait3A_291 = arith.constant 0 : i32
        %dma_wait3A_292 = tpu.memref_slice %arg17[%add3A_186, %dma_wait3A_291] : memref<79x128xi32, #tpu.memory_space<vmem>> -> memref<1x128xi32, #tpu.memory_space<vmem>>
        %dma_wait3A_293 = tpu.memref_squeeze %dma_wait3A_292 : memref<1x128xi32, #tpu.memory_space<vmem>> -> memref<128xi32, #tpu.memory_space<vmem>>
        %dma_wait3A_294 = arith.constant 0 : i32
        %dma_wait3A_295 = arith.constant 0 : i32
        %dma_wait3A_296 = tpu.memref_slice %arg2[%dma_wait3A_294, %dma_wait3A_295] : memref<10000x64xf32, #tpu.memory_space<hbm>> -> memref<10000x64xf32, #tpu.memory_space<hbm>>
        tpu.wait_indirect_dma semaphore(%arg23 : memref<!tpu.dma_semaphore, #tpu.memory_space<semaphore_mem>>) src(%dma_wait3A_296 : memref<10000x64xf32, #tpu.memory_space<hbm>>) dst(%dma_wait3A_290 : memref<128x64xf32, #tpu.memory_space<vmem>>)
        %dma_start3A_297 = arith.constant 0 : i32
        %dma_start3A_298 = arith.constant 0 : i32
        %dma_start3A_299 = arith.constant 0 : i32
        %dma_start3A_300 = tpu.memref_slice %arg19[%dma_start3A_297, %dma_start3A_298, %dma_start3A_299] : memref<5x128x64xf32, #tpu.memory_space<vmem>> -> memref<1x128x64xf32, #tpu.memory_space<vmem>>
        %dma_start3A_301 = tpu.memref_squeeze %dma_start3A_300 : memref<1x128x64xf32, #tpu.memory_space<vmem>> -> memref<128x64xf32, #tpu.memory_space<vmem>>
        %dma_start3A_302 = arith.constant 0 : i32
        %dma_start3A_303 = tpu.memref_slice %arg18[%add3A_186, %dma_start3A_302] : memref<79x128xi32, #tpu.memory_space<vmem>> -> memref<1x128xi32, #tpu.memory_space<vmem>>
        %dma_start3A_304 = tpu.memref_squeeze %dma_start3A_303 : memref<1x128xi32, #tpu.memory_space<vmem>> -> memref<128xi32, #tpu.memory_space<vmem>>
        %dma_start3A_305 = arith.constant 0 : i32
        %dma_start3A_306 = arith.constant 0 : i32
        %dma_start3A_307 = tpu.memref_slice %arg21[%dma_start3A_305, %dma_start3A_306] : memref<10240x64xf32, #tpu.memory_space<vmem_shared>> -> memref<10240x64xf32, #tpu.memory_space<vmem_shared>>
        tpu.enqueue_indirect_dma source(%dma_start3A_301 : memref<128x64xf32, #tpu.memory_space<vmem>>) target(%dma_start3A_307 : memref<10240x64xf32, #tpu.memory_space<vmem_shared>>) offsets(%dma_start3A_304 : memref<128xi32, #tpu.memory_space<vmem>>) semaphore(%arg28 : memref<!tpu.dma_semaphore, #tpu.memory_space<semaphore_mem>>) {add = true}
        %dma_start3A_308 = arith.constant 0 : i32
        %dma_start3A_309 = tpu.memref_slice %arg18[%add3A_186, %dma_start3A_308] : memref<79x128xi32, #tpu.memory_space<vmem>> -> memref<1x128xi32, #tpu.memory_space<vmem>>
        %dma_start3A_310 = tpu.memref_squeeze %dma_start3A_309 : memref<1x128xi32, #tpu.memory_space<vmem>> -> memref<128xi32, #tpu.memory_space<vmem>>
        %dma_start3A_311 = arith.constant 0 : i32
        %dma_start3A_312 = arith.constant 0 : i32
        %dma_start3A_313 = tpu.memref_slice %arg22[%dma_start3A_311, %dma_start3A_312] : memref<10240x16xf32, #tpu.memory_space<vmem_shared>> -> memref<10240x16xf32, #tpu.memory_space<vmem_shared>>
        tpu.enqueue_indirect_dma source(%arg20 : memref<128x16xf32, #tpu.memory_space<vmem>>) target(%dma_start3A_313 : memref<10240x16xf32, #tpu.memory_space<vmem_shared>>) offsets(%dma_start3A_310 : memref<128xi32, #tpu.memory_space<vmem>>) semaphore(%arg28 : memref<!tpu.dma_semaphore, #tpu.memory_space<semaphore_mem>>) {add = true}
      } else {
      }
      %ge3A = arith.constant 2 : i32
      %ge3A_191 = arith.cmpi sge, %add3A_186, %ge3A : i32
      %sub3A = arith.constant 2 : i32
      %sub3A_192 = arith.subi %add3A_186, %sub3A : i32
      %lt3A_193 = arith.cmpi slt, %sub3A_192, %select_n3A : i32
      %and3A = arith.andi %ge3A_191, %lt3A_193 : i1
      %convert_element_type3A_194 = arith.extui %and3A : i1 to i32
      %cond3A_195 = arith.constant 0 : i32
      %cond3A_196 = arith.cmpi ne, %convert_element_type3A_194, %cond3A_195 : i32
      scf.if %cond3A_196 {
        %sub3A_287 = arith.constant 2 : i32
        %sub3A_288 = arith.subi %add3A_186, %sub3A_287 : i32
        %dma_wait3A = arith.constant 3 : i32
        %dma_wait3A_289 = arith.constant 0 : i32
        %dma_wait3A_290 = arith.constant 0 : i32
        %dma_wait3A_291 = tpu.memref_slice %arg19[%dma_wait3A, %dma_wait3A_289, %dma_wait3A_290] : memref<5x128x64xf32, #tpu.memory_space<vmem>> -> memref<1x128x64xf32, #tpu.memory_space<vmem>>
        %dma_wait3A_292 = tpu.memref_squeeze %dma_wait3A_291 : memref<1x128x64xf32, #tpu.memory_space<vmem>> -> memref<128x64xf32, #tpu.memory_space<vmem>>
        %dma_wait3A_293 = arith.constant 0 : i32
        %dma_wait3A_294 = tpu.memref_slice %arg18[%sub3A_288, %dma_wait3A_293] : memref<79x128xi32, #tpu.memory_space<vmem>> -> memref<1x128xi32, #tpu.memory_space<vmem>>
        %dma_wait3A_295 = tpu.memref_squeeze %dma_wait3A_294 : memref<1x128xi32, #tpu.memory_space<vmem>> -> memref<128xi32, #tpu.memory_space<vmem>>
        %dma_wait3A_296 = arith.constant 0 : i32
        %dma_wait3A_297 = arith.constant 0 : i32
        %dma_wait3A_298 = tpu.memref_slice %arg21[%dma_wait3A_296, %dma_wait3A_297] : memref<10240x64xf32, #tpu.memory_space<vmem_shared>> -> memref<10240x64xf32, #tpu.memory_space<vmem_shared>>
        tpu.wait_indirect_dma semaphore(%arg31 : memref<!tpu.dma_semaphore, #tpu.memory_space<semaphore_mem>>) src(%dma_wait3A_292 : memref<128x64xf32, #tpu.memory_space<vmem>>) dst(%dma_wait3A_298 : memref<10240x64xf32, #tpu.memory_space<vmem_shared>>)
        %dma_wait3A_299 = arith.constant 0 : i32
        %dma_wait3A_300 = tpu.memref_slice %arg18[%sub3A_288, %dma_wait3A_299] : memref<79x128xi32, #tpu.memory_space<vmem>> -> memref<1x128xi32, #tpu.memory_space<vmem>>
        %dma_wait3A_301 = tpu.memref_squeeze %dma_wait3A_300 : memref<1x128xi32, #tpu.memory_space<vmem>> -> memref<128xi32, #tpu.memory_space<vmem>>
        %dma_wait3A_302 = arith.constant 0 : i32
        %dma_wait3A_303 = arith.constant 0 : i32
        %dma_wait3A_304 = tpu.memref_slice %arg22[%dma_wait3A_302, %dma_wait3A_303] : memref<10240x16xf32, #tpu.memory_space<vmem_shared>> -> memref<10240x16xf32, #tpu.memory_space<vmem_shared>>
        tpu.wait_indirect_dma semaphore(%arg31 : memref<!tpu.dma_semaphore, #tpu.memory_space<semaphore_mem>>) src(%arg20 : memref<128x16xf32, #tpu.memory_space<vmem>>) dst(%dma_wait3A_304 : memref<10240x16xf32, #tpu.memory_space<vmem_shared>>)
      } else {
      }
      %add3A_197 = arith.constant 3 : i32
      %add3A_198 = arith.addi %add3A_186, %add3A_197 : i32
      %lt3A_199 = arith.cmpi slt, %add3A_198, %select_n3A : i32
      %convert_element_type3A_200 = arith.extui %lt3A_199 : i1 to i32
      %cond3A_201 = arith.constant 0 : i32
      %cond3A_202 = arith.cmpi ne, %convert_element_type3A_200, %cond3A_201 : i32
      scf.if %cond3A_202 {
        %add3A_287 = arith.constant 3 : i32
        %add3A_288 = arith.addi %add3A_186, %add3A_287 : i32
        %dma_start3A_289 = arith.constant 3 : i32
        %dma_start3A_290 = arith.constant 0 : i32
        %dma_start3A_291 = arith.constant 0 : i32
        %dma_start3A_292 = tpu.memref_slice %arg19[%dma_start3A_289, %dma_start3A_290, %dma_start3A_291] : memref<5x128x64xf32, #tpu.memory_space<vmem>> -> memref<1x128x64xf32, #tpu.memory_space<vmem>>
        %dma_start3A_293 = tpu.memref_squeeze %dma_start3A_292 : memref<1x128x64xf32, #tpu.memory_space<vmem>> -> memref<128x64xf32, #tpu.memory_space<vmem>>
        %dma_start3A_294 = arith.constant 0 : i32
        %dma_start3A_295 = tpu.memref_slice %arg17[%add3A_288, %dma_start3A_294] : memref<79x128xi32, #tpu.memory_space<vmem>> -> memref<1x128xi32, #tpu.memory_space<vmem>>
        %dma_start3A_296 = tpu.memref_squeeze %dma_start3A_295 : memref<1x128xi32, #tpu.memory_space<vmem>> -> memref<128xi32, #tpu.memory_space<vmem>>
        %dma_start3A_297 = arith.constant 0 : i32
        %dma_start3A_298 = arith.constant 0 : i32
        %dma_start3A_299 = tpu.memref_slice %arg2[%dma_start3A_297, %dma_start3A_298] : memref<10000x64xf32, #tpu.memory_space<hbm>> -> memref<10000x64xf32, #tpu.memory_space<hbm>>
        tpu.enqueue_indirect_dma source(%dma_start3A_299 : memref<10000x64xf32, #tpu.memory_space<hbm>>) target(%dma_start3A_293 : memref<128x64xf32, #tpu.memory_space<vmem>>) offsets(%dma_start3A_296 : memref<128xi32, #tpu.memory_space<vmem>>) semaphore(%arg26 : memref<!tpu.dma_semaphore, #tpu.memory_space<semaphore_mem>>)
      } else {
      }
      %add3A_203 = arith.constant 1 : i32
      %add3A_204 = arith.addi %mul3A_184, %add3A_203 : i32
      %lt3A_205 = arith.cmpi slt, %add3A_204, %select_n3A : i32
      %convert_element_type3A_206 = arith.extui %lt3A_205 : i1 to i32
      %cond3A_207 = arith.constant 0 : i32
      %cond3A_208 = arith.cmpi ne, %convert_element_type3A_206, %cond3A_207 : i32
      scf.if %cond3A_208 {
        %dma_wait3A = arith.constant 1 : i32
        %dma_wait3A_287 = arith.constant 0 : i32
        %dma_wait3A_288 = arith.constant 0 : i32
        %dma_wait3A_289 = tpu.memref_slice %arg19[%dma_wait3A, %dma_wait3A_287, %dma_wait3A_288] : memref<5x128x64xf32, #tpu.memory_space<vmem>> -> memref<1x128x64xf32, #tpu.memory_space<vmem>>
        %dma_wait3A_290 = tpu.memref_squeeze %dma_wait3A_289 : memref<1x128x64xf32, #tpu.memory_space<vmem>> -> memref<128x64xf32, #tpu.memory_space<vmem>>
        %dma_wait3A_291 = arith.constant 0 : i32
        %dma_wait3A_292 = tpu.memref_slice %arg17[%add3A_204, %dma_wait3A_291] : memref<79x128xi32, #tpu.memory_space<vmem>> -> memref<1x128xi32, #tpu.memory_space<vmem>>
        %dma_wait3A_293 = tpu.memref_squeeze %dma_wait3A_292 : memref<1x128xi32, #tpu.memory_space<vmem>> -> memref<128xi32, #tpu.memory_space<vmem>>
        %dma_wait3A_294 = arith.constant 0 : i32
        %dma_wait3A_295 = arith.constant 0 : i32
        %dma_wait3A_296 = tpu.memref_slice %arg2[%dma_wait3A_294, %dma_wait3A_295] : memref<10000x64xf32, #tpu.memory_space<hbm>> -> memref<10000x64xf32, #tpu.memory_space<hbm>>
        tpu.wait_indirect_dma semaphore(%arg24 : memref<!tpu.dma_semaphore, #tpu.memory_space<semaphore_mem>>) src(%dma_wait3A_296 : memref<10000x64xf32, #tpu.memory_space<hbm>>) dst(%dma_wait3A_290 : memref<128x64xf32, #tpu.memory_space<vmem>>)
        %dma_start3A_297 = arith.constant 1 : i32
        %dma_start3A_298 = arith.constant 0 : i32
        %dma_start3A_299 = arith.constant 0 : i32
        %dma_start3A_300 = tpu.memref_slice %arg19[%dma_start3A_297, %dma_start3A_298, %dma_start3A_299] : memref<5x128x64xf32, #tpu.memory_space<vmem>> -> memref<1x128x64xf32, #tpu.memory_space<vmem>>
        %dma_start3A_301 = tpu.memref_squeeze %dma_start3A_300 : memref<1x128x64xf32, #tpu.memory_space<vmem>> -> memref<128x64xf32, #tpu.memory_space<vmem>>
        %dma_start3A_302 = arith.constant 0 : i32
        %dma_start3A_303 = tpu.memref_slice %arg18[%add3A_204, %dma_start3A_302] : memref<79x128xi32, #tpu.memory_space<vmem>> -> memref<1x128xi32, #tpu.memory_space<vmem>>
        %dma_start3A_304 = tpu.memref_squeeze %dma_start3A_303 : memref<1x128xi32, #tpu.memory_space<vmem>> -> memref<128xi32, #tpu.memory_space<vmem>>
        %dma_start3A_305 = arith.constant 0 : i32
        %dma_start3A_306 = arith.constant 0 : i32
        %dma_start3A_307 = tpu.memref_slice %arg21[%dma_start3A_305, %dma_start3A_306] : memref<10240x64xf32, #tpu.memory_space<vmem_shared>> -> memref<10240x64xf32, #tpu.memory_space<vmem_shared>>
        tpu.enqueue_indirect_dma source(%dma_start3A_301 : memref<128x64xf32, #tpu.memory_space<vmem>>) target(%dma_start3A_307 : memref<10240x64xf32, #tpu.memory_space<vmem_shared>>) offsets(%dma_start3A_304 : memref<128xi32, #tpu.memory_space<vmem>>) semaphore(%arg29 : memref<!tpu.dma_semaphore, #tpu.memory_space<semaphore_mem>>) {add = true}
        %dma_start3A_308 = arith.constant 0 : i32
        %dma_start3A_309 = tpu.memref_slice %arg18[%add3A_204, %dma_start3A_308] : memref<79x128xi32, #tpu.memory_space<vmem>> -> memref<1x128xi32, #tpu.memory_space<vmem>>
        %dma_start3A_310 = tpu.memref_squeeze %dma_start3A_309 : memref<1x128xi32, #tpu.memory_space<vmem>> -> memref<128xi32, #tpu.memory_space<vmem>>
        %dma_start3A_311 = arith.constant 0 : i32
        %dma_start3A_312 = arith.constant 0 : i32
        %dma_start3A_313 = tpu.memref_slice %arg22[%dma_start3A_311, %dma_start3A_312] : memref<10240x16xf32, #tpu.memory_space<vmem_shared>> -> memref<10240x16xf32, #tpu.memory_space<vmem_shared>>
        tpu.enqueue_indirect_dma source(%arg20 : memref<128x16xf32, #tpu.memory_space<vmem>>) target(%dma_start3A_313 : memref<10240x16xf32, #tpu.memory_space<vmem_shared>>) offsets(%dma_start3A_310 : memref<128xi32, #tpu.memory_space<vmem>>) semaphore(%arg29 : memref<!tpu.dma_semaphore, #tpu.memory_space<semaphore_mem>>) {add = true}
      } else {
      }
      %ge3A_209 = arith.constant 2 : i32
      %ge3A_210 = arith.cmpi sge, %add3A_204, %ge3A_209 : i32
      %sub3A_211 = arith.constant 2 : i32
      %sub3A_212 = arith.subi %add3A_204, %sub3A_211 : i32
      %lt3A_213 = arith.cmpi slt, %sub3A_212, %select_n3A : i32
      %and3A_214 = arith.andi %ge3A_210, %lt3A_213 : i1
      %convert_element_type3A_215 = arith.extui %and3A_214 : i1 to i32
      %cond3A_216 = arith.constant 0 : i32
      %cond3A_217 = arith.cmpi ne, %convert_element_type3A_215, %cond3A_216 : i32
      scf.if %cond3A_217 {
        %sub3A_287 = arith.constant 2 : i32
        %sub3A_288 = arith.subi %add3A_204, %sub3A_287 : i32
        %dma_wait3A = arith.constant 4 : i32
        %dma_wait3A_289 = arith.constant 0 : i32
        %dma_wait3A_290 = arith.constant 0 : i32
        %dma_wait3A_291 = tpu.memref_slice %arg19[%dma_wait3A, %dma_wait3A_289, %dma_wait3A_290] : memref<5x128x64xf32, #tpu.memory_space<vmem>> -> memref<1x128x64xf32, #tpu.memory_space<vmem>>
        %dma_wait3A_292 = tpu.memref_squeeze %dma_wait3A_291 : memref<1x128x64xf32, #tpu.memory_space<vmem>> -> memref<128x64xf32, #tpu.memory_space<vmem>>
        %dma_wait3A_293 = arith.constant 0 : i32
        %dma_wait3A_294 = tpu.memref_slice %arg18[%sub3A_288, %dma_wait3A_293] : memref<79x128xi32, #tpu.memory_space<vmem>> -> memref<1x128xi32, #tpu.memory_space<vmem>>
        %dma_wait3A_295 = tpu.memref_squeeze %dma_wait3A_294 : memref<1x128xi32, #tpu.memory_space<vmem>> -> memref<128xi32, #tpu.memory_space<vmem>>
        %dma_wait3A_296 = arith.constant 0 : i32
        %dma_wait3A_297 = arith.constant 0 : i32
        %dma_wait3A_298 = tpu.memref_slice %arg21[%dma_wait3A_296, %dma_wait3A_297] : memref<10240x64xf32, #tpu.memory_space<vmem_shared>> -> memref<10240x64xf32, #tpu.memory_space<vmem_shared>>
        tpu.wait_indirect_dma semaphore(%arg32 : memref<!tpu.dma_semaphore, #tpu.memory_space<semaphore_mem>>) src(%dma_wait3A_292 : memref<128x64xf32, #tpu.memory_space<vmem>>) dst(%dma_wait3A_298 : memref<10240x64xf32, #tpu.memory_space<vmem_shared>>)
        %dma_wait3A_299 = arith.constant 0 : i32
        %dma_wait3A_300 = tpu.memref_slice %arg18[%sub3A_288, %dma_wait3A_299] : memref<79x128xi32, #tpu.memory_space<vmem>> -> memref<1x128xi32, #tpu.memory_space<vmem>>
        %dma_wait3A_301 = tpu.memref_squeeze %dma_wait3A_300 : memref<1x128xi32, #tpu.memory_space<vmem>> -> memref<128xi32, #tpu.memory_space<vmem>>
        %dma_wait3A_302 = arith.constant 0 : i32
        %dma_wait3A_303 = arith.constant 0 : i32
        %dma_wait3A_304 = tpu.memref_slice %arg22[%dma_wait3A_302, %dma_wait3A_303] : memref<10240x16xf32, #tpu.memory_space<vmem_shared>> -> memref<10240x16xf32, #tpu.memory_space<vmem_shared>>
        tpu.wait_indirect_dma semaphore(%arg32 : memref<!tpu.dma_semaphore, #tpu.memory_space<semaphore_mem>>) src(%arg20 : memref<128x16xf32, #tpu.memory_space<vmem>>) dst(%dma_wait3A_304 : memref<10240x16xf32, #tpu.memory_space<vmem_shared>>)
      } else {
      }
      %add3A_218 = arith.constant 3 : i32
      %add3A_219 = arith.addi %add3A_204, %add3A_218 : i32
      %lt3A_220 = arith.cmpi slt, %add3A_219, %select_n3A : i32
      %convert_element_type3A_221 = arith.extui %lt3A_220 : i1 to i32
      %cond3A_222 = arith.constant 0 : i32
      %cond3A_223 = arith.cmpi ne, %convert_element_type3A_221, %cond3A_222 : i32
      scf.if %cond3A_223 {
        %add3A_287 = arith.constant 3 : i32
        %add3A_288 = arith.addi %add3A_204, %add3A_287 : i32
        %dma_start3A_289 = arith.constant 4 : i32
        %dma_start3A_290 = arith.constant 0 : i32
        %dma_start3A_291 = arith.constant 0 : i32
        %dma_start3A_292 = tpu.memref_slice %arg19[%dma_start3A_289, %dma_start3A_290, %dma_start3A_291] : memref<5x128x64xf32, #tpu.memory_space<vmem>> -> memref<1x128x64xf32, #tpu.memory_space<vmem>>
        %dma_start3A_293 = tpu.memref_squeeze %dma_start3A_292 : memref<1x128x64xf32, #tpu.memory_space<vmem>> -> memref<128x64xf32, #tpu.memory_space<vmem>>
        %dma_start3A_294 = arith.constant 0 : i32
        %dma_start3A_295 = tpu.memref_slice %arg17[%add3A_288, %dma_start3A_294] : memref<79x128xi32, #tpu.memory_space<vmem>> -> memref<1x128xi32, #tpu.memory_space<vmem>>
        %dma_start3A_296 = tpu.memref_squeeze %dma_start3A_295 : memref<1x128xi32, #tpu.memory_space<vmem>> -> memref<128xi32, #tpu.memory_space<vmem>>
        %dma_start3A_297 = arith.constant 0 : i32
        %dma_start3A_298 = arith.constant 0 : i32
        %dma_start3A_299 = tpu.memref_slice %arg2[%dma_start3A_297, %dma_start3A_298] : memref<10000x64xf32, #tpu.memory_space<hbm>> -> memref<10000x64xf32, #tpu.memory_space<hbm>>
        tpu.enqueue_indirect_dma source(%dma_start3A_299 : memref<10000x64xf32, #tpu.memory_space<hbm>>) target(%dma_start3A_293 : memref<128x64xf32, #tpu.memory_space<vmem>>) offsets(%dma_start3A_296 : memref<128xi32, #tpu.memory_space<vmem>>) semaphore(%arg27 : memref<!tpu.dma_semaphore, #tpu.memory_space<semaphore_mem>>)
      } else {
      }
      %add3A_224 = arith.constant 2 : i32
      %add3A_225 = arith.addi %mul3A_184, %add3A_224 : i32
      %lt3A_226 = arith.cmpi slt, %add3A_225, %select_n3A : i32
      %convert_element_type3A_227 = arith.extui %lt3A_226 : i1 to i32
      %cond3A_228 = arith.constant 0 : i32
      %cond3A_229 = arith.cmpi ne, %convert_element_type3A_227, %cond3A_228 : i32
      scf.if %cond3A_229 {
        %dma_wait3A = arith.constant 2 : i32
        %dma_wait3A_287 = arith.constant 0 : i32
        %dma_wait3A_288 = arith.constant 0 : i32
        %dma_wait3A_289 = tpu.memref_slice %arg19[%dma_wait3A, %dma_wait3A_287, %dma_wait3A_288] : memref<5x128x64xf32, #tpu.memory_space<vmem>> -> memref<1x128x64xf32, #tpu.memory_space<vmem>>
        %dma_wait3A_290 = tpu.memref_squeeze %dma_wait3A_289 : memref<1x128x64xf32, #tpu.memory_space<vmem>> -> memref<128x64xf32, #tpu.memory_space<vmem>>
        %dma_wait3A_291 = arith.constant 0 : i32
        %dma_wait3A_292 = tpu.memref_slice %arg17[%add3A_225, %dma_wait3A_291] : memref<79x128xi32, #tpu.memory_space<vmem>> -> memref<1x128xi32, #tpu.memory_space<vmem>>
        %dma_wait3A_293 = tpu.memref_squeeze %dma_wait3A_292 : memref<1x128xi32, #tpu.memory_space<vmem>> -> memref<128xi32, #tpu.memory_space<vmem>>
        %dma_wait3A_294 = arith.constant 0 : i32
        %dma_wait3A_295 = arith.constant 0 : i32
        %dma_wait3A_296 = tpu.memref_slice %arg2[%dma_wait3A_294, %dma_wait3A_295] : memref<10000x64xf32, #tpu.memory_space<hbm>> -> memref<10000x64xf32, #tpu.memory_space<hbm>>
        tpu.wait_indirect_dma semaphore(%arg25 : memref<!tpu.dma_semaphore, #tpu.memory_space<semaphore_mem>>) src(%dma_wait3A_296 : memref<10000x64xf32, #tpu.memory_space<hbm>>) dst(%dma_wait3A_290 : memref<128x64xf32, #tpu.memory_space<vmem>>)
        %dma_start3A_297 = arith.constant 2 : i32
        %dma_start3A_298 = arith.constant 0 : i32
        %dma_start3A_299 = arith.constant 0 : i32
        %dma_start3A_300 = tpu.memref_slice %arg19[%dma_start3A_297, %dma_start3A_298, %dma_start3A_299] : memref<5x128x64xf32, #tpu.memory_space<vmem>> -> memref<1x128x64xf32, #tpu.memory_space<vmem>>
        %dma_start3A_301 = tpu.memref_squeeze %dma_start3A_300 : memref<1x128x64xf32, #tpu.memory_space<vmem>> -> memref<128x64xf32, #tpu.memory_space<vmem>>
        %dma_start3A_302 = arith.constant 0 : i32
        %dma_start3A_303 = tpu.memref_slice %arg18[%add3A_225, %dma_start3A_302] : memref<79x128xi32, #tpu.memory_space<vmem>> -> memref<1x128xi32, #tpu.memory_space<vmem>>
        %dma_start3A_304 = tpu.memref_squeeze %dma_start3A_303 : memref<1x128xi32, #tpu.memory_space<vmem>> -> memref<128xi32, #tpu.memory_space<vmem>>
        %dma_start3A_305 = arith.constant 0 : i32
        %dma_start3A_306 = arith.constant 0 : i32
        %dma_start3A_307 = tpu.memref_slice %arg21[%dma_start3A_305, %dma_start3A_306] : memref<10240x64xf32, #tpu.memory_space<vmem_shared>> -> memref<10240x64xf32, #tpu.memory_space<vmem_shared>>
        tpu.enqueue_indirect_dma source(%dma_start3A_301 : memref<128x64xf32, #tpu.memory_space<vmem>>) target(%dma_start3A_307 : memref<10240x64xf32, #tpu.memory_space<vmem_shared>>) offsets(%dma_start3A_304 : memref<128xi32, #tpu.memory_space<vmem>>) semaphore(%arg30 : memref<!tpu.dma_semaphore, #tpu.memory_space<semaphore_mem>>) {add = true}
        %dma_start3A_308 = arith.constant 0 : i32
        %dma_start3A_309 = tpu.memref_slice %arg18[%add3A_225, %dma_start3A_308] : memref<79x128xi32, #tpu.memory_space<vmem>> -> memref<1x128xi32, #tpu.memory_space<vmem>>
        %dma_start3A_310 = tpu.memref_squeeze %dma_start3A_309 : memref<1x128xi32, #tpu.memory_space<vmem>> -> memref<128xi32, #tpu.memory_space<vmem>>
        %dma_start3A_311 = arith.constant 0 : i32
        %dma_start3A_312 = arith.constant 0 : i32
        %dma_start3A_313 = tpu.memref_slice %arg22[%dma_start3A_311, %dma_start3A_312] : memref<10240x16xf32, #tpu.memory_space<vmem_shared>> -> memref<10240x16xf32, #tpu.memory_space<vmem_shared>>
        tpu.enqueue_indirect_dma source(%arg20 : memref<128x16xf32, #tpu.memory_space<vmem>>) target(%dma_start3A_313 : memref<10240x16xf32, #tpu.memory_space<vmem_shared>>) offsets(%dma_start3A_310 : memref<128xi32, #tpu.memory_space<vmem>>) semaphore(%arg30 : memref<!tpu.dma_semaphore, #tpu.memory_space<semaphore_mem>>) {add = true}
      } else {
      }
      %ge3A_230 = arith.constant 2 : i32
      %ge3A_231 = arith.cmpi sge, %add3A_225, %ge3A_230 : i32
      %sub3A_232 = arith.constant 2 : i32
      %sub3A_233 = arith.subi %add3A_225, %sub3A_232 : i32
      %lt3A_234 = arith.cmpi slt, %sub3A_233, %select_n3A : i32
      %and3A_235 = arith.andi %ge3A_231, %lt3A_234 : i1
      %convert_element_type3A_236 = arith.extui %and3A_235 : i1 to i32
      %cond3A_237 = arith.constant 0 : i32
      %cond3A_238 = arith.cmpi ne, %convert_element_type3A_236, %cond3A_237 : i32
      scf.if %cond3A_238 {
        %sub3A_287 = arith.constant 2 : i32
        %sub3A_288 = arith.subi %add3A_225, %sub3A_287 : i32
        %dma_wait3A = arith.constant 0 : i32
        %dma_wait3A_289 = arith.constant 0 : i32
        %dma_wait3A_290 = arith.constant 0 : i32
        %dma_wait3A_291 = tpu.memref_slice %arg19[%dma_wait3A, %dma_wait3A_289, %dma_wait3A_290] : memref<5x128x64xf32, #tpu.memory_space<vmem>> -> memref<1x128x64xf32, #tpu.memory_space<vmem>>
        %dma_wait3A_292 = tpu.memref_squeeze %dma_wait3A_291 : memref<1x128x64xf32, #tpu.memory_space<vmem>> -> memref<128x64xf32, #tpu.memory_space<vmem>>
        %dma_wait3A_293 = arith.constant 0 : i32
        %dma_wait3A_294 = tpu.memref_slice %arg18[%sub3A_288, %dma_wait3A_293] : memref<79x128xi32, #tpu.memory_space<vmem>> -> memref<1x128xi32, #tpu.memory_space<vmem>>
        %dma_wait3A_295 = tpu.memref_squeeze %dma_wait3A_294 : memref<1x128xi32, #tpu.memory_space<vmem>> -> memref<128xi32, #tpu.memory_space<vmem>>
        %dma_wait3A_296 = arith.constant 0 : i32
        %dma_wait3A_297 = arith.constant 0 : i32
        %dma_wait3A_298 = tpu.memref_slice %arg21[%dma_wait3A_296, %dma_wait3A_297] : memref<10240x64xf32, #tpu.memory_space<vmem_shared>> -> memref<10240x64xf32, #tpu.memory_space<vmem_shared>>
        tpu.wait_indirect_dma semaphore(%arg28 : memref<!tpu.dma_semaphore, #tpu.memory_space<semaphore_mem>>) src(%dma_wait3A_292 : memref<128x64xf32, #tpu.memory_space<vmem>>) dst(%dma_wait3A_298 : memref<10240x64xf32, #tpu.memory_space<vmem_shared>>)
        %dma_wait3A_299 = arith.constant 0 : i32
        %dma_wait3A_300 = tpu.memref_slice %arg18[%sub3A_288, %dma_wait3A_299] : memref<79x128xi32, #tpu.memory_space<vmem>> -> memref<1x128xi32, #tpu.memory_space<vmem>>
        %dma_wait3A_301 = tpu.memref_squeeze %dma_wait3A_300 : memref<1x128xi32, #tpu.memory_space<vmem>> -> memref<128xi32, #tpu.memory_space<vmem>>
        %dma_wait3A_302 = arith.constant 0 : i32
        %dma_wait3A_303 = arith.constant 0 : i32
        %dma_wait3A_304 = tpu.memref_slice %arg22[%dma_wait3A_302, %dma_wait3A_303] : memref<10240x16xf32, #tpu.memory_space<vmem_shared>> -> memref<10240x16xf32, #tpu.memory_space<vmem_shared>>
        tpu.wait_indirect_dma semaphore(%arg28 : memref<!tpu.dma_semaphore, #tpu.memory_space<semaphore_mem>>) src(%arg20 : memref<128x16xf32, #tpu.memory_space<vmem>>) dst(%dma_wait3A_304 : memref<10240x16xf32, #tpu.memory_space<vmem_shared>>)
      } else {
      }
      %add3A_239 = arith.constant 3 : i32
      %add3A_240 = arith.addi %add3A_225, %add3A_239 : i32
      %lt3A_241 = arith.cmpi slt, %add3A_240, %select_n3A : i32
      %convert_element_type3A_242 = arith.extui %lt3A_241 : i1 to i32
      %cond3A_243 = arith.constant 0 : i32
      %cond3A_244 = arith.cmpi ne, %convert_element_type3A_242, %cond3A_243 : i32
      scf.if %cond3A_244 {
        %add3A_287 = arith.constant 3 : i32
        %add3A_288 = arith.addi %add3A_225, %add3A_287 : i32
        %dma_start3A_289 = arith.constant 0 : i32
        %dma_start3A_290 = arith.constant 0 : i32
        %dma_start3A_291 = arith.constant 0 : i32
        %dma_start3A_292 = tpu.memref_slice %arg19[%dma_start3A_289, %dma_start3A_290, %dma_start3A_291] : memref<5x128x64xf32, #tpu.memory_space<vmem>> -> memref<1x128x64xf32, #tpu.memory_space<vmem>>
        %dma_start3A_293 = tpu.memref_squeeze %dma_start3A_292 : memref<1x128x64xf32, #tpu.memory_space<vmem>> -> memref<128x64xf32, #tpu.memory_space<vmem>>
        %dma_start3A_294 = arith.constant 0 : i32
        %dma_start3A_295 = tpu.memref_slice %arg17[%add3A_288, %dma_start3A_294] : memref<79x128xi32, #tpu.memory_space<vmem>> -> memref<1x128xi32, #tpu.memory_space<vmem>>
        %dma_start3A_296 = tpu.memref_squeeze %dma_start3A_295 : memref<1x128xi32, #tpu.memory_space<vmem>> -> memref<128xi32, #tpu.memory_space<vmem>>
        %dma_start3A_297 = arith.constant 0 : i32
        %dma_start3A_298 = arith.constant 0 : i32
        %dma_start3A_299 = tpu.memref_slice %arg2[%dma_start3A_297, %dma_start3A_298] : memref<10000x64xf32, #tpu.memory_space<hbm>> -> memref<10000x64xf32, #tpu.memory_space<hbm>>
        tpu.enqueue_indirect_dma source(%dma_start3A_299 : memref<10000x64xf32, #tpu.memory_space<hbm>>) target(%dma_start3A_293 : memref<128x64xf32, #tpu.memory_space<vmem>>) offsets(%dma_start3A_296 : memref<128xi32, #tpu.memory_space<vmem>>) semaphore(%arg23 : memref<!tpu.dma_semaphore, #tpu.memory_space<semaphore_mem>>)
      } else {
      }
      %add3A_245 = arith.constant 3 : i32
      %add3A_246 = arith.addi %mul3A_184, %add3A_245 : i32
      %lt3A_247 = arith.cmpi slt, %add3A_246, %select_n3A : i32
      %convert_element_type3A_248 = arith.extui %lt3A_247 : i1 to i32
      %cond3A_249 = arith.constant 0 : i32
      %cond3A_250 = arith.cmpi ne, %convert_element_type3A_248, %cond3A_249 : i32
      scf.if %cond3A_250 {
        %dma_wait3A = arith.constant 3 : i32
        %dma_wait3A_287 = arith.constant 0 : i32
        %dma_wait3A_288 = arith.constant 0 : i32
        %dma_wait3A_289 = tpu.memref_slice %arg19[%dma_wait3A, %dma_wait3A_287, %dma_wait3A_288] : memref<5x128x64xf32, #tpu.memory_space<vmem>> -> memref<1x128x64xf32, #tpu.memory_space<vmem>>
        %dma_wait3A_290 = tpu.memref_squeeze %dma_wait3A_289 : memref<1x128x64xf32, #tpu.memory_space<vmem>> -> memref<128x64xf32, #tpu.memory_space<vmem>>
        %dma_wait3A_291 = arith.constant 0 : i32
        %dma_wait3A_292 = tpu.memref_slice %arg17[%add3A_246, %dma_wait3A_291] : memref<79x128xi32, #tpu.memory_space<vmem>> -> memref<1x128xi32, #tpu.memory_space<vmem>>
        %dma_wait3A_293 = tpu.memref_squeeze %dma_wait3A_292 : memref<1x128xi32, #tpu.memory_space<vmem>> -> memref<128xi32, #tpu.memory_space<vmem>>
        %dma_wait3A_294 = arith.constant 0 : i32
        %dma_wait3A_295 = arith.constant 0 : i32
        %dma_wait3A_296 = tpu.memref_slice %arg2[%dma_wait3A_294, %dma_wait3A_295] : memref<10000x64xf32, #tpu.memory_space<hbm>> -> memref<10000x64xf32, #tpu.memory_space<hbm>>
        tpu.wait_indirect_dma semaphore(%arg26 : memref<!tpu.dma_semaphore, #tpu.memory_space<semaphore_mem>>) src(%dma_wait3A_296 : memref<10000x64xf32, #tpu.memory_space<hbm>>) dst(%dma_wait3A_290 : memref<128x64xf32, #tpu.memory_space<vmem>>)
        %dma_start3A_297 = arith.constant 3 : i32
        %dma_start3A_298 = arith.constant 0 : i32
        %dma_start3A_299 = arith.constant 0 : i32
        %dma_start3A_300 = tpu.memref_slice %arg19[%dma_start3A_297, %dma_start3A_298, %dma_start3A_299] : memref<5x128x64xf32, #tpu.memory_space<vmem>> -> memref<1x128x64xf32, #tpu.memory_space<vmem>>
        %dma_start3A_301 = tpu.memref_squeeze %dma_start3A_300 : memref<1x128x64xf32, #tpu.memory_space<vmem>> -> memref<128x64xf32, #tpu.memory_space<vmem>>
        %dma_start3A_302 = arith.constant 0 : i32
        %dma_start3A_303 = tpu.memref_slice %arg18[%add3A_246, %dma_start3A_302] : memref<79x128xi32, #tpu.memory_space<vmem>> -> memref<1x128xi32, #tpu.memory_space<vmem>>
        %dma_start3A_304 = tpu.memref_squeeze %dma_start3A_303 : memref<1x128xi32, #tpu.memory_space<vmem>> -> memref<128xi32, #tpu.memory_space<vmem>>
        %dma_start3A_305 = arith.constant 0 : i32
        %dma_start3A_306 = arith.constant 0 : i32
        %dma_start3A_307 = tpu.memref_slice %arg21[%dma_start3A_305, %dma_start3A_306] : memref<10240x64xf32, #tpu.memory_space<vmem_shared>> -> memref<10240x64xf32, #tpu.memory_space<vmem_shared>>
        tpu.enqueue_indirect_dma source(%dma_start3A_301 : memref<128x64xf32, #tpu.memory_space<vmem>>) target(%dma_start3A_307 : memref<10240x64xf32, #tpu.memory_space<vmem_shared>>) offsets(%dma_start3A_304 : memref<128xi32, #tpu.memory_space<vmem>>) semaphore(%arg31 : memref<!tpu.dma_semaphore, #tpu.memory_space<semaphore_mem>>) {add = true}
        %dma_start3A_308 = arith.constant 0 : i32
        %dma_start3A_309 = tpu.memref_slice %arg18[%add3A_246, %dma_start3A_308] : memref<79x128xi32, #tpu.memory_space<vmem>> -> memref<1x128xi32, #tpu.memory_space<vmem>>
        %dma_start3A_310 = tpu.memref_squeeze %dma_start3A_309 : memref<1x128xi32, #tpu.memory_space<vmem>> -> memref<128xi32, #tpu.memory_space<vmem>>
        %dma_start3A_311 = arith.constant 0 : i32
        %dma_start3A_312 = arith.constant 0 : i32
        %dma_start3A_313 = tpu.memref_slice %arg22[%dma_start3A_311, %dma_start3A_312] : memref<10240x16xf32, #tpu.memory_space<vmem_shared>> -> memref<10240x16xf32, #tpu.memory_space<vmem_shared>>
        tpu.enqueue_indirect_dma source(%arg20 : memref<128x16xf32, #tpu.memory_space<vmem>>) target(%dma_start3A_313 : memref<10240x16xf32, #tpu.memory_space<vmem_shared>>) offsets(%dma_start3A_310 : memref<128xi32, #tpu.memory_space<vmem>>) semaphore(%arg31 : memref<!tpu.dma_semaphore, #tpu.memory_space<semaphore_mem>>) {add = true}
      } else {
      }
      %ge3A_251 = arith.constant 2 : i32
      %ge3A_252 = arith.cmpi sge, %add3A_246, %ge3A_251 : i32
      %sub3A_253 = arith.constant 2 : i32
      %sub3A_254 = arith.subi %add3A_246, %sub3A_253 : i32
      %lt3A_255 = arith.cmpi slt, %sub3A_254, %select_n3A : i32
      %and3A_256 = arith.andi %ge3A_252, %lt3A_255 : i1
      %convert_element_type3A_257 = arith.extui %and3A_256 : i1 to i32
      %cond3A_258 = arith.constant 0 : i32
      %cond3A_259 = arith.cmpi ne, %convert_element_type3A_257, %cond3A_258 : i32
      scf.if %cond3A_259 {
        %sub3A_287 = arith.constant 2 : i32
        %sub3A_288 = arith.subi %add3A_246, %sub3A_287 : i32
        %dma_wait3A = arith.constant 1 : i32
        %dma_wait3A_289 = arith.constant 0 : i32
        %dma_wait3A_290 = arith.constant 0 : i32
        %dma_wait3A_291 = tpu.memref_slice %arg19[%dma_wait3A, %dma_wait3A_289, %dma_wait3A_290] : memref<5x128x64xf32, #tpu.memory_space<vmem>> -> memref<1x128x64xf32, #tpu.memory_space<vmem>>
        %dma_wait3A_292 = tpu.memref_squeeze %dma_wait3A_291 : memref<1x128x64xf32, #tpu.memory_space<vmem>> -> memref<128x64xf32, #tpu.memory_space<vmem>>
        %dma_wait3A_293 = arith.constant 0 : i32
        %dma_wait3A_294 = tpu.memref_slice %arg18[%sub3A_288, %dma_wait3A_293] : memref<79x128xi32, #tpu.memory_space<vmem>> -> memref<1x128xi32, #tpu.memory_space<vmem>>
        %dma_wait3A_295 = tpu.memref_squeeze %dma_wait3A_294 : memref<1x128xi32, #tpu.memory_space<vmem>> -> memref<128xi32, #tpu.memory_space<vmem>>
        %dma_wait3A_296 = arith.constant 0 : i32
        %dma_wait3A_297 = arith.constant 0 : i32
        %dma_wait3A_298 = tpu.memref_slice %arg21[%dma_wait3A_296, %dma_wait3A_297] : memref<10240x64xf32, #tpu.memory_space<vmem_shared>> -> memref<10240x64xf32, #tpu.memory_space<vmem_shared>>
        tpu.wait_indirect_dma semaphore(%arg29 : memref<!tpu.dma_semaphore, #tpu.memory_space<semaphore_mem>>) src(%dma_wait3A_292 : memref<128x64xf32, #tpu.memory_space<vmem>>) dst(%dma_wait3A_298 : memref<10240x64xf32, #tpu.memory_space<vmem_shared>>)
        %dma_wait3A_299 = arith.constant 0 : i32
        %dma_wait3A_300 = tpu.memref_slice %arg18[%sub3A_288, %dma_wait3A_299] : memref<79x128xi32, #tpu.memory_space<vmem>> -> memref<1x128xi32, #tpu.memory_space<vmem>>
        %dma_wait3A_301 = tpu.memref_squeeze %dma_wait3A_300 : memref<1x128xi32, #tpu.memory_space<vmem>> -> memref<128xi32, #tpu.memory_space<vmem>>
        %dma_wait3A_302 = arith.constant 0 : i32
        %dma_wait3A_303 = arith.constant 0 : i32
        %dma_wait3A_304 = tpu.memref_slice %arg22[%dma_wait3A_302, %dma_wait3A_303] : memref<10240x16xf32, #tpu.memory_space<vmem_shared>> -> memref<10240x16xf32, #tpu.memory_space<vmem_shared>>
        tpu.wait_indirect_dma semaphore(%arg29 : memref<!tpu.dma_semaphore, #tpu.memory_space<semaphore_mem>>) src(%arg20 : memref<128x16xf32, #tpu.memory_space<vmem>>) dst(%dma_wait3A_304 : memref<10240x16xf32, #tpu.memory_space<vmem_shared>>)
      } else {
      }
      %add3A_260 = arith.constant 3 : i32
      %add3A_261 = arith.addi %add3A_246, %add3A_260 : i32
      %lt3A_262 = arith.cmpi slt, %add3A_261, %select_n3A : i32
      %convert_element_type3A_263 = arith.extui %lt3A_262 : i1 to i32
      %cond3A_264 = arith.constant 0 : i32
      %cond3A_265 = arith.cmpi ne, %convert_element_type3A_263, %cond3A_264 : i32
      scf.if %cond3A_265 {
        %add3A_287 = arith.constant 3 : i32
        %add3A_288 = arith.addi %add3A_246, %add3A_287 : i32
        %dma_start3A_289 = arith.constant 1 : i32
        %dma_start3A_290 = arith.constant 0 : i32
        %dma_start3A_291 = arith.constant 0 : i32
        %dma_start3A_292 = tpu.memref_slice %arg19[%dma_start3A_289, %dma_start3A_290, %dma_start3A_291] : memref<5x128x64xf32, #tpu.memory_space<vmem>> -> memref<1x128x64xf32, #tpu.memory_space<vmem>>
        %dma_start3A_293 = tpu.memref_squeeze %dma_start3A_292 : memref<1x128x64xf32, #tpu.memory_space<vmem>> -> memref<128x64xf32, #tpu.memory_space<vmem>>
        %dma_start3A_294 = arith.constant 0 : i32
        %dma_start3A_295 = tpu.memref_slice %arg17[%add3A_288, %dma_start3A_294] : memref<79x128xi32, #tpu.memory_space<vmem>> -> memref<1x128xi32, #tpu.memory_space<vmem>>
        %dma_start3A_296 = tpu.memref_squeeze %dma_start3A_295 : memref<1x128xi32, #tpu.memory_space<vmem>> -> memref<128xi32, #tpu.memory_space<vmem>>
        %dma_start3A_297 = arith.constant 0 : i32
        %dma_start3A_298 = arith.constant 0 : i32
        %dma_start3A_299 = tpu.memref_slice %arg2[%dma_start3A_297, %dma_start3A_298] : memref<10000x64xf32, #tpu.memory_space<hbm>> -> memref<10000x64xf32, #tpu.memory_space<hbm>>
        tpu.enqueue_indirect_dma source(%dma_start3A_299 : memref<10000x64xf32, #tpu.memory_space<hbm>>) target(%dma_start3A_293 : memref<128x64xf32, #tpu.memory_space<vmem>>) offsets(%dma_start3A_296 : memref<128xi32, #tpu.memory_space<vmem>>) semaphore(%arg24 : memref<!tpu.dma_semaphore, #tpu.memory_space<semaphore_mem>>)
      } else {
      }
      %add3A_266 = arith.constant 4 : i32
      %add3A_267 = arith.addi %mul3A_184, %add3A_266 : i32
      %lt3A_268 = arith.cmpi slt, %add3A_267, %select_n3A : i32
      %convert_element_type3A_269 = arith.extui %lt3A_268 : i1 to i32
      %cond3A_270 = arith.constant 0 : i32
      %cond3A_271 = arith.cmpi ne, %convert_element_type3A_269, %cond3A_270 : i32
      scf.if %cond3A_271 {
        %dma_wait3A = arith.constant 4 : i32
        %dma_wait3A_287 = arith.constant 0 : i32
        %dma_wait3A_288 = arith.constant 0 : i32
        %dma_wait3A_289 = tpu.memref_slice %arg19[%dma_wait3A, %dma_wait3A_287, %dma_wait3A_288] : memref<5x128x64xf32, #tpu.memory_space<vmem>> -> memref<1x128x64xf32, #tpu.memory_space<vmem>>
        %dma_wait3A_290 = tpu.memref_squeeze %dma_wait3A_289 : memref<1x128x64xf32, #tpu.memory_space<vmem>> -> memref<128x64xf32, #tpu.memory_space<vmem>>
        %dma_wait3A_291 = arith.constant 0 : i32
        %dma_wait3A_292 = tpu.memref_slice %arg17[%add3A_267, %dma_wait3A_291] : memref<79x128xi32, #tpu.memory_space<vmem>> -> memref<1x128xi32, #tpu.memory_space<vmem>>
        %dma_wait3A_293 = tpu.memref_squeeze %dma_wait3A_292 : memref<1x128xi32, #tpu.memory_space<vmem>> -> memref<128xi32, #tpu.memory_space<vmem>>
        %dma_wait3A_294 = arith.constant 0 : i32
        %dma_wait3A_295 = arith.constant 0 : i32
        %dma_wait3A_296 = tpu.memref_slice %arg2[%dma_wait3A_294, %dma_wait3A_295] : memref<10000x64xf32, #tpu.memory_space<hbm>> -> memref<10000x64xf32, #tpu.memory_space<hbm>>
        tpu.wait_indirect_dma semaphore(%arg27 : memref<!tpu.dma_semaphore, #tpu.memory_space<semaphore_mem>>) src(%dma_wait3A_296 : memref<10000x64xf32, #tpu.memory_space<hbm>>) dst(%dma_wait3A_290 : memref<128x64xf32, #tpu.memory_space<vmem>>)
        %dma_start3A_297 = arith.constant 4 : i32
        %dma_start3A_298 = arith.constant 0 : i32
        %dma_start3A_299 = arith.constant 0 : i32
        %dma_start3A_300 = tpu.memref_slice %arg19[%dma_start3A_297, %dma_start3A_298, %dma_start3A_299] : memref<5x128x64xf32, #tpu.memory_space<vmem>> -> memref<1x128x64xf32, #tpu.memory_space<vmem>>
        %dma_start3A_301 = tpu.memref_squeeze %dma_start3A_300 : memref<1x128x64xf32, #tpu.memory_space<vmem>> -> memref<128x64xf32, #tpu.memory_space<vmem>>
        %dma_start3A_302 = arith.constant 0 : i32
        %dma_start3A_303 = tpu.memref_slice %arg18[%add3A_267, %dma_start3A_302] : memref<79x128xi32, #tpu.memory_space<vmem>> -> memref<1x128xi32, #tpu.memory_space<vmem>>
        %dma_start3A_304 = tpu.memref_squeeze %dma_start3A_303 : memref<1x128xi32, #tpu.memory_space<vmem>> -> memref<128xi32, #tpu.memory_space<vmem>>
        %dma_start3A_305 = arith.constant 0 : i32
        %dma_start3A_306 = arith.constant 0 : i32
        %dma_start3A_307 = tpu.memref_slice %arg21[%dma_start3A_305, %dma_start3A_306] : memref<10240x64xf32, #tpu.memory_space<vmem_shared>> -> memref<10240x64xf32, #tpu.memory_space<vmem_shared>>
        tpu.enqueue_indirect_dma source(%dma_start3A_301 : memref<128x64xf32, #tpu.memory_space<vmem>>) target(%dma_start3A_307 : memref<10240x64xf32, #tpu.memory_space<vmem_shared>>) offsets(%dma_start3A_304 : memref<128xi32, #tpu.memory_space<vmem>>) semaphore(%arg32 : memref<!tpu.dma_semaphore, #tpu.memory_space<semaphore_mem>>) {add = true}
        %dma_start3A_308 = arith.constant 0 : i32
        %dma_start3A_309 = tpu.memref_slice %arg18[%add3A_267, %dma_start3A_308] : memref<79x128xi32, #tpu.memory_space<vmem>> -> memref<1x128xi32, #tpu.memory_space<vmem>>
        %dma_start3A_310 = tpu.memref_squeeze %dma_start3A_309 : memref<1x128xi32, #tpu.memory_space<vmem>> -> memref<128xi32, #tpu.memory_space<vmem>>
        %dma_start3A_311 = arith.constant 0 : i32
        %dma_start3A_312 = arith.constant 0 : i32
        %dma_start3A_313 = tpu.memref_slice %arg22[%dma_start3A_311, %dma_start3A_312] : memref<10240x16xf32, #tpu.memory_space<vmem_shared>> -> memref<10240x16xf32, #tpu.memory_space<vmem_shared>>
        tpu.enqueue_indirect_dma source(%arg20 : memref<128x16xf32, #tpu.memory_space<vmem>>) target(%dma_start3A_313 : memref<10240x16xf32, #tpu.memory_space<vmem_shared>>) offsets(%dma_start3A_310 : memref<128xi32, #tpu.memory_space<vmem>>) semaphore(%arg32 : memref<!tpu.dma_semaphore, #tpu.memory_space<semaphore_mem>>) {add = true}
      } else {
      }
      %ge3A_272 = arith.constant 2 : i32
      %ge3A_273 = arith.cmpi sge, %add3A_267, %ge3A_272 : i32
      %sub3A_274 = arith.constant 2 : i32
      %sub3A_275 = arith.subi %add3A_267, %sub3A_274 : i32
      %lt3A_276 = arith.cmpi slt, %sub3A_275, %select_n3A : i32
      %and3A_277 = arith.andi %ge3A_273, %lt3A_276 : i1
      %convert_element_type3A_278 = arith.extui %and3A_277 : i1 to i32
      %cond3A_279 = arith.constant 0 : i32
      %cond3A_280 = arith.cmpi ne, %convert_element_type3A_278, %cond3A_279 : i32
      scf.if %cond3A_280 {
        %sub3A_287 = arith.constant 2 : i32
        %sub3A_288 = arith.subi %add3A_267, %sub3A_287 : i32
        %dma_wait3A = arith.constant 2 : i32
        %dma_wait3A_289 = arith.constant 0 : i32
        %dma_wait3A_290 = arith.constant 0 : i32
        %dma_wait3A_291 = tpu.memref_slice %arg19[%dma_wait3A, %dma_wait3A_289, %dma_wait3A_290] : memref<5x128x64xf32, #tpu.memory_space<vmem>> -> memref<1x128x64xf32, #tpu.memory_space<vmem>>
        %dma_wait3A_292 = tpu.memref_squeeze %dma_wait3A_291 : memref<1x128x64xf32, #tpu.memory_space<vmem>> -> memref<128x64xf32, #tpu.memory_space<vmem>>
        %dma_wait3A_293 = arith.constant 0 : i32
        %dma_wait3A_294 = tpu.memref_slice %arg18[%sub3A_288, %dma_wait3A_293] : memref<79x128xi32, #tpu.memory_space<vmem>> -> memref<1x128xi32, #tpu.memory_space<vmem>>
        %dma_wait3A_295 = tpu.memref_squeeze %dma_wait3A_294 : memref<1x128xi32, #tpu.memory_space<vmem>> -> memref<128xi32, #tpu.memory_space<vmem>>
        %dma_wait3A_296 = arith.constant 0 : i32
        %dma_wait3A_297 = arith.constant 0 : i32
        %dma_wait3A_298 = tpu.memref_slice %arg21[%dma_wait3A_296, %dma_wait3A_297] : memref<10240x64xf32, #tpu.memory_space<vmem_shared>> -> memref<10240x64xf32, #tpu.memory_space<vmem_shared>>
        tpu.wait_indirect_dma semaphore(%arg30 : memref<!tpu.dma_semaphore, #tpu.memory_space<semaphore_mem>>) src(%dma_wait3A_292 : memref<128x64xf32, #tpu.memory_space<vmem>>) dst(%dma_wait3A_298 : memref<10240x64xf32, #tpu.memory_space<vmem_shared>>)
        %dma_wait3A_299 = arith.constant 0 : i32
        %dma_wait3A_300 = tpu.memref_slice %arg18[%sub3A_288, %dma_wait3A_299] : memref<79x128xi32, #tpu.memory_space<vmem>> -> memref<1x128xi32, #tpu.memory_space<vmem>>
        %dma_wait3A_301 = tpu.memref_squeeze %dma_wait3A_300 : memref<1x128xi32, #tpu.memory_space<vmem>> -> memref<128xi32, #tpu.memory_space<vmem>>
        %dma_wait3A_302 = arith.constant 0 : i32
        %dma_wait3A_303 = arith.constant 0 : i32
        %dma_wait3A_304 = tpu.memref_slice %arg22[%dma_wait3A_302, %dma_wait3A_303] : memref<10240x16xf32, #tpu.memory_space<vmem_shared>> -> memref<10240x16xf32, #tpu.memory_space<vmem_shared>>
        tpu.wait_indirect_dma semaphore(%arg30 : memref<!tpu.dma_semaphore, #tpu.memory_space<semaphore_mem>>) src(%arg20 : memref<128x16xf32, #tpu.memory_space<vmem>>) dst(%dma_wait3A_304 : memref<10240x16xf32, #tpu.memory_space<vmem_shared>>)
      } else {
      }
      %add3A_281 = arith.constant 3 : i32
      %add3A_282 = arith.addi %add3A_267, %add3A_281 : i32
      %lt3A_283 = arith.cmpi slt, %add3A_282, %select_n3A : i32
      %convert_element_type3A_284 = arith.extui %lt3A_283 : i1 to i32
      %cond3A_285 = arith.constant 0 : i32
      %cond3A_286 = arith.cmpi ne, %convert_element_type3A_284, %cond3A_285 : i32
      scf.if %cond3A_286 {
        %add3A_287 = arith.constant 3 : i32
        %add3A_288 = arith.addi %add3A_267, %add3A_287 : i32
        %dma_start3A_289 = arith.constant 2 : i32
        %dma_start3A_290 = arith.constant 0 : i32
        %dma_start3A_291 = arith.constant 0 : i32
        %dma_start3A_292 = tpu.memref_slice %arg19[%dma_start3A_289, %dma_start3A_290, %dma_start3A_291] : memref<5x128x64xf32, #tpu.memory_space<vmem>> -> memref<1x128x64xf32, #tpu.memory_space<vmem>>
        %dma_start3A_293 = tpu.memref_squeeze %dma_start3A_292 : memref<1x128x64xf32, #tpu.memory_space<vmem>> -> memref<128x64xf32, #tpu.memory_space<vmem>>
        %dma_start3A_294 = arith.constant 0 : i32
        %dma_start3A_295 = tpu.memref_slice %arg17[%add3A_288, %dma_start3A_294] : memref<79x128xi32, #tpu.memory_space<vmem>> -> memref<1x128xi32, #tpu.memory_space<vmem>>
        %dma_start3A_296 = tpu.memref_squeeze %dma_start3A_295 : memref<1x128xi32, #tpu.memory_space<vmem>> -> memref<128xi32, #tpu.memory_space<vmem>>
        %dma_start3A_297 = arith.constant 0 : i32
        %dma_start3A_298 = arith.constant 0 : i32
        %dma_start3A_299 = tpu.memref_slice %arg2[%dma_start3A_297, %dma_start3A_298] : memref<10000x64xf32, #tpu.memory_space<hbm>> -> memref<10000x64xf32, #tpu.memory_space<hbm>>
        tpu.enqueue_indirect_dma source(%dma_start3A_299 : memref<10000x64xf32, #tpu.memory_space<hbm>>) target(%dma_start3A_293 : memref<128x64xf32, #tpu.memory_space<vmem>>) offsets(%dma_start3A_296 : memref<128xi32, #tpu.memory_space<vmem>>) semaphore(%arg25 : memref<!tpu.dma_semaphore, #tpu.memory_space<semaphore_mem>>)
      } else {
      }
    }
    %scan3A_51 = arith.constant 16 : i32
    %gt3A = arith.constant 78 : i32
    %gt3A_52 = arith.cmpi sgt, %select_n3A, %gt3A : i32
    %convert_element_type3A_53 = arith.extui %gt3A_52 : i1 to i32
    %cond3A_54 = arith.constant 0 : i32
    %cond3A_55 = arith.cmpi ne, %convert_element_type3A_53, %cond3A_54 : i32
    scf.if %cond3A_55 {
      %dma_wait3A = arith.constant 3 : i32
      %dma_wait3A_182 = arith.constant 78 : i32
      %dma_wait3A_183 = arith.constant 0 : i32
      %dma_wait3A_184 = arith.constant 0 : i32
      %dma_wait3A_185 = tpu.memref_slice %arg19[%dma_wait3A, %dma_wait3A_183, %dma_wait3A_184] : memref<5x128x64xf32, #tpu.memory_space<vmem>> -> memref<1x128x64xf32, #tpu.memory_space<vmem>>
      %dma_wait3A_186 = tpu.memref_squeeze %dma_wait3A_185 : memref<1x128x64xf32, #tpu.memory_space<vmem>> -> memref<128x64xf32, #tpu.memory_space<vmem>>
      %dma_wait3A_187 = arith.constant 0 : i32
      %dma_wait3A_188 = tpu.memref_slice %arg18[%dma_wait3A_182, %dma_wait3A_187] : memref<79x128xi32, #tpu.memory_space<vmem>> -> memref<1x128xi32, #tpu.memory_space<vmem>>
      %dma_wait3A_189 = tpu.memref_squeeze %dma_wait3A_188 : memref<1x128xi32, #tpu.memory_space<vmem>> -> memref<128xi32, #tpu.memory_space<vmem>>
      %dma_wait3A_190 = arith.constant 0 : i32
      %dma_wait3A_191 = arith.constant 0 : i32
      %dma_wait3A_192 = tpu.memref_slice %arg21[%dma_wait3A_190, %dma_wait3A_191] : memref<10240x64xf32, #tpu.memory_space<vmem_shared>> -> memref<10240x64xf32, #tpu.memory_space<vmem_shared>>
      tpu.wait_indirect_dma semaphore(%arg31 : memref<!tpu.dma_semaphore, #tpu.memory_space<semaphore_mem>>) src(%dma_wait3A_186 : memref<128x64xf32, #tpu.memory_space<vmem>>) dst(%dma_wait3A_192 : memref<10240x64xf32, #tpu.memory_space<vmem_shared>>)
      %dma_wait3A_193 = arith.constant 78 : i32
      %dma_wait3A_194 = arith.constant 0 : i32
      %dma_wait3A_195 = tpu.memref_slice %arg18[%dma_wait3A_193, %dma_wait3A_194] : memref<79x128xi32, #tpu.memory_space<vmem>> -> memref<1x128xi32, #tpu.memory_space<vmem>>
      %dma_wait3A_196 = tpu.memref_squeeze %dma_wait3A_195 : memref<1x128xi32, #tpu.memory_space<vmem>> -> memref<128xi32, #tpu.memory_space<vmem>>
      %dma_wait3A_197 = arith.constant 0 : i32
      %dma_wait3A_198 = arith.constant 0 : i32
      %dma_wait3A_199 = tpu.memref_slice %arg22[%dma_wait3A_197, %dma_wait3A_198] : memref<10240x16xf32, #tpu.memory_space<vmem_shared>> -> memref<10240x16xf32, #tpu.memory_space<vmem_shared>>
      tpu.wait_indirect_dma semaphore(%arg31 : memref<!tpu.dma_semaphore, #tpu.memory_space<semaphore_mem>>) src(%arg20 : memref<128x16xf32, #tpu.memory_space<vmem>>) dst(%dma_wait3A_199 : memref<10240x16xf32, #tpu.memory_space<vmem_shared>>)
    } else {
    }
    %gt3A_56 = arith.constant 79 : i32
    %gt3A_57 = arith.cmpi sgt, %select_n3A, %gt3A_56 : i32
    %convert_element_type3A_58 = arith.extui %gt3A_57 : i1 to i32
    %cond3A_59 = arith.constant 0 : i32
    %cond3A_60 = arith.cmpi ne, %convert_element_type3A_58, %cond3A_59 : i32
    scf.if %cond3A_60 {
      %dma_wait3A = arith.constant 4 : i32
      %dma_wait3A_182 = arith.constant 79 : i32
      %dma_wait3A_183 = arith.constant 0 : i32
      %dma_wait3A_184 = arith.constant 0 : i32
      %dma_wait3A_185 = tpu.memref_slice %arg19[%dma_wait3A, %dma_wait3A_183, %dma_wait3A_184] : memref<5x128x64xf32, #tpu.memory_space<vmem>> -> memref<1x128x64xf32, #tpu.memory_space<vmem>>
      %dma_wait3A_186 = tpu.memref_squeeze %dma_wait3A_185 : memref<1x128x64xf32, #tpu.memory_space<vmem>> -> memref<128x64xf32, #tpu.memory_space<vmem>>
      %dma_wait3A_187 = arith.constant 0 : i32
      %dma_wait3A_188 = tpu.memref_slice %arg18[%dma_wait3A_182, %dma_wait3A_187] : memref<79x128xi32, #tpu.memory_space<vmem>> -> memref<1x128xi32, #tpu.memory_space<vmem>>
      %dma_wait3A_189 = tpu.memref_squeeze %dma_wait3A_188 : memref<1x128xi32, #tpu.memory_space<vmem>> -> memref<128xi32, #tpu.memory_space<vmem>>
      %dma_wait3A_190 = arith.constant 0 : i32
      %dma_wait3A_191 = arith.constant 0 : i32
      %dma_wait3A_192 = tpu.memref_slice %arg21[%dma_wait3A_190, %dma_wait3A_191] : memref<10240x64xf32, #tpu.memory_space<vmem_shared>> -> memref<10240x64xf32, #tpu.memory_space<vmem_shared>>
      tpu.wait_indirect_dma semaphore(%arg32 : memref<!tpu.dma_semaphore, #tpu.memory_space<semaphore_mem>>) src(%dma_wait3A_186 : memref<128x64xf32, #tpu.memory_space<vmem>>) dst(%dma_wait3A_192 : memref<10240x64xf32, #tpu.memory_space<vmem_shared>>)
      %dma_wait3A_193 = arith.constant 79 : i32
      %dma_wait3A_194 = arith.constant 0 : i32
      %dma_wait3A_195 = tpu.memref_slice %arg18[%dma_wait3A_193, %dma_wait3A_194] : memref<79x128xi32, #tpu.memory_space<vmem>> -> memref<1x128xi32, #tpu.memory_space<vmem>>
      %dma_wait3A_196 = tpu.memref_squeeze %dma_wait3A_195 : memref<1x128xi32, #tpu.memory_space<vmem>> -> memref<128xi32, #tpu.memory_space<vmem>>
      %dma_wait3A_197 = arith.constant 0 : i32
      %dma_wait3A_198 = arith.constant 0 : i32
      %dma_wait3A_199 = tpu.memref_slice %arg22[%dma_wait3A_197, %dma_wait3A_198] : memref<10240x16xf32, #tpu.memory_space<vmem_shared>> -> memref<10240x16xf32, #tpu.memory_space<vmem_shared>>
      tpu.wait_indirect_dma semaphore(%arg32 : memref<!tpu.dma_semaphore, #tpu.memory_space<semaphore_mem>>) src(%arg20 : memref<128x16xf32, #tpu.memory_space<vmem>>) dst(%dma_wait3A_199 : memref<10240x16xf32, #tpu.memory_space<vmem_shared>>)
    } else {
    }
    %barrier3A_61 = arith.constant 0 : index
    tpu.barrier barrier_id(%barrier3A_61)
    "tpu.region"() ({
      %run_scoped3A_182 = tpu.sem_alloc : memref<!tpu.dma_semaphore, #tpu.memory_space<semaphore_mem>>
      %dma_start3A_183 = arith.constant 0 : i32
      %dma_start3A_184 = tpu.memref_slice %arg11[%arg0, %mul3A_8, %dma_start3A_183] : memref<2x10240x64xf32, #tpu.memory_space<hbm>> -> memref<1x640x64xf32, #tpu.memory_space<hbm>>
      %dma_start3A_185 = tpu.memref_squeeze %dma_start3A_184 : memref<1x640x64xf32, #tpu.memory_space<hbm>> -> memref<640x64xf32, #tpu.memory_space<hbm>>
      %dma_start3A_186 = arith.constant 0 : i32
      %dma_start3A_187 = tpu.memref_slice %arg21[%mul3A_8, %dma_start3A_186] : memref<10240x64xf32, #tpu.memory_space<vmem_shared>> -> memref<640x64xf32, #tpu.memory_space<vmem_shared>>
      tpu.enqueue_dma source(%dma_start3A_187 : memref<640x64xf32, #tpu.memory_space<vmem_shared>>) target(%dma_start3A_185 : memref<640x64xf32, #tpu.memory_space<hbm>>) target_semaphore(%run_scoped3A_182 : memref<!tpu.dma_semaphore, #tpu.memory_space<semaphore_mem>>)
      %dma_wait3A = arith.constant 0 : i32
      %dma_wait3A_188 = tpu.memref_slice %arg11[%arg0, %mul3A_8, %dma_wait3A] : memref<2x10240x64xf32, #tpu.memory_space<hbm>> -> memref<1x640x64xf32, #tpu.memory_space<hbm>>
      %dma_wait3A_189 = tpu.memref_squeeze %dma_wait3A_188 : memref<1x640x64xf32, #tpu.memory_space<hbm>> -> memref<640x64xf32, #tpu.memory_space<hbm>>
      %dma_wait3A_190 = arith.constant 0 : i32
      %dma_wait3A_191 = tpu.memref_slice %arg21[%mul3A_8, %dma_wait3A_190] : memref<10240x64xf32, #tpu.memory_space<vmem_shared>> -> memref<640x64xf32, #tpu.memory_space<vmem_shared>>
      tpu.wait_dma2 semaphore(%run_scoped3A_182 : memref<!tpu.dma_semaphore, #tpu.memory_space<semaphore_mem>>) src(%dma_wait3A_191 : memref<640x64xf32, #tpu.memory_space<vmem_shared>>) dst(%dma_wait3A_189 : memref<640x64xf32, #tpu.memory_space<hbm>>)
      tpu.yield
    }) : () -> ()
    "tpu.region"() ({
      %run_scoped3A_182 = tpu.sem_alloc : memref<!tpu.dma_semaphore, #tpu.memory_space<semaphore_mem>>
      %dma_start3A_183 = arith.constant 0 : i32
      %dma_start3A_184 = tpu.memref_slice %arg14[%arg0, %mul3A_8, %dma_start3A_183] : memref<2x10240x16xf32, #tpu.memory_space<hbm>> -> memref<1x640x16xf32, #tpu.memory_space<hbm>>
      %dma_start3A_185 = tpu.memref_squeeze %dma_start3A_184 : memref<1x640x16xf32, #tpu.memory_space<hbm>> -> memref<640x16xf32, #tpu.memory_space<hbm>>
      %dma_start3A_186 = arith.constant 0 : i32
      %dma_start3A_187 = tpu.memref_slice %arg22[%mul3A_8, %dma_start3A_186] : memref<10240x16xf32, #tpu.memory_space<vmem_shared>> -> memref<640x16xf32, #tpu.memory_space<vmem_shared>>
      tpu.enqueue_dma source(%dma_start3A_187 : memref<640x16xf32, #tpu.memory_space<vmem_shared>>) target(%dma_start3A_185 : memref<640x16xf32, #tpu.memory_space<hbm>>) target_semaphore(%run_scoped3A_182 : memref<!tpu.dma_semaphore, #tpu.memory_space<semaphore_mem>>)
      %dma_wait3A = arith.constant 0 : i32
      %dma_wait3A_188 = tpu.memref_slice %arg14[%arg0, %mul3A_8, %dma_wait3A] : memref<2x10240x16xf32, #tpu.memory_space<hbm>> -> memref<1x640x16xf32, #tpu.memory_space<hbm>>
      %dma_wait3A_189 = tpu.memref_squeeze %dma_wait3A_188 : memref<1x640x16xf32, #tpu.memory_space<hbm>> -> memref<640x16xf32, #tpu.memory_space<hbm>>
      %dma_wait3A_190 = arith.constant 0 : i32
      %dma_wait3A_191 = tpu.memref_slice %arg22[%mul3A_8, %dma_wait3A_190] : memref<10240x16xf32, #tpu.memory_space<vmem_shared>> -> memref<640x16xf32, #tpu.memory_space<vmem_shared>>
      tpu.wait_dma2 semaphore(%run_scoped3A_182 : memref<!tpu.dma_semaphore, #tpu.memory_space<semaphore_mem>>) src(%dma_wait3A_191 : memref<640x16xf32, #tpu.memory_space<vmem_shared>>) dst(%dma_wait3A_189 : memref<640x16xf32, #tpu.memory_space<hbm>>)
      tpu.yield
    }) : () -> ()
    "tpu.region"() ({
      %run_scoped3A_182 = tpu.sem_alloc : memref<!tpu.dma_semaphore, #tpu.memory_space<semaphore_mem>>
      %dma_start3A_183 = arith.constant 0 : i32
      %dma_start3A_184 = tpu.memref_slice %arg21[%mul3A_8, %dma_start3A_183] : memref<10240x64xf32, #tpu.memory_space<vmem_shared>> -> memref<640x64xf32, #tpu.memory_space<vmem_shared>>
      tpu.enqueue_dma source(%arg9 : memref<640x64xf32, #tpu.memory_space<hbm>>) target(%dma_start3A_184 : memref<640x64xf32, #tpu.memory_space<vmem_shared>>) target_semaphore(%run_scoped3A_182 : memref<!tpu.dma_semaphore, #tpu.memory_space<semaphore_mem>>)
      %dma_wait3A = arith.constant 0 : i32
      %dma_wait3A_185 = tpu.memref_slice %arg21[%mul3A_8, %dma_wait3A] : memref<10240x64xf32, #tpu.memory_space<vmem_shared>> -> memref<640x64xf32, #tpu.memory_space<vmem_shared>>
      tpu.wait_dma2 semaphore(%run_scoped3A_182 : memref<!tpu.dma_semaphore, #tpu.memory_space<semaphore_mem>>) src(%arg9 : memref<640x64xf32, #tpu.memory_space<hbm>>) dst(%dma_wait3A_185 : memref<640x64xf32, #tpu.memory_space<vmem_shared>>)
      tpu.yield
    }) : () -> ()
    "tpu.region"() ({
      %run_scoped3A_182 = tpu.sem_alloc : memref<!tpu.dma_semaphore, #tpu.memory_space<semaphore_mem>>
      %dma_start3A_183 = arith.constant 0 : i32
      %dma_start3A_184 = tpu.memref_slice %arg22[%mul3A_8, %dma_start3A_183] : memref<10240x16xf32, #tpu.memory_space<vmem_shared>> -> memref<640x16xf32, #tpu.memory_space<vmem_shared>>
      tpu.enqueue_dma source(%arg10 : memref<640x16xf32, #tpu.memory_space<hbm>>) target(%dma_start3A_184 : memref<640x16xf32, #tpu.memory_space<vmem_shared>>) target_semaphore(%run_scoped3A_182 : memref<!tpu.dma_semaphore, #tpu.memory_space<semaphore_mem>>)
      %dma_wait3A = arith.constant 0 : i32
      %dma_wait3A_185 = tpu.memref_slice %arg22[%mul3A_8, %dma_wait3A] : memref<10240x16xf32, #tpu.memory_space<vmem_shared>> -> memref<640x16xf32, #tpu.memory_space<vmem_shared>>
      tpu.wait_dma2 semaphore(%run_scoped3A_182 : memref<!tpu.dma_semaphore, #tpu.memory_space<semaphore_mem>>) src(%arg10 : memref<640x16xf32, #tpu.memory_space<hbm>>) dst(%dma_wait3A_185 : memref<640x16xf32, #tpu.memory_space<vmem_shared>>)
      tpu.yield
    }) : () -> ()
    %run_scoped3A_62 = arith.constant 0 : i32
    "tpu.region"() ({
      %run_scoped3A_182 = tpu.sem_alloc : memref<!tpu.dma_semaphore, #tpu.memory_space<semaphore_mem>>
      %dma_start3A_183 = arith.constant 0 : i32
      %dma_start3A_184 = arith.constant 0 : i32
      %dma_start3A_185 = tpu.memref_slice %arg17[%dma_start3A_183, %dma_start3A_184] : memref<79x128xi32, #tpu.memory_space<vmem>> -> memref<78x128xi32, #tpu.memory_space<vmem>>
      %dma_start3A_186 = arith.constant 0 : i32
      %dma_start3A_187 = tpu.memref_slice %arg6[%run_scoped3A_62, %add3A_4, %dma_start3A_186] : memref<2x2500x128xi32, #tpu.memory_space<hbm>> -> memref<1x78x128xi32, #tpu.memory_space<hbm>>
      %dma_start3A_188 = tpu.memref_squeeze %dma_start3A_187 : memref<1x78x128xi32, #tpu.memory_space<hbm>> -> memref<78x128xi32, #tpu.memory_space<hbm>>
      %dma_start3A_189 = arith.constant 0 : i32
      %dma_start3A_190 = arith.constant 0 : i32
      %dma_start3A_191 = tpu.memref_slice %arg17[%dma_start3A_189, %dma_start3A_190] : memref<79x128xi32, #tpu.memory_space<vmem>> -> memref<78x128xi32, #tpu.memory_space<vmem>>
      %dma_start3A_192 = arith.constant 0 : i32
      %dma_start3A_193 = tpu.memref_slice %arg6[%run_scoped3A_62, %add3A_4, %dma_start3A_192] : memref<2x2500x128xi32, #tpu.memory_space<hbm>> -> memref<1x78x128xi32, #tpu.memory_space<hbm>>
      %dma_start3A_194 = tpu.memref_squeeze %dma_start3A_193 : memref<1x78x128xi32, #tpu.memory_space<hbm>> -> memref<78x128xi32, #tpu.memory_space<hbm>>
      tpu.enqueue_dma source(%dma_start3A_194 : memref<78x128xi32, #tpu.memory_space<hbm>>) target(%dma_start3A_191 : memref<78x128xi32, #tpu.memory_space<vmem>>) target_semaphore(%run_scoped3A_182 : memref<!tpu.dma_semaphore, #tpu.memory_space<semaphore_mem>>)
      %dma_wait3A = arith.constant 0 : i32
      %dma_wait3A_195 = arith.constant 0 : i32
      %dma_wait3A_196 = tpu.memref_slice %arg17[%dma_wait3A, %dma_wait3A_195] : memref<79x128xi32, #tpu.memory_space<vmem>> -> memref<78x128xi32, #tpu.memory_space<vmem>>
      %dma_wait3A_197 = arith.constant 0 : i32
      %dma_wait3A_198 = tpu.memref_slice %arg6[%run_scoped3A_62, %add3A_4, %dma_wait3A_197] : memref<2x2500x128xi32, #tpu.memory_space<hbm>> -> memref<1x78x128xi32, #tpu.memory_space<hbm>>
      %dma_wait3A_199 = tpu.memref_squeeze %dma_wait3A_198 : memref<1x78x128xi32, #tpu.memory_space<hbm>> -> memref<78x128xi32, #tpu.memory_space<hbm>>
      %dma_wait3A_200 = arith.constant 0 : i32
      %dma_wait3A_201 = arith.constant 0 : i32
      %dma_wait3A_202 = tpu.memref_slice %arg17[%dma_wait3A_200, %dma_wait3A_201] : memref<79x128xi32, #tpu.memory_space<vmem>> -> memref<78x128xi32, #tpu.memory_space<vmem>>
      %dma_wait3A_203 = arith.constant 0 : i32
      %dma_wait3A_204 = tpu.memref_slice %arg6[%run_scoped3A_62, %add3A_4, %dma_wait3A_203] : memref<2x2500x128xi32, #tpu.memory_space<hbm>> -> memref<1x78x128xi32, #tpu.memory_space<hbm>>
      %dma_wait3A_205 = tpu.memref_squeeze %dma_wait3A_204 : memref<1x78x128xi32, #tpu.memory_space<hbm>> -> memref<78x128xi32, #tpu.memory_space<hbm>>
      tpu.wait_dma2 semaphore(%run_scoped3A_182 : memref<!tpu.dma_semaphore, #tpu.memory_space<semaphore_mem>>) src(%dma_wait3A_205 : memref<78x128xi32, #tpu.memory_space<hbm>>) dst(%dma_wait3A_202 : memref<78x128xi32, #tpu.memory_space<vmem>>)
      tpu.yield
    }) : () -> ()
    %run_scoped3A_63 = arith.constant 1 : i32
    "tpu.region"() ({
      %run_scoped3A_182 = tpu.sem_alloc : memref<!tpu.dma_semaphore, #tpu.memory_space<semaphore_mem>>
      %dma_start3A_183 = arith.constant 0 : i32
      %dma_start3A_184 = arith.constant 0 : i32
      %dma_start3A_185 = tpu.memref_slice %arg18[%dma_start3A_183, %dma_start3A_184] : memref<79x128xi32, #tpu.memory_space<vmem>> -> memref<78x128xi32, #tpu.memory_space<vmem>>
      %dma_start3A_186 = arith.constant 0 : i32
      %dma_start3A_187 = tpu.memref_slice %arg6[%run_scoped3A_63, %add3A_4, %dma_start3A_186] : memref<2x2500x128xi32, #tpu.memory_space<hbm>> -> memref<1x78x128xi32, #tpu.memory_space<hbm>>
      %dma_start3A_188 = tpu.memref_squeeze %dma_start3A_187 : memref<1x78x128xi32, #tpu.memory_space<hbm>> -> memref<78x128xi32, #tpu.memory_space<hbm>>
      %dma_start3A_189 = arith.constant 0 : i32
      %dma_start3A_190 = arith.constant 0 : i32
      %dma_start3A_191 = tpu.memref_slice %arg18[%dma_start3A_189, %dma_start3A_190] : memref<79x128xi32, #tpu.memory_space<vmem>> -> memref<78x128xi32, #tpu.memory_space<vmem>>
      %dma_start3A_192 = arith.constant 0 : i32
      %dma_start3A_193 = tpu.memref_slice %arg6[%run_scoped3A_63, %add3A_4, %dma_start3A_192] : memref<2x2500x128xi32, #tpu.memory_space<hbm>> -> memref<1x78x128xi32, #tpu.memory_space<hbm>>
      %dma_start3A_194 = tpu.memref_squeeze %dma_start3A_193 : memref<1x78x128xi32, #tpu.memory_space<hbm>> -> memref<78x128xi32, #tpu.memory_space<hbm>>
      tpu.enqueue_dma source(%dma_start3A_194 : memref<78x128xi32, #tpu.memory_space<hbm>>) target(%dma_start3A_191 : memref<78x128xi32, #tpu.memory_space<vmem>>) target_semaphore(%run_scoped3A_182 : memref<!tpu.dma_semaphore, #tpu.memory_space<semaphore_mem>>)
      %dma_wait3A = arith.constant 0 : i32
      %dma_wait3A_195 = arith.constant 0 : i32
      %dma_wait3A_196 = tpu.memref_slice %arg18[%dma_wait3A, %dma_wait3A_195] : memref<79x128xi32, #tpu.memory_space<vmem>> -> memref<78x128xi32, #tpu.memory_space<vmem>>
      %dma_wait3A_197 = arith.constant 0 : i32
      %dma_wait3A_198 = tpu.memref_slice %arg6[%run_scoped3A_63, %add3A_4, %dma_wait3A_197] : memref<2x2500x128xi32, #tpu.memory_space<hbm>> -> memref<1x78x128xi32, #tpu.memory_space<hbm>>
      %dma_wait3A_199 = tpu.memref_squeeze %dma_wait3A_198 : memref<1x78x128xi32, #tpu.memory_space<hbm>> -> memref<78x128xi32, #tpu.memory_space<hbm>>
      %dma_wait3A_200 = arith.constant 0 : i32
      %dma_wait3A_201 = arith.constant 0 : i32
      %dma_wait3A_202 = tpu.memref_slice %arg18[%dma_wait3A_200, %dma_wait3A_201] : memref<79x128xi32, #tpu.memory_space<vmem>> -> memref<78x128xi32, #tpu.memory_space<vmem>>
      %dma_wait3A_203 = arith.constant 0 : i32
      %dma_wait3A_204 = tpu.memref_slice %arg6[%run_scoped3A_63, %add3A_4, %dma_wait3A_203] : memref<2x2500x128xi32, #tpu.memory_space<hbm>> -> memref<1x78x128xi32, #tpu.memory_space<hbm>>
      %dma_wait3A_205 = tpu.memref_squeeze %dma_wait3A_204 : memref<1x78x128xi32, #tpu.memory_space<hbm>> -> memref<78x128xi32, #tpu.memory_space<hbm>>
      tpu.wait_dma2 semaphore(%run_scoped3A_182 : memref<!tpu.dma_semaphore, #tpu.memory_space<semaphore_mem>>) src(%dma_wait3A_205 : memref<78x128xi32, #tpu.memory_space<hbm>>) dst(%dma_wait3A_202 : memref<78x128xi32, #tpu.memory_space<vmem>>)
      tpu.yield
    }) : () -> ()
    %lt3A_64 = arith.constant 4 : i32
    %lt3A_65 = arith.cmpi slt, %add3A, %lt3A_64 : i32
    %convert_element_type3A_66 = arith.extui %lt3A_65 : i1 to i32
    %cond3A_67 = arith.constant 0 : i32
    %cond3A_68 = arith.cmpi ne, %convert_element_type3A_66, %cond3A_67 : i32
    scf.if %cond3A_68 {
      %add3A_182 = arith.constant 78 : i32
      %add3A_183 = arith.addi %add3A_4, %add3A_182 : i32
      %run_scoped3A_184 = arith.constant 0 : i32
      %run_scoped3A_185 = arith.constant 78 : i32
      "tpu.region"() ({
        %run_scoped3A_190 = tpu.sem_alloc : memref<!tpu.dma_semaphore, #tpu.memory_space<semaphore_mem>>
        %dma_start3A_191 = arith.constant 0 : i32
        %dma_start3A_192 = tpu.memref_slice %arg17[%run_scoped3A_185, %dma_start3A_191] : memref<79x128xi32, #tpu.memory_space<vmem>> -> memref<1x128xi32, #tpu.memory_space<vmem>>
        %dma_start3A_193 = tpu.memref_squeeze %dma_start3A_192 : memref<1x128xi32, #tpu.memory_space<vmem>> -> memref<128xi32, #tpu.memory_space<vmem>>
        %dma_start3A_194 = arith.constant 0 : i32
        %dma_start3A_195 = tpu.memref_slice %arg6[%run_scoped3A_184, %add3A_183, %dma_start3A_194] : memref<2x2500x128xi32, #tpu.memory_space<hbm>> -> memref<1x1x128xi32, #tpu.memory_space<hbm>>
        %dma_start3A_196 = tpu.memref_squeeze %dma_start3A_195 : memref<1x1x128xi32, #tpu.memory_space<hbm>> -> memref<128xi32, #tpu.memory_space<hbm>>
        %dma_start3A_197 = arith.constant 0 : i32
        %dma_start3A_198 = tpu.memref_slice %arg17[%run_scoped3A_185, %dma_start3A_197] : memref<79x128xi32, #tpu.memory_space<vmem>> -> memref<1x128xi32, #tpu.memory_space<vmem>>
        %dma_start3A_199 = tpu.memref_squeeze %dma_start3A_198 : memref<1x128xi32, #tpu.memory_space<vmem>> -> memref<128xi32, #tpu.memory_space<vmem>>
        %dma_start3A_200 = arith.constant 0 : i32
        %dma_start3A_201 = tpu.memref_slice %arg6[%run_scoped3A_184, %add3A_183, %dma_start3A_200] : memref<2x2500x128xi32, #tpu.memory_space<hbm>> -> memref<1x1x128xi32, #tpu.memory_space<hbm>>
        %dma_start3A_202 = tpu.memref_squeeze %dma_start3A_201 : memref<1x1x128xi32, #tpu.memory_space<hbm>> -> memref<128xi32, #tpu.memory_space<hbm>>
        tpu.enqueue_dma source(%dma_start3A_202 : memref<128xi32, #tpu.memory_space<hbm>>) target(%dma_start3A_199 : memref<128xi32, #tpu.memory_space<vmem>>) target_semaphore(%run_scoped3A_190 : memref<!tpu.dma_semaphore, #tpu.memory_space<semaphore_mem>>)
        %dma_wait3A = arith.constant 0 : i32
        %dma_wait3A_203 = tpu.memref_slice %arg17[%run_scoped3A_185, %dma_wait3A] : memref<79x128xi32, #tpu.memory_space<vmem>> -> memref<1x128xi32, #tpu.memory_space<vmem>>
        %dma_wait3A_204 = tpu.memref_squeeze %dma_wait3A_203 : memref<1x128xi32, #tpu.memory_space<vmem>> -> memref<128xi32, #tpu.memory_space<vmem>>
        %dma_wait3A_205 = arith.constant 0 : i32
        %dma_wait3A_206 = tpu.memref_slice %arg6[%run_scoped3A_184, %add3A_183, %dma_wait3A_205] : memref<2x2500x128xi32, #tpu.memory_space<hbm>> -> memref<1x1x128xi32, #tpu.memory_space<hbm>>
        %dma_wait3A_207 = tpu.memref_squeeze %dma_wait3A_206 : memref<1x1x128xi32, #tpu.memory_space<hbm>> -> memref<128xi32, #tpu.memory_space<hbm>>
        %dma_wait3A_208 = arith.constant 0 : i32
        %dma_wait3A_209 = tpu.memref_slice %arg17[%run_scoped3A_185, %dma_wait3A_208] : memref<79x128xi32, #tpu.memory_space<vmem>> -> memref<1x128xi32, #tpu.memory_space<vmem>>
        %dma_wait3A_210 = tpu.memref_squeeze %dma_wait3A_209 : memref<1x128xi32, #tpu.memory_space<vmem>> -> memref<128xi32, #tpu.memory_space<vmem>>
        %dma_wait3A_211 = arith.constant 0 : i32
        %dma_wait3A_212 = tpu.memref_slice %arg6[%run_scoped3A_184, %add3A_183, %dma_wait3A_211] : memref<2x2500x128xi32, #tpu.memory_space<hbm>> -> memref<1x1x128xi32, #tpu.memory_space<hbm>>
        %dma_wait3A_213 = tpu.memref_squeeze %dma_wait3A_212 : memref<1x1x128xi32, #tpu.memory_space<hbm>> -> memref<128xi32, #tpu.memory_space<hbm>>
        tpu.wait_dma2 semaphore(%run_scoped3A_190 : memref<!tpu.dma_semaphore, #tpu.memory_space<semaphore_mem>>) src(%dma_wait3A_213 : memref<128xi32, #tpu.memory_space<hbm>>) dst(%dma_wait3A_210 : memref<128xi32, #tpu.memory_space<vmem>>)
        tpu.yield
      }) : () -> ()
      %add3A_186 = arith.constant 78 : i32
      %add3A_187 = arith.addi %add3A_4, %add3A_186 : i32
      %run_scoped3A_188 = arith.constant 1 : i32
      %run_scoped3A_189 = arith.constant 78 : i32
      "tpu.region"() ({
        %run_scoped3A_190 = tpu.sem_alloc : memref<!tpu.dma_semaphore, #tpu.memory_space<semaphore_mem>>
        %dma_start3A_191 = arith.constant 0 : i32
        %dma_start3A_192 = tpu.memref_slice %arg18[%run_scoped3A_189, %dma_start3A_191] : memref<79x128xi32, #tpu.memory_space<vmem>> -> memref<1x128xi32, #tpu.memory_space<vmem>>
        %dma_start3A_193 = tpu.memref_squeeze %dma_start3A_192 : memref<1x128xi32, #tpu.memory_space<vmem>> -> memref<128xi32, #tpu.memory_space<vmem>>
        %dma_start3A_194 = arith.constant 0 : i32
        %dma_start3A_195 = tpu.memref_slice %arg6[%run_scoped3A_188, %add3A_187, %dma_start3A_194] : memref<2x2500x128xi32, #tpu.memory_space<hbm>> -> memref<1x1x128xi32, #tpu.memory_space<hbm>>
        %dma_start3A_196 = tpu.memref_squeeze %dma_start3A_195 : memref<1x1x128xi32, #tpu.memory_space<hbm>> -> memref<128xi32, #tpu.memory_space<hbm>>
        %dma_start3A_197 = arith.constant 0 : i32
        %dma_start3A_198 = tpu.memref_slice %arg18[%run_scoped3A_189, %dma_start3A_197] : memref<79x128xi32, #tpu.memory_space<vmem>> -> memref<1x128xi32, #tpu.memory_space<vmem>>
        %dma_start3A_199 = tpu.memref_squeeze %dma_start3A_198 : memref<1x128xi32, #tpu.memory_space<vmem>> -> memref<128xi32, #tpu.memory_space<vmem>>
        %dma_start3A_200 = arith.constant 0 : i32
        %dma_start3A_201 = tpu.memref_slice %arg6[%run_scoped3A_188, %add3A_187, %dma_start3A_200] : memref<2x2500x128xi32, #tpu.memory_space<hbm>> -> memref<1x1x128xi32, #tpu.memory_space<hbm>>
        %dma_start3A_202 = tpu.memref_squeeze %dma_start3A_201 : memref<1x1x128xi32, #tpu.memory_space<hbm>> -> memref<128xi32, #tpu.memory_space<hbm>>
        tpu.enqueue_dma source(%dma_start3A_202 : memref<128xi32, #tpu.memory_space<hbm>>) target(%dma_start3A_199 : memref<128xi32, #tpu.memory_space<vmem>>) target_semaphore(%run_scoped3A_190 : memref<!tpu.dma_semaphore, #tpu.memory_space<semaphore_mem>>)
        %dma_wait3A = arith.constant 0 : i32
        %dma_wait3A_203 = tpu.memref_slice %arg18[%run_scoped3A_189, %dma_wait3A] : memref<79x128xi32, #tpu.memory_space<vmem>> -> memref<1x128xi32, #tpu.memory_space<vmem>>
        %dma_wait3A_204 = tpu.memref_squeeze %dma_wait3A_203 : memref<1x128xi32, #tpu.memory_space<vmem>> -> memref<128xi32, #tpu.memory_space<vmem>>
        %dma_wait3A_205 = arith.constant 0 : i32
        %dma_wait3A_206 = tpu.memref_slice %arg6[%run_scoped3A_188, %add3A_187, %dma_wait3A_205] : memref<2x2500x128xi32, #tpu.memory_space<hbm>> -> memref<1x1x128xi32, #tpu.memory_space<hbm>>
        %dma_wait3A_207 = tpu.memref_squeeze %dma_wait3A_206 : memref<1x1x128xi32, #tpu.memory_space<hbm>> -> memref<128xi32, #tpu.memory_space<hbm>>
        %dma_wait3A_208 = arith.constant 0 : i32
        %dma_wait3A_209 = tpu.memref_slice %arg18[%run_scoped3A_189, %dma_wait3A_208] : memref<79x128xi32, #tpu.memory_space<vmem>> -> memref<1x128xi32, #tpu.memory_space<vmem>>
        %dma_wait3A_210 = tpu.memref_squeeze %dma_wait3A_209 : memref<1x128xi32, #tpu.memory_space<vmem>> -> memref<128xi32, #tpu.memory_space<vmem>>
        %dma_wait3A_211 = arith.constant 0 : i32
        %dma_wait3A_212 = tpu.memref_slice %arg6[%run_scoped3A_188, %add3A_187, %dma_wait3A_211] : memref<2x2500x128xi32, #tpu.memory_space<hbm>> -> memref<1x1x128xi32, #tpu.memory_space<hbm>>
        %dma_wait3A_213 = tpu.memref_squeeze %dma_wait3A_212 : memref<1x1x128xi32, #tpu.memory_space<hbm>> -> memref<128xi32, #tpu.memory_space<hbm>>
        tpu.wait_dma2 semaphore(%run_scoped3A_190 : memref<!tpu.dma_semaphore, #tpu.memory_space<semaphore_mem>>) src(%dma_wait3A_213 : memref<128xi32, #tpu.memory_space<hbm>>) dst(%dma_wait3A_210 : memref<128xi32, #tpu.memory_space<vmem>>)
        tpu.yield
      }) : () -> ()
    } else {
    }
    %barrier3A_69 = arith.constant 0 : index
    tpu.barrier barrier_id(%barrier3A_69)
    %dma_start3A_70 = arith.constant 0 : i32
    %dma_start3A_71 = arith.constant 0 : i32
    %dma_start3A_72 = arith.constant 0 : i32
    %dma_start3A_73 = arith.constant 0 : i32
    %dma_start3A_74 = tpu.memref_slice %arg19[%dma_start3A_71, %dma_start3A_72, %dma_start3A_73] : memref<5x128x64xf32, #tpu.memory_space<vmem>> -> memref<1x128x64xf32, #tpu.memory_space<vmem>>
    %dma_start3A_75 = tpu.memref_squeeze %dma_start3A_74 : memref<1x128x64xf32, #tpu.memory_space<vmem>> -> memref<128x64xf32, #tpu.memory_space<vmem>>
    %dma_start3A_76 = arith.constant 0 : i32
    %dma_start3A_77 = tpu.memref_slice %arg17[%dma_start3A_70, %dma_start3A_76] : memref<79x128xi32, #tpu.memory_space<vmem>> -> memref<1x128xi32, #tpu.memory_space<vmem>>
    %dma_start3A_78 = tpu.memref_squeeze %dma_start3A_77 : memref<1x128xi32, #tpu.memory_space<vmem>> -> memref<128xi32, #tpu.memory_space<vmem>>
    %dma_start3A_79 = arith.constant 0 : i32
    %dma_start3A_80 = arith.constant 0 : i32
    %dma_start3A_81 = tpu.memref_slice %arg3[%dma_start3A_79, %dma_start3A_80] : memref<10000x64xf32, #tpu.memory_space<hbm>> -> memref<10000x64xf32, #tpu.memory_space<hbm>>
    tpu.enqueue_indirect_dma source(%dma_start3A_81 : memref<10000x64xf32, #tpu.memory_space<hbm>>) target(%dma_start3A_75 : memref<128x64xf32, #tpu.memory_space<vmem>>) offsets(%dma_start3A_78 : memref<128xi32, #tpu.memory_space<vmem>>) semaphore(%arg23 : memref<!tpu.dma_semaphore, #tpu.memory_space<semaphore_mem>>)
    %dma_start3A_82 = arith.constant 1 : i32
    %dma_start3A_83 = arith.constant 1 : i32
    %dma_start3A_84 = arith.constant 0 : i32
    %dma_start3A_85 = arith.constant 0 : i32
    %dma_start3A_86 = tpu.memref_slice %arg19[%dma_start3A_83, %dma_start3A_84, %dma_start3A_85] : memref<5x128x64xf32, #tpu.memory_space<vmem>> -> memref<1x128x64xf32, #tpu.memory_space<vmem>>
    %dma_start3A_87 = tpu.memref_squeeze %dma_start3A_86 : memref<1x128x64xf32, #tpu.memory_space<vmem>> -> memref<128x64xf32, #tpu.memory_space<vmem>>
    %dma_start3A_88 = arith.constant 0 : i32
    %dma_start3A_89 = tpu.memref_slice %arg17[%dma_start3A_82, %dma_start3A_88] : memref<79x128xi32, #tpu.memory_space<vmem>> -> memref<1x128xi32, #tpu.memory_space<vmem>>
    %dma_start3A_90 = tpu.memref_squeeze %dma_start3A_89 : memref<1x128xi32, #tpu.memory_space<vmem>> -> memref<128xi32, #tpu.memory_space<vmem>>
    %dma_start3A_91 = arith.constant 0 : i32
    %dma_start3A_92 = arith.constant 0 : i32
    %dma_start3A_93 = tpu.memref_slice %arg3[%dma_start3A_91, %dma_start3A_92] : memref<10000x64xf32, #tpu.memory_space<hbm>> -> memref<10000x64xf32, #tpu.memory_space<hbm>>
    tpu.enqueue_indirect_dma source(%dma_start3A_93 : memref<10000x64xf32, #tpu.memory_space<hbm>>) target(%dma_start3A_87 : memref<128x64xf32, #tpu.memory_space<vmem>>) offsets(%dma_start3A_90 : memref<128xi32, #tpu.memory_space<vmem>>) semaphore(%arg24 : memref<!tpu.dma_semaphore, #tpu.memory_space<semaphore_mem>>)
    %dma_start3A_94 = arith.constant 2 : i32
    %dma_start3A_95 = arith.constant 2 : i32
    %dma_start3A_96 = arith.constant 0 : i32
    %dma_start3A_97 = arith.constant 0 : i32
    %dma_start3A_98 = tpu.memref_slice %arg19[%dma_start3A_95, %dma_start3A_96, %dma_start3A_97] : memref<5x128x64xf32, #tpu.memory_space<vmem>> -> memref<1x128x64xf32, #tpu.memory_space<vmem>>
    %dma_start3A_99 = tpu.memref_squeeze %dma_start3A_98 : memref<1x128x64xf32, #tpu.memory_space<vmem>> -> memref<128x64xf32, #tpu.memory_space<vmem>>
    %dma_start3A_100 = arith.constant 0 : i32
    %dma_start3A_101 = tpu.memref_slice %arg17[%dma_start3A_94, %dma_start3A_100] : memref<79x128xi32, #tpu.memory_space<vmem>> -> memref<1x128xi32, #tpu.memory_space<vmem>>
    %dma_start3A_102 = tpu.memref_squeeze %dma_start3A_101 : memref<1x128xi32, #tpu.memory_space<vmem>> -> memref<128xi32, #tpu.memory_space<vmem>>
    %dma_start3A_103 = arith.constant 0 : i32
    %dma_start3A_104 = arith.constant 0 : i32
    %dma_start3A_105 = tpu.memref_slice %arg3[%dma_start3A_103, %dma_start3A_104] : memref<10000x64xf32, #tpu.memory_space<hbm>> -> memref<10000x64xf32, #tpu.memory_space<hbm>>
    tpu.enqueue_indirect_dma source(%dma_start3A_105 : memref<10000x64xf32, #tpu.memory_space<hbm>>) target(%dma_start3A_99 : memref<128x64xf32, #tpu.memory_space<vmem>>) offsets(%dma_start3A_102 : memref<128xi32, #tpu.memory_space<vmem>>) semaphore(%arg25 : memref<!tpu.dma_semaphore, #tpu.memory_space<semaphore_mem>>)
    %scan3A_106 = arith.constant 0 : i32
    %scan3A_107 = arith.constant 16 : i32
    %scan3A_108 = arith.addi %scan3A_106, %scan3A_107 : i32
    %scan3A_109 = arith.constant 1 : i32
    scf.for %scan3A_182 = %scan3A_106 to %scan3A_108 step %scan3A_109  : i32 {
      %mul3A_183 = arith.constant 5 : i32
      %mul3A_184 = arith.muli %scan3A_182, %mul3A_183 : i32
      %add3A_185 = arith.constant 0 : i32
      %add3A_186 = arith.addi %mul3A_184, %add3A_185 : i32
      %lt3A_187 = arith.cmpi slt, %add3A_186, %select_n3A : i32
      %convert_element_type3A_188 = arith.extui %lt3A_187 : i1 to i32
      %cond3A_189 = arith.constant 0 : i32
      %cond3A_190 = arith.cmpi ne, %convert_element_type3A_188, %cond3A_189 : i32
      scf.if %cond3A_190 {
        %dma_wait3A = arith.constant 0 : i32
        %dma_wait3A_287 = arith.constant 0 : i32
        %dma_wait3A_288 = arith.constant 0 : i32
        %dma_wait3A_289 = tpu.memref_slice %arg19[%dma_wait3A, %dma_wait3A_287, %dma_wait3A_288] : memref<5x128x64xf32, #tpu.memory_space<vmem>> -> memref<1x128x64xf32, #tpu.memory_space<vmem>>
        %dma_wait3A_290 = tpu.memref_squeeze %dma_wait3A_289 : memref<1x128x64xf32, #tpu.memory_space<vmem>> -> memref<128x64xf32, #tpu.memory_space<vmem>>
        %dma_wait3A_291 = arith.constant 0 : i32
        %dma_wait3A_292 = tpu.memref_slice %arg17[%add3A_186, %dma_wait3A_291] : memref<79x128xi32, #tpu.memory_space<vmem>> -> memref<1x128xi32, #tpu.memory_space<vmem>>
        %dma_wait3A_293 = tpu.memref_squeeze %dma_wait3A_292 : memref<1x128xi32, #tpu.memory_space<vmem>> -> memref<128xi32, #tpu.memory_space<vmem>>
        %dma_wait3A_294 = arith.constant 0 : i32
        %dma_wait3A_295 = arith.constant 0 : i32
        %dma_wait3A_296 = tpu.memref_slice %arg3[%dma_wait3A_294, %dma_wait3A_295] : memref<10000x64xf32, #tpu.memory_space<hbm>> -> memref<10000x64xf32, #tpu.memory_space<hbm>>
        tpu.wait_indirect_dma semaphore(%arg23 : memref<!tpu.dma_semaphore, #tpu.memory_space<semaphore_mem>>) src(%dma_wait3A_296 : memref<10000x64xf32, #tpu.memory_space<hbm>>) dst(%dma_wait3A_290 : memref<128x64xf32, #tpu.memory_space<vmem>>)
        %dma_start3A_297 = arith.constant 0 : i32
        %dma_start3A_298 = arith.constant 0 : i32
        %dma_start3A_299 = arith.constant 0 : i32
        %dma_start3A_300 = tpu.memref_slice %arg19[%dma_start3A_297, %dma_start3A_298, %dma_start3A_299] : memref<5x128x64xf32, #tpu.memory_space<vmem>> -> memref<1x128x64xf32, #tpu.memory_space<vmem>>
        %dma_start3A_301 = tpu.memref_squeeze %dma_start3A_300 : memref<1x128x64xf32, #tpu.memory_space<vmem>> -> memref<128x64xf32, #tpu.memory_space<vmem>>
        %dma_start3A_302 = arith.constant 0 : i32
        %dma_start3A_303 = tpu.memref_slice %arg18[%add3A_186, %dma_start3A_302] : memref<79x128xi32, #tpu.memory_space<vmem>> -> memref<1x128xi32, #tpu.memory_space<vmem>>
        %dma_start3A_304 = tpu.memref_squeeze %dma_start3A_303 : memref<1x128xi32, #tpu.memory_space<vmem>> -> memref<128xi32, #tpu.memory_space<vmem>>
        %dma_start3A_305 = arith.constant 0 : i32
        %dma_start3A_306 = arith.constant 0 : i32
        %dma_start3A_307 = tpu.memref_slice %arg21[%dma_start3A_305, %dma_start3A_306] : memref<10240x64xf32, #tpu.memory_space<vmem_shared>> -> memref<10240x64xf32, #tpu.memory_space<vmem_shared>>
        tpu.enqueue_indirect_dma source(%dma_start3A_301 : memref<128x64xf32, #tpu.memory_space<vmem>>) target(%dma_start3A_307 : memref<10240x64xf32, #tpu.memory_space<vmem_shared>>) offsets(%dma_start3A_304 : memref<128xi32, #tpu.memory_space<vmem>>) semaphore(%arg28 : memref<!tpu.dma_semaphore, #tpu.memory_space<semaphore_mem>>) {add = true}
        %dma_start3A_308 = arith.constant 0 : i32
        %dma_start3A_309 = tpu.memref_slice %arg18[%add3A_186, %dma_start3A_308] : memref<79x128xi32, #tpu.memory_space<vmem>> -> memref<1x128xi32, #tpu.memory_space<vmem>>
        %dma_start3A_310 = tpu.memref_squeeze %dma_start3A_309 : memref<1x128xi32, #tpu.memory_space<vmem>> -> memref<128xi32, #tpu.memory_space<vmem>>
        %dma_start3A_311 = arith.constant 0 : i32
        %dma_start3A_312 = arith.constant 0 : i32
        %dma_start3A_313 = tpu.memref_slice %arg22[%dma_start3A_311, %dma_start3A_312] : memref<10240x16xf32, #tpu.memory_space<vmem_shared>> -> memref<10240x16xf32, #tpu.memory_space<vmem_shared>>
        tpu.enqueue_indirect_dma source(%arg20 : memref<128x16xf32, #tpu.memory_space<vmem>>) target(%dma_start3A_313 : memref<10240x16xf32, #tpu.memory_space<vmem_shared>>) offsets(%dma_start3A_310 : memref<128xi32, #tpu.memory_space<vmem>>) semaphore(%arg28 : memref<!tpu.dma_semaphore, #tpu.memory_space<semaphore_mem>>) {add = true}
      } else {
      }
      %ge3A = arith.constant 2 : i32
      %ge3A_191 = arith.cmpi sge, %add3A_186, %ge3A : i32
      %sub3A = arith.constant 2 : i32
      %sub3A_192 = arith.subi %add3A_186, %sub3A : i32
      %lt3A_193 = arith.cmpi slt, %sub3A_192, %select_n3A : i32
      %and3A = arith.andi %ge3A_191, %lt3A_193 : i1
      %convert_element_type3A_194 = arith.extui %and3A : i1 to i32
      %cond3A_195 = arith.constant 0 : i32
      %cond3A_196 = arith.cmpi ne, %convert_element_type3A_194, %cond3A_195 : i32
      scf.if %cond3A_196 {
        %sub3A_287 = arith.constant 2 : i32
        %sub3A_288 = arith.subi %add3A_186, %sub3A_287 : i32
        %dma_wait3A = arith.constant 3 : i32
        %dma_wait3A_289 = arith.constant 0 : i32
        %dma_wait3A_290 = arith.constant 0 : i32
        %dma_wait3A_291 = tpu.memref_slice %arg19[%dma_wait3A, %dma_wait3A_289, %dma_wait3A_290] : memref<5x128x64xf32, #tpu.memory_space<vmem>> -> memref<1x128x64xf32, #tpu.memory_space<vmem>>
        %dma_wait3A_292 = tpu.memref_squeeze %dma_wait3A_291 : memref<1x128x64xf32, #tpu.memory_space<vmem>> -> memref<128x64xf32, #tpu.memory_space<vmem>>
        %dma_wait3A_293 = arith.constant 0 : i32
        %dma_wait3A_294 = tpu.memref_slice %arg18[%sub3A_288, %dma_wait3A_293] : memref<79x128xi32, #tpu.memory_space<vmem>> -> memref<1x128xi32, #tpu.memory_space<vmem>>
        %dma_wait3A_295 = tpu.memref_squeeze %dma_wait3A_294 : memref<1x128xi32, #tpu.memory_space<vmem>> -> memref<128xi32, #tpu.memory_space<vmem>>
        %dma_wait3A_296 = arith.constant 0 : i32
        %dma_wait3A_297 = arith.constant 0 : i32
        %dma_wait3A_298 = tpu.memref_slice %arg21[%dma_wait3A_296, %dma_wait3A_297] : memref<10240x64xf32, #tpu.memory_space<vmem_shared>> -> memref<10240x64xf32, #tpu.memory_space<vmem_shared>>
        tpu.wait_indirect_dma semaphore(%arg31 : memref<!tpu.dma_semaphore, #tpu.memory_space<semaphore_mem>>) src(%dma_wait3A_292 : memref<128x64xf32, #tpu.memory_space<vmem>>) dst(%dma_wait3A_298 : memref<10240x64xf32, #tpu.memory_space<vmem_shared>>)
        %dma_wait3A_299 = arith.constant 0 : i32
        %dma_wait3A_300 = tpu.memref_slice %arg18[%sub3A_288, %dma_wait3A_299] : memref<79x128xi32, #tpu.memory_space<vmem>> -> memref<1x128xi32, #tpu.memory_space<vmem>>
        %dma_wait3A_301 = tpu.memref_squeeze %dma_wait3A_300 : memref<1x128xi32, #tpu.memory_space<vmem>> -> memref<128xi32, #tpu.memory_space<vmem>>
        %dma_wait3A_302 = arith.constant 0 : i32
        %dma_wait3A_303 = arith.constant 0 : i32
        %dma_wait3A_304 = tpu.memref_slice %arg22[%dma_wait3A_302, %dma_wait3A_303] : memref<10240x16xf32, #tpu.memory_space<vmem_shared>> -> memref<10240x16xf32, #tpu.memory_space<vmem_shared>>
        tpu.wait_indirect_dma semaphore(%arg31 : memref<!tpu.dma_semaphore, #tpu.memory_space<semaphore_mem>>) src(%arg20 : memref<128x16xf32, #tpu.memory_space<vmem>>) dst(%dma_wait3A_304 : memref<10240x16xf32, #tpu.memory_space<vmem_shared>>)
      } else {
      }
      %add3A_197 = arith.constant 3 : i32
      %add3A_198 = arith.addi %add3A_186, %add3A_197 : i32
      %lt3A_199 = arith.cmpi slt, %add3A_198, %select_n3A : i32
      %convert_element_type3A_200 = arith.extui %lt3A_199 : i1 to i32
      %cond3A_201 = arith.constant 0 : i32
      %cond3A_202 = arith.cmpi ne, %convert_element_type3A_200, %cond3A_201 : i32
      scf.if %cond3A_202 {
        %add3A_287 = arith.constant 3 : i32
        %add3A_288 = arith.addi %add3A_186, %add3A_287 : i32
        %dma_start3A_289 = arith.constant 3 : i32
        %dma_start3A_290 = arith.constant 0 : i32
        %dma_start3A_291 = arith.constant 0 : i32
        %dma_start3A_292 = tpu.memref_slice %arg19[%dma_start3A_289, %dma_start3A_290, %dma_start3A_291] : memref<5x128x64xf32, #tpu.memory_space<vmem>> -> memref<1x128x64xf32, #tpu.memory_space<vmem>>
        %dma_start3A_293 = tpu.memref_squeeze %dma_start3A_292 : memref<1x128x64xf32, #tpu.memory_space<vmem>> -> memref<128x64xf32, #tpu.memory_space<vmem>>
        %dma_start3A_294 = arith.constant 0 : i32
        %dma_start3A_295 = tpu.memref_slice %arg17[%add3A_288, %dma_start3A_294] : memref<79x128xi32, #tpu.memory_space<vmem>> -> memref<1x128xi32, #tpu.memory_space<vmem>>
        %dma_start3A_296 = tpu.memref_squeeze %dma_start3A_295 : memref<1x128xi32, #tpu.memory_space<vmem>> -> memref<128xi32, #tpu.memory_space<vmem>>
        %dma_start3A_297 = arith.constant 0 : i32
        %dma_start3A_298 = arith.constant 0 : i32
        %dma_start3A_299 = tpu.memref_slice %arg3[%dma_start3A_297, %dma_start3A_298] : memref<10000x64xf32, #tpu.memory_space<hbm>> -> memref<10000x64xf32, #tpu.memory_space<hbm>>
        tpu.enqueue_indirect_dma source(%dma_start3A_299 : memref<10000x64xf32, #tpu.memory_space<hbm>>) target(%dma_start3A_293 : memref<128x64xf32, #tpu.memory_space<vmem>>) offsets(%dma_start3A_296 : memref<128xi32, #tpu.memory_space<vmem>>) semaphore(%arg26 : memref<!tpu.dma_semaphore, #tpu.memory_space<semaphore_mem>>)
      } else {
      }
      %add3A_203 = arith.constant 1 : i32
      %add3A_204 = arith.addi %mul3A_184, %add3A_203 : i32
      %lt3A_205 = arith.cmpi slt, %add3A_204, %select_n3A : i32
      %convert_element_type3A_206 = arith.extui %lt3A_205 : i1 to i32
      %cond3A_207 = arith.constant 0 : i32
      %cond3A_208 = arith.cmpi ne, %convert_element_type3A_206, %cond3A_207 : i32
      scf.if %cond3A_208 {
        %dma_wait3A = arith.constant 1 : i32
        %dma_wait3A_287 = arith.constant 0 : i32
        %dma_wait3A_288 = arith.constant 0 : i32
        %dma_wait3A_289 = tpu.memref_slice %arg19[%dma_wait3A, %dma_wait3A_287, %dma_wait3A_288] : memref<5x128x64xf32, #tpu.memory_space<vmem>> -> memref<1x128x64xf32, #tpu.memory_space<vmem>>
        %dma_wait3A_290 = tpu.memref_squeeze %dma_wait3A_289 : memref<1x128x64xf32, #tpu.memory_space<vmem>> -> memref<128x64xf32, #tpu.memory_space<vmem>>
        %dma_wait3A_291 = arith.constant 0 : i32
        %dma_wait3A_292 = tpu.memref_slice %arg17[%add3A_204, %dma_wait3A_291] : memref<79x128xi32, #tpu.memory_space<vmem>> -> memref<1x128xi32, #tpu.memory_space<vmem>>
        %dma_wait3A_293 = tpu.memref_squeeze %dma_wait3A_292 : memref<1x128xi32, #tpu.memory_space<vmem>> -> memref<128xi32, #tpu.memory_space<vmem>>
        %dma_wait3A_294 = arith.constant 0 : i32
        %dma_wait3A_295 = arith.constant 0 : i32
        %dma_wait3A_296 = tpu.memref_slice %arg3[%dma_wait3A_294, %dma_wait3A_295] : memref<10000x64xf32, #tpu.memory_space<hbm>> -> memref<10000x64xf32, #tpu.memory_space<hbm>>
        tpu.wait_indirect_dma semaphore(%arg24 : memref<!tpu.dma_semaphore, #tpu.memory_space<semaphore_mem>>) src(%dma_wait3A_296 : memref<10000x64xf32, #tpu.memory_space<hbm>>) dst(%dma_wait3A_290 : memref<128x64xf32, #tpu.memory_space<vmem>>)
        %dma_start3A_297 = arith.constant 1 : i32
        %dma_start3A_298 = arith.constant 0 : i32
        %dma_start3A_299 = arith.constant 0 : i32
        %dma_start3A_300 = tpu.memref_slice %arg19[%dma_start3A_297, %dma_start3A_298, %dma_start3A_299] : memref<5x128x64xf32, #tpu.memory_space<vmem>> -> memref<1x128x64xf32, #tpu.memory_space<vmem>>
        %dma_start3A_301 = tpu.memref_squeeze %dma_start3A_300 : memref<1x128x64xf32, #tpu.memory_space<vmem>> -> memref<128x64xf32, #tpu.memory_space<vmem>>
        %dma_start3A_302 = arith.constant 0 : i32
        %dma_start3A_303 = tpu.memref_slice %arg18[%add3A_204, %dma_start3A_302] : memref<79x128xi32, #tpu.memory_space<vmem>> -> memref<1x128xi32, #tpu.memory_space<vmem>>
        %dma_start3A_304 = tpu.memref_squeeze %dma_start3A_303 : memref<1x128xi32, #tpu.memory_space<vmem>> -> memref<128xi32, #tpu.memory_space<vmem>>
        %dma_start3A_305 = arith.constant 0 : i32
        %dma_start3A_306 = arith.constant 0 : i32
        %dma_start3A_307 = tpu.memref_slice %arg21[%dma_start3A_305, %dma_start3A_306] : memref<10240x64xf32, #tpu.memory_space<vmem_shared>> -> memref<10240x64xf32, #tpu.memory_space<vmem_shared>>
        tpu.enqueue_indirect_dma source(%dma_start3A_301 : memref<128x64xf32, #tpu.memory_space<vmem>>) target(%dma_start3A_307 : memref<10240x64xf32, #tpu.memory_space<vmem_shared>>) offsets(%dma_start3A_304 : memref<128xi32, #tpu.memory_space<vmem>>) semaphore(%arg29 : memref<!tpu.dma_semaphore, #tpu.memory_space<semaphore_mem>>) {add = true}
        %dma_start3A_308 = arith.constant 0 : i32
        %dma_start3A_309 = tpu.memref_slice %arg18[%add3A_204, %dma_start3A_308] : memref<79x128xi32, #tpu.memory_space<vmem>> -> memref<1x128xi32, #tpu.memory_space<vmem>>
        %dma_start3A_310 = tpu.memref_squeeze %dma_start3A_309 : memref<1x128xi32, #tpu.memory_space<vmem>> -> memref<128xi32, #tpu.memory_space<vmem>>
        %dma_start3A_311 = arith.constant 0 : i32
        %dma_start3A_312 = arith.constant 0 : i32
        %dma_start3A_313 = tpu.memref_slice %arg22[%dma_start3A_311, %dma_start3A_312] : memref<10240x16xf32, #tpu.memory_space<vmem_shared>> -> memref<10240x16xf32, #tpu.memory_space<vmem_shared>>
        tpu.enqueue_indirect_dma source(%arg20 : memref<128x16xf32, #tpu.memory_space<vmem>>) target(%dma_start3A_313 : memref<10240x16xf32, #tpu.memory_space<vmem_shared>>) offsets(%dma_start3A_310 : memref<128xi32, #tpu.memory_space<vmem>>) semaphore(%arg29 : memref<!tpu.dma_semaphore, #tpu.memory_space<semaphore_mem>>) {add = true}
      } else {
      }
      %ge3A_209 = arith.constant 2 : i32
      %ge3A_210 = arith.cmpi sge, %add3A_204, %ge3A_209 : i32
      %sub3A_211 = arith.constant 2 : i32
      %sub3A_212 = arith.subi %add3A_204, %sub3A_211 : i32
      %lt3A_213 = arith.cmpi slt, %sub3A_212, %select_n3A : i32
      %and3A_214 = arith.andi %ge3A_210, %lt3A_213 : i1
      %convert_element_type3A_215 = arith.extui %and3A_214 : i1 to i32
      %cond3A_216 = arith.constant 0 : i32
      %cond3A_217 = arith.cmpi ne, %convert_element_type3A_215, %cond3A_216 : i32
      scf.if %cond3A_217 {
        %sub3A_287 = arith.constant 2 : i32
        %sub3A_288 = arith.subi %add3A_204, %sub3A_287 : i32
        %dma_wait3A = arith.constant 4 : i32
        %dma_wait3A_289 = arith.constant 0 : i32
        %dma_wait3A_290 = arith.constant 0 : i32
        %dma_wait3A_291 = tpu.memref_slice %arg19[%dma_wait3A, %dma_wait3A_289, %dma_wait3A_290] : memref<5x128x64xf32, #tpu.memory_space<vmem>> -> memref<1x128x64xf32, #tpu.memory_space<vmem>>
        %dma_wait3A_292 = tpu.memref_squeeze %dma_wait3A_291 : memref<1x128x64xf32, #tpu.memory_space<vmem>> -> memref<128x64xf32, #tpu.memory_space<vmem>>
        %dma_wait3A_293 = arith.constant 0 : i32
        %dma_wait3A_294 = tpu.memref_slice %arg18[%sub3A_288, %dma_wait3A_293] : memref<79x128xi32, #tpu.memory_space<vmem>> -> memref<1x128xi32, #tpu.memory_space<vmem>>
        %dma_wait3A_295 = tpu.memref_squeeze %dma_wait3A_294 : memref<1x128xi32, #tpu.memory_space<vmem>> -> memref<128xi32, #tpu.memory_space<vmem>>
        %dma_wait3A_296 = arith.constant 0 : i32
        %dma_wait3A_297 = arith.constant 0 : i32
        %dma_wait3A_298 = tpu.memref_slice %arg21[%dma_wait3A_296, %dma_wait3A_297] : memref<10240x64xf32, #tpu.memory_space<vmem_shared>> -> memref<10240x64xf32, #tpu.memory_space<vmem_shared>>
        tpu.wait_indirect_dma semaphore(%arg32 : memref<!tpu.dma_semaphore, #tpu.memory_space<semaphore_mem>>) src(%dma_wait3A_292 : memref<128x64xf32, #tpu.memory_space<vmem>>) dst(%dma_wait3A_298 : memref<10240x64xf32, #tpu.memory_space<vmem_shared>>)
        %dma_wait3A_299 = arith.constant 0 : i32
        %dma_wait3A_300 = tpu.memref_slice %arg18[%sub3A_288, %dma_wait3A_299] : memref<79x128xi32, #tpu.memory_space<vmem>> -> memref<1x128xi32, #tpu.memory_space<vmem>>
        %dma_wait3A_301 = tpu.memref_squeeze %dma_wait3A_300 : memref<1x128xi32, #tpu.memory_space<vmem>> -> memref<128xi32, #tpu.memory_space<vmem>>
        %dma_wait3A_302 = arith.constant 0 : i32
        %dma_wait3A_303 = arith.constant 0 : i32
        %dma_wait3A_304 = tpu.memref_slice %arg22[%dma_wait3A_302, %dma_wait3A_303] : memref<10240x16xf32, #tpu.memory_space<vmem_shared>> -> memref<10240x16xf32, #tpu.memory_space<vmem_shared>>
        tpu.wait_indirect_dma semaphore(%arg32 : memref<!tpu.dma_semaphore, #tpu.memory_space<semaphore_mem>>) src(%arg20 : memref<128x16xf32, #tpu.memory_space<vmem>>) dst(%dma_wait3A_304 : memref<10240x16xf32, #tpu.memory_space<vmem_shared>>)
      } else {
      }
      %add3A_218 = arith.constant 3 : i32
      %add3A_219 = arith.addi %add3A_204, %add3A_218 : i32
      %lt3A_220 = arith.cmpi slt, %add3A_219, %select_n3A : i32
      %convert_element_type3A_221 = arith.extui %lt3A_220 : i1 to i32
      %cond3A_222 = arith.constant 0 : i32
      %cond3A_223 = arith.cmpi ne, %convert_element_type3A_221, %cond3A_222 : i32
      scf.if %cond3A_223 {
        %add3A_287 = arith.constant 3 : i32
        %add3A_288 = arith.addi %add3A_204, %add3A_287 : i32
        %dma_start3A_289 = arith.constant 4 : i32
        %dma_start3A_290 = arith.constant 0 : i32
        %dma_start3A_291 = arith.constant 0 : i32
        %dma_start3A_292 = tpu.memref_slice %arg19[%dma_start3A_289, %dma_start3A_290, %dma_start3A_291] : memref<5x128x64xf32, #tpu.memory_space<vmem>> -> memref<1x128x64xf32, #tpu.memory_space<vmem>>
        %dma_start3A_293 = tpu.memref_squeeze %dma_start3A_292 : memref<1x128x64xf32, #tpu.memory_space<vmem>> -> memref<128x64xf32, #tpu.memory_space<vmem>>
        %dma_start3A_294 = arith.constant 0 : i32
        %dma_start3A_295 = tpu.memref_slice %arg17[%add3A_288, %dma_start3A_294] : memref<79x128xi32, #tpu.memory_space<vmem>> -> memref<1x128xi32, #tpu.memory_space<vmem>>
        %dma_start3A_296 = tpu.memref_squeeze %dma_start3A_295 : memref<1x128xi32, #tpu.memory_space<vmem>> -> memref<128xi32, #tpu.memory_space<vmem>>
        %dma_start3A_297 = arith.constant 0 : i32
        %dma_start3A_298 = arith.constant 0 : i32
        %dma_start3A_299 = tpu.memref_slice %arg3[%dma_start3A_297, %dma_start3A_298] : memref<10000x64xf32, #tpu.memory_space<hbm>> -> memref<10000x64xf32, #tpu.memory_space<hbm>>
        tpu.enqueue_indirect_dma source(%dma_start3A_299 : memref<10000x64xf32, #tpu.memory_space<hbm>>) target(%dma_start3A_293 : memref<128x64xf32, #tpu.memory_space<vmem>>) offsets(%dma_start3A_296 : memref<128xi32, #tpu.memory_space<vmem>>) semaphore(%arg27 : memref<!tpu.dma_semaphore, #tpu.memory_space<semaphore_mem>>)
      } else {
      }
      %add3A_224 = arith.constant 2 : i32
      %add3A_225 = arith.addi %mul3A_184, %add3A_224 : i32
      %lt3A_226 = arith.cmpi slt, %add3A_225, %select_n3A : i32
      %convert_element_type3A_227 = arith.extui %lt3A_226 : i1 to i32
      %cond3A_228 = arith.constant 0 : i32
      %cond3A_229 = arith.cmpi ne, %convert_element_type3A_227, %cond3A_228 : i32
      scf.if %cond3A_229 {
        %dma_wait3A = arith.constant 2 : i32
        %dma_wait3A_287 = arith.constant 0 : i32
        %dma_wait3A_288 = arith.constant 0 : i32
        %dma_wait3A_289 = tpu.memref_slice %arg19[%dma_wait3A, %dma_wait3A_287, %dma_wait3A_288] : memref<5x128x64xf32, #tpu.memory_space<vmem>> -> memref<1x128x64xf32, #tpu.memory_space<vmem>>
        %dma_wait3A_290 = tpu.memref_squeeze %dma_wait3A_289 : memref<1x128x64xf32, #tpu.memory_space<vmem>> -> memref<128x64xf32, #tpu.memory_space<vmem>>
        %dma_wait3A_291 = arith.constant 0 : i32
        %dma_wait3A_292 = tpu.memref_slice %arg17[%add3A_225, %dma_wait3A_291] : memref<79x128xi32, #tpu.memory_space<vmem>> -> memref<1x128xi32, #tpu.memory_space<vmem>>
        %dma_wait3A_293 = tpu.memref_squeeze %dma_wait3A_292 : memref<1x128xi32, #tpu.memory_space<vmem>> -> memref<128xi32, #tpu.memory_space<vmem>>
        %dma_wait3A_294 = arith.constant 0 : i32
        %dma_wait3A_295 = arith.constant 0 : i32
        %dma_wait3A_296 = tpu.memref_slice %arg3[%dma_wait3A_294, %dma_wait3A_295] : memref<10000x64xf32, #tpu.memory_space<hbm>> -> memref<10000x64xf32, #tpu.memory_space<hbm>>
        tpu.wait_indirect_dma semaphore(%arg25 : memref<!tpu.dma_semaphore, #tpu.memory_space<semaphore_mem>>) src(%dma_wait3A_296 : memref<10000x64xf32, #tpu.memory_space<hbm>>) dst(%dma_wait3A_290 : memref<128x64xf32, #tpu.memory_space<vmem>>)
        %dma_start3A_297 = arith.constant 2 : i32
        %dma_start3A_298 = arith.constant 0 : i32
        %dma_start3A_299 = arith.constant 0 : i32
        %dma_start3A_300 = tpu.memref_slice %arg19[%dma_start3A_297, %dma_start3A_298, %dma_start3A_299] : memref<5x128x64xf32, #tpu.memory_space<vmem>> -> memref<1x128x64xf32, #tpu.memory_space<vmem>>
        %dma_start3A_301 = tpu.memref_squeeze %dma_start3A_300 : memref<1x128x64xf32, #tpu.memory_space<vmem>> -> memref<128x64xf32, #tpu.memory_space<vmem>>
        %dma_start3A_302 = arith.constant 0 : i32
        %dma_start3A_303 = tpu.memref_slice %arg18[%add3A_225, %dma_start3A_302] : memref<79x128xi32, #tpu.memory_space<vmem>> -> memref<1x128xi32, #tpu.memory_space<vmem>>
        %dma_start3A_304 = tpu.memref_squeeze %dma_start3A_303 : memref<1x128xi32, #tpu.memory_space<vmem>> -> memref<128xi32, #tpu.memory_space<vmem>>
        %dma_start3A_305 = arith.constant 0 : i32
        %dma_start3A_306 = arith.constant 0 : i32
        %dma_start3A_307 = tpu.memref_slice %arg21[%dma_start3A_305, %dma_start3A_306] : memref<10240x64xf32, #tpu.memory_space<vmem_shared>> -> memref<10240x64xf32, #tpu.memory_space<vmem_shared>>
        tpu.enqueue_indirect_dma source(%dma_start3A_301 : memref<128x64xf32, #tpu.memory_space<vmem>>) target(%dma_start3A_307 : memref<10240x64xf32, #tpu.memory_space<vmem_shared>>) offsets(%dma_start3A_304 : memref<128xi32, #tpu.memory_space<vmem>>) semaphore(%arg30 : memref<!tpu.dma_semaphore, #tpu.memory_space<semaphore_mem>>) {add = true}
        %dma_start3A_308 = arith.constant 0 : i32
        %dma_start3A_309 = tpu.memref_slice %arg18[%add3A_225, %dma_start3A_308] : memref<79x128xi32, #tpu.memory_space<vmem>> -> memref<1x128xi32, #tpu.memory_space<vmem>>
        %dma_start3A_310 = tpu.memref_squeeze %dma_start3A_309 : memref<1x128xi32, #tpu.memory_space<vmem>> -> memref<128xi32, #tpu.memory_space<vmem>>
        %dma_start3A_311 = arith.constant 0 : i32
        %dma_start3A_312 = arith.constant 0 : i32
        %dma_start3A_313 = tpu.memref_slice %arg22[%dma_start3A_311, %dma_start3A_312] : memref<10240x16xf32, #tpu.memory_space<vmem_shared>> -> memref<10240x16xf32, #tpu.memory_space<vmem_shared>>
        tpu.enqueue_indirect_dma source(%arg20 : memref<128x16xf32, #tpu.memory_space<vmem>>) target(%dma_start3A_313 : memref<10240x16xf32, #tpu.memory_space<vmem_shared>>) offsets(%dma_start3A_310 : memref<128xi32, #tpu.memory_space<vmem>>) semaphore(%arg30 : memref<!tpu.dma_semaphore, #tpu.memory_space<semaphore_mem>>) {add = true}
      } else {
      }
      %ge3A_230 = arith.constant 2 : i32
      %ge3A_231 = arith.cmpi sge, %add3A_225, %ge3A_230 : i32
      %sub3A_232 = arith.constant 2 : i32
      %sub3A_233 = arith.subi %add3A_225, %sub3A_232 : i32
      %lt3A_234 = arith.cmpi slt, %sub3A_233, %select_n3A : i32
      %and3A_235 = arith.andi %ge3A_231, %lt3A_234 : i1
      %convert_element_type3A_236 = arith.extui %and3A_235 : i1 to i32
      %cond3A_237 = arith.constant 0 : i32
      %cond3A_238 = arith.cmpi ne, %convert_element_type3A_236, %cond3A_237 : i32
      scf.if %cond3A_238 {
        %sub3A_287 = arith.constant 2 : i32
        %sub3A_288 = arith.subi %add3A_225, %sub3A_287 : i32
        %dma_wait3A = arith.constant 0 : i32
        %dma_wait3A_289 = arith.constant 0 : i32
        %dma_wait3A_290 = arith.constant 0 : i32
        %dma_wait3A_291 = tpu.memref_slice %arg19[%dma_wait3A, %dma_wait3A_289, %dma_wait3A_290] : memref<5x128x64xf32, #tpu.memory_space<vmem>> -> memref<1x128x64xf32, #tpu.memory_space<vmem>>
        %dma_wait3A_292 = tpu.memref_squeeze %dma_wait3A_291 : memref<1x128x64xf32, #tpu.memory_space<vmem>> -> memref<128x64xf32, #tpu.memory_space<vmem>>
        %dma_wait3A_293 = arith.constant 0 : i32
        %dma_wait3A_294 = tpu.memref_slice %arg18[%sub3A_288, %dma_wait3A_293] : memref<79x128xi32, #tpu.memory_space<vmem>> -> memref<1x128xi32, #tpu.memory_space<vmem>>
        %dma_wait3A_295 = tpu.memref_squeeze %dma_wait3A_294 : memref<1x128xi32, #tpu.memory_space<vmem>> -> memref<128xi32, #tpu.memory_space<vmem>>
        %dma_wait3A_296 = arith.constant 0 : i32
        %dma_wait3A_297 = arith.constant 0 : i32
        %dma_wait3A_298 = tpu.memref_slice %arg21[%dma_wait3A_296, %dma_wait3A_297] : memref<10240x64xf32, #tpu.memory_space<vmem_shared>> -> memref<10240x64xf32, #tpu.memory_space<vmem_shared>>
        tpu.wait_indirect_dma semaphore(%arg28 : memref<!tpu.dma_semaphore, #tpu.memory_space<semaphore_mem>>) src(%dma_wait3A_292 : memref<128x64xf32, #tpu.memory_space<vmem>>) dst(%dma_wait3A_298 : memref<10240x64xf32, #tpu.memory_space<vmem_shared>>)
        %dma_wait3A_299 = arith.constant 0 : i32
        %dma_wait3A_300 = tpu.memref_slice %arg18[%sub3A_288, %dma_wait3A_299] : memref<79x128xi32, #tpu.memory_space<vmem>> -> memref<1x128xi32, #tpu.memory_space<vmem>>
        %dma_wait3A_301 = tpu.memref_squeeze %dma_wait3A_300 : memref<1x128xi32, #tpu.memory_space<vmem>> -> memref<128xi32, #tpu.memory_space<vmem>>
        %dma_wait3A_302 = arith.constant 0 : i32
        %dma_wait3A_303 = arith.constant 0 : i32
        %dma_wait3A_304 = tpu.memref_slice %arg22[%dma_wait3A_302, %dma_wait3A_303] : memref<10240x16xf32, #tpu.memory_space<vmem_shared>> -> memref<10240x16xf32, #tpu.memory_space<vmem_shared>>
        tpu.wait_indirect_dma semaphore(%arg28 : memref<!tpu.dma_semaphore, #tpu.memory_space<semaphore_mem>>) src(%arg20 : memref<128x16xf32, #tpu.memory_space<vmem>>) dst(%dma_wait3A_304 : memref<10240x16xf32, #tpu.memory_space<vmem_shared>>)
      } else {
      }
      %add3A_239 = arith.constant 3 : i32
      %add3A_240 = arith.addi %add3A_225, %add3A_239 : i32
      %lt3A_241 = arith.cmpi slt, %add3A_240, %select_n3A : i32
      %convert_element_type3A_242 = arith.extui %lt3A_241 : i1 to i32
      %cond3A_243 = arith.constant 0 : i32
      %cond3A_244 = arith.cmpi ne, %convert_element_type3A_242, %cond3A_243 : i32
      scf.if %cond3A_244 {
        %add3A_287 = arith.constant 3 : i32
        %add3A_288 = arith.addi %add3A_225, %add3A_287 : i32
        %dma_start3A_289 = arith.constant 0 : i32
        %dma_start3A_290 = arith.constant 0 : i32
        %dma_start3A_291 = arith.constant 0 : i32
        %dma_start3A_292 = tpu.memref_slice %arg19[%dma_start3A_289, %dma_start3A_290, %dma_start3A_291] : memref<5x128x64xf32, #tpu.memory_space<vmem>> -> memref<1x128x64xf32, #tpu.memory_space<vmem>>
        %dma_start3A_293 = tpu.memref_squeeze %dma_start3A_292 : memref<1x128x64xf32, #tpu.memory_space<vmem>> -> memref<128x64xf32, #tpu.memory_space<vmem>>
        %dma_start3A_294 = arith.constant 0 : i32
        %dma_start3A_295 = tpu.memref_slice %arg17[%add3A_288, %dma_start3A_294] : memref<79x128xi32, #tpu.memory_space<vmem>> -> memref<1x128xi32, #tpu.memory_space<vmem>>
        %dma_start3A_296 = tpu.memref_squeeze %dma_start3A_295 : memref<1x128xi32, #tpu.memory_space<vmem>> -> memref<128xi32, #tpu.memory_space<vmem>>
        %dma_start3A_297 = arith.constant 0 : i32
        %dma_start3A_298 = arith.constant 0 : i32
        %dma_start3A_299 = tpu.memref_slice %arg3[%dma_start3A_297, %dma_start3A_298] : memref<10000x64xf32, #tpu.memory_space<hbm>> -> memref<10000x64xf32, #tpu.memory_space<hbm>>
        tpu.enqueue_indirect_dma source(%dma_start3A_299 : memref<10000x64xf32, #tpu.memory_space<hbm>>) target(%dma_start3A_293 : memref<128x64xf32, #tpu.memory_space<vmem>>) offsets(%dma_start3A_296 : memref<128xi32, #tpu.memory_space<vmem>>) semaphore(%arg23 : memref<!tpu.dma_semaphore, #tpu.memory_space<semaphore_mem>>)
      } else {
      }
      %add3A_245 = arith.constant 3 : i32
      %add3A_246 = arith.addi %mul3A_184, %add3A_245 : i32
      %lt3A_247 = arith.cmpi slt, %add3A_246, %select_n3A : i32
      %convert_element_type3A_248 = arith.extui %lt3A_247 : i1 to i32
      %cond3A_249 = arith.constant 0 : i32
      %cond3A_250 = arith.cmpi ne, %convert_element_type3A_248, %cond3A_249 : i32
      scf.if %cond3A_250 {
        %dma_wait3A = arith.constant 3 : i32
        %dma_wait3A_287 = arith.constant 0 : i32
        %dma_wait3A_288 = arith.constant 0 : i32
        %dma_wait3A_289 = tpu.memref_slice %arg19[%dma_wait3A, %dma_wait3A_287, %dma_wait3A_288] : memref<5x128x64xf32, #tpu.memory_space<vmem>> -> memref<1x128x64xf32, #tpu.memory_space<vmem>>
        %dma_wait3A_290 = tpu.memref_squeeze %dma_wait3A_289 : memref<1x128x64xf32, #tpu.memory_space<vmem>> -> memref<128x64xf32, #tpu.memory_space<vmem>>
        %dma_wait3A_291 = arith.constant 0 : i32
        %dma_wait3A_292 = tpu.memref_slice %arg17[%add3A_246, %dma_wait3A_291] : memref<79x128xi32, #tpu.memory_space<vmem>> -> memref<1x128xi32, #tpu.memory_space<vmem>>
        %dma_wait3A_293 = tpu.memref_squeeze %dma_wait3A_292 : memref<1x128xi32, #tpu.memory_space<vmem>> -> memref<128xi32, #tpu.memory_space<vmem>>
        %dma_wait3A_294 = arith.constant 0 : i32
        %dma_wait3A_295 = arith.constant 0 : i32
        %dma_wait3A_296 = tpu.memref_slice %arg3[%dma_wait3A_294, %dma_wait3A_295] : memref<10000x64xf32, #tpu.memory_space<hbm>> -> memref<10000x64xf32, #tpu.memory_space<hbm>>
        tpu.wait_indirect_dma semaphore(%arg26 : memref<!tpu.dma_semaphore, #tpu.memory_space<semaphore_mem>>) src(%dma_wait3A_296 : memref<10000x64xf32, #tpu.memory_space<hbm>>) dst(%dma_wait3A_290 : memref<128x64xf32, #tpu.memory_space<vmem>>)
        %dma_start3A_297 = arith.constant 3 : i32
        %dma_start3A_298 = arith.constant 0 : i32
        %dma_start3A_299 = arith.constant 0 : i32
        %dma_start3A_300 = tpu.memref_slice %arg19[%dma_start3A_297, %dma_start3A_298, %dma_start3A_299] : memref<5x128x64xf32, #tpu.memory_space<vmem>> -> memref<1x128x64xf32, #tpu.memory_space<vmem>>
        %dma_start3A_301 = tpu.memref_squeeze %dma_start3A_300 : memref<1x128x64xf32, #tpu.memory_space<vmem>> -> memref<128x64xf32, #tpu.memory_space<vmem>>
        %dma_start3A_302 = arith.constant 0 : i32
        %dma_start3A_303 = tpu.memref_slice %arg18[%add3A_246, %dma_start3A_302] : memref<79x128xi32, #tpu.memory_space<vmem>> -> memref<1x128xi32, #tpu.memory_space<vmem>>
        %dma_start3A_304 = tpu.memref_squeeze %dma_start3A_303 : memref<1x128xi32, #tpu.memory_space<vmem>> -> memref<128xi32, #tpu.memory_space<vmem>>
        %dma_start3A_305 = arith.constant 0 : i32
        %dma_start3A_306 = arith.constant 0 : i32
        %dma_start3A_307 = tpu.memref_slice %arg21[%dma_start3A_305, %dma_start3A_306] : memref<10240x64xf32, #tpu.memory_space<vmem_shared>> -> memref<10240x64xf32, #tpu.memory_space<vmem_shared>>
        tpu.enqueue_indirect_dma source(%dma_start3A_301 : memref<128x64xf32, #tpu.memory_space<vmem>>) target(%dma_start3A_307 : memref<10240x64xf32, #tpu.memory_space<vmem_shared>>) offsets(%dma_start3A_304 : memref<128xi32, #tpu.memory_space<vmem>>) semaphore(%arg31 : memref<!tpu.dma_semaphore, #tpu.memory_space<semaphore_mem>>) {add = true}
        %dma_start3A_308 = arith.constant 0 : i32
        %dma_start3A_309 = tpu.memref_slice %arg18[%add3A_246, %dma_start3A_308] : memref<79x128xi32, #tpu.memory_space<vmem>> -> memref<1x128xi32, #tpu.memory_space<vmem>>
        %dma_start3A_310 = tpu.memref_squeeze %dma_start3A_309 : memref<1x128xi32, #tpu.memory_space<vmem>> -> memref<128xi32, #tpu.memory_space<vmem>>
        %dma_start3A_311 = arith.constant 0 : i32
        %dma_start3A_312 = arith.constant 0 : i32
        %dma_start3A_313 = tpu.memref_slice %arg22[%dma_start3A_311, %dma_start3A_312] : memref<10240x16xf32, #tpu.memory_space<vmem_shared>> -> memref<10240x16xf32, #tpu.memory_space<vmem_shared>>
        tpu.enqueue_indirect_dma source(%arg20 : memref<128x16xf32, #tpu.memory_space<vmem>>) target(%dma_start3A_313 : memref<10240x16xf32, #tpu.memory_space<vmem_shared>>) offsets(%dma_start3A_310 : memref<128xi32, #tpu.memory_space<vmem>>) semaphore(%arg31 : memref<!tpu.dma_semaphore, #tpu.memory_space<semaphore_mem>>) {add = true}
      } else {
      }
      %ge3A_251 = arith.constant 2 : i32
      %ge3A_252 = arith.cmpi sge, %add3A_246, %ge3A_251 : i32
      %sub3A_253 = arith.constant 2 : i32
      %sub3A_254 = arith.subi %add3A_246, %sub3A_253 : i32
      %lt3A_255 = arith.cmpi slt, %sub3A_254, %select_n3A : i32
      %and3A_256 = arith.andi %ge3A_252, %lt3A_255 : i1
      %convert_element_type3A_257 = arith.extui %and3A_256 : i1 to i32
      %cond3A_258 = arith.constant 0 : i32
      %cond3A_259 = arith.cmpi ne, %convert_element_type3A_257, %cond3A_258 : i32
      scf.if %cond3A_259 {
        %sub3A_287 = arith.constant 2 : i32
        %sub3A_288 = arith.subi %add3A_246, %sub3A_287 : i32
        %dma_wait3A = arith.constant 1 : i32
        %dma_wait3A_289 = arith.constant 0 : i32
        %dma_wait3A_290 = arith.constant 0 : i32
        %dma_wait3A_291 = tpu.memref_slice %arg19[%dma_wait3A, %dma_wait3A_289, %dma_wait3A_290] : memref<5x128x64xf32, #tpu.memory_space<vmem>> -> memref<1x128x64xf32, #tpu.memory_space<vmem>>
        %dma_wait3A_292 = tpu.memref_squeeze %dma_wait3A_291 : memref<1x128x64xf32, #tpu.memory_space<vmem>> -> memref<128x64xf32, #tpu.memory_space<vmem>>
        %dma_wait3A_293 = arith.constant 0 : i32
        %dma_wait3A_294 = tpu.memref_slice %arg18[%sub3A_288, %dma_wait3A_293] : memref<79x128xi32, #tpu.memory_space<vmem>> -> memref<1x128xi32, #tpu.memory_space<vmem>>
        %dma_wait3A_295 = tpu.memref_squeeze %dma_wait3A_294 : memref<1x128xi32, #tpu.memory_space<vmem>> -> memref<128xi32, #tpu.memory_space<vmem>>
        %dma_wait3A_296 = arith.constant 0 : i32
        %dma_wait3A_297 = arith.constant 0 : i32
        %dma_wait3A_298 = tpu.memref_slice %arg21[%dma_wait3A_296, %dma_wait3A_297] : memref<10240x64xf32, #tpu.memory_space<vmem_shared>> -> memref<10240x64xf32, #tpu.memory_space<vmem_shared>>
        tpu.wait_indirect_dma semaphore(%arg29 : memref<!tpu.dma_semaphore, #tpu.memory_space<semaphore_mem>>) src(%dma_wait3A_292 : memref<128x64xf32, #tpu.memory_space<vmem>>) dst(%dma_wait3A_298 : memref<10240x64xf32, #tpu.memory_space<vmem_shared>>)
        %dma_wait3A_299 = arith.constant 0 : i32
        %dma_wait3A_300 = tpu.memref_slice %arg18[%sub3A_288, %dma_wait3A_299] : memref<79x128xi32, #tpu.memory_space<vmem>> -> memref<1x128xi32, #tpu.memory_space<vmem>>
        %dma_wait3A_301 = tpu.memref_squeeze %dma_wait3A_300 : memref<1x128xi32, #tpu.memory_space<vmem>> -> memref<128xi32, #tpu.memory_space<vmem>>
        %dma_wait3A_302 = arith.constant 0 : i32
        %dma_wait3A_303 = arith.constant 0 : i32
        %dma_wait3A_304 = tpu.memref_slice %arg22[%dma_wait3A_302, %dma_wait3A_303] : memref<10240x16xf32, #tpu.memory_space<vmem_shared>> -> memref<10240x16xf32, #tpu.memory_space<vmem_shared>>
        tpu.wait_indirect_dma semaphore(%arg29 : memref<!tpu.dma_semaphore, #tpu.memory_space<semaphore_mem>>) src(%arg20 : memref<128x16xf32, #tpu.memory_space<vmem>>) dst(%dma_wait3A_304 : memref<10240x16xf32, #tpu.memory_space<vmem_shared>>)
      } else {
      }
      %add3A_260 = arith.constant 3 : i32
      %add3A_261 = arith.addi %add3A_246, %add3A_260 : i32
      %lt3A_262 = arith.cmpi slt, %add3A_261, %select_n3A : i32
      %convert_element_type3A_263 = arith.extui %lt3A_262 : i1 to i32
      %cond3A_264 = arith.constant 0 : i32
      %cond3A_265 = arith.cmpi ne, %convert_element_type3A_263, %cond3A_264 : i32
      scf.if %cond3A_265 {
        %add3A_287 = arith.constant 3 : i32
        %add3A_288 = arith.addi %add3A_246, %add3A_287 : i32
        %dma_start3A_289 = arith.constant 1 : i32
        %dma_start3A_290 = arith.constant 0 : i32
        %dma_start3A_291 = arith.constant 0 : i32
        %dma_start3A_292 = tpu.memref_slice %arg19[%dma_start3A_289, %dma_start3A_290, %dma_start3A_291] : memref<5x128x64xf32, #tpu.memory_space<vmem>> -> memref<1x128x64xf32, #tpu.memory_space<vmem>>
        %dma_start3A_293 = tpu.memref_squeeze %dma_start3A_292 : memref<1x128x64xf32, #tpu.memory_space<vmem>> -> memref<128x64xf32, #tpu.memory_space<vmem>>
        %dma_start3A_294 = arith.constant 0 : i32
        %dma_start3A_295 = tpu.memref_slice %arg17[%add3A_288, %dma_start3A_294] : memref<79x128xi32, #tpu.memory_space<vmem>> -> memref<1x128xi32, #tpu.memory_space<vmem>>
        %dma_start3A_296 = tpu.memref_squeeze %dma_start3A_295 : memref<1x128xi32, #tpu.memory_space<vmem>> -> memref<128xi32, #tpu.memory_space<vmem>>
        %dma_start3A_297 = arith.constant 0 : i32
        %dma_start3A_298 = arith.constant 0 : i32
        %dma_start3A_299 = tpu.memref_slice %arg3[%dma_start3A_297, %dma_start3A_298] : memref<10000x64xf32, #tpu.memory_space<hbm>> -> memref<10000x64xf32, #tpu.memory_space<hbm>>
        tpu.enqueue_indirect_dma source(%dma_start3A_299 : memref<10000x64xf32, #tpu.memory_space<hbm>>) target(%dma_start3A_293 : memref<128x64xf32, #tpu.memory_space<vmem>>) offsets(%dma_start3A_296 : memref<128xi32, #tpu.memory_space<vmem>>) semaphore(%arg24 : memref<!tpu.dma_semaphore, #tpu.memory_space<semaphore_mem>>)
      } else {
      }
      %add3A_266 = arith.constant 4 : i32
      %add3A_267 = arith.addi %mul3A_184, %add3A_266 : i32
      %lt3A_268 = arith.cmpi slt, %add3A_267, %select_n3A : i32
      %convert_element_type3A_269 = arith.extui %lt3A_268 : i1 to i32
      %cond3A_270 = arith.constant 0 : i32
      %cond3A_271 = arith.cmpi ne, %convert_element_type3A_269, %cond3A_270 : i32
      scf.if %cond3A_271 {
        %dma_wait3A = arith.constant 4 : i32
        %dma_wait3A_287 = arith.constant 0 : i32
        %dma_wait3A_288 = arith.constant 0 : i32
        %dma_wait3A_289 = tpu.memref_slice %arg19[%dma_wait3A, %dma_wait3A_287, %dma_wait3A_288] : memref<5x128x64xf32, #tpu.memory_space<vmem>> -> memref<1x128x64xf32, #tpu.memory_space<vmem>>
        %dma_wait3A_290 = tpu.memref_squeeze %dma_wait3A_289 : memref<1x128x64xf32, #tpu.memory_space<vmem>> -> memref<128x64xf32, #tpu.memory_space<vmem>>
        %dma_wait3A_291 = arith.constant 0 : i32
        %dma_wait3A_292 = tpu.memref_slice %arg17[%add3A_267, %dma_wait3A_291] : memref<79x128xi32, #tpu.memory_space<vmem>> -> memref<1x128xi32, #tpu.memory_space<vmem>>
        %dma_wait3A_293 = tpu.memref_squeeze %dma_wait3A_292 : memref<1x128xi32, #tpu.memory_space<vmem>> -> memref<128xi32, #tpu.memory_space<vmem>>
        %dma_wait3A_294 = arith.constant 0 : i32
        %dma_wait3A_295 = arith.constant 0 : i32
        %dma_wait3A_296 = tpu.memref_slice %arg3[%dma_wait3A_294, %dma_wait3A_295] : memref<10000x64xf32, #tpu.memory_space<hbm>> -> memref<10000x64xf32, #tpu.memory_space<hbm>>
        tpu.wait_indirect_dma semaphore(%arg27 : memref<!tpu.dma_semaphore, #tpu.memory_space<semaphore_mem>>) src(%dma_wait3A_296 : memref<10000x64xf32, #tpu.memory_space<hbm>>) dst(%dma_wait3A_290 : memref<128x64xf32, #tpu.memory_space<vmem>>)
        %dma_start3A_297 = arith.constant 4 : i32
        %dma_start3A_298 = arith.constant 0 : i32
        %dma_start3A_299 = arith.constant 0 : i32
        %dma_start3A_300 = tpu.memref_slice %arg19[%dma_start3A_297, %dma_start3A_298, %dma_start3A_299] : memref<5x128x64xf32, #tpu.memory_space<vmem>> -> memref<1x128x64xf32, #tpu.memory_space<vmem>>
        %dma_start3A_301 = tpu.memref_squeeze %dma_start3A_300 : memref<1x128x64xf32, #tpu.memory_space<vmem>> -> memref<128x64xf32, #tpu.memory_space<vmem>>
        %dma_start3A_302 = arith.constant 0 : i32
        %dma_start3A_303 = tpu.memref_slice %arg18[%add3A_267, %dma_start3A_302] : memref<79x128xi32, #tpu.memory_space<vmem>> -> memref<1x128xi32, #tpu.memory_space<vmem>>
        %dma_start3A_304 = tpu.memref_squeeze %dma_start3A_303 : memref<1x128xi32, #tpu.memory_space<vmem>> -> memref<128xi32, #tpu.memory_space<vmem>>
        %dma_start3A_305 = arith.constant 0 : i32
        %dma_start3A_306 = arith.constant 0 : i32
        %dma_start3A_307 = tpu.memref_slice %arg21[%dma_start3A_305, %dma_start3A_306] : memref<10240x64xf32, #tpu.memory_space<vmem_shared>> -> memref<10240x64xf32, #tpu.memory_space<vmem_shared>>
        tpu.enqueue_indirect_dma source(%dma_start3A_301 : memref<128x64xf32, #tpu.memory_space<vmem>>) target(%dma_start3A_307 : memref<10240x64xf32, #tpu.memory_space<vmem_shared>>) offsets(%dma_start3A_304 : memref<128xi32, #tpu.memory_space<vmem>>) semaphore(%arg32 : memref<!tpu.dma_semaphore, #tpu.memory_space<semaphore_mem>>) {add = true}
        %dma_start3A_308 = arith.constant 0 : i32
        %dma_start3A_309 = tpu.memref_slice %arg18[%add3A_267, %dma_start3A_308] : memref<79x128xi32, #tpu.memory_space<vmem>> -> memref<1x128xi32, #tpu.memory_space<vmem>>
        %dma_start3A_310 = tpu.memref_squeeze %dma_start3A_309 : memref<1x128xi32, #tpu.memory_space<vmem>> -> memref<128xi32, #tpu.memory_space<vmem>>
        %dma_start3A_311 = arith.constant 0 : i32
        %dma_start3A_312 = arith.constant 0 : i32
        %dma_start3A_313 = tpu.memref_slice %arg22[%dma_start3A_311, %dma_start3A_312] : memref<10240x16xf32, #tpu.memory_space<vmem_shared>> -> memref<10240x16xf32, #tpu.memory_space<vmem_shared>>
        tpu.enqueue_indirect_dma source(%arg20 : memref<128x16xf32, #tpu.memory_space<vmem>>) target(%dma_start3A_313 : memref<10240x16xf32, #tpu.memory_space<vmem_shared>>) offsets(%dma_start3A_310 : memref<128xi32, #tpu.memory_space<vmem>>) semaphore(%arg32 : memref<!tpu.dma_semaphore, #tpu.memory_space<semaphore_mem>>) {add = true}
      } else {
      }
      %ge3A_272 = arith.constant 2 : i32
      %ge3A_273 = arith.cmpi sge, %add3A_267, %ge3A_272 : i32
      %sub3A_274 = arith.constant 2 : i32
      %sub3A_275 = arith.subi %add3A_267, %sub3A_274 : i32
      %lt3A_276 = arith.cmpi slt, %sub3A_275, %select_n3A : i32
      %and3A_277 = arith.andi %ge3A_273, %lt3A_276 : i1
      %convert_element_type3A_278 = arith.extui %and3A_277 : i1 to i32
      %cond3A_279 = arith.constant 0 : i32
      %cond3A_280 = arith.cmpi ne, %convert_element_type3A_278, %cond3A_279 : i32
      scf.if %cond3A_280 {
        %sub3A_287 = arith.constant 2 : i32
        %sub3A_288 = arith.subi %add3A_267, %sub3A_287 : i32
        %dma_wait3A = arith.constant 2 : i32
        %dma_wait3A_289 = arith.constant 0 : i32
        %dma_wait3A_290 = arith.constant 0 : i32
        %dma_wait3A_291 = tpu.memref_slice %arg19[%dma_wait3A, %dma_wait3A_289, %dma_wait3A_290] : memref<5x128x64xf32, #tpu.memory_space<vmem>> -> memref<1x128x64xf32, #tpu.memory_space<vmem>>
        %dma_wait3A_292 = tpu.memref_squeeze %dma_wait3A_291 : memref<1x128x64xf32, #tpu.memory_space<vmem>> -> memref<128x64xf32, #tpu.memory_space<vmem>>
        %dma_wait3A_293 = arith.constant 0 : i32
        %dma_wait3A_294 = tpu.memref_slice %arg18[%sub3A_288, %dma_wait3A_293] : memref<79x128xi32, #tpu.memory_space<vmem>> -> memref<1x128xi32, #tpu.memory_space<vmem>>
        %dma_wait3A_295 = tpu.memref_squeeze %dma_wait3A_294 : memref<1x128xi32, #tpu.memory_space<vmem>> -> memref<128xi32, #tpu.memory_space<vmem>>
        %dma_wait3A_296 = arith.constant 0 : i32
        %dma_wait3A_297 = arith.constant 0 : i32
        %dma_wait3A_298 = tpu.memref_slice %arg21[%dma_wait3A_296, %dma_wait3A_297] : memref<10240x64xf32, #tpu.memory_space<vmem_shared>> -> memref<10240x64xf32, #tpu.memory_space<vmem_shared>>
        tpu.wait_indirect_dma semaphore(%arg30 : memref<!tpu.dma_semaphore, #tpu.memory_space<semaphore_mem>>) src(%dma_wait3A_292 : memref<128x64xf32, #tpu.memory_space<vmem>>) dst(%dma_wait3A_298 : memref<10240x64xf32, #tpu.memory_space<vmem_shared>>)
        %dma_wait3A_299 = arith.constant 0 : i32
        %dma_wait3A_300 = tpu.memref_slice %arg18[%sub3A_288, %dma_wait3A_299] : memref<79x128xi32, #tpu.memory_space<vmem>> -> memref<1x128xi32, #tpu.memory_space<vmem>>
        %dma_wait3A_301 = tpu.memref_squeeze %dma_wait3A_300 : memref<1x128xi32, #tpu.memory_space<vmem>> -> memref<128xi32, #tpu.memory_space<vmem>>
        %dma_wait3A_302 = arith.constant 0 : i32
        %dma_wait3A_303 = arith.constant 0 : i32
        %dma_wait3A_304 = tpu.memref_slice %arg22[%dma_wait3A_302, %dma_wait3A_303] : memref<10240x16xf32, #tpu.memory_space<vmem_shared>> -> memref<10240x16xf32, #tpu.memory_space<vmem_shared>>
        tpu.wait_indirect_dma semaphore(%arg30 : memref<!tpu.dma_semaphore, #tpu.memory_space<semaphore_mem>>) src(%arg20 : memref<128x16xf32, #tpu.memory_space<vmem>>) dst(%dma_wait3A_304 : memref<10240x16xf32, #tpu.memory_space<vmem_shared>>)
      } else {
      }
      %add3A_281 = arith.constant 3 : i32
      %add3A_282 = arith.addi %add3A_267, %add3A_281 : i32
      %lt3A_283 = arith.cmpi slt, %add3A_282, %select_n3A : i32
      %convert_element_type3A_284 = arith.extui %lt3A_283 : i1 to i32
      %cond3A_285 = arith.constant 0 : i32
      %cond3A_286 = arith.cmpi ne, %convert_element_type3A_284, %cond3A_285 : i32
      scf.if %cond3A_286 {
        %add3A_287 = arith.constant 3 : i32
        %add3A_288 = arith.addi %add3A_267, %add3A_287 : i32
        %dma_start3A_289 = arith.constant 2 : i32
        %dma_start3A_290 = arith.constant 0 : i32
        %dma_start3A_291 = arith.constant 0 : i32
        %dma_start3A_292 = tpu.memref_slice %arg19[%dma_start3A_289, %dma_start3A_290, %dma_start3A_291] : memref<5x128x64xf32, #tpu.memory_space<vmem>> -> memref<1x128x64xf32, #tpu.memory_space<vmem>>
        %dma_start3A_293 = tpu.memref_squeeze %dma_start3A_292 : memref<1x128x64xf32, #tpu.memory_space<vmem>> -> memref<128x64xf32, #tpu.memory_space<vmem>>
        %dma_start3A_294 = arith.constant 0 : i32
        %dma_start3A_295 = tpu.memref_slice %arg17[%add3A_288, %dma_start3A_294] : memref<79x128xi32, #tpu.memory_space<vmem>> -> memref<1x128xi32, #tpu.memory_space<vmem>>
        %dma_start3A_296 = tpu.memref_squeeze %dma_start3A_295 : memref<1x128xi32, #tpu.memory_space<vmem>> -> memref<128xi32, #tpu.memory_space<vmem>>
        %dma_start3A_297 = arith.constant 0 : i32
        %dma_start3A_298 = arith.constant 0 : i32
        %dma_start3A_299 = tpu.memref_slice %arg3[%dma_start3A_297, %dma_start3A_298] : memref<10000x64xf32, #tpu.memory_space<hbm>> -> memref<10000x64xf32, #tpu.memory_space<hbm>>
        tpu.enqueue_indirect_dma source(%dma_start3A_299 : memref<10000x64xf32, #tpu.memory_space<hbm>>) target(%dma_start3A_293 : memref<128x64xf32, #tpu.memory_space<vmem>>) offsets(%dma_start3A_296 : memref<128xi32, #tpu.memory_space<vmem>>) semaphore(%arg25 : memref<!tpu.dma_semaphore, #tpu.memory_space<semaphore_mem>>)
      } else {
      }
    }
    %scan3A_110 = arith.constant 16 : i32
    %gt3A_111 = arith.constant 78 : i32
    %gt3A_112 = arith.cmpi sgt, %select_n3A, %gt3A_111 : i32
    %convert_element_type3A_113 = arith.extui %gt3A_112 : i1 to i32
    %cond3A_114 = arith.constant 0 : i32
    %cond3A_115 = arith.cmpi ne, %convert_element_type3A_113, %cond3A_114 : i32
    scf.if %cond3A_115 {
      %dma_wait3A = arith.constant 3 : i32
      %dma_wait3A_182 = arith.constant 78 : i32
      %dma_wait3A_183 = arith.constant 0 : i32
      %dma_wait3A_184 = arith.constant 0 : i32
      %dma_wait3A_185 = tpu.memref_slice %arg19[%dma_wait3A, %dma_wait3A_183, %dma_wait3A_184] : memref<5x128x64xf32, #tpu.memory_space<vmem>> -> memref<1x128x64xf32, #tpu.memory_space<vmem>>
      %dma_wait3A_186 = tpu.memref_squeeze %dma_wait3A_185 : memref<1x128x64xf32, #tpu.memory_space<vmem>> -> memref<128x64xf32, #tpu.memory_space<vmem>>
      %dma_wait3A_187 = arith.constant 0 : i32
      %dma_wait3A_188 = tpu.memref_slice %arg18[%dma_wait3A_182, %dma_wait3A_187] : memref<79x128xi32, #tpu.memory_space<vmem>> -> memref<1x128xi32, #tpu.memory_space<vmem>>
      %dma_wait3A_189 = tpu.memref_squeeze %dma_wait3A_188 : memref<1x128xi32, #tpu.memory_space<vmem>> -> memref<128xi32, #tpu.memory_space<vmem>>
      %dma_wait3A_190 = arith.constant 0 : i32
      %dma_wait3A_191 = arith.constant 0 : i32
      %dma_wait3A_192 = tpu.memref_slice %arg21[%dma_wait3A_190, %dma_wait3A_191] : memref<10240x64xf32, #tpu.memory_space<vmem_shared>> -> memref<10240x64xf32, #tpu.memory_space<vmem_shared>>
      tpu.wait_indirect_dma semaphore(%arg31 : memref<!tpu.dma_semaphore, #tpu.memory_space<semaphore_mem>>) src(%dma_wait3A_186 : memref<128x64xf32, #tpu.memory_space<vmem>>) dst(%dma_wait3A_192 : memref<10240x64xf32, #tpu.memory_space<vmem_shared>>)
      %dma_wait3A_193 = arith.constant 78 : i32
      %dma_wait3A_194 = arith.constant 0 : i32
      %dma_wait3A_195 = tpu.memref_slice %arg18[%dma_wait3A_193, %dma_wait3A_194] : memref<79x128xi32, #tpu.memory_space<vmem>> -> memref<1x128xi32, #tpu.memory_space<vmem>>
      %dma_wait3A_196 = tpu.memref_squeeze %dma_wait3A_195 : memref<1x128xi32, #tpu.memory_space<vmem>> -> memref<128xi32, #tpu.memory_space<vmem>>
      %dma_wait3A_197 = arith.constant 0 : i32
      %dma_wait3A_198 = arith.constant 0 : i32
      %dma_wait3A_199 = tpu.memref_slice %arg22[%dma_wait3A_197, %dma_wait3A_198] : memref<10240x16xf32, #tpu.memory_space<vmem_shared>> -> memref<10240x16xf32, #tpu.memory_space<vmem_shared>>
      tpu.wait_indirect_dma semaphore(%arg31 : memref<!tpu.dma_semaphore, #tpu.memory_space<semaphore_mem>>) src(%arg20 : memref<128x16xf32, #tpu.memory_space<vmem>>) dst(%dma_wait3A_199 : memref<10240x16xf32, #tpu.memory_space<vmem_shared>>)
    } else {
    }
    %gt3A_116 = arith.constant 79 : i32
    %gt3A_117 = arith.cmpi sgt, %select_n3A, %gt3A_116 : i32
    %convert_element_type3A_118 = arith.extui %gt3A_117 : i1 to i32
    %cond3A_119 = arith.constant 0 : i32
    %cond3A_120 = arith.cmpi ne, %convert_element_type3A_118, %cond3A_119 : i32
    scf.if %cond3A_120 {
      %dma_wait3A = arith.constant 4 : i32
      %dma_wait3A_182 = arith.constant 79 : i32
      %dma_wait3A_183 = arith.constant 0 : i32
      %dma_wait3A_184 = arith.constant 0 : i32
      %dma_wait3A_185 = tpu.memref_slice %arg19[%dma_wait3A, %dma_wait3A_183, %dma_wait3A_184] : memref<5x128x64xf32, #tpu.memory_space<vmem>> -> memref<1x128x64xf32, #tpu.memory_space<vmem>>
      %dma_wait3A_186 = tpu.memref_squeeze %dma_wait3A_185 : memref<1x128x64xf32, #tpu.memory_space<vmem>> -> memref<128x64xf32, #tpu.memory_space<vmem>>
      %dma_wait3A_187 = arith.constant 0 : i32
      %dma_wait3A_188 = tpu.memref_slice %arg18[%dma_wait3A_182, %dma_wait3A_187] : memref<79x128xi32, #tpu.memory_space<vmem>> -> memref<1x128xi32, #tpu.memory_space<vmem>>
      %dma_wait3A_189 = tpu.memref_squeeze %dma_wait3A_188 : memref<1x128xi32, #tpu.memory_space<vmem>> -> memref<128xi32, #tpu.memory_space<vmem>>
      %dma_wait3A_190 = arith.constant 0 : i32
      %dma_wait3A_191 = arith.constant 0 : i32
      %dma_wait3A_192 = tpu.memref_slice %arg21[%dma_wait3A_190, %dma_wait3A_191] : memref<10240x64xf32, #tpu.memory_space<vmem_shared>> -> memref<10240x64xf32, #tpu.memory_space<vmem_shared>>
      tpu.wait_indirect_dma semaphore(%arg32 : memref<!tpu.dma_semaphore, #tpu.memory_space<semaphore_mem>>) src(%dma_wait3A_186 : memref<128x64xf32, #tpu.memory_space<vmem>>) dst(%dma_wait3A_192 : memref<10240x64xf32, #tpu.memory_space<vmem_shared>>)
      %dma_wait3A_193 = arith.constant 79 : i32
      %dma_wait3A_194 = arith.constant 0 : i32
      %dma_wait3A_195 = tpu.memref_slice %arg18[%dma_wait3A_193, %dma_wait3A_194] : memref<79x128xi32, #tpu.memory_space<vmem>> -> memref<1x128xi32, #tpu.memory_space<vmem>>
      %dma_wait3A_196 = tpu.memref_squeeze %dma_wait3A_195 : memref<1x128xi32, #tpu.memory_space<vmem>> -> memref<128xi32, #tpu.memory_space<vmem>>
      %dma_wait3A_197 = arith.constant 0 : i32
      %dma_wait3A_198 = arith.constant 0 : i32
      %dma_wait3A_199 = tpu.memref_slice %arg22[%dma_wait3A_197, %dma_wait3A_198] : memref<10240x16xf32, #tpu.memory_space<vmem_shared>> -> memref<10240x16xf32, #tpu.memory_space<vmem_shared>>
      tpu.wait_indirect_dma semaphore(%arg32 : memref<!tpu.dma_semaphore, #tpu.memory_space<semaphore_mem>>) src(%arg20 : memref<128x16xf32, #tpu.memory_space<vmem>>) dst(%dma_wait3A_199 : memref<10240x16xf32, #tpu.memory_space<vmem_shared>>)
    } else {
    }
    %barrier3A_121 = arith.constant 0 : index
    tpu.barrier barrier_id(%barrier3A_121)
    "tpu.region"() ({
      %run_scoped3A_182 = tpu.sem_alloc : memref<!tpu.dma_semaphore, #tpu.memory_space<semaphore_mem>>
      %dma_start3A_183 = arith.constant 0 : i32
      %dma_start3A_184 = tpu.memref_slice %arg12[%arg0, %mul3A_8, %dma_start3A_183] : memref<2x10240x64xf32, #tpu.memory_space<hbm>> -> memref<1x640x64xf32, #tpu.memory_space<hbm>>
      %dma_start3A_185 = tpu.memref_squeeze %dma_start3A_184 : memref<1x640x64xf32, #tpu.memory_space<hbm>> -> memref<640x64xf32, #tpu.memory_space<hbm>>
      %dma_start3A_186 = arith.constant 0 : i32
      %dma_start3A_187 = tpu.memref_slice %arg21[%mul3A_8, %dma_start3A_186] : memref<10240x64xf32, #tpu.memory_space<vmem_shared>> -> memref<640x64xf32, #tpu.memory_space<vmem_shared>>
      tpu.enqueue_dma source(%dma_start3A_187 : memref<640x64xf32, #tpu.memory_space<vmem_shared>>) target(%dma_start3A_185 : memref<640x64xf32, #tpu.memory_space<hbm>>) target_semaphore(%run_scoped3A_182 : memref<!tpu.dma_semaphore, #tpu.memory_space<semaphore_mem>>)
      %dma_wait3A = arith.constant 0 : i32
      %dma_wait3A_188 = tpu.memref_slice %arg12[%arg0, %mul3A_8, %dma_wait3A] : memref<2x10240x64xf32, #tpu.memory_space<hbm>> -> memref<1x640x64xf32, #tpu.memory_space<hbm>>
      %dma_wait3A_189 = tpu.memref_squeeze %dma_wait3A_188 : memref<1x640x64xf32, #tpu.memory_space<hbm>> -> memref<640x64xf32, #tpu.memory_space<hbm>>
      %dma_wait3A_190 = arith.constant 0 : i32
      %dma_wait3A_191 = tpu.memref_slice %arg21[%mul3A_8, %dma_wait3A_190] : memref<10240x64xf32, #tpu.memory_space<vmem_shared>> -> memref<640x64xf32, #tpu.memory_space<vmem_shared>>
      tpu.wait_dma2 semaphore(%run_scoped3A_182 : memref<!tpu.dma_semaphore, #tpu.memory_space<semaphore_mem>>) src(%dma_wait3A_191 : memref<640x64xf32, #tpu.memory_space<vmem_shared>>) dst(%dma_wait3A_189 : memref<640x64xf32, #tpu.memory_space<hbm>>)
      tpu.yield
    }) : () -> ()
    "tpu.region"() ({
      %run_scoped3A_182 = tpu.sem_alloc : memref<!tpu.dma_semaphore, #tpu.memory_space<semaphore_mem>>
      %dma_start3A_183 = arith.constant 0 : i32
      %dma_start3A_184 = tpu.memref_slice %arg15[%arg0, %mul3A_8, %dma_start3A_183] : memref<2x10240x16xf32, #tpu.memory_space<hbm>> -> memref<1x640x16xf32, #tpu.memory_space<hbm>>
      %dma_start3A_185 = tpu.memref_squeeze %dma_start3A_184 : memref<1x640x16xf32, #tpu.memory_space<hbm>> -> memref<640x16xf32, #tpu.memory_space<hbm>>
      %dma_start3A_186 = arith.constant 0 : i32
      %dma_start3A_187 = tpu.memref_slice %arg22[%mul3A_8, %dma_start3A_186] : memref<10240x16xf32, #tpu.memory_space<vmem_shared>> -> memref<640x16xf32, #tpu.memory_space<vmem_shared>>
      tpu.enqueue_dma source(%dma_start3A_187 : memref<640x16xf32, #tpu.memory_space<vmem_shared>>) target(%dma_start3A_185 : memref<640x16xf32, #tpu.memory_space<hbm>>) target_semaphore(%run_scoped3A_182 : memref<!tpu.dma_semaphore, #tpu.memory_space<semaphore_mem>>)
      %dma_wait3A = arith.constant 0 : i32
      %dma_wait3A_188 = tpu.memref_slice %arg15[%arg0, %mul3A_8, %dma_wait3A] : memref<2x10240x16xf32, #tpu.memory_space<hbm>> -> memref<1x640x16xf32, #tpu.memory_space<hbm>>
      %dma_wait3A_189 = tpu.memref_squeeze %dma_wait3A_188 : memref<1x640x16xf32, #tpu.memory_space<hbm>> -> memref<640x16xf32, #tpu.memory_space<hbm>>
      %dma_wait3A_190 = arith.constant 0 : i32
      %dma_wait3A_191 = tpu.memref_slice %arg22[%mul3A_8, %dma_wait3A_190] : memref<10240x16xf32, #tpu.memory_space<vmem_shared>> -> memref<640x16xf32, #tpu.memory_space<vmem_shared>>
      tpu.wait_dma2 semaphore(%run_scoped3A_182 : memref<!tpu.dma_semaphore, #tpu.memory_space<semaphore_mem>>) src(%dma_wait3A_191 : memref<640x16xf32, #tpu.memory_space<vmem_shared>>) dst(%dma_wait3A_189 : memref<640x16xf32, #tpu.memory_space<hbm>>)
      tpu.yield
    }) : () -> ()
    "tpu.region"() ({
      %run_scoped3A_182 = tpu.sem_alloc : memref<!tpu.dma_semaphore, #tpu.memory_space<semaphore_mem>>
      %dma_start3A_183 = arith.constant 0 : i32
      %dma_start3A_184 = tpu.memref_slice %arg21[%mul3A_8, %dma_start3A_183] : memref<10240x64xf32, #tpu.memory_space<vmem_shared>> -> memref<640x64xf32, #tpu.memory_space<vmem_shared>>
      tpu.enqueue_dma source(%arg9 : memref<640x64xf32, #tpu.memory_space<hbm>>) target(%dma_start3A_184 : memref<640x64xf32, #tpu.memory_space<vmem_shared>>) target_semaphore(%run_scoped3A_182 : memref<!tpu.dma_semaphore, #tpu.memory_space<semaphore_mem>>)
      %dma_wait3A = arith.constant 0 : i32
      %dma_wait3A_185 = tpu.memref_slice %arg21[%mul3A_8, %dma_wait3A] : memref<10240x64xf32, #tpu.memory_space<vmem_shared>> -> memref<640x64xf32, #tpu.memory_space<vmem_shared>>
      tpu.wait_dma2 semaphore(%run_scoped3A_182 : memref<!tpu.dma_semaphore, #tpu.memory_space<semaphore_mem>>) src(%arg9 : memref<640x64xf32, #tpu.memory_space<hbm>>) dst(%dma_wait3A_185 : memref<640x64xf32, #tpu.memory_space<vmem_shared>>)
      tpu.yield
    }) : () -> ()
    "tpu.region"() ({
      %run_scoped3A_182 = tpu.sem_alloc : memref<!tpu.dma_semaphore, #tpu.memory_space<semaphore_mem>>
      %dma_start3A_183 = arith.constant 0 : i32
      %dma_start3A_184 = tpu.memref_slice %arg22[%mul3A_8, %dma_start3A_183] : memref<10240x16xf32, #tpu.memory_space<vmem_shared>> -> memref<640x16xf32, #tpu.memory_space<vmem_shared>>
      tpu.enqueue_dma source(%arg10 : memref<640x16xf32, #tpu.memory_space<hbm>>) target(%dma_start3A_184 : memref<640x16xf32, #tpu.memory_space<vmem_shared>>) target_semaphore(%run_scoped3A_182 : memref<!tpu.dma_semaphore, #tpu.memory_space<semaphore_mem>>)
      %dma_wait3A = arith.constant 0 : i32
      %dma_wait3A_185 = tpu.memref_slice %arg22[%mul3A_8, %dma_wait3A] : memref<10240x16xf32, #tpu.memory_space<vmem_shared>> -> memref<640x16xf32, #tpu.memory_space<vmem_shared>>
      tpu.wait_dma2 semaphore(%run_scoped3A_182 : memref<!tpu.dma_semaphore, #tpu.memory_space<semaphore_mem>>) src(%arg10 : memref<640x16xf32, #tpu.memory_space<hbm>>) dst(%dma_wait3A_185 : memref<640x16xf32, #tpu.memory_space<vmem_shared>>)
      tpu.yield
    }) : () -> ()
    %run_scoped3A_122 = arith.constant 0 : i32
    "tpu.region"() ({
      %run_scoped3A_182 = tpu.sem_alloc : memref<!tpu.dma_semaphore, #tpu.memory_space<semaphore_mem>>
      %dma_start3A_183 = arith.constant 0 : i32
      %dma_start3A_184 = arith.constant 0 : i32
      %dma_start3A_185 = tpu.memref_slice %arg17[%dma_start3A_183, %dma_start3A_184] : memref<79x128xi32, #tpu.memory_space<vmem>> -> memref<78x128xi32, #tpu.memory_space<vmem>>
      %dma_start3A_186 = arith.constant 0 : i32
      %dma_start3A_187 = tpu.memref_slice %arg7[%run_scoped3A_122, %add3A_4, %dma_start3A_186] : memref<2x2500x128xi32, #tpu.memory_space<hbm>> -> memref<1x78x128xi32, #tpu.memory_space<hbm>>
      %dma_start3A_188 = tpu.memref_squeeze %dma_start3A_187 : memref<1x78x128xi32, #tpu.memory_space<hbm>> -> memref<78x128xi32, #tpu.memory_space<hbm>>
      %dma_start3A_189 = arith.constant 0 : i32
      %dma_start3A_190 = arith.constant 0 : i32
      %dma_start3A_191 = tpu.memref_slice %arg17[%dma_start3A_189, %dma_start3A_190] : memref<79x128xi32, #tpu.memory_space<vmem>> -> memref<78x128xi32, #tpu.memory_space<vmem>>
      %dma_start3A_192 = arith.constant 0 : i32
      %dma_start3A_193 = tpu.memref_slice %arg7[%run_scoped3A_122, %add3A_4, %dma_start3A_192] : memref<2x2500x128xi32, #tpu.memory_space<hbm>> -> memref<1x78x128xi32, #tpu.memory_space<hbm>>
      %dma_start3A_194 = tpu.memref_squeeze %dma_start3A_193 : memref<1x78x128xi32, #tpu.memory_space<hbm>> -> memref<78x128xi32, #tpu.memory_space<hbm>>
      tpu.enqueue_dma source(%dma_start3A_194 : memref<78x128xi32, #tpu.memory_space<hbm>>) target(%dma_start3A_191 : memref<78x128xi32, #tpu.memory_space<vmem>>) target_semaphore(%run_scoped3A_182 : memref<!tpu.dma_semaphore, #tpu.memory_space<semaphore_mem>>)
      %dma_wait3A = arith.constant 0 : i32
      %dma_wait3A_195 = arith.constant 0 : i32
      %dma_wait3A_196 = tpu.memref_slice %arg17[%dma_wait3A, %dma_wait3A_195] : memref<79x128xi32, #tpu.memory_space<vmem>> -> memref<78x128xi32, #tpu.memory_space<vmem>>
      %dma_wait3A_197 = arith.constant 0 : i32
      %dma_wait3A_198 = tpu.memref_slice %arg7[%run_scoped3A_122, %add3A_4, %dma_wait3A_197] : memref<2x2500x128xi32, #tpu.memory_space<hbm>> -> memref<1x78x128xi32, #tpu.memory_space<hbm>>
      %dma_wait3A_199 = tpu.memref_squeeze %dma_wait3A_198 : memref<1x78x128xi32, #tpu.memory_space<hbm>> -> memref<78x128xi32, #tpu.memory_space<hbm>>
      %dma_wait3A_200 = arith.constant 0 : i32
      %dma_wait3A_201 = arith.constant 0 : i32
      %dma_wait3A_202 = tpu.memref_slice %arg17[%dma_wait3A_200, %dma_wait3A_201] : memref<79x128xi32, #tpu.memory_space<vmem>> -> memref<78x128xi32, #tpu.memory_space<vmem>>
      %dma_wait3A_203 = arith.constant 0 : i32
      %dma_wait3A_204 = tpu.memref_slice %arg7[%run_scoped3A_122, %add3A_4, %dma_wait3A_203] : memref<2x2500x128xi32, #tpu.memory_space<hbm>> -> memref<1x78x128xi32, #tpu.memory_space<hbm>>
      %dma_wait3A_205 = tpu.memref_squeeze %dma_wait3A_204 : memref<1x78x128xi32, #tpu.memory_space<hbm>> -> memref<78x128xi32, #tpu.memory_space<hbm>>
      tpu.wait_dma2 semaphore(%run_scoped3A_182 : memref<!tpu.dma_semaphore, #tpu.memory_space<semaphore_mem>>) src(%dma_wait3A_205 : memref<78x128xi32, #tpu.memory_space<hbm>>) dst(%dma_wait3A_202 : memref<78x128xi32, #tpu.memory_space<vmem>>)
      tpu.yield
    }) : () -> ()
    %run_scoped3A_123 = arith.constant 1 : i32
    "tpu.region"() ({
      %run_scoped3A_182 = tpu.sem_alloc : memref<!tpu.dma_semaphore, #tpu.memory_space<semaphore_mem>>
      %dma_start3A_183 = arith.constant 0 : i32
      %dma_start3A_184 = arith.constant 0 : i32
      %dma_start3A_185 = tpu.memref_slice %arg18[%dma_start3A_183, %dma_start3A_184] : memref<79x128xi32, #tpu.memory_space<vmem>> -> memref<78x128xi32, #tpu.memory_space<vmem>>
      %dma_start3A_186 = arith.constant 0 : i32
      %dma_start3A_187 = tpu.memref_slice %arg7[%run_scoped3A_123, %add3A_4, %dma_start3A_186] : memref<2x2500x128xi32, #tpu.memory_space<hbm>> -> memref<1x78x128xi32, #tpu.memory_space<hbm>>
      %dma_start3A_188 = tpu.memref_squeeze %dma_start3A_187 : memref<1x78x128xi32, #tpu.memory_space<hbm>> -> memref<78x128xi32, #tpu.memory_space<hbm>>
      %dma_start3A_189 = arith.constant 0 : i32
      %dma_start3A_190 = arith.constant 0 : i32
      %dma_start3A_191 = tpu.memref_slice %arg18[%dma_start3A_189, %dma_start3A_190] : memref<79x128xi32, #tpu.memory_space<vmem>> -> memref<78x128xi32, #tpu.memory_space<vmem>>
      %dma_start3A_192 = arith.constant 0 : i32
      %dma_start3A_193 = tpu.memref_slice %arg7[%run_scoped3A_123, %add3A_4, %dma_start3A_192] : memref<2x2500x128xi32, #tpu.memory_space<hbm>> -> memref<1x78x128xi32, #tpu.memory_space<hbm>>
      %dma_start3A_194 = tpu.memref_squeeze %dma_start3A_193 : memref<1x78x128xi32, #tpu.memory_space<hbm>> -> memref<78x128xi32, #tpu.memory_space<hbm>>
      tpu.enqueue_dma source(%dma_start3A_194 : memref<78x128xi32, #tpu.memory_space<hbm>>) target(%dma_start3A_191 : memref<78x128xi32, #tpu.memory_space<vmem>>) target_semaphore(%run_scoped3A_182 : memref<!tpu.dma_semaphore, #tpu.memory_space<semaphore_mem>>)
      %dma_wait3A = arith.constant 0 : i32
      %dma_wait3A_195 = arith.constant 0 : i32
      %dma_wait3A_196 = tpu.memref_slice %arg18[%dma_wait3A, %dma_wait3A_195] : memref<79x128xi32, #tpu.memory_space<vmem>> -> memref<78x128xi32, #tpu.memory_space<vmem>>
      %dma_wait3A_197 = arith.constant 0 : i32
      %dma_wait3A_198 = tpu.memref_slice %arg7[%run_scoped3A_123, %add3A_4, %dma_wait3A_197] : memref<2x2500x128xi32, #tpu.memory_space<hbm>> -> memref<1x78x128xi32, #tpu.memory_space<hbm>>
      %dma_wait3A_199 = tpu.memref_squeeze %dma_wait3A_198 : memref<1x78x128xi32, #tpu.memory_space<hbm>> -> memref<78x128xi32, #tpu.memory_space<hbm>>
      %dma_wait3A_200 = arith.constant 0 : i32
      %dma_wait3A_201 = arith.constant 0 : i32
      %dma_wait3A_202 = tpu.memref_slice %arg18[%dma_wait3A_200, %dma_wait3A_201] : memref<79x128xi32, #tpu.memory_space<vmem>> -> memref<78x128xi32, #tpu.memory_space<vmem>>
      %dma_wait3A_203 = arith.constant 0 : i32
      %dma_wait3A_204 = tpu.memref_slice %arg7[%run_scoped3A_123, %add3A_4, %dma_wait3A_203] : memref<2x2500x128xi32, #tpu.memory_space<hbm>> -> memref<1x78x128xi32, #tpu.memory_space<hbm>>
      %dma_wait3A_205 = tpu.memref_squeeze %dma_wait3A_204 : memref<1x78x128xi32, #tpu.memory_space<hbm>> -> memref<78x128xi32, #tpu.memory_space<hbm>>
      tpu.wait_dma2 semaphore(%run_scoped3A_182 : memref<!tpu.dma_semaphore, #tpu.memory_space<semaphore_mem>>) src(%dma_wait3A_205 : memref<78x128xi32, #tpu.memory_space<hbm>>) dst(%dma_wait3A_202 : memref<78x128xi32, #tpu.memory_space<vmem>>)
      tpu.yield
    }) : () -> ()
    %lt3A_124 = arith.constant 4 : i32
    %lt3A_125 = arith.cmpi slt, %add3A, %lt3A_124 : i32
    %convert_element_type3A_126 = arith.extui %lt3A_125 : i1 to i32
    %cond3A_127 = arith.constant 0 : i32
    %cond3A_128 = arith.cmpi ne, %convert_element_type3A_126, %cond3A_127 : i32
    scf.if %cond3A_128 {
      %add3A_182 = arith.constant 78 : i32
      %add3A_183 = arith.addi %add3A_4, %add3A_182 : i32
      %run_scoped3A_184 = arith.constant 0 : i32
      %run_scoped3A_185 = arith.constant 78 : i32
      "tpu.region"() ({
        %run_scoped3A_190 = tpu.sem_alloc : memref<!tpu.dma_semaphore, #tpu.memory_space<semaphore_mem>>
        %dma_start3A_191 = arith.constant 0 : i32
        %dma_start3A_192 = tpu.memref_slice %arg17[%run_scoped3A_185, %dma_start3A_191] : memref<79x128xi32, #tpu.memory_space<vmem>> -> memref<1x128xi32, #tpu.memory_space<vmem>>
        %dma_start3A_193 = tpu.memref_squeeze %dma_start3A_192 : memref<1x128xi32, #tpu.memory_space<vmem>> -> memref<128xi32, #tpu.memory_space<vmem>>
        %dma_start3A_194 = arith.constant 0 : i32
        %dma_start3A_195 = tpu.memref_slice %arg7[%run_scoped3A_184, %add3A_183, %dma_start3A_194] : memref<2x2500x128xi32, #tpu.memory_space<hbm>> -> memref<1x1x128xi32, #tpu.memory_space<hbm>>
        %dma_start3A_196 = tpu.memref_squeeze %dma_start3A_195 : memref<1x1x128xi32, #tpu.memory_space<hbm>> -> memref<128xi32, #tpu.memory_space<hbm>>
        %dma_start3A_197 = arith.constant 0 : i32
        %dma_start3A_198 = tpu.memref_slice %arg17[%run_scoped3A_185, %dma_start3A_197] : memref<79x128xi32, #tpu.memory_space<vmem>> -> memref<1x128xi32, #tpu.memory_space<vmem>>
        %dma_start3A_199 = tpu.memref_squeeze %dma_start3A_198 : memref<1x128xi32, #tpu.memory_space<vmem>> -> memref<128xi32, #tpu.memory_space<vmem>>
        %dma_start3A_200 = arith.constant 0 : i32
        %dma_start3A_201 = tpu.memref_slice %arg7[%run_scoped3A_184, %add3A_183, %dma_start3A_200] : memref<2x2500x128xi32, #tpu.memory_space<hbm>> -> memref<1x1x128xi32, #tpu.memory_space<hbm>>
        %dma_start3A_202 = tpu.memref_squeeze %dma_start3A_201 : memref<1x1x128xi32, #tpu.memory_space<hbm>> -> memref<128xi32, #tpu.memory_space<hbm>>
        tpu.enqueue_dma source(%dma_start3A_202 : memref<128xi32, #tpu.memory_space<hbm>>) target(%dma_start3A_199 : memref<128xi32, #tpu.memory_space<vmem>>) target_semaphore(%run_scoped3A_190 : memref<!tpu.dma_semaphore, #tpu.memory_space<semaphore_mem>>)
        %dma_wait3A = arith.constant 0 : i32
        %dma_wait3A_203 = tpu.memref_slice %arg17[%run_scoped3A_185, %dma_wait3A] : memref<79x128xi32, #tpu.memory_space<vmem>> -> memref<1x128xi32, #tpu.memory_space<vmem>>
        %dma_wait3A_204 = tpu.memref_squeeze %dma_wait3A_203 : memref<1x128xi32, #tpu.memory_space<vmem>> -> memref<128xi32, #tpu.memory_space<vmem>>
        %dma_wait3A_205 = arith.constant 0 : i32
        %dma_wait3A_206 = tpu.memref_slice %arg7[%run_scoped3A_184, %add3A_183, %dma_wait3A_205] : memref<2x2500x128xi32, #tpu.memory_space<hbm>> -> memref<1x1x128xi32, #tpu.memory_space<hbm>>
        %dma_wait3A_207 = tpu.memref_squeeze %dma_wait3A_206 : memref<1x1x128xi32, #tpu.memory_space<hbm>> -> memref<128xi32, #tpu.memory_space<hbm>>
        %dma_wait3A_208 = arith.constant 0 : i32
        %dma_wait3A_209 = tpu.memref_slice %arg17[%run_scoped3A_185, %dma_wait3A_208] : memref<79x128xi32, #tpu.memory_space<vmem>> -> memref<1x128xi32, #tpu.memory_space<vmem>>
        %dma_wait3A_210 = tpu.memref_squeeze %dma_wait3A_209 : memref<1x128xi32, #tpu.memory_space<vmem>> -> memref<128xi32, #tpu.memory_space<vmem>>
        %dma_wait3A_211 = arith.constant 0 : i32
        %dma_wait3A_212 = tpu.memref_slice %arg7[%run_scoped3A_184, %add3A_183, %dma_wait3A_211] : memref<2x2500x128xi32, #tpu.memory_space<hbm>> -> memref<1x1x128xi32, #tpu.memory_space<hbm>>
        %dma_wait3A_213 = tpu.memref_squeeze %dma_wait3A_212 : memref<1x1x128xi32, #tpu.memory_space<hbm>> -> memref<128xi32, #tpu.memory_space<hbm>>
        tpu.wait_dma2 semaphore(%run_scoped3A_190 : memref<!tpu.dma_semaphore, #tpu.memory_space<semaphore_mem>>) src(%dma_wait3A_213 : memref<128xi32, #tpu.memory_space<hbm>>) dst(%dma_wait3A_210 : memref<128xi32, #tpu.memory_space<vmem>>)
        tpu.yield
      }) : () -> ()
      %add3A_186 = arith.constant 78 : i32
      %add3A_187 = arith.addi %add3A_4, %add3A_186 : i32
      %run_scoped3A_188 = arith.constant 1 : i32
      %run_scoped3A_189 = arith.constant 78 : i32
      "tpu.region"() ({
        %run_scoped3A_190 = tpu.sem_alloc : memref<!tpu.dma_semaphore, #tpu.memory_space<semaphore_mem>>
        %dma_start3A_191 = arith.constant 0 : i32
        %dma_start3A_192 = tpu.memref_slice %arg18[%run_scoped3A_189, %dma_start3A_191] : memref<79x128xi32, #tpu.memory_space<vmem>> -> memref<1x128xi32, #tpu.memory_space<vmem>>
        %dma_start3A_193 = tpu.memref_squeeze %dma_start3A_192 : memref<1x128xi32, #tpu.memory_space<vmem>> -> memref<128xi32, #tpu.memory_space<vmem>>
        %dma_start3A_194 = arith.constant 0 : i32
        %dma_start3A_195 = tpu.memref_slice %arg7[%run_scoped3A_188, %add3A_187, %dma_start3A_194] : memref<2x2500x128xi32, #tpu.memory_space<hbm>> -> memref<1x1x128xi32, #tpu.memory_space<hbm>>
        %dma_start3A_196 = tpu.memref_squeeze %dma_start3A_195 : memref<1x1x128xi32, #tpu.memory_space<hbm>> -> memref<128xi32, #tpu.memory_space<hbm>>
        %dma_start3A_197 = arith.constant 0 : i32
        %dma_start3A_198 = tpu.memref_slice %arg18[%run_scoped3A_189, %dma_start3A_197] : memref<79x128xi32, #tpu.memory_space<vmem>> -> memref<1x128xi32, #tpu.memory_space<vmem>>
        %dma_start3A_199 = tpu.memref_squeeze %dma_start3A_198 : memref<1x128xi32, #tpu.memory_space<vmem>> -> memref<128xi32, #tpu.memory_space<vmem>>
        %dma_start3A_200 = arith.constant 0 : i32
        %dma_start3A_201 = tpu.memref_slice %arg7[%run_scoped3A_188, %add3A_187, %dma_start3A_200] : memref<2x2500x128xi32, #tpu.memory_space<hbm>> -> memref<1x1x128xi32, #tpu.memory_space<hbm>>
        %dma_start3A_202 = tpu.memref_squeeze %dma_start3A_201 : memref<1x1x128xi32, #tpu.memory_space<hbm>> -> memref<128xi32, #tpu.memory_space<hbm>>
        tpu.enqueue_dma source(%dma_start3A_202 : memref<128xi32, #tpu.memory_space<hbm>>) target(%dma_start3A_199 : memref<128xi32, #tpu.memory_space<vmem>>) target_semaphore(%run_scoped3A_190 : memref<!tpu.dma_semaphore, #tpu.memory_space<semaphore_mem>>)
        %dma_wait3A = arith.constant 0 : i32
        %dma_wait3A_203 = tpu.memref_slice %arg18[%run_scoped3A_189, %dma_wait3A] : memref<79x128xi32, #tpu.memory_space<vmem>> -> memref<1x128xi32, #tpu.memory_space<vmem>>
        %dma_wait3A_204 = tpu.memref_squeeze %dma_wait3A_203 : memref<1x128xi32, #tpu.memory_space<vmem>> -> memref<128xi32, #tpu.memory_space<vmem>>
        %dma_wait3A_205 = arith.constant 0 : i32
        %dma_wait3A_206 = tpu.memref_slice %arg7[%run_scoped3A_188, %add3A_187, %dma_wait3A_205] : memref<2x2500x128xi32, #tpu.memory_space<hbm>> -> memref<1x1x128xi32, #tpu.memory_space<hbm>>
        %dma_wait3A_207 = tpu.memref_squeeze %dma_wait3A_206 : memref<1x1x128xi32, #tpu.memory_space<hbm>> -> memref<128xi32, #tpu.memory_space<hbm>>
        %dma_wait3A_208 = arith.constant 0 : i32
        %dma_wait3A_209 = tpu.memref_slice %arg18[%run_scoped3A_189, %dma_wait3A_208] : memref<79x128xi32, #tpu.memory_space<vmem>> -> memref<1x128xi32, #tpu.memory_space<vmem>>
        %dma_wait3A_210 = tpu.memref_squeeze %dma_wait3A_209 : memref<1x128xi32, #tpu.memory_space<vmem>> -> memref<128xi32, #tpu.memory_space<vmem>>
        %dma_wait3A_211 = arith.constant 0 : i32
        %dma_wait3A_212 = tpu.memref_slice %arg7[%run_scoped3A_188, %add3A_187, %dma_wait3A_211] : memref<2x2500x128xi32, #tpu.memory_space<hbm>> -> memref<1x1x128xi32, #tpu.memory_space<hbm>>
        %dma_wait3A_213 = tpu.memref_squeeze %dma_wait3A_212 : memref<1x1x128xi32, #tpu.memory_space<hbm>> -> memref<128xi32, #tpu.memory_space<hbm>>
        tpu.wait_dma2 semaphore(%run_scoped3A_190 : memref<!tpu.dma_semaphore, #tpu.memory_space<semaphore_mem>>) src(%dma_wait3A_213 : memref<128xi32, #tpu.memory_space<hbm>>) dst(%dma_wait3A_210 : memref<128xi32, #tpu.memory_space<vmem>>)
        tpu.yield
      }) : () -> ()
    } else {
    }
    %barrier3A_129 = arith.constant 0 : index
    tpu.barrier barrier_id(%barrier3A_129)
    %dma_start3A_130 = arith.constant 0 : i32
    %dma_start3A_131 = arith.constant 0 : i32
    %dma_start3A_132 = arith.constant 0 : i32
    %dma_start3A_133 = arith.constant 0 : i32
    %dma_start3A_134 = tpu.memref_slice %arg19[%dma_start3A_131, %dma_start3A_132, %dma_start3A_133] : memref<5x128x64xf32, #tpu.memory_space<vmem>> -> memref<1x128x64xf32, #tpu.memory_space<vmem>>
    %dma_start3A_135 = tpu.memref_squeeze %dma_start3A_134 : memref<1x128x64xf32, #tpu.memory_space<vmem>> -> memref<128x64xf32, #tpu.memory_space<vmem>>
    %dma_start3A_136 = arith.constant 0 : i32
    %dma_start3A_137 = tpu.memref_slice %arg17[%dma_start3A_130, %dma_start3A_136] : memref<79x128xi32, #tpu.memory_space<vmem>> -> memref<1x128xi32, #tpu.memory_space<vmem>>
    %dma_start3A_138 = tpu.memref_squeeze %dma_start3A_137 : memref<1x128xi32, #tpu.memory_space<vmem>> -> memref<128xi32, #tpu.memory_space<vmem>>
    %dma_start3A_139 = arith.constant 0 : i32
    %dma_start3A_140 = arith.constant 0 : i32
    %dma_start3A_141 = tpu.memref_slice %arg4[%dma_start3A_139, %dma_start3A_140] : memref<10000x64xf32, #tpu.memory_space<hbm>> -> memref<10000x64xf32, #tpu.memory_space<hbm>>
    tpu.enqueue_indirect_dma source(%dma_start3A_141 : memref<10000x64xf32, #tpu.memory_space<hbm>>) target(%dma_start3A_135 : memref<128x64xf32, #tpu.memory_space<vmem>>) offsets(%dma_start3A_138 : memref<128xi32, #tpu.memory_space<vmem>>) semaphore(%arg23 : memref<!tpu.dma_semaphore, #tpu.memory_space<semaphore_mem>>)
    %dma_start3A_142 = arith.constant 1 : i32
    %dma_start3A_143 = arith.constant 1 : i32
    %dma_start3A_144 = arith.constant 0 : i32
    %dma_start3A_145 = arith.constant 0 : i32
    %dma_start3A_146 = tpu.memref_slice %arg19[%dma_start3A_143, %dma_start3A_144, %dma_start3A_145] : memref<5x128x64xf32, #tpu.memory_space<vmem>> -> memref<1x128x64xf32, #tpu.memory_space<vmem>>
    %dma_start3A_147 = tpu.memref_squeeze %dma_start3A_146 : memref<1x128x64xf32, #tpu.memory_space<vmem>> -> memref<128x64xf32, #tpu.memory_space<vmem>>
    %dma_start3A_148 = arith.constant 0 : i32
    %dma_start3A_149 = tpu.memref_slice %arg17[%dma_start3A_142, %dma_start3A_148] : memref<79x128xi32, #tpu.memory_space<vmem>> -> memref<1x128xi32, #tpu.memory_space<vmem>>
    %dma_start3A_150 = tpu.memref_squeeze %dma_start3A_149 : memref<1x128xi32, #tpu.memory_space<vmem>> -> memref<128xi32, #tpu.memory_space<vmem>>
    %dma_start3A_151 = arith.constant 0 : i32
    %dma_start3A_152 = arith.constant 0 : i32
    %dma_start3A_153 = tpu.memref_slice %arg4[%dma_start3A_151, %dma_start3A_152] : memref<10000x64xf32, #tpu.memory_space<hbm>> -> memref<10000x64xf32, #tpu.memory_space<hbm>>
    tpu.enqueue_indirect_dma source(%dma_start3A_153 : memref<10000x64xf32, #tpu.memory_space<hbm>>) target(%dma_start3A_147 : memref<128x64xf32, #tpu.memory_space<vmem>>) offsets(%dma_start3A_150 : memref<128xi32, #tpu.memory_space<vmem>>) semaphore(%arg24 : memref<!tpu.dma_semaphore, #tpu.memory_space<semaphore_mem>>)
    %dma_start3A_154 = arith.constant 2 : i32
    %dma_start3A_155 = arith.constant 2 : i32
    %dma_start3A_156 = arith.constant 0 : i32
    %dma_start3A_157 = arith.constant 0 : i32
    %dma_start3A_158 = tpu.memref_slice %arg19[%dma_start3A_155, %dma_start3A_156, %dma_start3A_157] : memref<5x128x64xf32, #tpu.memory_space<vmem>> -> memref<1x128x64xf32, #tpu.memory_space<vmem>>
    %dma_start3A_159 = tpu.memref_squeeze %dma_start3A_158 : memref<1x128x64xf32, #tpu.memory_space<vmem>> -> memref<128x64xf32, #tpu.memory_space<vmem>>
    %dma_start3A_160 = arith.constant 0 : i32
    %dma_start3A_161 = tpu.memref_slice %arg17[%dma_start3A_154, %dma_start3A_160] : memref<79x128xi32, #tpu.memory_space<vmem>> -> memref<1x128xi32, #tpu.memory_space<vmem>>
    %dma_start3A_162 = tpu.memref_squeeze %dma_start3A_161 : memref<1x128xi32, #tpu.memory_space<vmem>> -> memref<128xi32, #tpu.memory_space<vmem>>
    %dma_start3A_163 = arith.constant 0 : i32
    %dma_start3A_164 = arith.constant 0 : i32
    %dma_start3A_165 = tpu.memref_slice %arg4[%dma_start3A_163, %dma_start3A_164] : memref<10000x64xf32, #tpu.memory_space<hbm>> -> memref<10000x64xf32, #tpu.memory_space<hbm>>
    tpu.enqueue_indirect_dma source(%dma_start3A_165 : memref<10000x64xf32, #tpu.memory_space<hbm>>) target(%dma_start3A_159 : memref<128x64xf32, #tpu.memory_space<vmem>>) offsets(%dma_start3A_162 : memref<128xi32, #tpu.memory_space<vmem>>) semaphore(%arg25 : memref<!tpu.dma_semaphore, #tpu.memory_space<semaphore_mem>>)
    %scan3A_166 = arith.constant 0 : i32
    %scan3A_167 = arith.constant 16 : i32
    %scan3A_168 = arith.addi %scan3A_166, %scan3A_167 : i32
    %scan3A_169 = arith.constant 1 : i32
    scf.for %scan3A_182 = %scan3A_166 to %scan3A_168 step %scan3A_169  : i32 {
      %mul3A_183 = arith.constant 5 : i32
      %mul3A_184 = arith.muli %scan3A_182, %mul3A_183 : i32
      %add3A_185 = arith.constant 0 : i32
      %add3A_186 = arith.addi %mul3A_184, %add3A_185 : i32
      %lt3A_187 = arith.cmpi slt, %add3A_186, %select_n3A : i32
      %convert_element_type3A_188 = arith.extui %lt3A_187 : i1 to i32
      %cond3A_189 = arith.constant 0 : i32
      %cond3A_190 = arith.cmpi ne, %convert_element_type3A_188, %cond3A_189 : i32
      scf.if %cond3A_190 {
        %dma_wait3A = arith.constant 0 : i32
        %dma_wait3A_287 = arith.constant 0 : i32
        %dma_wait3A_288 = arith.constant 0 : i32
        %dma_wait3A_289 = tpu.memref_slice %arg19[%dma_wait3A, %dma_wait3A_287, %dma_wait3A_288] : memref<5x128x64xf32, #tpu.memory_space<vmem>> -> memref<1x128x64xf32, #tpu.memory_space<vmem>>
        %dma_wait3A_290 = tpu.memref_squeeze %dma_wait3A_289 : memref<1x128x64xf32, #tpu.memory_space<vmem>> -> memref<128x64xf32, #tpu.memory_space<vmem>>
        %dma_wait3A_291 = arith.constant 0 : i32
        %dma_wait3A_292 = tpu.memref_slice %arg17[%add3A_186, %dma_wait3A_291] : memref<79x128xi32, #tpu.memory_space<vmem>> -> memref<1x128xi32, #tpu.memory_space<vmem>>
        %dma_wait3A_293 = tpu.memref_squeeze %dma_wait3A_292 : memref<1x128xi32, #tpu.memory_space<vmem>> -> memref<128xi32, #tpu.memory_space<vmem>>
        %dma_wait3A_294 = arith.constant 0 : i32
        %dma_wait3A_295 = arith.constant 0 : i32
        %dma_wait3A_296 = tpu.memref_slice %arg4[%dma_wait3A_294, %dma_wait3A_295] : memref<10000x64xf32, #tpu.memory_space<hbm>> -> memref<10000x64xf32, #tpu.memory_space<hbm>>
        tpu.wait_indirect_dma semaphore(%arg23 : memref<!tpu.dma_semaphore, #tpu.memory_space<semaphore_mem>>) src(%dma_wait3A_296 : memref<10000x64xf32, #tpu.memory_space<hbm>>) dst(%dma_wait3A_290 : memref<128x64xf32, #tpu.memory_space<vmem>>)
        %dma_start3A_297 = arith.constant 0 : i32
        %dma_start3A_298 = arith.constant 0 : i32
        %dma_start3A_299 = arith.constant 0 : i32
        %dma_start3A_300 = tpu.memref_slice %arg19[%dma_start3A_297, %dma_start3A_298, %dma_start3A_299] : memref<5x128x64xf32, #tpu.memory_space<vmem>> -> memref<1x128x64xf32, #tpu.memory_space<vmem>>
        %dma_start3A_301 = tpu.memref_squeeze %dma_start3A_300 : memref<1x128x64xf32, #tpu.memory_space<vmem>> -> memref<128x64xf32, #tpu.memory_space<vmem>>
        %dma_start3A_302 = arith.constant 0 : i32
        %dma_start3A_303 = tpu.memref_slice %arg18[%add3A_186, %dma_start3A_302] : memref<79x128xi32, #tpu.memory_space<vmem>> -> memref<1x128xi32, #tpu.memory_space<vmem>>
        %dma_start3A_304 = tpu.memref_squeeze %dma_start3A_303 : memref<1x128xi32, #tpu.memory_space<vmem>> -> memref<128xi32, #tpu.memory_space<vmem>>
        %dma_start3A_305 = arith.constant 0 : i32
        %dma_start3A_306 = arith.constant 0 : i32
        %dma_start3A_307 = tpu.memref_slice %arg21[%dma_start3A_305, %dma_start3A_306] : memref<10240x64xf32, #tpu.memory_space<vmem_shared>> -> memref<10240x64xf32, #tpu.memory_space<vmem_shared>>
        tpu.enqueue_indirect_dma source(%dma_start3A_301 : memref<128x64xf32, #tpu.memory_space<vmem>>) target(%dma_start3A_307 : memref<10240x64xf32, #tpu.memory_space<vmem_shared>>) offsets(%dma_start3A_304 : memref<128xi32, #tpu.memory_space<vmem>>) semaphore(%arg28 : memref<!tpu.dma_semaphore, #tpu.memory_space<semaphore_mem>>) {add = true}
        %dma_start3A_308 = arith.constant 0 : i32
        %dma_start3A_309 = tpu.memref_slice %arg18[%add3A_186, %dma_start3A_308] : memref<79x128xi32, #tpu.memory_space<vmem>> -> memref<1x128xi32, #tpu.memory_space<vmem>>
        %dma_start3A_310 = tpu.memref_squeeze %dma_start3A_309 : memref<1x128xi32, #tpu.memory_space<vmem>> -> memref<128xi32, #tpu.memory_space<vmem>>
        %dma_start3A_311 = arith.constant 0 : i32
        %dma_start3A_312 = arith.constant 0 : i32
        %dma_start3A_313 = tpu.memref_slice %arg22[%dma_start3A_311, %dma_start3A_312] : memref<10240x16xf32, #tpu.memory_space<vmem_shared>> -> memref<10240x16xf32, #tpu.memory_space<vmem_shared>>
        tpu.enqueue_indirect_dma source(%arg20 : memref<128x16xf32, #tpu.memory_space<vmem>>) target(%dma_start3A_313 : memref<10240x16xf32, #tpu.memory_space<vmem_shared>>) offsets(%dma_start3A_310 : memref<128xi32, #tpu.memory_space<vmem>>) semaphore(%arg28 : memref<!tpu.dma_semaphore, #tpu.memory_space<semaphore_mem>>) {add = true}
      } else {
      }
      %ge3A = arith.constant 2 : i32
      %ge3A_191 = arith.cmpi sge, %add3A_186, %ge3A : i32
      %sub3A = arith.constant 2 : i32
      %sub3A_192 = arith.subi %add3A_186, %sub3A : i32
      %lt3A_193 = arith.cmpi slt, %sub3A_192, %select_n3A : i32
      %and3A = arith.andi %ge3A_191, %lt3A_193 : i1
      %convert_element_type3A_194 = arith.extui %and3A : i1 to i32
      %cond3A_195 = arith.constant 0 : i32
      %cond3A_196 = arith.cmpi ne, %convert_element_type3A_194, %cond3A_195 : i32
      scf.if %cond3A_196 {
        %sub3A_287 = arith.constant 2 : i32
        %sub3A_288 = arith.subi %add3A_186, %sub3A_287 : i32
        %dma_wait3A = arith.constant 3 : i32
        %dma_wait3A_289 = arith.constant 0 : i32
        %dma_wait3A_290 = arith.constant 0 : i32
        %dma_wait3A_291 = tpu.memref_slice %arg19[%dma_wait3A, %dma_wait3A_289, %dma_wait3A_290] : memref<5x128x64xf32, #tpu.memory_space<vmem>> -> memref<1x128x64xf32, #tpu.memory_space<vmem>>
        %dma_wait3A_292 = tpu.memref_squeeze %dma_wait3A_291 : memref<1x128x64xf32, #tpu.memory_space<vmem>> -> memref<128x64xf32, #tpu.memory_space<vmem>>
        %dma_wait3A_293 = arith.constant 0 : i32
        %dma_wait3A_294 = tpu.memref_slice %arg18[%sub3A_288, %dma_wait3A_293] : memref<79x128xi32, #tpu.memory_space<vmem>> -> memref<1x128xi32, #tpu.memory_space<vmem>>
        %dma_wait3A_295 = tpu.memref_squeeze %dma_wait3A_294 : memref<1x128xi32, #tpu.memory_space<vmem>> -> memref<128xi32, #tpu.memory_space<vmem>>
        %dma_wait3A_296 = arith.constant 0 : i32
        %dma_wait3A_297 = arith.constant 0 : i32
        %dma_wait3A_298 = tpu.memref_slice %arg21[%dma_wait3A_296, %dma_wait3A_297] : memref<10240x64xf32, #tpu.memory_space<vmem_shared>> -> memref<10240x64xf32, #tpu.memory_space<vmem_shared>>
        tpu.wait_indirect_dma semaphore(%arg31 : memref<!tpu.dma_semaphore, #tpu.memory_space<semaphore_mem>>) src(%dma_wait3A_292 : memref<128x64xf32, #tpu.memory_space<vmem>>) dst(%dma_wait3A_298 : memref<10240x64xf32, #tpu.memory_space<vmem_shared>>)
        %dma_wait3A_299 = arith.constant 0 : i32
        %dma_wait3A_300 = tpu.memref_slice %arg18[%sub3A_288, %dma_wait3A_299] : memref<79x128xi32, #tpu.memory_space<vmem>> -> memref<1x128xi32, #tpu.memory_space<vmem>>
        %dma_wait3A_301 = tpu.memref_squeeze %dma_wait3A_300 : memref<1x128xi32, #tpu.memory_space<vmem>> -> memref<128xi32, #tpu.memory_space<vmem>>
        %dma_wait3A_302 = arith.constant 0 : i32
        %dma_wait3A_303 = arith.constant 0 : i32
        %dma_wait3A_304 = tpu.memref_slice %arg22[%dma_wait3A_302, %dma_wait3A_303] : memref<10240x16xf32, #tpu.memory_space<vmem_shared>> -> memref<10240x16xf32, #tpu.memory_space<vmem_shared>>
        tpu.wait_indirect_dma semaphore(%arg31 : memref<!tpu.dma_semaphore, #tpu.memory_space<semaphore_mem>>) src(%arg20 : memref<128x16xf32, #tpu.memory_space<vmem>>) dst(%dma_wait3A_304 : memref<10240x16xf32, #tpu.memory_space<vmem_shared>>)
      } else {
      }
      %add3A_197 = arith.constant 3 : i32
      %add3A_198 = arith.addi %add3A_186, %add3A_197 : i32
      %lt3A_199 = arith.cmpi slt, %add3A_198, %select_n3A : i32
      %convert_element_type3A_200 = arith.extui %lt3A_199 : i1 to i32
      %cond3A_201 = arith.constant 0 : i32
      %cond3A_202 = arith.cmpi ne, %convert_element_type3A_200, %cond3A_201 : i32
      scf.if %cond3A_202 {
        %add3A_287 = arith.constant 3 : i32
        %add3A_288 = arith.addi %add3A_186, %add3A_287 : i32
        %dma_start3A_289 = arith.constant 3 : i32
        %dma_start3A_290 = arith.constant 0 : i32
        %dma_start3A_291 = arith.constant 0 : i32
        %dma_start3A_292 = tpu.memref_slice %arg19[%dma_start3A_289, %dma_start3A_290, %dma_start3A_291] : memref<5x128x64xf32, #tpu.memory_space<vmem>> -> memref<1x128x64xf32, #tpu.memory_space<vmem>>
        %dma_start3A_293 = tpu.memref_squeeze %dma_start3A_292 : memref<1x128x64xf32, #tpu.memory_space<vmem>> -> memref<128x64xf32, #tpu.memory_space<vmem>>
        %dma_start3A_294 = arith.constant 0 : i32
        %dma_start3A_295 = tpu.memref_slice %arg17[%add3A_288, %dma_start3A_294] : memref<79x128xi32, #tpu.memory_space<vmem>> -> memref<1x128xi32, #tpu.memory_space<vmem>>
        %dma_start3A_296 = tpu.memref_squeeze %dma_start3A_295 : memref<1x128xi32, #tpu.memory_space<vmem>> -> memref<128xi32, #tpu.memory_space<vmem>>
        %dma_start3A_297 = arith.constant 0 : i32
        %dma_start3A_298 = arith.constant 0 : i32
        %dma_start3A_299 = tpu.memref_slice %arg4[%dma_start3A_297, %dma_start3A_298] : memref<10000x64xf32, #tpu.memory_space<hbm>> -> memref<10000x64xf32, #tpu.memory_space<hbm>>
        tpu.enqueue_indirect_dma source(%dma_start3A_299 : memref<10000x64xf32, #tpu.memory_space<hbm>>) target(%dma_start3A_293 : memref<128x64xf32, #tpu.memory_space<vmem>>) offsets(%dma_start3A_296 : memref<128xi32, #tpu.memory_space<vmem>>) semaphore(%arg26 : memref<!tpu.dma_semaphore, #tpu.memory_space<semaphore_mem>>)
      } else {
      }
      %add3A_203 = arith.constant 1 : i32
      %add3A_204 = arith.addi %mul3A_184, %add3A_203 : i32
      %lt3A_205 = arith.cmpi slt, %add3A_204, %select_n3A : i32
      %convert_element_type3A_206 = arith.extui %lt3A_205 : i1 to i32
      %cond3A_207 = arith.constant 0 : i32
      %cond3A_208 = arith.cmpi ne, %convert_element_type3A_206, %cond3A_207 : i32
      scf.if %cond3A_208 {
        %dma_wait3A = arith.constant 1 : i32
        %dma_wait3A_287 = arith.constant 0 : i32
        %dma_wait3A_288 = arith.constant 0 : i32
        %dma_wait3A_289 = tpu.memref_slice %arg19[%dma_wait3A, %dma_wait3A_287, %dma_wait3A_288] : memref<5x128x64xf32, #tpu.memory_space<vmem>> -> memref<1x128x64xf32, #tpu.memory_space<vmem>>
        %dma_wait3A_290 = tpu.memref_squeeze %dma_wait3A_289 : memref<1x128x64xf32, #tpu.memory_space<vmem>> -> memref<128x64xf32, #tpu.memory_space<vmem>>
        %dma_wait3A_291 = arith.constant 0 : i32
        %dma_wait3A_292 = tpu.memref_slice %arg17[%add3A_204, %dma_wait3A_291] : memref<79x128xi32, #tpu.memory_space<vmem>> -> memref<1x128xi32, #tpu.memory_space<vmem>>
        %dma_wait3A_293 = tpu.memref_squeeze %dma_wait3A_292 : memref<1x128xi32, #tpu.memory_space<vmem>> -> memref<128xi32, #tpu.memory_space<vmem>>
        %dma_wait3A_294 = arith.constant 0 : i32
        %dma_wait3A_295 = arith.constant 0 : i32
        %dma_wait3A_296 = tpu.memref_slice %arg4[%dma_wait3A_294, %dma_wait3A_295] : memref<10000x64xf32, #tpu.memory_space<hbm>> -> memref<10000x64xf32, #tpu.memory_space<hbm>>
        tpu.wait_indirect_dma semaphore(%arg24 : memref<!tpu.dma_semaphore, #tpu.memory_space<semaphore_mem>>) src(%dma_wait3A_296 : memref<10000x64xf32, #tpu.memory_space<hbm>>) dst(%dma_wait3A_290 : memref<128x64xf32, #tpu.memory_space<vmem>>)
        %dma_start3A_297 = arith.constant 1 : i32
        %dma_start3A_298 = arith.constant 0 : i32
        %dma_start3A_299 = arith.constant 0 : i32
        %dma_start3A_300 = tpu.memref_slice %arg19[%dma_start3A_297, %dma_start3A_298, %dma_start3A_299] : memref<5x128x64xf32, #tpu.memory_space<vmem>> -> memref<1x128x64xf32, #tpu.memory_space<vmem>>
        %dma_start3A_301 = tpu.memref_squeeze %dma_start3A_300 : memref<1x128x64xf32, #tpu.memory_space<vmem>> -> memref<128x64xf32, #tpu.memory_space<vmem>>
        %dma_start3A_302 = arith.constant 0 : i32
        %dma_start3A_303 = tpu.memref_slice %arg18[%add3A_204, %dma_start3A_302] : memref<79x128xi32, #tpu.memory_space<vmem>> -> memref<1x128xi32, #tpu.memory_space<vmem>>
        %dma_start3A_304 = tpu.memref_squeeze %dma_start3A_303 : memref<1x128xi32, #tpu.memory_space<vmem>> -> memref<128xi32, #tpu.memory_space<vmem>>
        %dma_start3A_305 = arith.constant 0 : i32
        %dma_start3A_306 = arith.constant 0 : i32
        %dma_start3A_307 = tpu.memref_slice %arg21[%dma_start3A_305, %dma_start3A_306] : memref<10240x64xf32, #tpu.memory_space<vmem_shared>> -> memref<10240x64xf32, #tpu.memory_space<vmem_shared>>
        tpu.enqueue_indirect_dma source(%dma_start3A_301 : memref<128x64xf32, #tpu.memory_space<vmem>>) target(%dma_start3A_307 : memref<10240x64xf32, #tpu.memory_space<vmem_shared>>) offsets(%dma_start3A_304 : memref<128xi32, #tpu.memory_space<vmem>>) semaphore(%arg29 : memref<!tpu.dma_semaphore, #tpu.memory_space<semaphore_mem>>) {add = true}
        %dma_start3A_308 = arith.constant 0 : i32
        %dma_start3A_309 = tpu.memref_slice %arg18[%add3A_204, %dma_start3A_308] : memref<79x128xi32, #tpu.memory_space<vmem>> -> memref<1x128xi32, #tpu.memory_space<vmem>>
        %dma_start3A_310 = tpu.memref_squeeze %dma_start3A_309 : memref<1x128xi32, #tpu.memory_space<vmem>> -> memref<128xi32, #tpu.memory_space<vmem>>
        %dma_start3A_311 = arith.constant 0 : i32
        %dma_start3A_312 = arith.constant 0 : i32
        %dma_start3A_313 = tpu.memref_slice %arg22[%dma_start3A_311, %dma_start3A_312] : memref<10240x16xf32, #tpu.memory_space<vmem_shared>> -> memref<10240x16xf32, #tpu.memory_space<vmem_shared>>
        tpu.enqueue_indirect_dma source(%arg20 : memref<128x16xf32, #tpu.memory_space<vmem>>) target(%dma_start3A_313 : memref<10240x16xf32, #tpu.memory_space<vmem_shared>>) offsets(%dma_start3A_310 : memref<128xi32, #tpu.memory_space<vmem>>) semaphore(%arg29 : memref<!tpu.dma_semaphore, #tpu.memory_space<semaphore_mem>>) {add = true}
      } else {
      }
      %ge3A_209 = arith.constant 2 : i32
      %ge3A_210 = arith.cmpi sge, %add3A_204, %ge3A_209 : i32
      %sub3A_211 = arith.constant 2 : i32
      %sub3A_212 = arith.subi %add3A_204, %sub3A_211 : i32
      %lt3A_213 = arith.cmpi slt, %sub3A_212, %select_n3A : i32
      %and3A_214 = arith.andi %ge3A_210, %lt3A_213 : i1
      %convert_element_type3A_215 = arith.extui %and3A_214 : i1 to i32
      %cond3A_216 = arith.constant 0 : i32
      %cond3A_217 = arith.cmpi ne, %convert_element_type3A_215, %cond3A_216 : i32
      scf.if %cond3A_217 {
        %sub3A_287 = arith.constant 2 : i32
        %sub3A_288 = arith.subi %add3A_204, %sub3A_287 : i32
        %dma_wait3A = arith.constant 4 : i32
        %dma_wait3A_289 = arith.constant 0 : i32
        %dma_wait3A_290 = arith.constant 0 : i32
        %dma_wait3A_291 = tpu.memref_slice %arg19[%dma_wait3A, %dma_wait3A_289, %dma_wait3A_290] : memref<5x128x64xf32, #tpu.memory_space<vmem>> -> memref<1x128x64xf32, #tpu.memory_space<vmem>>
        %dma_wait3A_292 = tpu.memref_squeeze %dma_wait3A_291 : memref<1x128x64xf32, #tpu.memory_space<vmem>> -> memref<128x64xf32, #tpu.memory_space<vmem>>
        %dma_wait3A_293 = arith.constant 0 : i32
        %dma_wait3A_294 = tpu.memref_slice %arg18[%sub3A_288, %dma_wait3A_293] : memref<79x128xi32, #tpu.memory_space<vmem>> -> memref<1x128xi32, #tpu.memory_space<vmem>>
        %dma_wait3A_295 = tpu.memref_squeeze %dma_wait3A_294 : memref<1x128xi32, #tpu.memory_space<vmem>> -> memref<128xi32, #tpu.memory_space<vmem>>
        %dma_wait3A_296 = arith.constant 0 : i32
        %dma_wait3A_297 = arith.constant 0 : i32
        %dma_wait3A_298 = tpu.memref_slice %arg21[%dma_wait3A_296, %dma_wait3A_297] : memref<10240x64xf32, #tpu.memory_space<vmem_shared>> -> memref<10240x64xf32, #tpu.memory_space<vmem_shared>>
        tpu.wait_indirect_dma semaphore(%arg32 : memref<!tpu.dma_semaphore, #tpu.memory_space<semaphore_mem>>) src(%dma_wait3A_292 : memref<128x64xf32, #tpu.memory_space<vmem>>) dst(%dma_wait3A_298 : memref<10240x64xf32, #tpu.memory_space<vmem_shared>>)
        %dma_wait3A_299 = arith.constant 0 : i32
        %dma_wait3A_300 = tpu.memref_slice %arg18[%sub3A_288, %dma_wait3A_299] : memref<79x128xi32, #tpu.memory_space<vmem>> -> memref<1x128xi32, #tpu.memory_space<vmem>>
        %dma_wait3A_301 = tpu.memref_squeeze %dma_wait3A_300 : memref<1x128xi32, #tpu.memory_space<vmem>> -> memref<128xi32, #tpu.memory_space<vmem>>
        %dma_wait3A_302 = arith.constant 0 : i32
        %dma_wait3A_303 = arith.constant 0 : i32
        %dma_wait3A_304 = tpu.memref_slice %arg22[%dma_wait3A_302, %dma_wait3A_303] : memref<10240x16xf32, #tpu.memory_space<vmem_shared>> -> memref<10240x16xf32, #tpu.memory_space<vmem_shared>>
        tpu.wait_indirect_dma semaphore(%arg32 : memref<!tpu.dma_semaphore, #tpu.memory_space<semaphore_mem>>) src(%arg20 : memref<128x16xf32, #tpu.memory_space<vmem>>) dst(%dma_wait3A_304 : memref<10240x16xf32, #tpu.memory_space<vmem_shared>>)
      } else {
      }
      %add3A_218 = arith.constant 3 : i32
      %add3A_219 = arith.addi %add3A_204, %add3A_218 : i32
      %lt3A_220 = arith.cmpi slt, %add3A_219, %select_n3A : i32
      %convert_element_type3A_221 = arith.extui %lt3A_220 : i1 to i32
      %cond3A_222 = arith.constant 0 : i32
      %cond3A_223 = arith.cmpi ne, %convert_element_type3A_221, %cond3A_222 : i32
      scf.if %cond3A_223 {
        %add3A_287 = arith.constant 3 : i32
        %add3A_288 = arith.addi %add3A_204, %add3A_287 : i32
        %dma_start3A_289 = arith.constant 4 : i32
        %dma_start3A_290 = arith.constant 0 : i32
        %dma_start3A_291 = arith.constant 0 : i32
        %dma_start3A_292 = tpu.memref_slice %arg19[%dma_start3A_289, %dma_start3A_290, %dma_start3A_291] : memref<5x128x64xf32, #tpu.memory_space<vmem>> -> memref<1x128x64xf32, #tpu.memory_space<vmem>>
        %dma_start3A_293 = tpu.memref_squeeze %dma_start3A_292 : memref<1x128x64xf32, #tpu.memory_space<vmem>> -> memref<128x64xf32, #tpu.memory_space<vmem>>
        %dma_start3A_294 = arith.constant 0 : i32
        %dma_start3A_295 = tpu.memref_slice %arg17[%add3A_288, %dma_start3A_294] : memref<79x128xi32, #tpu.memory_space<vmem>> -> memref<1x128xi32, #tpu.memory_space<vmem>>
        %dma_start3A_296 = tpu.memref_squeeze %dma_start3A_295 : memref<1x128xi32, #tpu.memory_space<vmem>> -> memref<128xi32, #tpu.memory_space<vmem>>
        %dma_start3A_297 = arith.constant 0 : i32
        %dma_start3A_298 = arith.constant 0 : i32
        %dma_start3A_299 = tpu.memref_slice %arg4[%dma_start3A_297, %dma_start3A_298] : memref<10000x64xf32, #tpu.memory_space<hbm>> -> memref<10000x64xf32, #tpu.memory_space<hbm>>
        tpu.enqueue_indirect_dma source(%dma_start3A_299 : memref<10000x64xf32, #tpu.memory_space<hbm>>) target(%dma_start3A_293 : memref<128x64xf32, #tpu.memory_space<vmem>>) offsets(%dma_start3A_296 : memref<128xi32, #tpu.memory_space<vmem>>) semaphore(%arg27 : memref<!tpu.dma_semaphore, #tpu.memory_space<semaphore_mem>>)
      } else {
      }
      %add3A_224 = arith.constant 2 : i32
      %add3A_225 = arith.addi %mul3A_184, %add3A_224 : i32
      %lt3A_226 = arith.cmpi slt, %add3A_225, %select_n3A : i32
      %convert_element_type3A_227 = arith.extui %lt3A_226 : i1 to i32
      %cond3A_228 = arith.constant 0 : i32
      %cond3A_229 = arith.cmpi ne, %convert_element_type3A_227, %cond3A_228 : i32
      scf.if %cond3A_229 {
        %dma_wait3A = arith.constant 2 : i32
        %dma_wait3A_287 = arith.constant 0 : i32
        %dma_wait3A_288 = arith.constant 0 : i32
        %dma_wait3A_289 = tpu.memref_slice %arg19[%dma_wait3A, %dma_wait3A_287, %dma_wait3A_288] : memref<5x128x64xf32, #tpu.memory_space<vmem>> -> memref<1x128x64xf32, #tpu.memory_space<vmem>>
        %dma_wait3A_290 = tpu.memref_squeeze %dma_wait3A_289 : memref<1x128x64xf32, #tpu.memory_space<vmem>> -> memref<128x64xf32, #tpu.memory_space<vmem>>
        %dma_wait3A_291 = arith.constant 0 : i32
        %dma_wait3A_292 = tpu.memref_slice %arg17[%add3A_225, %dma_wait3A_291] : memref<79x128xi32, #tpu.memory_space<vmem>> -> memref<1x128xi32, #tpu.memory_space<vmem>>
        %dma_wait3A_293 = tpu.memref_squeeze %dma_wait3A_292 : memref<1x128xi32, #tpu.memory_space<vmem>> -> memref<128xi32, #tpu.memory_space<vmem>>
        %dma_wait3A_294 = arith.constant 0 : i32
        %dma_wait3A_295 = arith.constant 0 : i32
        %dma_wait3A_296 = tpu.memref_slice %arg4[%dma_wait3A_294, %dma_wait3A_295] : memref<10000x64xf32, #tpu.memory_space<hbm>> -> memref<10000x64xf32, #tpu.memory_space<hbm>>
        tpu.wait_indirect_dma semaphore(%arg25 : memref<!tpu.dma_semaphore, #tpu.memory_space<semaphore_mem>>) src(%dma_wait3A_296 : memref<10000x64xf32, #tpu.memory_space<hbm>>) dst(%dma_wait3A_290 : memref<128x64xf32, #tpu.memory_space<vmem>>)
        %dma_start3A_297 = arith.constant 2 : i32
        %dma_start3A_298 = arith.constant 0 : i32
        %dma_start3A_299 = arith.constant 0 : i32
        %dma_start3A_300 = tpu.memref_slice %arg19[%dma_start3A_297, %dma_start3A_298, %dma_start3A_299] : memref<5x128x64xf32, #tpu.memory_space<vmem>> -> memref<1x128x64xf32, #tpu.memory_space<vmem>>
        %dma_start3A_301 = tpu.memref_squeeze %dma_start3A_300 : memref<1x128x64xf32, #tpu.memory_space<vmem>> -> memref<128x64xf32, #tpu.memory_space<vmem>>
        %dma_start3A_302 = arith.constant 0 : i32
        %dma_start3A_303 = tpu.memref_slice %arg18[%add3A_225, %dma_start3A_302] : memref<79x128xi32, #tpu.memory_space<vmem>> -> memref<1x128xi32, #tpu.memory_space<vmem>>
        %dma_start3A_304 = tpu.memref_squeeze %dma_start3A_303 : memref<1x128xi32, #tpu.memory_space<vmem>> -> memref<128xi32, #tpu.memory_space<vmem>>
        %dma_start3A_305 = arith.constant 0 : i32
        %dma_start3A_306 = arith.constant 0 : i32
        %dma_start3A_307 = tpu.memref_slice %arg21[%dma_start3A_305, %dma_start3A_306] : memref<10240x64xf32, #tpu.memory_space<vmem_shared>> -> memref<10240x64xf32, #tpu.memory_space<vmem_shared>>
        tpu.enqueue_indirect_dma source(%dma_start3A_301 : memref<128x64xf32, #tpu.memory_space<vmem>>) target(%dma_start3A_307 : memref<10240x64xf32, #tpu.memory_space<vmem_shared>>) offsets(%dma_start3A_304 : memref<128xi32, #tpu.memory_space<vmem>>) semaphore(%arg30 : memref<!tpu.dma_semaphore, #tpu.memory_space<semaphore_mem>>) {add = true}
        %dma_start3A_308 = arith.constant 0 : i32
        %dma_start3A_309 = tpu.memref_slice %arg18[%add3A_225, %dma_start3A_308] : memref<79x128xi32, #tpu.memory_space<vmem>> -> memref<1x128xi32, #tpu.memory_space<vmem>>
        %dma_start3A_310 = tpu.memref_squeeze %dma_start3A_309 : memref<1x128xi32, #tpu.memory_space<vmem>> -> memref<128xi32, #tpu.memory_space<vmem>>
        %dma_start3A_311 = arith.constant 0 : i32
        %dma_start3A_312 = arith.constant 0 : i32
        %dma_start3A_313 = tpu.memref_slice %arg22[%dma_start3A_311, %dma_start3A_312] : memref<10240x16xf32, #tpu.memory_space<vmem_shared>> -> memref<10240x16xf32, #tpu.memory_space<vmem_shared>>
        tpu.enqueue_indirect_dma source(%arg20 : memref<128x16xf32, #tpu.memory_space<vmem>>) target(%dma_start3A_313 : memref<10240x16xf32, #tpu.memory_space<vmem_shared>>) offsets(%dma_start3A_310 : memref<128xi32, #tpu.memory_space<vmem>>) semaphore(%arg30 : memref<!tpu.dma_semaphore, #tpu.memory_space<semaphore_mem>>) {add = true}
      } else {
      }
      %ge3A_230 = arith.constant 2 : i32
      %ge3A_231 = arith.cmpi sge, %add3A_225, %ge3A_230 : i32
      %sub3A_232 = arith.constant 2 : i32
      %sub3A_233 = arith.subi %add3A_225, %sub3A_232 : i32
      %lt3A_234 = arith.cmpi slt, %sub3A_233, %select_n3A : i32
      %and3A_235 = arith.andi %ge3A_231, %lt3A_234 : i1
      %convert_element_type3A_236 = arith.extui %and3A_235 : i1 to i32
      %cond3A_237 = arith.constant 0 : i32
      %cond3A_238 = arith.cmpi ne, %convert_element_type3A_236, %cond3A_237 : i32
      scf.if %cond3A_238 {
        %sub3A_287 = arith.constant 2 : i32
        %sub3A_288 = arith.subi %add3A_225, %sub3A_287 : i32
        %dma_wait3A = arith.constant 0 : i32
        %dma_wait3A_289 = arith.constant 0 : i32
        %dma_wait3A_290 = arith.constant 0 : i32
        %dma_wait3A_291 = tpu.memref_slice %arg19[%dma_wait3A, %dma_wait3A_289, %dma_wait3A_290] : memref<5x128x64xf32, #tpu.memory_space<vmem>> -> memref<1x128x64xf32, #tpu.memory_space<vmem>>
        %dma_wait3A_292 = tpu.memref_squeeze %dma_wait3A_291 : memref<1x128x64xf32, #tpu.memory_space<vmem>> -> memref<128x64xf32, #tpu.memory_space<vmem>>
        %dma_wait3A_293 = arith.constant 0 : i32
        %dma_wait3A_294 = tpu.memref_slice %arg18[%sub3A_288, %dma_wait3A_293] : memref<79x128xi32, #tpu.memory_space<vmem>> -> memref<1x128xi32, #tpu.memory_space<vmem>>
        %dma_wait3A_295 = tpu.memref_squeeze %dma_wait3A_294 : memref<1x128xi32, #tpu.memory_space<vmem>> -> memref<128xi32, #tpu.memory_space<vmem>>
        %dma_wait3A_296 = arith.constant 0 : i32
        %dma_wait3A_297 = arith.constant 0 : i32
        %dma_wait3A_298 = tpu.memref_slice %arg21[%dma_wait3A_296, %dma_wait3A_297] : memref<10240x64xf32, #tpu.memory_space<vmem_shared>> -> memref<10240x64xf32, #tpu.memory_space<vmem_shared>>
        tpu.wait_indirect_dma semaphore(%arg28 : memref<!tpu.dma_semaphore, #tpu.memory_space<semaphore_mem>>) src(%dma_wait3A_292 : memref<128x64xf32, #tpu.memory_space<vmem>>) dst(%dma_wait3A_298 : memref<10240x64xf32, #tpu.memory_space<vmem_shared>>)
        %dma_wait3A_299 = arith.constant 0 : i32
        %dma_wait3A_300 = tpu.memref_slice %arg18[%sub3A_288, %dma_wait3A_299] : memref<79x128xi32, #tpu.memory_space<vmem>> -> memref<1x128xi32, #tpu.memory_space<vmem>>
        %dma_wait3A_301 = tpu.memref_squeeze %dma_wait3A_300 : memref<1x128xi32, #tpu.memory_space<vmem>> -> memref<128xi32, #tpu.memory_space<vmem>>
        %dma_wait3A_302 = arith.constant 0 : i32
        %dma_wait3A_303 = arith.constant 0 : i32
        %dma_wait3A_304 = tpu.memref_slice %arg22[%dma_wait3A_302, %dma_wait3A_303] : memref<10240x16xf32, #tpu.memory_space<vmem_shared>> -> memref<10240x16xf32, #tpu.memory_space<vmem_shared>>
        tpu.wait_indirect_dma semaphore(%arg28 : memref<!tpu.dma_semaphore, #tpu.memory_space<semaphore_mem>>) src(%arg20 : memref<128x16xf32, #tpu.memory_space<vmem>>) dst(%dma_wait3A_304 : memref<10240x16xf32, #tpu.memory_space<vmem_shared>>)
      } else {
      }
      %add3A_239 = arith.constant 3 : i32
      %add3A_240 = arith.addi %add3A_225, %add3A_239 : i32
      %lt3A_241 = arith.cmpi slt, %add3A_240, %select_n3A : i32
      %convert_element_type3A_242 = arith.extui %lt3A_241 : i1 to i32
      %cond3A_243 = arith.constant 0 : i32
      %cond3A_244 = arith.cmpi ne, %convert_element_type3A_242, %cond3A_243 : i32
      scf.if %cond3A_244 {
        %add3A_287 = arith.constant 3 : i32
        %add3A_288 = arith.addi %add3A_225, %add3A_287 : i32
        %dma_start3A_289 = arith.constant 0 : i32
        %dma_start3A_290 = arith.constant 0 : i32
        %dma_start3A_291 = arith.constant 0 : i32
        %dma_start3A_292 = tpu.memref_slice %arg19[%dma_start3A_289, %dma_start3A_290, %dma_start3A_291] : memref<5x128x64xf32, #tpu.memory_space<vmem>> -> memref<1x128x64xf32, #tpu.memory_space<vmem>>
        %dma_start3A_293 = tpu.memref_squeeze %dma_start3A_292 : memref<1x128x64xf32, #tpu.memory_space<vmem>> -> memref<128x64xf32, #tpu.memory_space<vmem>>
        %dma_start3A_294 = arith.constant 0 : i32
        %dma_start3A_295 = tpu.memref_slice %arg17[%add3A_288, %dma_start3A_294] : memref<79x128xi32, #tpu.memory_space<vmem>> -> memref<1x128xi32, #tpu.memory_space<vmem>>
        %dma_start3A_296 = tpu.memref_squeeze %dma_start3A_295 : memref<1x128xi32, #tpu.memory_space<vmem>> -> memref<128xi32, #tpu.memory_space<vmem>>
        %dma_start3A_297 = arith.constant 0 : i32
        %dma_start3A_298 = arith.constant 0 : i32
        %dma_start3A_299 = tpu.memref_slice %arg4[%dma_start3A_297, %dma_start3A_298] : memref<10000x64xf32, #tpu.memory_space<hbm>> -> memref<10000x64xf32, #tpu.memory_space<hbm>>
        tpu.enqueue_indirect_dma source(%dma_start3A_299 : memref<10000x64xf32, #tpu.memory_space<hbm>>) target(%dma_start3A_293 : memref<128x64xf32, #tpu.memory_space<vmem>>) offsets(%dma_start3A_296 : memref<128xi32, #tpu.memory_space<vmem>>) semaphore(%arg23 : memref<!tpu.dma_semaphore, #tpu.memory_space<semaphore_mem>>)
      } else {
      }
      %add3A_245 = arith.constant 3 : i32
      %add3A_246 = arith.addi %mul3A_184, %add3A_245 : i32
      %lt3A_247 = arith.cmpi slt, %add3A_246, %select_n3A : i32
      %convert_element_type3A_248 = arith.extui %lt3A_247 : i1 to i32
      %cond3A_249 = arith.constant 0 : i32
      %cond3A_250 = arith.cmpi ne, %convert_element_type3A_248, %cond3A_249 : i32
      scf.if %cond3A_250 {
        %dma_wait3A = arith.constant 3 : i32
        %dma_wait3A_287 = arith.constant 0 : i32
        %dma_wait3A_288 = arith.constant 0 : i32
        %dma_wait3A_289 = tpu.memref_slice %arg19[%dma_wait3A, %dma_wait3A_287, %dma_wait3A_288] : memref<5x128x64xf32, #tpu.memory_space<vmem>> -> memref<1x128x64xf32, #tpu.memory_space<vmem>>
        %dma_wait3A_290 = tpu.memref_squeeze %dma_wait3A_289 : memref<1x128x64xf32, #tpu.memory_space<vmem>> -> memref<128x64xf32, #tpu.memory_space<vmem>>
        %dma_wait3A_291 = arith.constant 0 : i32
        %dma_wait3A_292 = tpu.memref_slice %arg17[%add3A_246, %dma_wait3A_291] : memref<79x128xi32, #tpu.memory_space<vmem>> -> memref<1x128xi32, #tpu.memory_space<vmem>>
        %dma_wait3A_293 = tpu.memref_squeeze %dma_wait3A_292 : memref<1x128xi32, #tpu.memory_space<vmem>> -> memref<128xi32, #tpu.memory_space<vmem>>
        %dma_wait3A_294 = arith.constant 0 : i32
        %dma_wait3A_295 = arith.constant 0 : i32
        %dma_wait3A_296 = tpu.memref_slice %arg4[%dma_wait3A_294, %dma_wait3A_295] : memref<10000x64xf32, #tpu.memory_space<hbm>> -> memref<10000x64xf32, #tpu.memory_space<hbm>>
        tpu.wait_indirect_dma semaphore(%arg26 : memref<!tpu.dma_semaphore, #tpu.memory_space<semaphore_mem>>) src(%dma_wait3A_296 : memref<10000x64xf32, #tpu.memory_space<hbm>>) dst(%dma_wait3A_290 : memref<128x64xf32, #tpu.memory_space<vmem>>)
        %dma_start3A_297 = arith.constant 3 : i32
        %dma_start3A_298 = arith.constant 0 : i32
        %dma_start3A_299 = arith.constant 0 : i32
        %dma_start3A_300 = tpu.memref_slice %arg19[%dma_start3A_297, %dma_start3A_298, %dma_start3A_299] : memref<5x128x64xf32, #tpu.memory_space<vmem>> -> memref<1x128x64xf32, #tpu.memory_space<vmem>>
        %dma_start3A_301 = tpu.memref_squeeze %dma_start3A_300 : memref<1x128x64xf32, #tpu.memory_space<vmem>> -> memref<128x64xf32, #tpu.memory_space<vmem>>
        %dma_start3A_302 = arith.constant 0 : i32
        %dma_start3A_303 = tpu.memref_slice %arg18[%add3A_246, %dma_start3A_302] : memref<79x128xi32, #tpu.memory_space<vmem>> -> memref<1x128xi32, #tpu.memory_space<vmem>>
        %dma_start3A_304 = tpu.memref_squeeze %dma_start3A_303 : memref<1x128xi32, #tpu.memory_space<vmem>> -> memref<128xi32, #tpu.memory_space<vmem>>
        %dma_start3A_305 = arith.constant 0 : i32
        %dma_start3A_306 = arith.constant 0 : i32
        %dma_start3A_307 = tpu.memref_slice %arg21[%dma_start3A_305, %dma_start3A_306] : memref<10240x64xf32, #tpu.memory_space<vmem_shared>> -> memref<10240x64xf32, #tpu.memory_space<vmem_shared>>
        tpu.enqueue_indirect_dma source(%dma_start3A_301 : memref<128x64xf32, #tpu.memory_space<vmem>>) target(%dma_start3A_307 : memref<10240x64xf32, #tpu.memory_space<vmem_shared>>) offsets(%dma_start3A_304 : memref<128xi32, #tpu.memory_space<vmem>>) semaphore(%arg31 : memref<!tpu.dma_semaphore, #tpu.memory_space<semaphore_mem>>) {add = true}
        %dma_start3A_308 = arith.constant 0 : i32
        %dma_start3A_309 = tpu.memref_slice %arg18[%add3A_246, %dma_start3A_308] : memref<79x128xi32, #tpu.memory_space<vmem>> -> memref<1x128xi32, #tpu.memory_space<vmem>>
        %dma_start3A_310 = tpu.memref_squeeze %dma_start3A_309 : memref<1x128xi32, #tpu.memory_space<vmem>> -> memref<128xi32, #tpu.memory_space<vmem>>
        %dma_start3A_311 = arith.constant 0 : i32
        %dma_start3A_312 = arith.constant 0 : i32
        %dma_start3A_313 = tpu.memref_slice %arg22[%dma_start3A_311, %dma_start3A_312] : memref<10240x16xf32, #tpu.memory_space<vmem_shared>> -> memref<10240x16xf32, #tpu.memory_space<vmem_shared>>
        tpu.enqueue_indirect_dma source(%arg20 : memref<128x16xf32, #tpu.memory_space<vmem>>) target(%dma_start3A_313 : memref<10240x16xf32, #tpu.memory_space<vmem_shared>>) offsets(%dma_start3A_310 : memref<128xi32, #tpu.memory_space<vmem>>) semaphore(%arg31 : memref<!tpu.dma_semaphore, #tpu.memory_space<semaphore_mem>>) {add = true}
      } else {
      }
      %ge3A_251 = arith.constant 2 : i32
      %ge3A_252 = arith.cmpi sge, %add3A_246, %ge3A_251 : i32
      %sub3A_253 = arith.constant 2 : i32
      %sub3A_254 = arith.subi %add3A_246, %sub3A_253 : i32
      %lt3A_255 = arith.cmpi slt, %sub3A_254, %select_n3A : i32
      %and3A_256 = arith.andi %ge3A_252, %lt3A_255 : i1
      %convert_element_type3A_257 = arith.extui %and3A_256 : i1 to i32
      %cond3A_258 = arith.constant 0 : i32
      %cond3A_259 = arith.cmpi ne, %convert_element_type3A_257, %cond3A_258 : i32
      scf.if %cond3A_259 {
        %sub3A_287 = arith.constant 2 : i32
        %sub3A_288 = arith.subi %add3A_246, %sub3A_287 : i32
        %dma_wait3A = arith.constant 1 : i32
        %dma_wait3A_289 = arith.constant 0 : i32
        %dma_wait3A_290 = arith.constant 0 : i32
        %dma_wait3A_291 = tpu.memref_slice %arg19[%dma_wait3A, %dma_wait3A_289, %dma_wait3A_290] : memref<5x128x64xf32, #tpu.memory_space<vmem>> -> memref<1x128x64xf32, #tpu.memory_space<vmem>>
        %dma_wait3A_292 = tpu.memref_squeeze %dma_wait3A_291 : memref<1x128x64xf32, #tpu.memory_space<vmem>> -> memref<128x64xf32, #tpu.memory_space<vmem>>
        %dma_wait3A_293 = arith.constant 0 : i32
        %dma_wait3A_294 = tpu.memref_slice %arg18[%sub3A_288, %dma_wait3A_293] : memref<79x128xi32, #tpu.memory_space<vmem>> -> memref<1x128xi32, #tpu.memory_space<vmem>>
        %dma_wait3A_295 = tpu.memref_squeeze %dma_wait3A_294 : memref<1x128xi32, #tpu.memory_space<vmem>> -> memref<128xi32, #tpu.memory_space<vmem>>
        %dma_wait3A_296 = arith.constant 0 : i32
        %dma_wait3A_297 = arith.constant 0 : i32
        %dma_wait3A_298 = tpu.memref_slice %arg21[%dma_wait3A_296, %dma_wait3A_297] : memref<10240x64xf32, #tpu.memory_space<vmem_shared>> -> memref<10240x64xf32, #tpu.memory_space<vmem_shared>>
        tpu.wait_indirect_dma semaphore(%arg29 : memref<!tpu.dma_semaphore, #tpu.memory_space<semaphore_mem>>) src(%dma_wait3A_292 : memref<128x64xf32, #tpu.memory_space<vmem>>) dst(%dma_wait3A_298 : memref<10240x64xf32, #tpu.memory_space<vmem_shared>>)
        %dma_wait3A_299 = arith.constant 0 : i32
        %dma_wait3A_300 = tpu.memref_slice %arg18[%sub3A_288, %dma_wait3A_299] : memref<79x128xi32, #tpu.memory_space<vmem>> -> memref<1x128xi32, #tpu.memory_space<vmem>>
        %dma_wait3A_301 = tpu.memref_squeeze %dma_wait3A_300 : memref<1x128xi32, #tpu.memory_space<vmem>> -> memref<128xi32, #tpu.memory_space<vmem>>
        %dma_wait3A_302 = arith.constant 0 : i32
        %dma_wait3A_303 = arith.constant 0 : i32
        %dma_wait3A_304 = tpu.memref_slice %arg22[%dma_wait3A_302, %dma_wait3A_303] : memref<10240x16xf32, #tpu.memory_space<vmem_shared>> -> memref<10240x16xf32, #tpu.memory_space<vmem_shared>>
        tpu.wait_indirect_dma semaphore(%arg29 : memref<!tpu.dma_semaphore, #tpu.memory_space<semaphore_mem>>) src(%arg20 : memref<128x16xf32, #tpu.memory_space<vmem>>) dst(%dma_wait3A_304 : memref<10240x16xf32, #tpu.memory_space<vmem_shared>>)
      } else {
      }
      %add3A_260 = arith.constant 3 : i32
      %add3A_261 = arith.addi %add3A_246, %add3A_260 : i32
      %lt3A_262 = arith.cmpi slt, %add3A_261, %select_n3A : i32
      %convert_element_type3A_263 = arith.extui %lt3A_262 : i1 to i32
      %cond3A_264 = arith.constant 0 : i32
      %cond3A_265 = arith.cmpi ne, %convert_element_type3A_263, %cond3A_264 : i32
      scf.if %cond3A_265 {
        %add3A_287 = arith.constant 3 : i32
        %add3A_288 = arith.addi %add3A_246, %add3A_287 : i32
        %dma_start3A_289 = arith.constant 1 : i32
        %dma_start3A_290 = arith.constant 0 : i32
        %dma_start3A_291 = arith.constant 0 : i32
        %dma_start3A_292 = tpu.memref_slice %arg19[%dma_start3A_289, %dma_start3A_290, %dma_start3A_291] : memref<5x128x64xf32, #tpu.memory_space<vmem>> -> memref<1x128x64xf32, #tpu.memory_space<vmem>>
        %dma_start3A_293 = tpu.memref_squeeze %dma_start3A_292 : memref<1x128x64xf32, #tpu.memory_space<vmem>> -> memref<128x64xf32, #tpu.memory_space<vmem>>
        %dma_start3A_294 = arith.constant 0 : i32
        %dma_start3A_295 = tpu.memref_slice %arg17[%add3A_288, %dma_start3A_294] : memref<79x128xi32, #tpu.memory_space<vmem>> -> memref<1x128xi32, #tpu.memory_space<vmem>>
        %dma_start3A_296 = tpu.memref_squeeze %dma_start3A_295 : memref<1x128xi32, #tpu.memory_space<vmem>> -> memref<128xi32, #tpu.memory_space<vmem>>
        %dma_start3A_297 = arith.constant 0 : i32
        %dma_start3A_298 = arith.constant 0 : i32
        %dma_start3A_299 = tpu.memref_slice %arg4[%dma_start3A_297, %dma_start3A_298] : memref<10000x64xf32, #tpu.memory_space<hbm>> -> memref<10000x64xf32, #tpu.memory_space<hbm>>
        tpu.enqueue_indirect_dma source(%dma_start3A_299 : memref<10000x64xf32, #tpu.memory_space<hbm>>) target(%dma_start3A_293 : memref<128x64xf32, #tpu.memory_space<vmem>>) offsets(%dma_start3A_296 : memref<128xi32, #tpu.memory_space<vmem>>) semaphore(%arg24 : memref<!tpu.dma_semaphore, #tpu.memory_space<semaphore_mem>>)
      } else {
      }
      %add3A_266 = arith.constant 4 : i32
      %add3A_267 = arith.addi %mul3A_184, %add3A_266 : i32
      %lt3A_268 = arith.cmpi slt, %add3A_267, %select_n3A : i32
      %convert_element_type3A_269 = arith.extui %lt3A_268 : i1 to i32
      %cond3A_270 = arith.constant 0 : i32
      %cond3A_271 = arith.cmpi ne, %convert_element_type3A_269, %cond3A_270 : i32
      scf.if %cond3A_271 {
        %dma_wait3A = arith.constant 4 : i32
        %dma_wait3A_287 = arith.constant 0 : i32
        %dma_wait3A_288 = arith.constant 0 : i32
        %dma_wait3A_289 = tpu.memref_slice %arg19[%dma_wait3A, %dma_wait3A_287, %dma_wait3A_288] : memref<5x128x64xf32, #tpu.memory_space<vmem>> -> memref<1x128x64xf32, #tpu.memory_space<vmem>>
        %dma_wait3A_290 = tpu.memref_squeeze %dma_wait3A_289 : memref<1x128x64xf32, #tpu.memory_space<vmem>> -> memref<128x64xf32, #tpu.memory_space<vmem>>
        %dma_wait3A_291 = arith.constant 0 : i32
        %dma_wait3A_292 = tpu.memref_slice %arg17[%add3A_267, %dma_wait3A_291] : memref<79x128xi32, #tpu.memory_space<vmem>> -> memref<1x128xi32, #tpu.memory_space<vmem>>
        %dma_wait3A_293 = tpu.memref_squeeze %dma_wait3A_292 : memref<1x128xi32, #tpu.memory_space<vmem>> -> memref<128xi32, #tpu.memory_space<vmem>>
        %dma_wait3A_294 = arith.constant 0 : i32
        %dma_wait3A_295 = arith.constant 0 : i32
        %dma_wait3A_296 = tpu.memref_slice %arg4[%dma_wait3A_294, %dma_wait3A_295] : memref<10000x64xf32, #tpu.memory_space<hbm>> -> memref<10000x64xf32, #tpu.memory_space<hbm>>
        tpu.wait_indirect_dma semaphore(%arg27 : memref<!tpu.dma_semaphore, #tpu.memory_space<semaphore_mem>>) src(%dma_wait3A_296 : memref<10000x64xf32, #tpu.memory_space<hbm>>) dst(%dma_wait3A_290 : memref<128x64xf32, #tpu.memory_space<vmem>>)
        %dma_start3A_297 = arith.constant 4 : i32
        %dma_start3A_298 = arith.constant 0 : i32
        %dma_start3A_299 = arith.constant 0 : i32
        %dma_start3A_300 = tpu.memref_slice %arg19[%dma_start3A_297, %dma_start3A_298, %dma_start3A_299] : memref<5x128x64xf32, #tpu.memory_space<vmem>> -> memref<1x128x64xf32, #tpu.memory_space<vmem>>
        %dma_start3A_301 = tpu.memref_squeeze %dma_start3A_300 : memref<1x128x64xf32, #tpu.memory_space<vmem>> -> memref<128x64xf32, #tpu.memory_space<vmem>>
        %dma_start3A_302 = arith.constant 0 : i32
        %dma_start3A_303 = tpu.memref_slice %arg18[%add3A_267, %dma_start3A_302] : memref<79x128xi32, #tpu.memory_space<vmem>> -> memref<1x128xi32, #tpu.memory_space<vmem>>
        %dma_start3A_304 = tpu.memref_squeeze %dma_start3A_303 : memref<1x128xi32, #tpu.memory_space<vmem>> -> memref<128xi32, #tpu.memory_space<vmem>>
        %dma_start3A_305 = arith.constant 0 : i32
        %dma_start3A_306 = arith.constant 0 : i32
        %dma_start3A_307 = tpu.memref_slice %arg21[%dma_start3A_305, %dma_start3A_306] : memref<10240x64xf32, #tpu.memory_space<vmem_shared>> -> memref<10240x64xf32, #tpu.memory_space<vmem_shared>>
        tpu.enqueue_indirect_dma source(%dma_start3A_301 : memref<128x64xf32, #tpu.memory_space<vmem>>) target(%dma_start3A_307 : memref<10240x64xf32, #tpu.memory_space<vmem_shared>>) offsets(%dma_start3A_304 : memref<128xi32, #tpu.memory_space<vmem>>) semaphore(%arg32 : memref<!tpu.dma_semaphore, #tpu.memory_space<semaphore_mem>>) {add = true}
        %dma_start3A_308 = arith.constant 0 : i32
        %dma_start3A_309 = tpu.memref_slice %arg18[%add3A_267, %dma_start3A_308] : memref<79x128xi32, #tpu.memory_space<vmem>> -> memref<1x128xi32, #tpu.memory_space<vmem>>
        %dma_start3A_310 = tpu.memref_squeeze %dma_start3A_309 : memref<1x128xi32, #tpu.memory_space<vmem>> -> memref<128xi32, #tpu.memory_space<vmem>>
        %dma_start3A_311 = arith.constant 0 : i32
        %dma_start3A_312 = arith.constant 0 : i32
        %dma_start3A_313 = tpu.memref_slice %arg22[%dma_start3A_311, %dma_start3A_312] : memref<10240x16xf32, #tpu.memory_space<vmem_shared>> -> memref<10240x16xf32, #tpu.memory_space<vmem_shared>>
        tpu.enqueue_indirect_dma source(%arg20 : memref<128x16xf32, #tpu.memory_space<vmem>>) target(%dma_start3A_313 : memref<10240x16xf32, #tpu.memory_space<vmem_shared>>) offsets(%dma_start3A_310 : memref<128xi32, #tpu.memory_space<vmem>>) semaphore(%arg32 : memref<!tpu.dma_semaphore, #tpu.memory_space<semaphore_mem>>) {add = true}
      } else {
      }
      %ge3A_272 = arith.constant 2 : i32
      %ge3A_273 = arith.cmpi sge, %add3A_267, %ge3A_272 : i32
      %sub3A_274 = arith.constant 2 : i32
      %sub3A_275 = arith.subi %add3A_267, %sub3A_274 : i32
      %lt3A_276 = arith.cmpi slt, %sub3A_275, %select_n3A : i32
      %and3A_277 = arith.andi %ge3A_273, %lt3A_276 : i1
      %convert_element_type3A_278 = arith.extui %and3A_277 : i1 to i32
      %cond3A_279 = arith.constant 0 : i32
      %cond3A_280 = arith.cmpi ne, %convert_element_type3A_278, %cond3A_279 : i32
      scf.if %cond3A_280 {
        %sub3A_287 = arith.constant 2 : i32
        %sub3A_288 = arith.subi %add3A_267, %sub3A_287 : i32
        %dma_wait3A = arith.constant 2 : i32
        %dma_wait3A_289 = arith.constant 0 : i32
        %dma_wait3A_290 = arith.constant 0 : i32
        %dma_wait3A_291 = tpu.memref_slice %arg19[%dma_wait3A, %dma_wait3A_289, %dma_wait3A_290] : memref<5x128x64xf32, #tpu.memory_space<vmem>> -> memref<1x128x64xf32, #tpu.memory_space<vmem>>
        %dma_wait3A_292 = tpu.memref_squeeze %dma_wait3A_291 : memref<1x128x64xf32, #tpu.memory_space<vmem>> -> memref<128x64xf32, #tpu.memory_space<vmem>>
        %dma_wait3A_293 = arith.constant 0 : i32
        %dma_wait3A_294 = tpu.memref_slice %arg18[%sub3A_288, %dma_wait3A_293] : memref<79x128xi32, #tpu.memory_space<vmem>> -> memref<1x128xi32, #tpu.memory_space<vmem>>
        %dma_wait3A_295 = tpu.memref_squeeze %dma_wait3A_294 : memref<1x128xi32, #tpu.memory_space<vmem>> -> memref<128xi32, #tpu.memory_space<vmem>>
        %dma_wait3A_296 = arith.constant 0 : i32
        %dma_wait3A_297 = arith.constant 0 : i32
        %dma_wait3A_298 = tpu.memref_slice %arg21[%dma_wait3A_296, %dma_wait3A_297] : memref<10240x64xf32, #tpu.memory_space<vmem_shared>> -> memref<10240x64xf32, #tpu.memory_space<vmem_shared>>
        tpu.wait_indirect_dma semaphore(%arg30 : memref<!tpu.dma_semaphore, #tpu.memory_space<semaphore_mem>>) src(%dma_wait3A_292 : memref<128x64xf32, #tpu.memory_space<vmem>>) dst(%dma_wait3A_298 : memref<10240x64xf32, #tpu.memory_space<vmem_shared>>)
        %dma_wait3A_299 = arith.constant 0 : i32
        %dma_wait3A_300 = tpu.memref_slice %arg18[%sub3A_288, %dma_wait3A_299] : memref<79x128xi32, #tpu.memory_space<vmem>> -> memref<1x128xi32, #tpu.memory_space<vmem>>
        %dma_wait3A_301 = tpu.memref_squeeze %dma_wait3A_300 : memref<1x128xi32, #tpu.memory_space<vmem>> -> memref<128xi32, #tpu.memory_space<vmem>>
        %dma_wait3A_302 = arith.constant 0 : i32
        %dma_wait3A_303 = arith.constant 0 : i32
        %dma_wait3A_304 = tpu.memref_slice %arg22[%dma_wait3A_302, %dma_wait3A_303] : memref<10240x16xf32, #tpu.memory_space<vmem_shared>> -> memref<10240x16xf32, #tpu.memory_space<vmem_shared>>
        tpu.wait_indirect_dma semaphore(%arg30 : memref<!tpu.dma_semaphore, #tpu.memory_space<semaphore_mem>>) src(%arg20 : memref<128x16xf32, #tpu.memory_space<vmem>>) dst(%dma_wait3A_304 : memref<10240x16xf32, #tpu.memory_space<vmem_shared>>)
      } else {
      }
      %add3A_281 = arith.constant 3 : i32
      %add3A_282 = arith.addi %add3A_267, %add3A_281 : i32
      %lt3A_283 = arith.cmpi slt, %add3A_282, %select_n3A : i32
      %convert_element_type3A_284 = arith.extui %lt3A_283 : i1 to i32
      %cond3A_285 = arith.constant 0 : i32
      %cond3A_286 = arith.cmpi ne, %convert_element_type3A_284, %cond3A_285 : i32
      scf.if %cond3A_286 {
        %add3A_287 = arith.constant 3 : i32
        %add3A_288 = arith.addi %add3A_267, %add3A_287 : i32
        %dma_start3A_289 = arith.constant 2 : i32
        %dma_start3A_290 = arith.constant 0 : i32
        %dma_start3A_291 = arith.constant 0 : i32
        %dma_start3A_292 = tpu.memref_slice %arg19[%dma_start3A_289, %dma_start3A_290, %dma_start3A_291] : memref<5x128x64xf32, #tpu.memory_space<vmem>> -> memref<1x128x64xf32, #tpu.memory_space<vmem>>
        %dma_start3A_293 = tpu.memref_squeeze %dma_start3A_292 : memref<1x128x64xf32, #tpu.memory_space<vmem>> -> memref<128x64xf32, #tpu.memory_space<vmem>>
        %dma_start3A_294 = arith.constant 0 : i32
        %dma_start3A_295 = tpu.memref_slice %arg17[%add3A_288, %dma_start3A_294] : memref<79x128xi32, #tpu.memory_space<vmem>> -> memref<1x128xi32, #tpu.memory_space<vmem>>
        %dma_start3A_296 = tpu.memref_squeeze %dma_start3A_295 : memref<1x128xi32, #tpu.memory_space<vmem>> -> memref<128xi32, #tpu.memory_space<vmem>>
        %dma_start3A_297 = arith.constant 0 : i32
        %dma_start3A_298 = arith.constant 0 : i32
        %dma_start3A_299 = tpu.memref_slice %arg4[%dma_start3A_297, %dma_start3A_298] : memref<10000x64xf32, #tpu.memory_space<hbm>> -> memref<10000x64xf32, #tpu.memory_space<hbm>>
        tpu.enqueue_indirect_dma source(%dma_start3A_299 : memref<10000x64xf32, #tpu.memory_space<hbm>>) target(%dma_start3A_293 : memref<128x64xf32, #tpu.memory_space<vmem>>) offsets(%dma_start3A_296 : memref<128xi32, #tpu.memory_space<vmem>>) semaphore(%arg25 : memref<!tpu.dma_semaphore, #tpu.memory_space<semaphore_mem>>)
      } else {
      }
    }
    %scan3A_170 = arith.constant 16 : i32
    %gt3A_171 = arith.constant 78 : i32
    %gt3A_172 = arith.cmpi sgt, %select_n3A, %gt3A_171 : i32
    %convert_element_type3A_173 = arith.extui %gt3A_172 : i1 to i32
    %cond3A_174 = arith.constant 0 : i32
    %cond3A_175 = arith.cmpi ne, %convert_element_type3A_173, %cond3A_174 : i32
    scf.if %cond3A_175 {
      %dma_wait3A = arith.constant 3 : i32
      %dma_wait3A_182 = arith.constant 78 : i32
      %dma_wait3A_183 = arith.constant 0 : i32
      %dma_wait3A_184 = arith.constant 0 : i32
      %dma_wait3A_185 = tpu.memref_slice %arg19[%dma_wait3A, %dma_wait3A_183, %dma_wait3A_184] : memref<5x128x64xf32, #tpu.memory_space<vmem>> -> memref<1x128x64xf32, #tpu.memory_space<vmem>>
      %dma_wait3A_186 = tpu.memref_squeeze %dma_wait3A_185 : memref<1x128x64xf32, #tpu.memory_space<vmem>> -> memref<128x64xf32, #tpu.memory_space<vmem>>
      %dma_wait3A_187 = arith.constant 0 : i32
      %dma_wait3A_188 = tpu.memref_slice %arg18[%dma_wait3A_182, %dma_wait3A_187] : memref<79x128xi32, #tpu.memory_space<vmem>> -> memref<1x128xi32, #tpu.memory_space<vmem>>
      %dma_wait3A_189 = tpu.memref_squeeze %dma_wait3A_188 : memref<1x128xi32, #tpu.memory_space<vmem>> -> memref<128xi32, #tpu.memory_space<vmem>>
      %dma_wait3A_190 = arith.constant 0 : i32
      %dma_wait3A_191 = arith.constant 0 : i32
      %dma_wait3A_192 = tpu.memref_slice %arg21[%dma_wait3A_190, %dma_wait3A_191] : memref<10240x64xf32, #tpu.memory_space<vmem_shared>> -> memref<10240x64xf32, #tpu.memory_space<vmem_shared>>
      tpu.wait_indirect_dma semaphore(%arg31 : memref<!tpu.dma_semaphore, #tpu.memory_space<semaphore_mem>>) src(%dma_wait3A_186 : memref<128x64xf32, #tpu.memory_space<vmem>>) dst(%dma_wait3A_192 : memref<10240x64xf32, #tpu.memory_space<vmem_shared>>)
      %dma_wait3A_193 = arith.constant 78 : i32
      %dma_wait3A_194 = arith.constant 0 : i32
      %dma_wait3A_195 = tpu.memref_slice %arg18[%dma_wait3A_193, %dma_wait3A_194] : memref<79x128xi32, #tpu.memory_space<vmem>> -> memref<1x128xi32, #tpu.memory_space<vmem>>
      %dma_wait3A_196 = tpu.memref_squeeze %dma_wait3A_195 : memref<1x128xi32, #tpu.memory_space<vmem>> -> memref<128xi32, #tpu.memory_space<vmem>>
      %dma_wait3A_197 = arith.constant 0 : i32
      %dma_wait3A_198 = arith.constant 0 : i32
      %dma_wait3A_199 = tpu.memref_slice %arg22[%dma_wait3A_197, %dma_wait3A_198] : memref<10240x16xf32, #tpu.memory_space<vmem_shared>> -> memref<10240x16xf32, #tpu.memory_space<vmem_shared>>
      tpu.wait_indirect_dma semaphore(%arg31 : memref<!tpu.dma_semaphore, #tpu.memory_space<semaphore_mem>>) src(%arg20 : memref<128x16xf32, #tpu.memory_space<vmem>>) dst(%dma_wait3A_199 : memref<10240x16xf32, #tpu.memory_space<vmem_shared>>)
    } else {
    }
    %gt3A_176 = arith.constant 79 : i32
    %gt3A_177 = arith.cmpi sgt, %select_n3A, %gt3A_176 : i32
    %convert_element_type3A_178 = arith.extui %gt3A_177 : i1 to i32
    %cond3A_179 = arith.constant 0 : i32
    %cond3A_180 = arith.cmpi ne, %convert_element_type3A_178, %cond3A_179 : i32
    scf.if %cond3A_180 {
      %dma_wait3A = arith.constant 4 : i32
      %dma_wait3A_182 = arith.constant 79 : i32
      %dma_wait3A_183 = arith.constant 0 : i32
      %dma_wait3A_184 = arith.constant 0 : i32
      %dma_wait3A_185 = tpu.memref_slice %arg19[%dma_wait3A, %dma_wait3A_183, %dma_wait3A_184] : memref<5x128x64xf32, #tpu.memory_space<vmem>> -> memref<1x128x64xf32, #tpu.memory_space<vmem>>
      %dma_wait3A_186 = tpu.memref_squeeze %dma_wait3A_185 : memref<1x128x64xf32, #tpu.memory_space<vmem>> -> memref<128x64xf32, #tpu.memory_space<vmem>>
      %dma_wait3A_187 = arith.constant 0 : i32
      %dma_wait3A_188 = tpu.memref_slice %arg18[%dma_wait3A_182, %dma_wait3A_187] : memref<79x128xi32, #tpu.memory_space<vmem>> -> memref<1x128xi32, #tpu.memory_space<vmem>>
      %dma_wait3A_189 = tpu.memref_squeeze %dma_wait3A_188 : memref<1x128xi32, #tpu.memory_space<vmem>> -> memref<128xi32, #tpu.memory_space<vmem>>
      %dma_wait3A_190 = arith.constant 0 : i32
      %dma_wait3A_191 = arith.constant 0 : i32
      %dma_wait3A_192 = tpu.memref_slice %arg21[%dma_wait3A_190, %dma_wait3A_191] : memref<10240x64xf32, #tpu.memory_space<vmem_shared>> -> memref<10240x64xf32, #tpu.memory_space<vmem_shared>>
      tpu.wait_indirect_dma semaphore(%arg32 : memref<!tpu.dma_semaphore, #tpu.memory_space<semaphore_mem>>) src(%dma_wait3A_186 : memref<128x64xf32, #tpu.memory_space<vmem>>) dst(%dma_wait3A_192 : memref<10240x64xf32, #tpu.memory_space<vmem_shared>>)
      %dma_wait3A_193 = arith.constant 79 : i32
      %dma_wait3A_194 = arith.constant 0 : i32
      %dma_wait3A_195 = tpu.memref_slice %arg18[%dma_wait3A_193, %dma_wait3A_194] : memref<79x128xi32, #tpu.memory_space<vmem>> -> memref<1x128xi32, #tpu.memory_space<vmem>>
      %dma_wait3A_196 = tpu.memref_squeeze %dma_wait3A_195 : memref<1x128xi32, #tpu.memory_space<vmem>> -> memref<128xi32, #tpu.memory_space<vmem>>
      %dma_wait3A_197 = arith.constant 0 : i32
      %dma_wait3A_198 = arith.constant 0 : i32
      %dma_wait3A_199 = tpu.memref_slice %arg22[%dma_wait3A_197, %dma_wait3A_198] : memref<10240x16xf32, #tpu.memory_space<vmem_shared>> -> memref<10240x16xf32, #tpu.memory_space<vmem_shared>>
      tpu.wait_indirect_dma semaphore(%arg32 : memref<!tpu.dma_semaphore, #tpu.memory_space<semaphore_mem>>) src(%arg20 : memref<128x16xf32, #tpu.memory_space<vmem>>) dst(%dma_wait3A_199 : memref<10240x16xf32, #tpu.memory_space<vmem_shared>>)
    } else {
    }
    %barrier3A_181 = arith.constant 0 : index
    tpu.barrier barrier_id(%barrier3A_181)
    "tpu.region"() ({
      %run_scoped3A_182 = tpu.sem_alloc : memref<!tpu.dma_semaphore, #tpu.memory_space<semaphore_mem>>
      %dma_start3A_183 = arith.constant 0 : i32
      %dma_start3A_184 = tpu.memref_slice %arg13[%arg0, %mul3A_8, %dma_start3A_183] : memref<2x10240x64xf32, #tpu.memory_space<hbm>> -> memref<1x640x64xf32, #tpu.memory_space<hbm>>
      %dma_start3A_185 = tpu.memref_squeeze %dma_start3A_184 : memref<1x640x64xf32, #tpu.memory_space<hbm>> -> memref<640x64xf32, #tpu.memory_space<hbm>>
      %dma_start3A_186 = arith.constant 0 : i32
      %dma_start3A_187 = tpu.memref_slice %arg21[%mul3A_8, %dma_start3A_186] : memref<10240x64xf32, #tpu.memory_space<vmem_shared>> -> memref<640x64xf32, #tpu.memory_space<vmem_shared>>
      tpu.enqueue_dma source(%dma_start3A_187 : memref<640x64xf32, #tpu.memory_space<vmem_shared>>) target(%dma_start3A_185 : memref<640x64xf32, #tpu.memory_space<hbm>>) target_semaphore(%run_scoped3A_182 : memref<!tpu.dma_semaphore, #tpu.memory_space<semaphore_mem>>)
      %dma_wait3A = arith.constant 0 : i32
      %dma_wait3A_188 = tpu.memref_slice %arg13[%arg0, %mul3A_8, %dma_wait3A] : memref<2x10240x64xf32, #tpu.memory_space<hbm>> -> memref<1x640x64xf32, #tpu.memory_space<hbm>>
      %dma_wait3A_189 = tpu.memref_squeeze %dma_wait3A_188 : memref<1x640x64xf32, #tpu.memory_space<hbm>> -> memref<640x64xf32, #tpu.memory_space<hbm>>
      %dma_wait3A_190 = arith.constant 0 : i32
      %dma_wait3A_191 = tpu.memref_slice %arg21[%mul3A_8, %dma_wait3A_190] : memref<10240x64xf32, #tpu.memory_space<vmem_shared>> -> memref<640x64xf32, #tpu.memory_space<vmem_shared>>
      tpu.wait_dma2 semaphore(%run_scoped3A_182 : memref<!tpu.dma_semaphore, #tpu.memory_space<semaphore_mem>>) src(%dma_wait3A_191 : memref<640x64xf32, #tpu.memory_space<vmem_shared>>) dst(%dma_wait3A_189 : memref<640x64xf32, #tpu.memory_space<hbm>>)
      tpu.yield
    }) : () -> ()
    "tpu.region"() ({
      %run_scoped3A_182 = tpu.sem_alloc : memref<!tpu.dma_semaphore, #tpu.memory_space<semaphore_mem>>
      %dma_start3A_183 = arith.constant 0 : i32
      %dma_start3A_184 = tpu.memref_slice %arg16[%arg0, %mul3A_8, %dma_start3A_183] : memref<2x10240x16xf32, #tpu.memory_space<hbm>> -> memref<1x640x16xf32, #tpu.memory_space<hbm>>
      %dma_start3A_185 = tpu.memref_squeeze %dma_start3A_184 : memref<1x640x16xf32, #tpu.memory_space<hbm>> -> memref<640x16xf32, #tpu.memory_space<hbm>>
      %dma_start3A_186 = arith.constant 0 : i32
      %dma_start3A_187 = tpu.memref_slice %arg22[%mul3A_8, %dma_start3A_186] : memref<10240x16xf32, #tpu.memory_space<vmem_shared>> -> memref<640x16xf32, #tpu.memory_space<vmem_shared>>
      tpu.enqueue_dma source(%dma_start3A_187 : memref<640x16xf32, #tpu.memory_space<vmem_shared>>) target(%dma_start3A_185 : memref<640x16xf32, #tpu.memory_space<hbm>>) target_semaphore(%run_scoped3A_182 : memref<!tpu.dma_semaphore, #tpu.memory_space<semaphore_mem>>)
      %dma_wait3A = arith.constant 0 : i32
      %dma_wait3A_188 = tpu.memref_slice %arg16[%arg0, %mul3A_8, %dma_wait3A] : memref<2x10240x16xf32, #tpu.memory_space<hbm>> -> memref<1x640x16xf32, #tpu.memory_space<hbm>>
      %dma_wait3A_189 = tpu.memref_squeeze %dma_wait3A_188 : memref<1x640x16xf32, #tpu.memory_space<hbm>> -> memref<640x16xf32, #tpu.memory_space<hbm>>
      %dma_wait3A_190 = arith.constant 0 : i32
      %dma_wait3A_191 = tpu.memref_slice %arg22[%mul3A_8, %dma_wait3A_190] : memref<10240x16xf32, #tpu.memory_space<vmem_shared>> -> memref<640x16xf32, #tpu.memory_space<vmem_shared>>
      tpu.wait_dma2 semaphore(%run_scoped3A_182 : memref<!tpu.dma_semaphore, #tpu.memory_space<semaphore_mem>>) src(%dma_wait3A_191 : memref<640x16xf32, #tpu.memory_space<vmem_shared>>) dst(%dma_wait3A_189 : memref<640x16xf32, #tpu.memory_space<hbm>>)
      tpu.yield
    }) : () -> ()
    return
  }
}

module attributes {stable_mosaic.version = 14 : i64} {
  func.func @_proj_body(%arg0: i32, %arg1: memref<1000x128xf32, #tpu.memory_space<vmem>>, %arg2: memref<1000x128xf32, #tpu.memory_space<vmem>>, %arg3: memref<128x64xf32, #tpu.memory_space<vmem>>, %arg4: memref<128x64xf32, #tpu.memory_space<vmem>>, %arg5: memref<128x64xf32, #tpu.memory_space<vmem>>, %arg6: memref<128x64xf32, #tpu.memory_space<vmem>>, %arg7: memref<128x64xf32, #tpu.memory_space<vmem>>, %arg8: memref<128x64xf32, #tpu.memory_space<vmem>>, %arg9: memref<1x64xf32, #tpu.memory_space<vmem>>, %arg10: memref<1x64xf32, #tpu.memory_space<vmem>>, %arg11: memref<1x64xf32, #tpu.memory_space<vmem>>, %arg12: memref<1000x64xf32, #tpu.memory_space<vmem>>, %arg13: memref<1000x64xf32, #tpu.memory_space<vmem>>, %arg14: memref<1000x64xf32, #tpu.memory_space<vmem>>, %arg15: memref<1000x64xf32, #tpu.memory_space<vmem>>, %arg16: memref<1000x64xf32, #tpu.memory_space<vmem>>) attributes {dimension_semantics = [#tpu.dimension_semantics<arbitrary>], iteration_bounds = array<i64: 10>, scalar_prefetch = 0 : i64, scratch_operands = 0 : i64, tpu.core_type = #tpu.core_type<tc>, window_params = [{transform_indices = @transform_0, window_bounds = array<i64: 1000, 128>}, {transform_indices = @transform_1, window_bounds = array<i64: 1000, 128>}, {pipeline_mode = #tpu.pipeline_mode<synchronous>, transform_indices = @transform_2, window_bounds = array<i64: 128, 64>}, {pipeline_mode = #tpu.pipeline_mode<synchronous>, transform_indices = @transform_3, window_bounds = array<i64: 128, 64>}, {pipeline_mode = #tpu.pipeline_mode<synchronous>, transform_indices = @transform_4, window_bounds = array<i64: 128, 64>}, {pipeline_mode = #tpu.pipeline_mode<synchronous>, transform_indices = @transform_5, window_bounds = array<i64: 128, 64>}, {pipeline_mode = #tpu.pipeline_mode<synchronous>, transform_indices = @transform_6, window_bounds = array<i64: 128, 64>}, {pipeline_mode = #tpu.pipeline_mode<synchronous>, transform_indices = @transform_7, window_bounds = array<i64: 128, 64>}, {pipeline_mode = #tpu.pipeline_mode<synchronous>, transform_indices = @transform_8, window_bounds = array<i64: 1, 64>}, {pipeline_mode = #tpu.pipeline_mode<synchronous>, transform_indices = @transform_9, window_bounds = array<i64: 1, 64>}, {pipeline_mode = #tpu.pipeline_mode<synchronous>, transform_indices = @transform_10, window_bounds = array<i64: 1, 64>}, {transform_indices = @transform_11, window_bounds = array<i64: 1000, 64>}, {transform_indices = @transform_12, window_bounds = array<i64: 1000, 64>}, {transform_indices = @transform_13, window_bounds = array<i64: 1000, 64>}, {transform_indices = @transform_14, window_bounds = array<i64: 1000, 64>}, {transform_indices = @transform_15, window_bounds = array<i64: 1000, 64>}]} {
    %get3A = arith.constant 0 : index
    %get3A_0 = arith.constant 0 : index
    %get3A_1 = vector.load %arg1[%get3A, %get3A_0] : memref<1000x128xf32, #tpu.memory_space<vmem>>, vector<1000x128xf32>
    %get3A_2 = arith.constant 0 : index
    %get3A_3 = arith.constant 0 : index
    %get3A_4 = vector.load %arg2[%get3A_2, %get3A_3] : memref<1000x128xf32, #tpu.memory_space<vmem>>, vector<1000x128xf32>
    %get3A_5 = arith.constant 0 : index
    %get3A_6 = arith.constant 0 : index
    %get3A_7 = vector.load %arg3[%get3A_5, %get3A_6] : memref<128x64xf32, #tpu.memory_space<vmem>>, vector<128x64xf32>
    %dot_general3A = arith.constant dense<0.000000e+00> : vector<1000x64xf32>
    %dot_general3A_8 = tpu.matmul %get3A_4, %get3A_7, %dot_general3A {dimension_numbers = #tpu.dot_dimension_numbers<[1], [0], [0], [1], [0, 0, 1, 1], [], []>, transpose_lhs_hint = false} : vector<1000x128xf32>, vector<128x64xf32>, vector<1000x64xf32> -> vector<1000x64xf32>
    %swap3A = arith.constant 0 : index
    %swap3A_9 = arith.constant 0 : index
    %swap3A_10 = vector.load %arg12[%swap3A, %swap3A_9] : memref<1000x64xf32, #tpu.memory_space<vmem>>, vector<1000x64xf32>
    tpu.vector_store %arg12[%swap3A, %swap3A_9], %dot_general3A_8 {strides = array<i32>} : memref<1000x64xf32, #tpu.memory_space<vmem>>, vector<1000x64xf32>,
    %get3A_11 = arith.constant 0 : index
    %get3A_12 = arith.constant 0 : index
    %get3A_13 = vector.load %arg4[%get3A_11, %get3A_12] : memref<128x64xf32, #tpu.memory_space<vmem>>, vector<128x64xf32>
    %dot_general3A_14 = arith.constant dense<0.000000e+00> : vector<1000x64xf32>
    %dot_general3A_15 = tpu.matmul %get3A_1, %get3A_13, %dot_general3A_14 {dimension_numbers = #tpu.dot_dimension_numbers<[1], [0], [0], [1], [0, 0, 1, 1], [], []>, transpose_lhs_hint = false} : vector<1000x128xf32>, vector<128x64xf32>, vector<1000x64xf32> -> vector<1000x64xf32>
    %swap3A_16 = arith.constant 0 : index
    %swap3A_17 = arith.constant 0 : index
    %swap3A_18 = vector.load %arg13[%swap3A_16, %swap3A_17] : memref<1000x64xf32, #tpu.memory_space<vmem>>, vector<1000x64xf32>
    tpu.vector_store %arg13[%swap3A_16, %swap3A_17], %dot_general3A_15 {strides = array<i32>} : memref<1000x64xf32, #tpu.memory_space<vmem>>, vector<1000x64xf32>,
    %get3A_19 = arith.constant 0 : index
    %get3A_20 = arith.constant 0 : index
    %get3A_21 = vector.load %arg5[%get3A_19, %get3A_20] : memref<128x64xf32, #tpu.memory_space<vmem>>, vector<128x64xf32>
    %dot_general3A_22 = arith.constant dense<0.000000e+00> : vector<1000x64xf32>
    %dot_general3A_23 = tpu.matmul %get3A_1, %get3A_21, %dot_general3A_22 {dimension_numbers = #tpu.dot_dimension_numbers<[1], [0], [0], [1], [0, 0, 1, 1], [], []>, transpose_lhs_hint = false} : vector<1000x128xf32>, vector<128x64xf32>, vector<1000x64xf32> -> vector<1000x64xf32>
    %swap3A_24 = arith.constant 0 : index
    %swap3A_25 = arith.constant 0 : index
    %swap3A_26 = vector.load %arg14[%swap3A_24, %swap3A_25] : memref<1000x64xf32, #tpu.memory_space<vmem>>, vector<1000x64xf32>
    tpu.vector_store %arg14[%swap3A_24, %swap3A_25], %dot_general3A_23 {strides = array<i32>} : memref<1000x64xf32, #tpu.memory_space<vmem>>, vector<1000x64xf32>,
    %get3A_27 = arith.constant 0 : index
    %get3A_28 = arith.constant 0 : index
    %get3A_29 = vector.load %arg6[%get3A_27, %get3A_28] : memref<128x64xf32, #tpu.memory_space<vmem>>, vector<128x64xf32>
    %dot_general3A_30 = arith.constant dense<0.000000e+00> : vector<1000x64xf32>
    %dot_general3A_31 = tpu.matmul %get3A_1, %get3A_29, %dot_general3A_30 {dimension_numbers = #tpu.dot_dimension_numbers<[1], [0], [0], [1], [0, 0, 1, 1], [], []>, transpose_lhs_hint = false} : vector<1000x128xf32>, vector<128x64xf32>, vector<1000x64xf32> -> vector<1000x64xf32>
    %get3A_32 = arith.constant 0 : index
    %get3A_33 = arith.constant 0 : index
    %get3A_34 = vector.load %arg7[%get3A_32, %get3A_33] : memref<128x64xf32, #tpu.memory_space<vmem>>, vector<128x64xf32>
    %dot_general3A_35 = arith.constant dense<0.000000e+00> : vector<1000x64xf32>
    %dot_general3A_36 = tpu.matmul %get3A_1, %get3A_34, %dot_general3A_35 {dimension_numbers = #tpu.dot_dimension_numbers<[1], [0], [0], [1], [0, 0, 1, 1], [], []>, transpose_lhs_hint = false} : vector<1000x128xf32>, vector<128x64xf32>, vector<1000x64xf32> -> vector<1000x64xf32>
    %mul3A = arith.constant 7.500000e-01 : f32
    %mul3A_37 = vector.broadcast %mul3A : f32 to vector<1000x64xf32>
    %mul3A_38 = arith.mulf %mul3A_37, %dot_general3A_36 : vector<1000x64xf32>
    %add3A = arith.addf %dot_general3A_31, %mul3A_38 : vector<1000x64xf32>
    %get3A_39 = arith.constant 0 : index
    %get3A_40 = arith.constant 0 : index
    %get3A_41 = vector.load %arg9[%get3A_39, %get3A_40] : memref<1x64xf32, #tpu.memory_space<vmem>>, vector<1x64xf32>
    %add3A_42 = vector.broadcast %get3A_41 : vector<1x64xf32> to vector<1000x64xf32>
    %add3A_43 = arith.addf %add3A, %add3A_42 : vector<1000x64xf32>
    %get3A_44 = arith.constant 0 : index
    %get3A_45 = arith.constant 0 : index
    %get3A_46 = vector.load %arg10[%get3A_44, %get3A_45] : memref<1x64xf32, #tpu.memory_space<vmem>>, vector<1x64xf32>
    %mul3A_47 = arith.constant 7.500000e-01 : f32
    %mul3A_48 = vector.broadcast %mul3A_47 : f32 to vector<1x64xf32>
    %mul3A_49 = arith.mulf %mul3A_48, %get3A_46 : vector<1x64xf32>
    %add3A_50 = vector.broadcast %mul3A_49 : vector<1x64xf32> to vector<1000x64xf32>
    %add3A_51 = arith.addf %add3A_43, %add3A_50 : vector<1000x64xf32>
    %swap3A_52 = arith.constant 0 : index
    %swap3A_53 = arith.constant 0 : index
    %swap3A_54 = vector.load %arg15[%swap3A_52, %swap3A_53] : memref<1000x64xf32, #tpu.memory_space<vmem>>, vector<1000x64xf32>
    tpu.vector_store %arg15[%swap3A_52, %swap3A_53], %add3A_51 {strides = array<i32>} : memref<1000x64xf32, #tpu.memory_space<vmem>>, vector<1000x64xf32>,
    %get3A_55 = arith.constant 0 : index
    %get3A_56 = arith.constant 0 : index
    %get3A_57 = vector.load %arg8[%get3A_55, %get3A_56] : memref<128x64xf32, #tpu.memory_space<vmem>>, vector<128x64xf32>
    %dot_general3A_58 = arith.constant dense<0.000000e+00> : vector<1000x64xf32>
    %dot_general3A_59 = tpu.matmul %get3A_4, %get3A_57, %dot_general3A_58 {dimension_numbers = #tpu.dot_dimension_numbers<[1], [0], [0], [1], [0, 0, 1, 1], [], []>, transpose_lhs_hint = false} : vector<1000x128xf32>, vector<128x64xf32>, vector<1000x64xf32> -> vector<1000x64xf32>
    %get3A_60 = arith.constant 0 : index
    %get3A_61 = arith.constant 0 : index
    %get3A_62 = vector.load %arg11[%get3A_60, %get3A_61] : memref<1x64xf32, #tpu.memory_space<vmem>>, vector<1x64xf32>
    %add3A_63 = vector.broadcast %get3A_62 : vector<1x64xf32> to vector<1000x64xf32>
    %add3A_64 = arith.addf %dot_general3A_59, %add3A_63 : vector<1000x64xf32>
    %swap3A_65 = arith.constant 0 : index
    %swap3A_66 = arith.constant 0 : index
    %swap3A_67 = vector.load %arg16[%swap3A_65, %swap3A_66] : memref<1000x64xf32, #tpu.memory_space<vmem>>, vector<1000x64xf32>
    tpu.vector_store %arg16[%swap3A_65, %swap3A_66], %add3A_64 {strides = array<i32>} : memref<1000x64xf32, #tpu.memory_space<vmem>>, vector<1000x64xf32>,
    return
  }
  func.func @transform_0(%arg0: i32) -> (i32, i32) {
    %c0_i32 = arith.constant 0 : i32
    %c0_i32_0 = arith.constant 0 : i32
    return %arg0, %c0_i32 : i32, i32
  }
  func.func @transform_1(%arg0: i32) -> (i32, i32) {
    %c0_i32 = arith.constant 0 : i32
    %c0_i32_0 = arith.constant 0 : i32
    return %arg0, %c0_i32 : i32, i32
  }
  func.func @transform_2(%arg0: i32) -> (i32, i32) {
    %c0_i32 = arith.constant 0 : i32
    %c0_i32_0 = arith.constant 0 : i32
    %c0_i32_1 = arith.constant 0 : i32
    return %c0_i32, %c0_i32_0 : i32, i32
  }
  func.func @transform_3(%arg0: i32) -> (i32, i32) {
    %c0_i32 = arith.constant 0 : i32
    %c0_i32_0 = arith.constant 0 : i32
    %c0_i32_1 = arith.constant 0 : i32
    return %c0_i32, %c0_i32_0 : i32, i32
  }
  func.func @transform_4(%arg0: i32) -> (i32, i32) {
    %c0_i32 = arith.constant 0 : i32
    %c0_i32_0 = arith.constant 0 : i32
    %c0_i32_1 = arith.constant 0 : i32
    return %c0_i32, %c0_i32_0 : i32, i32
  }
  func.func @transform_5(%arg0: i32) -> (i32, i32) {
    %c0_i32 = arith.constant 0 : i32
    %c0_i32_0 = arith.constant 0 : i32
    %c0_i32_1 = arith.constant 0 : i32
    return %c0_i32, %c0_i32_0 : i32, i32
  }
  func.func @transform_6(%arg0: i32) -> (i32, i32) {
    %c0_i32 = arith.constant 0 : i32
    %c0_i32_0 = arith.constant 0 : i32
    %c0_i32_1 = arith.constant 0 : i32
    return %c0_i32, %c0_i32_0 : i32, i32
  }
  func.func @transform_7(%arg0: i32) -> (i32, i32) {
    %c0_i32 = arith.constant 0 : i32
    %c0_i32_0 = arith.constant 0 : i32
    %c0_i32_1 = arith.constant 0 : i32
    return %c0_i32, %c0_i32_0 : i32, i32
  }
  func.func @transform_8(%arg0: i32) -> (i32, i32) {
    %c0_i32 = arith.constant 0 : i32
    %c0_i32_0 = arith.constant 0 : i32
    %c0_i32_1 = arith.constant 0 : i32
    return %c0_i32, %c0_i32_0 : i32, i32
  }
  func.func @transform_9(%arg0: i32) -> (i32, i32) {
    %c0_i32 = arith.constant 0 : i32
    %c0_i32_0 = arith.constant 0 : i32
    %c0_i32_1 = arith.constant 0 : i32
    return %c0_i32, %c0_i32_0 : i32, i32
  }
  func.func @transform_10(%arg0: i32) -> (i32, i32) {
    %c0_i32 = arith.constant 0 : i32
    %c0_i32_0 = arith.constant 0 : i32
    %c0_i32_1 = arith.constant 0 : i32
    return %c0_i32, %c0_i32_0 : i32, i32
  }
  func.func @transform_11(%arg0: i32) -> (i32, i32) {
    %c0_i32 = arith.constant 0 : i32
    %c0_i32_0 = arith.constant 0 : i32
    return %arg0, %c0_i32 : i32, i32
  }
  func.func @transform_12(%arg0: i32) -> (i32, i32) {
    %c0_i32 = arith.constant 0 : i32
    %c0_i32_0 = arith.constant 0 : i32
    return %arg0, %c0_i32 : i32, i32
  }
  func.func @transform_13(%arg0: i32) -> (i32, i32) {
    %c0_i32 = arith.constant 0 : i32
    %c0_i32_0 = arith.constant 0 : i32
    return %arg0, %c0_i32 : i32, i32
  }
  func.func @transform_14(%arg0: i32) -> (i32, i32) {
    %c0_i32 = arith.constant 0 : i32
    %c0_i32_0 = arith.constant 0 : i32
    return %arg0, %c0_i32 : i32, i32
  }
  func.func @transform_15(%arg0: i32) -> (i32, i32) {
    %c0_i32 = arith.constant 0 : i32
    %c0_i32_0 = arith.constant 0 : i32
    return %arg0, %c0_i32 : i32, i32
  }
}

module attributes {stable_mosaic.version = 14 : i64} {
  func.func @_comb_body(%arg0: i32, %arg1: memref<2x1000x64xf32, #tpu.memory_space<vmem>>, %arg2: memref<2x1000x64xf32, #tpu.memory_space<vmem>>, %arg3: memref<2x1000x64xf32, #tpu.memory_space<vmem>>, %arg4: memref<2x1000x16xf32, #tpu.memory_space<vmem>>, %arg5: memref<2x1000x16xf32, #tpu.memory_space<vmem>>, %arg6: memref<2x1000x16xf32, #tpu.memory_space<vmem>>, %arg7: memref<1000x64xf32, #tpu.memory_space<vmem>>, %arg8: memref<1000x64xf32, #tpu.memory_space<vmem>>, %arg9: memref<1000x64xf32, #tpu.memory_space<vmem>>, %arg10: memref<1000x64xf32, #tpu.memory_space<vmem>>) attributes {dimension_semantics = [#tpu.dimension_semantics<arbitrary>], iteration_bounds = array<i64: 10>, scalar_prefetch = 0 : i64, scratch_operands = 0 : i64, tpu.core_type = #tpu.core_type<tc>, window_params = [{transform_indices = @transform_0, window_bounds = array<i64: 2, 1000, 64>}, {transform_indices = @transform_1, window_bounds = array<i64: 2, 1000, 64>}, {transform_indices = @transform_2, window_bounds = array<i64: 2, 1000, 64>}, {transform_indices = @transform_3, window_bounds = array<i64: 2, 1000, 16>}, {transform_indices = @transform_4, window_bounds = array<i64: 2, 1000, 16>}, {transform_indices = @transform_5, window_bounds = array<i64: 2, 1000, 16>}, {transform_indices = @transform_6, window_bounds = array<i64: 1000, 64>}, {transform_indices = @transform_7, window_bounds = array<i64: 1000, 64>}, {transform_indices = @transform_8, window_bounds = array<i64: 1000, 64>}, {transform_indices = @transform_9, window_bounds = array<i64: 1000, 64>}]} {
    %get3A = arith.constant 0 : index
    %get3A_0 = arith.constant 0 : index
    %get3A_1 = arith.constant 0 : index
    %get3A_2 = vector.load %arg1[%get3A, %get3A_0, %get3A_1] : memref<2x1000x64xf32, #tpu.memory_space<vmem>>, vector<1x1000x64xf32>
    %get3A_3 = vector.shape_cast %get3A_2 : vector<1x1000x64xf32> to vector<1000x64xf32>
    %get3A_4 = arith.constant 1 : index
    %get3A_5 = arith.constant 0 : index
    %get3A_6 = arith.constant 0 : index
    %get3A_7 = vector.load %arg1[%get3A_4, %get3A_5, %get3A_6] : memref<2x1000x64xf32, #tpu.memory_space<vmem>>, vector<1x1000x64xf32>
    %get3A_8 = vector.shape_cast %get3A_7 : vector<1x1000x64xf32> to vector<1000x64xf32>
    %add3A = arith.addf %get3A_3, %get3A_8 : vector<1000x64xf32>
    %get3A_9 = arith.constant 0 : index
    %get3A_10 = arith.constant 0 : index
    %get3A_11 = arith.constant 0 : index
    %get3A_12 = vector.load %arg4[%get3A_9, %get3A_10, %get3A_11] : memref<2x1000x16xf32, #tpu.memory_space<vmem>>, vector<1x1000x16xf32>
    %get3A_13 = vector.shape_cast %get3A_12 : vector<1x1000x16xf32> to vector<1000x16xf32>
    %slice3A = vector.extract_strided_slice %get3A_13 {offsets = [0, 0], sizes = [1000, 1], strides = [1, 1]} : vector<1000x16xf32> to vector<1000x1xf32>
    %get3A_14 = arith.constant 1 : index
    %get3A_15 = arith.constant 0 : index
    %get3A_16 = arith.constant 0 : index
    %get3A_17 = vector.load %arg4[%get3A_14, %get3A_15, %get3A_16] : memref<2x1000x16xf32, #tpu.memory_space<vmem>>, vector<1x1000x16xf32>
    %get3A_18 = vector.shape_cast %get3A_17 : vector<1x1000x16xf32> to vector<1000x16xf32>
    %slice3A_19 = vector.extract_strided_slice %get3A_18 {offsets = [0, 0], sizes = [1000, 1], strides = [1, 1]} : vector<1000x16xf32> to vector<1000x1xf32>
    %add3A_20 = arith.addf %slice3A, %slice3A_19 : vector<1000x1xf32>
    %max3A = arith.constant 1.000000e+00 : f32
    %max3A_21 = vector.broadcast %max3A : f32 to vector<1000x1xf32>
    %max3A_22 = arith.maximumf %add3A_20, %max3A_21 : vector<1000x1xf32>
    %div3A = vector.broadcast %max3A_22 : vector<1000x1xf32> to vector<1000x64xf32>
    %div3A_23 = arith.divf %add3A, %div3A : vector<1000x64xf32>
    %get3A_24 = arith.constant 0 : index
    %get3A_25 = arith.constant 0 : index
    %get3A_26 = arith.constant 0 : index
    %get3A_27 = vector.load %arg2[%get3A_24, %get3A_25, %get3A_26] : memref<2x1000x64xf32, #tpu.memory_space<vmem>>, vector<1x1000x64xf32>
    %get3A_28 = vector.shape_cast %get3A_27 : vector<1x1000x64xf32> to vector<1000x64xf32>
    %get3A_29 = arith.constant 1 : index
    %get3A_30 = arith.constant 0 : index
    %get3A_31 = arith.constant 0 : index
    %get3A_32 = vector.load %arg2[%get3A_29, %get3A_30, %get3A_31] : memref<2x1000x64xf32, #tpu.memory_space<vmem>>, vector<1x1000x64xf32>
    %get3A_33 = vector.shape_cast %get3A_32 : vector<1x1000x64xf32> to vector<1000x64xf32>
    %add3A_34 = arith.addf %get3A_28, %get3A_33 : vector<1000x64xf32>
    %get3A_35 = arith.constant 0 : index
    %get3A_36 = arith.constant 0 : index
    %get3A_37 = arith.constant 0 : index
    %get3A_38 = vector.load %arg5[%get3A_35, %get3A_36, %get3A_37] : memref<2x1000x16xf32, #tpu.memory_space<vmem>>, vector<1x1000x16xf32>
    %get3A_39 = vector.shape_cast %get3A_38 : vector<1x1000x16xf32> to vector<1000x16xf32>
    %slice3A_40 = vector.extract_strided_slice %get3A_39 {offsets = [0, 0], sizes = [1000, 1], strides = [1, 1]} : vector<1000x16xf32> to vector<1000x1xf32>
    %get3A_41 = arith.constant 1 : index
    %get3A_42 = arith.constant 0 : index
    %get3A_43 = arith.constant 0 : index
    %get3A_44 = vector.load %arg5[%get3A_41, %get3A_42, %get3A_43] : memref<2x1000x16xf32, #tpu.memory_space<vmem>>, vector<1x1000x16xf32>
    %get3A_45 = vector.shape_cast %get3A_44 : vector<1x1000x16xf32> to vector<1000x16xf32>
    %slice3A_46 = vector.extract_strided_slice %get3A_45 {offsets = [0, 0], sizes = [1000, 1], strides = [1, 1]} : vector<1000x16xf32> to vector<1000x1xf32>
    %add3A_47 = arith.addf %slice3A_40, %slice3A_46 : vector<1000x1xf32>
    %max3A_48 = arith.constant 1.000000e+00 : f32
    %max3A_49 = vector.broadcast %max3A_48 : f32 to vector<1000x1xf32>
    %max3A_50 = arith.maximumf %add3A_47, %max3A_49 : vector<1000x1xf32>
    %div3A_51 = vector.broadcast %max3A_50 : vector<1000x1xf32> to vector<1000x64xf32>
    %div3A_52 = arith.divf %add3A_34, %div3A_51 : vector<1000x64xf32>
    %mul3A = arith.constant 7.500000e-01 : f32
    %mul3A_53 = vector.broadcast %mul3A : f32 to vector<1000x64xf32>
    %mul3A_54 = arith.mulf %mul3A_53, %div3A_52 : vector<1000x64xf32>
    %add3A_55 = arith.addf %div3A_23, %mul3A_54 : vector<1000x64xf32>
    %get3A_56 = arith.constant 0 : index
    %get3A_57 = arith.constant 0 : index
    %get3A_58 = vector.load %arg7[%get3A_56, %get3A_57] : memref<1000x64xf32, #tpu.memory_space<vmem>>, vector<1000x64xf32>
    %add3A_59 = arith.addf %add3A_55, %get3A_58 : vector<1000x64xf32>
    %max3A_60 = arith.constant 0.000000e+00 : f32
    %max3A_61 = vector.broadcast %max3A_60 : f32 to vector<1000x64xf32>
    %max3A_62 = arith.maximumf %add3A_59, %max3A_61 : vector<1000x64xf32>
    %swap3A = arith.constant 0 : index
    %swap3A_63 = arith.constant 0 : index
    %swap3A_64 = vector.load %arg9[%swap3A, %swap3A_63] : memref<1000x64xf32, #tpu.memory_space<vmem>>, vector<1000x64xf32>
    tpu.vector_store %arg9[%swap3A, %swap3A_63], %max3A_62 {strides = array<i32>} : memref<1000x64xf32, #tpu.memory_space<vmem>>, vector<1000x64xf32>,
    %get3A_65 = arith.constant 0 : index
    %get3A_66 = arith.constant 0 : index
    %get3A_67 = arith.constant 0 : index
    %get3A_68 = vector.load %arg3[%get3A_65, %get3A_66, %get3A_67] : memref<2x1000x64xf32, #tpu.memory_space<vmem>>, vector<1x1000x64xf32>
    %get3A_69 = vector.shape_cast %get3A_68 : vector<1x1000x64xf32> to vector<1000x64xf32>
    %get3A_70 = arith.constant 1 : index
    %get3A_71 = arith.constant 0 : index
    %get3A_72 = arith.constant 0 : index
    %get3A_73 = vector.load %arg3[%get3A_70, %get3A_71, %get3A_72] : memref<2x1000x64xf32, #tpu.memory_space<vmem>>, vector<1x1000x64xf32>
    %get3A_74 = vector.shape_cast %get3A_73 : vector<1x1000x64xf32> to vector<1000x64xf32>
    %add3A_75 = arith.addf %get3A_69, %get3A_74 : vector<1000x64xf32>
    %get3A_76 = arith.constant 0 : index
    %get3A_77 = arith.constant 0 : index
    %get3A_78 = arith.constant 0 : index
    %get3A_79 = vector.load %arg6[%get3A_76, %get3A_77, %get3A_78] : memref<2x1000x16xf32, #tpu.memory_space<vmem>>, vector<1x1000x16xf32>
    %get3A_80 = vector.shape_cast %get3A_79 : vector<1x1000x16xf32> to vector<1000x16xf32>
    %slice3A_81 = vector.extract_strided_slice %get3A_80 {offsets = [0, 0], sizes = [1000, 1], strides = [1, 1]} : vector<1000x16xf32> to vector<1000x1xf32>
    %get3A_82 = arith.constant 1 : index
    %get3A_83 = arith.constant 0 : index
    %get3A_84 = arith.constant 0 : index
    %get3A_85 = vector.load %arg6[%get3A_82, %get3A_83, %get3A_84] : memref<2x1000x16xf32, #tpu.memory_space<vmem>>, vector<1x1000x16xf32>
    %get3A_86 = vector.shape_cast %get3A_85 : vector<1x1000x16xf32> to vector<1000x16xf32>
    %slice3A_87 = vector.extract_strided_slice %get3A_86 {offsets = [0, 0], sizes = [1000, 1], strides = [1, 1]} : vector<1000x16xf32> to vector<1000x1xf32>
    %add3A_88 = arith.addf %slice3A_81, %slice3A_87 : vector<1000x1xf32>
    %max3A_89 = arith.constant 1.000000e+00 : f32
    %max3A_90 = vector.broadcast %max3A_89 : f32 to vector<1000x1xf32>
    %max3A_91 = arith.maximumf %add3A_88, %max3A_90 : vector<1000x1xf32>
    %div3A_92 = vector.broadcast %max3A_91 : vector<1000x1xf32> to vector<1000x64xf32>
    %div3A_93 = arith.divf %add3A_75, %div3A_92 : vector<1000x64xf32>
    %get3A_94 = arith.constant 0 : index
    %get3A_95 = arith.constant 0 : index
    %get3A_96 = vector.load %arg8[%get3A_94, %get3A_95] : memref<1000x64xf32, #tpu.memory_space<vmem>>, vector<1000x64xf32>
    %add3A_97 = arith.addf %div3A_93, %get3A_96 : vector<1000x64xf32>
    %max3A_98 = arith.constant 0.000000e+00 : f32
    %max3A_99 = vector.broadcast %max3A_98 : f32 to vector<1000x64xf32>
    %max3A_100 = arith.maximumf %add3A_97, %max3A_99 : vector<1000x64xf32>
    %swap3A_101 = arith.constant 0 : index
    %swap3A_102 = arith.constant 0 : index
    %swap3A_103 = vector.load %arg10[%swap3A_101, %swap3A_102] : memref<1000x64xf32, #tpu.memory_space<vmem>>, vector<1000x64xf32>
    tpu.vector_store %arg10[%swap3A_101, %swap3A_102], %max3A_100 {strides = array<i32>} : memref<1000x64xf32, #tpu.memory_space<vmem>>, vector<1000x64xf32>,
    return
  }
  func.func @transform_0(%arg0: i32) -> (i32, i32, i32) {
    %c0_i32 = arith.constant 0 : i32
    %c0_i32_0 = arith.constant 0 : i32
    %c0_i32_1 = arith.constant 0 : i32
    return %c0_i32, %arg0, %c0_i32_0 : i32, i32, i32
  }
  func.func @transform_1(%arg0: i32) -> (i32, i32, i32) {
    %c0_i32 = arith.constant 0 : i32
    %c0_i32_0 = arith.constant 0 : i32
    %c0_i32_1 = arith.constant 0 : i32
    return %c0_i32, %arg0, %c0_i32_0 : i32, i32, i32
  }
  func.func @transform_2(%arg0: i32) -> (i32, i32, i32) {
    %c0_i32 = arith.constant 0 : i32
    %c0_i32_0 = arith.constant 0 : i32
    %c0_i32_1 = arith.constant 0 : i32
    return %c0_i32, %arg0, %c0_i32_0 : i32, i32, i32
  }
  func.func @transform_3(%arg0: i32) -> (i32, i32, i32) {
    %c0_i32 = arith.constant 0 : i32
    %c0_i32_0 = arith.constant 0 : i32
    %c0_i32_1 = arith.constant 0 : i32
    return %c0_i32, %arg0, %c0_i32_0 : i32, i32, i32
  }
  func.func @transform_4(%arg0: i32) -> (i32, i32, i32) {
    %c0_i32 = arith.constant 0 : i32
    %c0_i32_0 = arith.constant 0 : i32
    %c0_i32_1 = arith.constant 0 : i32
    return %c0_i32, %arg0, %c0_i32_0 : i32, i32, i32
  }
  func.func @transform_5(%arg0: i32) -> (i32, i32, i32) {
    %c0_i32 = arith.constant 0 : i32
    %c0_i32_0 = arith.constant 0 : i32
    %c0_i32_1 = arith.constant 0 : i32
    return %c0_i32, %arg0, %c0_i32_0 : i32, i32, i32
  }
  func.func @transform_6(%arg0: i32) -> (i32, i32) {
    %c0_i32 = arith.constant 0 : i32
    %c0_i32_0 = arith.constant 0 : i32
    return %arg0, %c0_i32 : i32, i32
  }
  func.func @transform_7(%arg0: i32) -> (i32, i32) {
    %c0_i32 = arith.constant 0 : i32
    %c0_i32_0 = arith.constant 0 : i32
    return %arg0, %c0_i32 : i32, i32
  }
  func.func @transform_8(%arg0: i32) -> (i32, i32) {
    %c0_i32 = arith.constant 0 : i32
    %c0_i32_0 = arith.constant 0 : i32
    return %arg0, %c0_i32 : i32, i32
  }
  func.func @transform_9(%arg0: i32) -> (i32, i32) {
    %c0_i32 = arith.constant 0 : i32
    %c0_i32_0 = arith.constant 0 : i32
    return %arg0, %c0_i32 : i32, i32
  }
}

</mosaic_0001>

<sc_bundles>
// kernel: kernel.5.cloned.1.call-start
scs
__scs_entry_jumppad:
0x0: {  	(pc) =	sbr.rel $0x88, $3  }
0x1: {  	(tag) =	ssettag $0x0;
	lr =	simm.s32 $0x1  }
0x2: {  	[smem:$0x3F93] =	sst lr;
	_ =	strace $0xD0000000  }
0x3: {  	_ = 	snop  }
0x4: {  	_ = 	snop  }
0x5: {  	_ = 	snop  }
0x6: {  	_ = 	snop  }
0x7: {  	_ = 	snop  }
__scs_overlays_trampoline_lowered:
0x8: {  	[smem:$0x3FA2] =	sst s0  }
0x9: {  	[smem:$0x3FA3] =	sst s1  }
0xa: {  	[smem:$0x3FA4] =	sst s2  }
0xb: {  	[smem:$0x3FA5] =	sst s3  }
0xc: {  	[smem:$0x3FA6] =	sst s4  }
0xd: {  	[smem:$0x3FA7] =	sst s5  }
0xe: {  	[smem:$0x3FA8] =	sst s6  }
0xf: {  	[smem:$0x3FA9] =	sst s7  }
0x10: {  	[smem:$0x3FAA] =	sst s8  }
0x11: {  	[smem:$0x3FAB] =	sst s9;
	s0 =	simm.s32 @!p0 $0x0  }
0x12: {  	s1 =	sld [smem:$0x3F91];
	s0 =	simm.s32 @p0 $0x1  }
0x13: {  	[smem:$0x3FAC] =	sst s0;
	s0 =	simm.s32 @!p1 $0x0  }
0x14: {  	s2 =	sld [smem:$0x3F90];
	s0 =	simm.s32 @p1 $0x1  }
0x15: {  	[smem:$0x3FAD] =	sst s0;
	s0 =	simm.s32 @!p2 $0x0  }
0x16: {  	s3 =	sld [smem:$0x3FDB];
	s0 =	simm.s32 @p2 $0x1  }
0x17: {  	s4 =	simm.s32 $0x1BF5;
	[smem:$0x3FAF] =	sst s0  }
0x18: {  	s0 =	sld [smem:$0x3F92];
	_ =	swait.ge [sflag:s4], $0x0  }
0x19: {  	s7 =	sld [smem:$0x3F93]  }
0x1a: {  	s8 =	sadd.s32 $0xFFFFE003, lr  }
0x1b: {  	s9 =	sadd.s32 $0xFFFFFEF7, lr;
	s5 =	simm.s32 $0xFFFFFFFF;
	p2 =	slt.u32 s8, $0xFFFFF086  }
0x1c: {  	p1 =	slt.u32 s9, $0xF7A;
	s5 =	simm.s32 @!p2 $0x0  }
0x1d: {  	s5 =	simm.s32 @p1 $0x1;
	p0 =	seq.s32 s7, s2  }
0x1e: {  	s7 =	smul.u32 @!p0 $0xF7A, s2;
	p2 =	seq.s32 @!p0 s5, $0x0  }
0x1f: {  	s9 =	smul.u32 $0xF7A, s1;
	s8 =	simm.s32 @!p0 $0x1BF5;
	p2 =	por !p2, p0  }
0x20: {  	[sflag:s8] =	ssyncset.s32 @!p0 $0xFFFFF086;
	s6 =	sadd.s32 @!p0 s3, s7;
	s7 =	simm.s32 @!p0 $0x108  }
0x21: {  	s3 =	sadd.s32 s3, s9;
	s6 =	sadd.s32 @!p0 $0x88, s6;
	s7 =	simm.s32 @p2 $0x1082  }
0x22: {  	[simem:s7], [sflag:s8] =	dma.local @!p0 [hbm:s6], $0xF7A  }
0x23: {  	s9 =	sor.u32 $0xD0000000, s2;
	s6 =	simm.s32 $0x108;
	_ =	swait.ge @!p0 [sflag:s8], $0x0  }
0x24: {  	s3 =	sadd.s32 $0x88, s3;
	s6 =	simm.s32 @!p1 $0x1082;
	[sflag:s4] =	ssyncset.s32 $0xFFFFF086  }
0x25: {  	[simem:s6], [sflag:s4] =	dma.local [hbm:s3], $0xF7A  }
0x26: {  	[smem:$0x3F93] =	sst s1;
	(tag) =	ssettag s2;
	_ =	strace s9  }
0x27: {  	s1 =	sld [smem:$0x3FA3]  }
0x28: {  	s2 =	sld [smem:$0x3FA4]  }
0x29: {  	s4 =	sld [smem:$0x3FA6]  }
0x2a: {  	p0 =	seq.s32 s5, $0x0;
	s5 =	sld [smem:$0x3FA7]  }
0x2b: {  	s6 =	sld [smem:$0x3FA8]  }
0x2c: {  	s7 =	sld [smem:$0x3FA9]  }
0x2d: {  	s3 =	simm.s32 $0x108;
	s8 =	sld [smem:$0x3FAA]  }
0x2e: {  	s3 =	simm.s32 @!p0 $0x1082;
	s9 =	sld [smem:$0x3FAB]  }
0x2f: {  	lr =	sadd.s32 s0, s3;
	s0 =	sld [smem:$0x3FA2]  }
0x30: {  	s3 =	sld [smem:$0x3FA5]  }
0x31: {  	[smem:$0x3FAE] =	sst s10  }
0x32: {  	s10 =	sld [smem:$0x3FAC];
	_ =	sdelay $0x3  }
0x33: {  	p0 =	seq.s32 s10, $0x1;
	s10 =	sld [smem:$0x3FAE];
	_ =	sdelay $0x3  }
0x34: {  	[smem:$0x3FAE] =	sst s10  }
0x35: {  	s10 =	sld [smem:$0x3FAD];
	_ =	sdelay $0x3  }
0x36: {  	p1 =	seq.s32 s10, $0x1;
	s10 =	sld [smem:$0x3FAE];
	_ =	sdelay $0x3  }
0x37: {  	[smem:$0x3FAE] =	sst s10  }
0x38: {  	s10 =	sld [smem:$0x3FAF]  }
0x39: {  	_ = 	snop;
	(pc) =	sbr.ind lr, $3  }
0x3a: {  	_ = 	snop  }
0x3b: {  	_ = 	snop  }
0x3c: {  	p2 =	seq.s32 s10, $0x1;
	s10 =	sld [smem:$0x3FAE]  }
0x3d: {  	_ =	shalt  }
0x3e: {  	_ =	shalt  }
0x3f: {  	_ =	shalt  }
0x40: {  	_ =	shalt  }
0x41: {  	_ =	shalt  }
0x42: {  	_ =	shalt  }
0x43: {  	_ =	shalt  }
0x44: {  	_ =	shalt  }
0x45: {  	_ =	shalt  }
0x46: {  	_ =	shalt  }
0x47: {  	_ =	shalt  }
0x48: {  	_ =	shalt  }
0x49: {  	_ =	shalt  }
0x4a: {  	_ =	shalt  }
0x4b: {  	_ =	shalt  }
0x4c: {  	_ =	shalt  }
0x4d: {  	_ =	shalt  }
0x4e: {  	_ =	shalt  }
0x4f: {  	_ =	shalt  }
0x50: {  	_ =	shalt  }
0x51: {  	_ =	shalt  }
0x52: {  	_ =	shalt  }
0x53: {  	_ =	shalt  }
0x54: {  	_ =	shalt  }
0x55: {  	_ =	shalt  }
0x56: {  	_ =	shalt  }
0x57: {  	_ =	shalt  }
0x58: {  	_ =	shalt  }
0x59: {  	_ =	shalt  }
0x5a: {  	_ =	shalt  }
0x5b: {  	_ =	shalt  }
0x5c: {  	_ =	shalt  }
0x5d: {  	_ =	shalt  }
0x5e: {  	_ =	shalt  }
0x5f: {  	_ =	shalt  }
0x60: {  	_ =	shalt  }
0x61: {  	_ =	shalt  }
0x62: {  	_ =	shalt  }
0x63: {  	_ =	shalt  }
0x64: {  	_ =	shalt  }
0x65: {  	_ =	shalt  }
0x66: {  	_ =	shalt  }
0x67: {  	_ =	shalt  }
0x68: {  	_ =	shalt  }
0x69: {  	_ =	shalt  }
0x6a: {  	_ =	shalt  }
0x6b: {  	_ =	shalt  }
0x6c: {  	_ =	shalt  }
0x6d: {  	_ =	shalt  }
0x6e: {  	_ =	shalt  }
0x6f: {  	_ =	shalt  }
0x70: {  	_ =	shalt  }
0x71: {  	_ =	shalt  }
0x72: {  	_ =	shalt  }
0x73: {  	_ =	shalt  }
0x74: {  	_ =	shalt  }
0x75: {  	_ =	shalt  }
0x76: {  	_ =	shalt  }
0x77: {  	_ =	shalt  }
0x78: {  	_ =	shalt  }
0x79: {  	_ =	shalt  }
0x7a: {  	_ =	shalt  }
0x7b: {  	_ =	shalt  }
0x7c: {  	_ =	shalt  }
0x7d: {  	_ =	shalt  }
0x7e: {  	_ =	shalt  }
0x7f: {  	_ =	shalt  }
0x80: {  	_ =	shalt  }
0x81: {  	_ =	shalt  }
0x82: {  	_ =	shalt  }
0x83: {  	_ =	shalt  }
0x84: {  	_ =	shalt  }
0x85: {  	_ =	shalt  }
0x86: {  	_ =	shalt  }
0x87: {  	_ =	shalt  }
.Lfunc_end0:
.L_simem_size_0:
called_computation_lowered:
.L_overlay_start_0:
0x88: {  	s2 =	sld [smem:$0x3FD9]  }
0x89: {  	s3 =	sld [smem:$0x3FFE];
	_ =	sdelay $0x1  }
0x8a: {  	s1 =	srdreg.scid  }
0x8b: {  	s0 =	sand.u32 $0x1, s1  }
0x8c: {  	s14 =	sshll.u32 s0, $0xA;
	s2 =	sadd.s32 s3, s2  }
0x8d: {  	s2 =	sadd.s32 s2, s14  }
0x8e: {  	[smem:$0x3FBA] =	sst s2  }
0x8f: {  	_ = 	snop  }
0x90: {  	s2 =	sld [smem:$0x3FD0];
	_ =	sdelay $0x2  }
0x91: {  	s15 =	simm.s32 $0xA;
	s4 =	simm.s32 $0x10  }
0x92: {  	[smem:s4], [sflag:s15] =	dma.local [hbm:s2], $0x1  }
0x93: {  	_ =	swait.eq [sflag:s15], $0x1  }
0x94: {  	[sflag:s15] =	ssyncset.done $0x0  }
0x95: {  	s16 =	sld [smem:$0x10];
	[sflag:s15] =	ssyncadd.s32 $0xFFFFFFFF  }
0x96: {  	s17 =	sld [smem:$0x11];
	(tm) =	ssettm $0x1  }
0x97: {  	s18 =	sld [smem:$0x3FFB];
	_ =	sdelay $0x3  }
0x98: {  	_ =	strace s18  }
0x99: {  	s4 =	sld [smem:$0x3FFC];
	_ =	sdelay $0x3  }
0x9a: {  	_ =	strace s4  }
0x9b: {  	s4 =	sld [smem:$0x3FFD];
	_ =	sdelay $0x3  }
0x9c: {  	_ =	strace s4  }
0x9d: {  	_ =	strace $0x8FFFFFFF  }
0x9e: {  	s19 =	sld [smem:$0x3FDB];
	_ =	sdelay $0x1  }
0x9f: {  	s5 =	simm.s32 $_scs_section_size  }
0xa0: {  	s6 =	simm.s32 $_size__tile_overlayer_lowered;
	s7 =	simm.s32 $_tile_overlayer_lowered  }
0xa1: {  	s22 =	simm.s32 $0x1BFF;
	s21 =	sshll.u32 s7, $0x1;
	s4 =	sadd.s32 s5, s19  }
0xa2: {  	s8 =	simm.s32 $0x0;
	s20 =	sshll.u32 s6, $0x1;
	s6 =	sadd.s32 s21, s4  }
0xa3: {  	[timem:s8], [sflag:s22] =	dma.local [hbm:s6], s20  }
0xa4: {  	_ =	swait.ge [sflag:s22], s20  }
0xa5: {  	s5 =	ssub.s32 $0x0, s20;
	[sflag:s22] =	ssyncset.done $0x0  }
0xa6: {  	[sflag:s22] =	ssyncadd.s32 s5;
	_ =	sdelay $0x1  }
0xa7: {  	s23 =	simm.s32 $0x1B8B  }
0xa8: {  	_ =	swait.ge [sflag:s23], $0x1  }
0xa9: {  	[sflag:s23] =	ssyncset.done $0x0  }
0xaa: {  	s25 =	simm.s32 $0x1B8E;
	s24 =	sld [smem:$0x3FFE];
	[sflag:s23] =	ssyncadd.s32 $0xFFFFFFFF  }
0xab: {  	s26 =	simm.s32 $execute0_lowered;
	[smem:$0x3FD2] =	sst s25  }
0xac: {  	s6 =	sshll.u32 s26, $0x1;
	_ =	strace $0x80000046;
	[dreg:$0x1] =	wrdreg $0xFFFFFFFF  }
0xad: {  	s28 =	simm.s32 $_size_execute0_lowered;
	s4 =	sadd.s32 s4, s6;
	[dreg:$0x0] =	wrdreg $0x0  }
0xae: {  	s6 =	sshll.u32 s28, $0x1;
	[dreg:$0x2] =	wrdreg s4  }
0xaf: {  	[dreg:$0x3] =	wrdreg s6  }
0xb0: {  	[dreg:$0x4] =	wrdreg $0xC0  }
0xb1: {  	_ =	task [dreg:s8], $0x5FFFF  }
0xb2: {  	[dreg:$0x1] =	wrdreg $0xFFFFFFFF  }
0xb3: {  	[dreg:$0x0] =	wrdreg $0x60  }
0xb4: {  	[dreg:$0x2] =	wrdreg s17  }
0xb5: {  	[dreg:$0x3] =	wrdreg s16  }
0xb6: {  	[dreg:$0x4] =	wrdreg s24  }
0xb7: {  	[dreg:$0x5] =	wrdreg $0xF7000  }
0xb8: {  	[dreg:$0x6] =	wrdreg $0x197000  }
0xb9: {  	[dreg:$0x7] =	wrdreg $0x9  }
0xba: {  	_ =	task.clear_ibuf [dreg:s8], $0x8FFFF;
	_ =	strace $0x90000046  }
0xbb: {  	s29 =	simm.s32 $0x9;
	_ =	strace $0x80000048  }
0xbc: {  	_ =	swait.ge [sflag:s29], $0x1  }
0xbd: {  	[sflag:s29] =	ssyncadd.s32 $0xFFFFFFFF  }
0xbe: {  	_ =	strace $0x90000048  }
0xbf: {  	_ =	sfence  }
0xc0: {  	s30 =	sld [smem:$0x0];
	_ =	sdelay $0x2  }
0xc1: {  	s31 =	sshll.u32 s1, $0xD;
	s1 =	sshrl.u32 s1, $0x2  }
0xc2: {  	s3 =	sand.u32 $0x4000, s31;
	s1 =	sadd.s32 s1, s30  }
0xc3: {  	s0 =	sor.u32 s3, s0;
	s1 =	sshll.u32 s1, $0x11  }
0xc4: {  	s0 =	sor.u32 s1, s0  }
0xc5: {  	s0 =	sadd.s32 $0x8F2B, s0  }
0xc6: {  	[sflag:s0] =	ssyncadd.remote.s32 $0x1  }
0xc7: {  	_ =	sfence.sel $0xFFFF  }
0xc8: {  	[dreg:$0x0] =	wrdreg $0xFFFFFFFF;
	(pc) =	sbr.abs _section_cstart, $3  }
0xc9: {  	[dreg:$0x1] =	wrdreg $0xFFFFFFFF  }
0xca: {  	_ =	task.clear_ibuf [dreg:s8], $0x2FFFF;
	_ =	strace $0x9FFFFFFF  }
0xcb: {  	(tm) =	ssettm $0x7FFFFFFF  }
tec
execute0_lowered:
.L_overlay_start_1:
0x0: {  	(tag) =	ssettag $0x1  }
0x1: {  	s1 =	rddreg [dreg:$0x0]  }
0x2: {  	s2 =	rddreg [dreg:$0x1]  }
0x3: {  	s0 =	rddreg [dreg:$0x2]  }
0x4: {  	s3 =	rddreg [dreg:$0x3]  }
0x5: {  	s5 =	rddreg [dreg:$0x4];
	s6 =	simm.s32 $0x0;
	s4 =	srdreg.scid  }
0x6: {  	s17 =	stileid.u32;
	[smem:$0x7FF] =	sst s6  }
0x7: {  	s4 =	sand.u32 $0x1, s4;
	s6 =	smul.u32 $0xA000, s17;
	s8 =	sshll.u32 s17, $0x1  }
0x8: {  	s9 =	sadd.s32 $0x2800, s0;
	s10 =	smul.u32 $0x2800, s17;
	s11 =	sadd.s32 $0x16200, s0  }
0x9: {  	s12 =	sadd.s32 $0x29C00, s0;
	s19 =	sadd.s32 $0x64800, s0;
	p0 =	slt.u32 s17, $0x2  }
0xa: {  	s18 =	sadd.s32 $0x78200, s0;
	s7 =	smul.u32 $0xA0000, s4;
	s8 =	sor.u32 s4, s8  }
0xb: {  	s20 =	sadd.s32 $0x78A00, s0;
	_ =	strace $0x80000047;
	s13 =	smul.u32 $0x4E, s8  }
0xc: {  	s14 =	smul.u32 $0x28000, s4;
	[dreg:$0x12] =	wrdreg s18;
	s8 =	smin.u32 s8, $0x4  }
0xd: {  	s4 =	ssub.s32 $0x2, s4;
	[dreg:$0x13] =	wrdreg s20;
	s8 =	sadd.s32 s8, s13  }
0xe: {  	s18 =	simm.s32 $0x6;
	s20 =	simm.s32 $0x7;
	s8 =	sshll.u32 s8, $0x4  }
0xf: {  	s15 =	sshrl.u32 s4, $0x1;
	s22 =	sadd.s32 s9, s8;
	s23 =	sadd.s32 $0x9C40, s8  }
0x10: {  	s24 =	sadd.s32 $0x4E0, s8;
	s28 =	sadd.s32 s11, s8;
	[dreg:$0x6] =	wrdreg s22  }
0x11: {  	s26 =	sadd.s32 $0xA120, s8;
	s8 =	sadd.s32 s12, s8;
	[dreg:$0xa] =	wrdreg s28  }
0x12: {  	s7 =	sadd.s32 s6, s7;
	s16 =	sadd.s32 s9, s23;
	[dreg:$0xe] =	wrdreg s8  }
0x13: {  	s21 =	sadd.s32 s10, s14;
	s25 =	sadd.s32 s9, s24;
	[dreg:$0x7] =	wrdreg s16  }
0x14: {  	s4 =	ssub.s32 s4, s15;
	s9 =	sadd.s32 s9, s26;
	[dreg:$0x8] =	wrdreg s25  }
0x15: {  	s7 =	sshrl.u32 s7, $0x3;
	s29 =	sadd.s32 s11, s23;
	[dreg:$0x9] =	wrdreg s9  }
0x16: {  	s7 =	sadd.s32 s7, s0;
	s30 =	sadd.s32 s11, s24;
	[dreg:$0xb] =	wrdreg s29  }
0x17: {  	s31 =	sadd.s32 s11, s26;
	s11 =	sadd.s32 s12, s23;
	[dreg:$0xc] =	wrdreg s30  }
0x18: {  	s14 =	sadd.s32 s12, s24;
	s15 =	sadd.s32 s12, s26;
	[dreg:$0xd] =	wrdreg s31  }
0x19: {  	s22 =	simm.s32 $0x4F;
	s23 =	sadd.s32 s10, s5;
	[dreg:$0xf] =	wrdreg s11  }
0x1a: {  	s24 =	sadd.s32 $0xA1E00, s7;
	s26 =	sadd.s32 $0xC9E00, s7;
	[dreg:$0x10] =	wrdreg s14  }
0x1b: {  	s10 =	simm.s32 $0x80;
	s12 =	simm.s32 $0x6F00;
	[dreg:$0x11] =	wrdreg s15  }
0x1c: {  	s16 =	sshrl.u32 s21, $0x3;
	s22 =	simm.s32 @!p0 $0x4E;
	[dreg:$0x16] =	wrdreg s23  }
0x1d: {  	s21 =	sadd.s32 s6, s3;
	[dreg:$0x17] =	wrdreg s24;
	s25 =	sadd.s32 $0x79E00, s7  }
0x1e: {  	[dreg:$0x19] =	wrdreg s26;
	s31 =	smax.u32 s4, $0x1;
	p0 =	sgt.u32 s17, $0x1  }
0x1f: {  	s7 =	simm.s32 $0xEF00;
	s11 =	simm.s32 $0x4F00;
	[dreg:$0x15] =	wrdreg s21  }
0x20: {  	s14 =	simm.s32 $0x8F00;
	s15 =	simm.s32 $0x1;
	[dreg:$0x18] =	wrdreg s25  }
0x21: {  	s8 =	sadd.s32 s16, s0;
	s0 =	sadd.s32 $0x78400, s0;
	[dreg:$0x1d] =	wrdreg s31  }
0x22: {  	s17 =	simm.s32 $0x3;
	[dreg:$0x14] =	wrdreg s0;
	s28 =	sadd.s32 $0xF1E00, s8  }
0x23: {  	s24 =	simm.s32 $0x8;
	s29 =	sadd.s32 $0xFBE00, s8;
	[dreg:$0x1a] =	wrdreg s28  }
0x24: {  	s4 =	simm.s32 $0x0;
	s30 =	sadd.s32 $0x105E00, s8;
	[dreg:$0x1b] =	wrdreg s29  }
0x25: {  	s16 =	simm.s32 $0x2;
	s8 =	simm.s32 $0xB;
	[dreg:$0x1c] =	wrdreg s30  }
.LBB2_1:
0x26: {  	[dreg:$0x1e] =	wrdreg s4  }
0x27: {  	s9 =	simm.s32 $0x0;
	s0 =	rddreg [dreg:$0x12]  }
0x28: {  	[tilespmem:s7], [sflag:$0xB] =	stream.linear.gather [hbm4b:s0+s9], $0x800, $0x38;
	[tilespmem:$0x1BF00] =	vst v63  }
0x29: {  	s13 =	stileid.u32;
	_ =	swait.ge [sflag:s8], $0x800  }
0x2a: {  	s0 =	sshll.u32 s13, $0x6;
	s23 =	rddreg [dreg:$0x15]  }
0x2b: {  	[sflag:s8] =	ssyncset.done $0x0;
	s25 =	rddreg [dreg:$0x13];
	s6 =	sshrl.u32 s23, $0x3  }
0x2c: {  	s21 =	sor.u32 $0x1C0B, s0;
	[sflag:s8] =	ssyncadd.s32 $0xFFFFF800;
	[smem:$0x7FC] =	sst s6  }
0x2d: {  	[spmem:s6], [sflag:s21] =	dma.local [hbm:s25], $0x1400  }
0x2e: {  	_ =	swait.ge [sflag:s8], $0x1400;
	[dreg:$0x1f] =	wrdreg s21  }
0x2f: {  	s26 =	rddreg [dreg:$0x16]  }
0x30: {  	[sflag:s8] =	ssyncset.done $0x0;
	s29 =	rddreg [dreg:$0x14];
	s28 =	sshrl.u32 s26, $0x3  }
0x31: {  	[sflag:s8] =	ssyncadd.s32 $0xFFFFEC00;
	[smem:$0x7FD] =	sst s28  }
0x32: {  	[spmem:s28], [sflag:s21] =	dma.local [hbm:s29], $0x500  }
0x33: {  	_ =	swait.ge [sflag:s8], $0x500  }
0x34: {  	[sflag:s8] =	ssyncset.done $0x0  }
0x35: {  	s13 =	rddreg [dreg:$0x6];
	[sflag:s8] =	ssyncadd.s32 $0xFFFFFB00  }
0x36: {  	[tilespmem:s9], [sflag:$0xB] =	stream.linear.gather [hbm4b:s13+s9], $0x2700, $0x38;
	[tilespmem:$0x1BF00] =	vst v63  }
0x37: {  	_ =	swait.ge [sflag:s8], $0x2700  }
0x38: {  	[sflag:s8] =	ssyncset.done $0x0  }
0x39: {  	s23 =	simm.s32 $0x2780;
	s21 =	rddreg [dreg:$0x7];
	[sflag:s8] =	ssyncadd.s32 $0xFFFFD900  }
0x3a: {  	[tilespmem:s23], [sflag:$0xB] =	stream.linear.gather [hbm4b:s21+s9], $0x2700, $0x38;
	[tilespmem:$0x1BF00] =	vst v63  }
0x3b: {  	_ =	swait.ge [sflag:s8], $0x2700  }
0x3c: {  	s4 =	simm.s32 @!p0 $0x2700;
	[sflag:s8] =	ssyncset.done $0x0  }
0x3d: {  	s0 =	simm.s32 @!p0 $0x0;
	s6 =	rddreg [dreg:$0x8];
	[sflag:s8] =	ssyncadd.s32 $0xFFFFD900  }
0x3e: {  	[tilespmem:s4], [sflag:$0xB] =	stream.linear.gather @!p0 [hbm4b:s6+s0], $0x80, $0x38;
	[tilespmem:$0x1BF00] =	vst v63  }
0x3f: {  	s4 =	simm.s32 @!p0 $0xB  }
0x40: {  	_ =	swait.ge @!p0 [sflag:s4], $0x80  }
0x41: {  	[sflag:s4] =	ssyncset.done @!p0 $0x0  }
0x42: {  	s6 =	simm.s32 @!p0 $0x4E80;
	s13 =	rddreg [dreg:$0x9];
	[sflag:s4] =	ssyncadd.s32 @!p0 $0xFFFFFF80  }
0x43: {  	[tilespmem:s6], [sflag:$0xB] =	stream.linear.gather @!p0 [hbm4b:s13+s0], $0x80, $0x38;
	[tilespmem:$0x1BF00] =	vst v63  }
0x44: {  	_ =	swait.ge @!p0 [sflag:s4], $0x80  }
0x45: {  	[sflag:s4] =	ssyncset.done @!p0 $0x0  }
0x46: {  	[sflag:s4] =	ssyncadd.s32 @!p0 $0xFFFFFF80  }
0x47: {  	[bflag:$0x0] =	sbarrier.arrive $0xFFFF  }
0x48: {  	[tilespmem:s11], [sflag:$0x1] =	stream.indirect.gather [hbm4b:s1+s10], $0x40, s9, s10, $0xb8;
	[tilespmem:$0x1BF00] =	vst v63  }
0x49: {  	_ = 	snop  }
0x4a: {  	[tilespmem:s12], [sflag:$0x2] =	stream.indirect.gather [hbm4b:s1+s10], $0x40, s10, s10, $0xb8;
	[tilespmem:$0x1BF00] =	vst v63  }
0x4b: {  	s25 =	simm.s32 $0x100  }
0x4c: {  	[tilespmem:s14], [sflag:$0x3] =	stream.indirect.gather [hbm4b:s1+s10], $0x40, s25, s10, $0xb8;
	[tilespmem:$0x1BF00] =	vst v63  }
0x4d: {  	_ =	swait.ge [sflag:s15], $0x2000  }
0x4e: {  	[sflag:s15] =	ssyncset.done $0x0  }
0x4f: {  	p3 =	por $0x1, $0x1;
	s26 =	simm.s32 $0x2780;
	[sflag:s15] =	ssyncadd.s32 $0xFFFFE000  }
0x50: {  	[spmem:s3] =	stream.indirect.scatter.add.f32 [tilespmem:s11], [sflag:$0x6], $0x40, s26, s10, $0xb8;
	[tilespmem:$0x1BF00] =	vst v63  }
0x51: {  	s0 =	simm.s32 @!p3 $0x9  }
0x52: {  	[spmem:s5] =	stream.indirect.scatter.add.f32 [tilespmem:s7], [sflag:$0x6], $0x10, s26, s10, $0xb8;
	[tilespmem:$0x1BF00] =	vst v63  }
0x53: {  	_ =	swait.ge @!p3 [sflag:s0], $0x2000  }
0x54: {  	[sflag:s0] =	ssyncset.done @!p3 $0x0  }
0x55: {  	[sflag:s0] =	ssyncadd.s32 @!p3 $0xFFFFE000  }
0x56: {  	p2 =	sle.u32 s22, $0x3;
	_ =	swait.ge @!p3 [sflag:s0], $0x800  }
0x57: {  	s6 =	simm.s32 @!p2 $0x180;
	[sflag:s0] =	ssyncset.done @!p3 $0x0  }
0x58: {  	s4 =	simm.s32 @!p2 $0xAF00;
	s9 =	simm.s32 @!p2 $0x80;
	[sflag:s0] =	ssyncadd.s32 @!p3 $0xFFFFF800  }
0x59: {  	[tilespmem:s4], [sflag:$0x4] =	stream.indirect.gather @!p2 [hbm4b:s1+s9], $0x40, s6, s9, $0xb8;
	[tilespmem:$0x1BF00] =	vst v63  }
0x5a: {  	_ =	swait.ge [sflag:s16], $0x2000  }
0x5b: {  	[sflag:s16] =	ssyncset.done $0x0  }
0x5c: {  	s28 =	simm.s32 $0x2800;
	[sflag:s16] =	ssyncadd.s32 $0xFFFFE000  }
0x5d: {  	[spmem:s3] =	stream.indirect.scatter.add.f32 [tilespmem:s12], [sflag:$0x7], $0x40, s28, s10, $0xb8;
	[tilespmem:$0x1BF00] =	vst v63  }
0x5e: {  	s6 =	simm.s32 @!p3 $0xA  }
0x5f: {  	[spmem:s5] =	stream.indirect.scatter.add.f32 [tilespmem:s7], [sflag:$0x7], $0x10, s28, s10, $0xb8;
	[tilespmem:$0x1BF00] =	vst v63  }
0x60: {  	_ =	swait.ge @!p3 [sflag:s6], $0x2000  }
0x61: {  	[sflag:s6] =	ssyncset.done @!p3 $0x0  }
0x62: {  	[sflag:s6] =	ssyncadd.s32 @!p3 $0xFFFFE000  }
0x63: {  	p1 =	sle.u32 s22, $0x4;
	_ =	swait.ge @!p3 [sflag:s6], $0x800  }
0x64: {  	s21 =	simm.s32 @!p1 $0x80;
	[sflag:s6] =	ssyncset.done @!p3 $0x0  }
0x65: {  	s13 =	simm.s32 @!p1 $0x200;
	s0 =	simm.s32 @!p1 $0xCF00;
	[sflag:s6] =	ssyncadd.s32 @!p3 $0xFFFFF800  }
0x66: {  	[tilespmem:s0], [sflag:$0x5] =	stream.indirect.gather @!p1 [hbm4b:s1+s21], $0x40, s13, s21, $0xb8;
	[tilespmem:$0x1BF00] =	vst v63  }
0x67: {  	_ =	swait.ge [sflag:s17], $0x2000  }
0x68: {  	[sflag:s17] =	ssyncset.done $0x0  }
0x69: {  	s29 =	simm.s32 $0x2880;
	[sflag:s17] =	ssyncadd.s32 $0xFFFFE000  }
0x6a: {  	[spmem:s3] =	stream.indirect.scatter.add.f32 [tilespmem:s14], [sflag:$0x8], $0x40, s29, s10, $0xb8;
	[tilespmem:$0x1BF00] =	vst v63  }
0x6b: {  	_ = 	snop  }
0x6c: {  	[spmem:s5] =	stream.indirect.scatter.add.f32 [tilespmem:s7], [sflag:$0x8], $0x10, s29, s10, $0xb8;
	[tilespmem:$0x1BF00] =	vst v63  }
0x6d: {  	_ =	swait.ge [sflag:s18], $0x2000  }
0x6e: {  	[sflag:s18] =	ssyncset.done $0x0  }
0x6f: {  	[sflag:s18] =	ssyncadd.s32 $0xFFFFE000  }
0x70: {  	p3 =	sle.u32 s22, $0x5;
	_ =	swait.ge [sflag:s18], $0x800  }
0x71: {  	s6 =	simm.s32 @!p3 $0x4F00;
	[sflag:s18] =	ssyncset.done $0x0  }
0x72: {  	s13 =	simm.s32 @!p3 $0x280;
	s23 =	simm.s32 @!p3 $0x80;
	[sflag:s18] =	ssyncadd.s32 $0xFFFFF800  }
0x73: {  	[tilespmem:s6], [sflag:$0x1] =	stream.indirect.gather @!p3 [hbm4b:s1+s23], $0x40, s13, s23, $0xb8;
	[tilespmem:$0x1BF00] =	vst v63  }
0x74: {  	s6 =	simm.s32 @!p2 $0x4  }
0x75: {  	_ =	swait.ge @!p2 [sflag:s6], $0x2000  }
0x76: {  	[sflag:s6] =	ssyncset.done @!p2 $0x0  }
0x77: {  	[sflag:s6] =	ssyncadd.s32 @!p2 $0xFFFFE000;
	s6 =	simm.s32 @!p2 $0x2900  }
0x78: {  	[spmem:s3] =	stream.indirect.scatter.add.f32 @!p2 [tilespmem:s4], [sflag:$0x9], $0x40, s6, s9, $0xb8;
	[tilespmem:$0x1BF00] =	vst v63  }
0x79: {  	s4 =	simm.s32 @!p2 $0xEF00  }
0x7a: {  	[spmem:s5] =	stream.indirect.scatter.add.f32 @!p2 [tilespmem:s4], [sflag:$0x9], $0x10, s6, s9, $0xb8;
	[tilespmem:$0x1BF00] =	vst v63  }
0x7b: {  	_ =	swait.ge [sflag:s20], $0x2000  }
0x7c: {  	[sflag:s20] =	ssyncset.done $0x0  }
0x7d: {  	[sflag:s20] =	ssyncadd.s32 $0xFFFFE000  }
0x7e: {  	p2 =	sle.u32 s22, $0x6;
	_ =	swait.ge [sflag:s20], $0x800  }
0x7f: {  	s4 =	simm.s32 @!p2 $0x6F00;
	[sflag:s20] =	ssyncset.done $0x0  }
0x80: {  	s6 =	simm.s32 @!p2 $0x300;
	s9 =	simm.s32 @!p2 $0x80;
	[sflag:s20] =	ssyncadd.s32 $0xFFFFF800  }
0x81: {  	[tilespmem:s4], [sflag:$0x2] =	stream.indirect.gather @!p2 [hbm4b:s1+s9], $0x40, s6, s9, $0xb8;
	[tilespmem:$0x1BF00] =	vst v63  }
0x82: {  	s4 =	simm.s32 @!p1 $0x5  }
0x83: {  	_ =	swait.ge @!p1 [sflag:s4], $0x2000  }
0x84: {  	[sflag:s4] =	ssyncset.done @!p1 $0x0  }
0x85: {  	s6 =	simm.s32 @!p1 $0x2980;
	[sflag:s4] =	ssyncadd.s32 @!p1 $0xFFFFE000  }
0x86: {  	[spmem:s3] =	stream.indirect.scatter.add.f32 @!p1 [tilespmem:s0], [sflag:$0xA], $0x40, s6, s21, $0xb8;
	[tilespmem:$0x1BF00] =	vst v63  }
0x87: {  	s0 =	simm.s32 @!p1 $0xEF00  }
0x88: {  	[spmem:s5] =	stream.indirect.scatter.add.f32 @!p1 [tilespmem:s0], [sflag:$0xA], $0x10, s6, s21, $0xb8;
	[tilespmem:$0x1BF00] =	vst v63  }
0x89: {  	_ =	swait.ge [sflag:s24], $0x2000  }
0x8a: {  	[sflag:s24] =	ssyncset.done $0x0  }
0x8b: {  	s30 =	simm.s32 $0xA00;
	p2 =	sle.u32 s22, $0x7;
	[sflag:s24] =	ssyncadd.s32 $0xFFFFE000  }
0x8c: {  	s31 =	simm.s32 $0x7;
	s9 =	simm.s32 @!p2 $0x80;
	_ =	swait.ge [sflag:s24], $0x800  }
0x8d: {  	s4 =	simm.s32 @!p2 $0x8F00;
	s6 =	simm.s32 @!p2 $0x380;
	[sflag:s24] =	ssyncset.done $0x0  }
.LBB2_2:
0x8e: {  	[sflag:s24] =	ssyncadd.s32 $0xFFFFF800  }
0x8f: {  	s31 =	sadd.s32 $0x5, s31;
	s0 =	smov.u32 s30;
	s30 =	sadd.s32 $0xA00, s30  }
0x90: {  	[tilespmem:s4], [sflag:$0x3] =	stream.indirect.gather @!p2 [hbm4b:s1+s9], $0x40, s6, s9, $0xb8;
	[tilespmem:$0x1BF00] =	vst v63  }
0x91: {  	p1 =	sne.s32 s30, $0xA000;
	_ =	swait.ge [sflag:s15], $0x2000  }
0x92: {  	s25 =	sshra.s32 s0, $0x2;
	[sflag:s15] =	ssyncset.done $0x0  }
0x93: {  	s4 =	sadd.s32 $0x2780, s25;
	[sflag:s15] =	ssyncadd.s32 $0xFFFFE000  }
0x94: {  	[spmem:s3] =	stream.indirect.scatter.add.f32 [tilespmem:s11], [sflag:$0x6], $0x40, s4, s10, $0xb8;
	[tilespmem:$0x1BF00] =	vst v63  }
0x95: {  	p4 =	seq.s32 s0, $0x0  }
0x96: {  	[spmem:s5] =	stream.indirect.scatter.add.f32 [tilespmem:s7], [sflag:$0x6], $0x10, s4, s10, $0xb8;
	[tilespmem:$0x1BF00] =	vst v63  }
0x97: {  	s4 =	simm.s32 @!p4 $0x9  }
0x98: {  	_ =	swait.ge @!p4 [sflag:s4], $0x2000  }
0x99: {  	s6 =	sadd.s32 $0xFFFFFFFC, s31;
	[sflag:s4] =	ssyncset.done @!p4 $0x0  }
0x9a: {  	p3 =	sge.u32 s6, s22;
	[sflag:s4] =	ssyncadd.s32 @!p4 $0xFFFFE000  }
0x9b: {  	s6 =	sshra.s32 @!p3 s0, $0x2;
	s9 =	simm.s32 @!p3 $0xAF00;
	_ =	swait.ge @!p4 [sflag:s4], $0x800  }
0x9c: {  	s21 =	simm.s32 @!p3 $0x80;
	s13 =	sadd.s32 @!p3 $0x180, s6;
	[sflag:s4] =	ssyncset.done @!p4 $0x0  }
0x9d: {  	[sflag:s4] =	ssyncadd.s32 @!p4 $0xFFFFF800  }
0x9e: {  	[tilespmem:s9], [sflag:$0x4] =	stream.indirect.gather @!p3 [hbm4b:s1+s21], $0x40, s13, s21, $0xb8;
	[tilespmem:$0x1BF00] =	vst v63  }
0x9f: {  	_ =	swait.ge [sflag:s16], $0x2000  }
0xa0: {  	s4 =	sadd.s32 $0x2800, s25;
	[sflag:s16] =	ssyncset.done $0x0  }
0xa1: {  	[sflag:s16] =	ssyncadd.s32 $0xFFFFE000  }
0xa2: {  	[spmem:s3] =	stream.indirect.scatter.add.f32 [tilespmem:s12], [sflag:$0x7], $0x40, s4, s10, $0xb8;
	[tilespmem:$0x1BF00] =	vst v63  }
0xa3: {  	s28 =	simm.s32 @!p4 $0xA  }
0xa4: {  	[spmem:s5] =	stream.indirect.scatter.add.f32 [tilespmem:s7], [sflag:$0x7], $0x10, s4, s10, $0xb8;
	[tilespmem:$0x1BF00] =	vst v63  }
0xa5: {  	_ =	swait.ge @!p4 [sflag:s28], $0x2000  }
0xa6: {  	s4 =	sadd.s32 $0xFFFFFFFD, s31;
	[sflag:s28] =	ssyncset.done @!p4 $0x0  }
0xa7: {  	p2 =	sge.u32 s4, s22;
	[sflag:s28] =	ssyncadd.s32 @!p4 $0xFFFFE000  }
0xa8: {  	s23 =	sshra.s32 @!p2 s0, $0x2;
	s4 =	simm.s32 @!p2 $0xCF00;
	_ =	swait.ge @!p4 [sflag:s28], $0x800  }
0xa9: {  	s13 =	simm.s32 @!p2 $0x80;
	s29 =	sadd.s32 @!p2 $0x200, s23;
	[sflag:s28] =	ssyncset.done @!p4 $0x0  }
0xaa: {  	[sflag:s28] =	ssyncadd.s32 @!p4 $0xFFFFF800  }
0xab: {  	[tilespmem:s4], [sflag:$0x5] =	stream.indirect.gather @!p2 [hbm4b:s1+s13], $0x40, s29, s13, $0xb8;
	[tilespmem:$0x1BF00] =	vst v63  }
0xac: {  	_ =	swait.ge [sflag:s17], $0x2000  }
0xad: {  	s25 =	sadd.s32 $0x2880, s25;
	[sflag:s17] =	ssyncset.done $0x0  }
0xae: {  	[sflag:s17] =	ssyncadd.s32 $0xFFFFE000  }
0xaf: {  	[spmem:s3] =	stream.indirect.scatter.add.f32 [tilespmem:s14], [sflag:$0x8], $0x40, s25, s10, $0xb8;
	[tilespmem:$0x1BF00] =	vst v63  }
0xb0: {  	_ = 	snop  }
0xb1: {  	[spmem:s5] =	stream.indirect.scatter.add.f32 [tilespmem:s7], [sflag:$0x8], $0x10, s25, s10, $0xb8;
	[tilespmem:$0x1BF00] =	vst v63  }
0xb2: {  	_ =	swait.ge [sflag:s18], $0x2000  }
0xb3: {  	s25 =	sadd.s32 $0xFFFFFFFE, s31;
	[sflag:s18] =	ssyncset.done $0x0  }
0xb4: {  	p4 =	sge.u32 s25, s22;
	[sflag:s18] =	ssyncadd.s32 $0xFFFFE000  }
0xb5: {  	s25 =	sshra.s32 @!p4 s0, $0x2;
	s28 =	simm.s32 @!p4 $0x4F00;
	_ =	swait.ge [sflag:s18], $0x800  }
0xb6: {  	s29 =	simm.s32 @!p4 $0x80;
	s25 =	sadd.s32 @!p4 $0x280, s25;
	[sflag:s18] =	ssyncset.done $0x0  }
0xb7: {  	s26 =	simm.s32 @!p3 $0x4;
	[sflag:s18] =	ssyncadd.s32 $0xFFFFF800  }
0xb8: {  	[tilespmem:s28], [sflag:$0x1] =	stream.indirect.gather @!p4 [hbm4b:s1+s29], $0x40, s25, s29, $0xb8;
	[tilespmem:$0x1BF00] =	vst v63  }
0xb9: {  	_ =	swait.ge @!p3 [sflag:s26], $0x2000  }
0xba: {  	s6 =	sadd.s32 @!p3 $0x2900, s6;
	[sflag:s26] =	ssyncset.done @!p3 $0x0  }
0xbb: {  	s25 =	simm.s32 @!p3 $0xEF00;
	[sflag:s26] =	ssyncadd.s32 @!p3 $0xFFFFE000  }
0xbc: {  	[spmem:s3] =	stream.indirect.scatter.add.f32 @!p3 [tilespmem:s9], [sflag:$0x9], $0x40, s6, s21, $0xb8;
	[tilespmem:$0x1BF00] =	vst v63  }
0xbd: {  	_ = 	snop  }
0xbe: {  	[spmem:s5] =	stream.indirect.scatter.add.f32 @!p3 [tilespmem:s25], [sflag:$0x9], $0x10, s6, s21, $0xb8;
	[tilespmem:$0x1BF00] =	vst v63  }
0xbf: {  	_ =	swait.ge [sflag:s20], $0x2000  }
0xc0: {  	s6 =	sadd.s32 $0xFFFFFFFF, s31;
	[sflag:s20] =	ssyncset.done $0x0  }
0xc1: {  	p3 =	sge.u32 s6, s22;
	[sflag:s20] =	ssyncadd.s32 $0xFFFFE000  }
0xc2: {  	s6 =	sshra.s32 @!p3 s0, $0x2;
	s9 =	simm.s32 @!p3 $0x6F00;
	_ =	swait.ge [sflag:s20], $0x800  }
0xc3: {  	s21 =	simm.s32 @!p3 $0x80;
	s6 =	sadd.s32 @!p3 $0x300, s6;
	[sflag:s20] =	ssyncset.done $0x0  }
0xc4: {  	s25 =	simm.s32 @!p2 $0x5;
	[sflag:s20] =	ssyncadd.s32 $0xFFFFF800  }
0xc5: {  	[tilespmem:s9], [sflag:$0x2] =	stream.indirect.gather @!p3 [hbm4b:s1+s21], $0x40, s6, s21, $0xb8;
	[tilespmem:$0x1BF00] =	vst v63  }
0xc6: {  	_ =	swait.ge @!p2 [sflag:s25], $0x2000  }
0xc7: {  	s6 =	sadd.s32 @!p2 $0x2980, s23;
	[sflag:s25] =	ssyncset.done @!p2 $0x0  }
0xc8: {  	s9 =	simm.s32 @!p2 $0xEF00;
	[sflag:s25] =	ssyncadd.s32 @!p2 $0xFFFFE000  }
0xc9: {  	[spmem:s3] =	stream.indirect.scatter.add.f32 @!p2 [tilespmem:s4], [sflag:$0xA], $0x40, s6, s13, $0xb8;
	[tilespmem:$0x1BF00] =	vst v63  }
0xca: {  	_ = 	snop  }
0xcb: {  	[spmem:s5] =	stream.indirect.scatter.add.f32 @!p2 [tilespmem:s9], [sflag:$0xA], $0x10, s6, s13, $0xb8;
	[tilespmem:$0x1BF00] =	vst v63  }
.Ltmp0:
0xcc: {  	_ =	swait.ge [sflag:s24], $0x2000;
	(pc) =	sbr.rel @p1 .LBB2_2-.Ltmp0, $4  }
0xcd: {  	[sflag:s24] =	ssyncset.done $0x0  }
0xce: {  	p2 =	sge.u32 s31, s22;
	[sflag:s24] =	ssyncadd.s32 $0xFFFFE000  }
0xcf: {  	s0 =	sshra.s32 @!p2 s0, $0x2;
	s4 =	simm.s32 @!p2 $0x8F00;
	_ =	swait.ge [sflag:s24], $0x800  }
0xd0: {  	s9 =	simm.s32 @!p2 $0x80;
	s6 =	sadd.s32 @!p2 $0x380, s0;
	[sflag:s24] =	ssyncset.done $0x0  }
0xd1: {  	[sflag:s24] =	ssyncadd.s32 $0xFFFFF800;
	s0 =	simm.s32 @!p0 $0x9  }
0xd2: {  	[tilespmem:s4], [sflag:$0x3] =	stream.indirect.gather @!p2 [hbm4b:s1+s9], $0x40, s6, s9, $0xb8;
	[tilespmem:$0x1BF00] =	vst v63  }
0xd3: {  	_ =	swait.ge @!p0 [sflag:s0], $0x2000  }
0xd4: {  	[sflag:s0] =	ssyncset.done @!p0 $0x0  }
0xd5: {  	[sflag:s0] =	ssyncadd.s32 @!p0 $0xFFFFE000  }
0xd6: {  	_ =	swait.ge @!p0 [sflag:s0], $0x800  }
0xd7: {  	[sflag:s0] =	ssyncset.done @!p0 $0x0  }
0xd8: {  	[sflag:s0] =	ssyncadd.s32 @!p0 $0xFFFFF800  }
0xd9: {  	[bflag:$0x0] =	sbarrier.arrive $0xFFFF  }
0xda: {  	s23 =	sld [smem:$0x7FC]  }
0xdb: {  	s13 =	rddreg [dreg:$0x17]  }
0xdc: {  	s21 =	rddreg [dreg:$0x1f]  }
0xdd: {  	[hbm:s13], [sflag:s21] =	dma.local [spmem:s23], $0x1400  }
0xde: {  	_ =	swait.ge [sflag:s8], $0x1400  }
0xdf: {  	s26 =	sld [smem:$0x7FD]  }
0xe0: {  	[sflag:s8] =	ssyncset.done $0x0  }
0xe1: {  	s25 =	rddreg [dreg:$0x1a];
	[sflag:s8] =	ssyncadd.s32 $0xFFFFEC00  }
0xe2: {  	[hbm:s25], [sflag:s21] =	dma.local [spmem:s26], $0x500  }
0xe3: {  	_ =	swait.ge [sflag:s8], $0x500  }
0xe4: {  	[sflag:s8] =	ssyncset.done $0x0  }
0xe5: {  	s28 =	rddreg [dreg:$0x13];
	[sflag:s8] =	ssyncadd.s32 $0xFFFFFB00  }
0xe6: {  	[spmem:s23], [sflag:s21] =	dma.local [hbm:s28], $0x1400  }
0xe7: {  	_ =	swait.ge [sflag:s8], $0x1400  }
0xe8: {  	[sflag:s8] =	ssyncset.done $0x0  }
0xe9: {  	s29 =	rddreg [dreg:$0x14];
	[sflag:s8] =	ssyncadd.s32 $0xFFFFEC00  }
0xea: {  	[spmem:s26], [sflag:s21] =	dma.local [hbm:s29], $0x500  }
0xeb: {  	_ =	swait.ge [sflag:s8], $0x500  }
0xec: {  	[sflag:s8] =	ssyncset.done $0x0  }
0xed: {  	s6 =	simm.s32 $0x0;
	s9 =	rddreg [dreg:$0xa];
	[sflag:s8] =	ssyncadd.s32 $0xFFFFFB00  }
0xee: {  	[tilespmem:s6], [sflag:$0xB] =	stream.linear.gather [hbm4b:s9+s6], $0x2700, $0x38;
	[tilespmem:$0x1BF00] =	vst v63  }
0xef: {  	_ =	swait.ge [sflag:s8], $0x2700  }
0xf0: {  	[sflag:s8] =	ssyncset.done $0x0  }
0xf1: {  	s21 =	simm.s32 $0x2780;
	s13 =	rddreg [dreg:$0xb];
	[sflag:s8] =	ssyncadd.s32 $0xFFFFD900  }
0xf2: {  	[tilespmem:s21], [sflag:$0xB] =	stream.linear.gather [hbm4b:s13+s6], $0x2700, $0x38;
	[tilespmem:$0x1BF00] =	vst v63  }
0xf3: {  	_ =	swait.ge [sflag:s8], $0x2700  }
0xf4: {  	s4 =	simm.s32 @!p0 $0x2700;
	[sflag:s8] =	ssyncset.done $0x0  }
0xf5: {  	s0 =	simm.s32 @!p0 $0x0;
	s6 =	rddreg [dreg:$0xc];
	[sflag:s8] =	ssyncadd.s32 $0xFFFFD900  }
0xf6: {  	[tilespmem:s4], [sflag:$0xB] =	stream.linear.gather @!p0 [hbm4b:s6+s0], $0x80, $0x38;
	[tilespmem:$0x1BF00] =	vst v63  }
0xf7: {  	s4 =	simm.s32 @!p0 $0xB  }
0xf8: {  	_ =	swait.ge @!p0 [sflag:s4], $0x80  }
0xf9: {  	[sflag:s4] =	ssyncset.done @!p0 $0x0  }
0xfa: {  	s6 =	simm.s32 @!p0 $0x4E80;
	s9 =	rddreg [dreg:$0xd];
	[sflag:s4] =	ssyncadd.s32 @!p0 $0xFFFFFF80  }
0xfb: {  	[tilespmem:s6], [sflag:$0xB] =	stream.linear.gather @!p0 [hbm4b:s9+s0], $0x80, $0x38;
	[tilespmem:$0x1BF00] =	vst v63  }
0xfc: {  	_ =	swait.ge @!p0 [sflag:s4], $0x80  }
0xfd: {  	[sflag:s4] =	ssyncset.done @!p0 $0x0  }
0xfe: {  	[sflag:s4] =	ssyncadd.s32 @!p0 $0xFFFFFF80  }
0xff: {  	s23 =	simm.s32 $0x0;
	[bflag:$0x0] =	sbarrier.arrive $0xFFFF  }
0x100: {  	[tilespmem:s11], [sflag:$0x1] =	stream.indirect.gather [hbm4b:s2+s10], $0x40, s23, s10, $0xb8;
	[tilespmem:$0x1BF00] =	vst v63  }
0x101: {  	_ = 	snop  }
0x102: {  	[tilespmem:s12], [sflag:$0x2] =	stream.indirect.gather [hbm4b:s2+s10], $0x40, s10, s10, $0xb8;
	[tilespmem:$0x1BF00] =	vst v63  }
0x103: {  	s25 =	simm.s32 $0x100  }
0x104: {  	[tilespmem:s14], [sflag:$0x3] =	stream.indirect.gather [hbm4b:s2+s10], $0x40, s25, s10, $0xb8;
	[tilespmem:$0x1BF00] =	vst v63  }
0x105: {  	_ =	swait.ge [sflag:s15], $0x2000  }
0x106: {  	[sflag:s15] =	ssyncset.done $0x0  }
0x107: {  	p3 =	por $0x1, $0x1;
	s26 =	simm.s32 $0x2780;
	[sflag:s15] =	ssyncadd.s32 $0xFFFFE000  }
0x108: {  	[spmem:s3] =	stream.indirect.scatter.add.f32 [tilespmem:s11], [sflag:$0x6], $0x40, s26, s10, $0xb8;
	[tilespmem:$0x1BF00] =	vst v63  }
0x109: {  	s0 =	simm.s32 @!p3 $0x9  }
0x10a: {  	[spmem:s5] =	stream.indirect.scatter.add.f32 [tilespmem:s7], [sflag:$0x6], $0x10, s26, s10, $0xb8;
	[tilespmem:$0x1BF00] =	vst v63  }
0x10b: {  	_ =	swait.ge @!p3 [sflag:s0], $0x2000  }
0x10c: {  	[sflag:s0] =	ssyncset.done @!p3 $0x0  }
0x10d: {  	[sflag:s0] =	ssyncadd.s32 @!p3 $0xFFFFE000  }
0x10e: {  	p2 =	sle.u32 s22, $0x3;
	_ =	swait.ge @!p3 [sflag:s0], $0x800  }
0x10f: {  	s6 =	simm.s32 @!p2 $0x180;
	[sflag:s0] =	ssyncset.done @!p3 $0x0  }
0x110: {  	s9 =	simm.s32 @!p2 $0x80;
	s4 =	simm.s32 @!p2 $0xAF00;
	[sflag:s0] =	ssyncadd.s32 @!p3 $0xFFFFF800  }
0x111: {  	[tilespmem:s4], [sflag:$0x4] =	stream.indirect.gather @!p2 [hbm4b:s2+s9], $0x40, s6, s9, $0xb8;
	[tilespmem:$0x1BF00] =	vst v63  }
0x112: {  	_ =	swait.ge [sflag:s16], $0x2000  }
0x113: {  	[sflag:s16] =	ssyncset.done $0x0  }
0x114: {  	s28 =	simm.s32 $0x2800;
	[sflag:s16] =	ssyncadd.s32 $0xFFFFE000  }
0x115: {  	[spmem:s3] =	stream.indirect.scatter.add.f32 [tilespmem:s12], [sflag:$0x7], $0x40, s28, s10, $0xb8;
	[tilespmem:$0x1BF00] =	vst v63  }
0x116: {  	s6 =	simm.s32 @!p3 $0xA  }
0x117: {  	[spmem:s5] =	stream.indirect.scatter.add.f32 [tilespmem:s7], [sflag:$0x7], $0x10, s28, s10, $0xb8;
	[tilespmem:$0x1BF00] =	vst v63  }
0x118: {  	_ =	swait.ge @!p3 [sflag:s6], $0x2000  }
0x119: {  	[sflag:s6] =	ssyncset.done @!p3 $0x0  }
0x11a: {  	[sflag:s6] =	ssyncadd.s32 @!p3 $0xFFFFE000  }
0x11b: {  	p1 =	sle.u32 s22, $0x4;
	_ =	swait.ge @!p3 [sflag:s6], $0x800  }
0x11c: {  	s13 =	simm.s32 @!p1 $0x200;
	[sflag:s6] =	ssyncset.done @!p3 $0x0  }
0x11d: {  	s21 =	simm.s32 @!p1 $0x80;
	s0 =	simm.s32 @!p1 $0xCF00;
	[sflag:s6] =	ssyncadd.s32 @!p3 $0xFFFFF800  }
0x11e: {  	[tilespmem:s0], [sflag:$0x5] =	stream.indirect.gather @!p1 [hbm4b:s2+s21], $0x40, s13, s21, $0xb8;
	[tilespmem:$0x1BF00] =	vst v63  }
0x11f: {  	_ =	swait.ge [sflag:s17], $0x2000  }
0x120: {  	[sflag:s17] =	ssyncset.done $0x0  }
0x121: {  	s29 =	simm.s32 $0x2880;
	[sflag:s17] =	ssyncadd.s32 $0xFFFFE000  }
0x122: {  	[spmem:s3] =	stream.indirect.scatter.add.f32 [tilespmem:s14], [sflag:$0x8], $0x40, s29, s10, $0xb8;
	[tilespmem:$0x1BF00] =	vst v63  }
0x123: {  	_ = 	snop  }
0x124: {  	[spmem:s5] =	stream.indirect.scatter.add.f32 [tilespmem:s7], [sflag:$0x8], $0x10, s29, s10, $0xb8;
	[tilespmem:$0x1BF00] =	vst v63  }
0x125: {  	_ =	swait.ge [sflag:s18], $0x2000  }
0x126: {  	[sflag:s18] =	ssyncset.done $0x0  }
0x127: {  	[sflag:s18] =	ssyncadd.s32 $0xFFFFE000  }
0x128: {  	p3 =	sle.u32 s22, $0x5;
	_ =	swait.ge [sflag:s18], $0x800  }
0x129: {  	s6 =	simm.s32 @!p3 $0x4F00;
	[sflag:s18] =	ssyncset.done $0x0  }
0x12a: {  	s13 =	simm.s32 @!p3 $0x280;
	s23 =	simm.s32 @!p3 $0x80;
	[sflag:s18] =	ssyncadd.s32 $0xFFFFF800  }
0x12b: {  	[tilespmem:s6], [sflag:$0x1] =	stream.indirect.gather @!p3 [hbm4b:s2+s23], $0x40, s13, s23, $0xb8;
	[tilespmem:$0x1BF00] =	vst v63  }
0x12c: {  	s6 =	simm.s32 @!p2 $0x4  }
0x12d: {  	_ =	swait.ge @!p2 [sflag:s6], $0x2000  }
0x12e: {  	[sflag:s6] =	ssyncset.done @!p2 $0x0  }
0x12f: {  	[sflag:s6] =	ssyncadd.s32 @!p2 $0xFFFFE000;
	s6 =	simm.s32 @!p2 $0x2900  }
0x130: {  	[spmem:s3] =	stream.indirect.scatter.add.f32 @!p2 [tilespmem:s4], [sflag:$0x9], $0x40, s6, s9, $0xb8;
	[tilespmem:$0x1BF00] =	vst v63  }
0x131: {  	s4 =	simm.s32 @!p2 $0xEF00  }
0x132: {  	[spmem:s5] =	stream.indirect.scatter.add.f32 @!p2 [tilespmem:s4], [sflag:$0x9], $0x10, s6, s9, $0xb8;
	[tilespmem:$0x1BF00] =	vst v63  }
0x133: {  	_ =	swait.ge [sflag:s20], $0x2000  }
0x134: {  	[sflag:s20] =	ssyncset.done $0x0  }
0x135: {  	[sflag:s20] =	ssyncadd.s32 $0xFFFFE000  }
0x136: {  	p2 =	sle.u32 s22, $0x6;
	_ =	swait.ge [sflag:s20], $0x800  }
0x137: {  	s4 =	simm.s32 @!p2 $0x6F00;
	[sflag:s20] =	ssyncset.done $0x0  }
0x138: {  	s6 =	simm.s32 @!p2 $0x300;
	s9 =	simm.s32 @!p2 $0x80;
	[sflag:s20] =	ssyncadd.s32 $0xFFFFF800  }
0x139: {  	[tilespmem:s4], [sflag:$0x2] =	stream.indirect.gather @!p2 [hbm4b:s2+s9], $0x40, s6, s9, $0xb8;
	[tilespmem:$0x1BF00] =	vst v63  }
0x13a: {  	s4 =	simm.s32 @!p1 $0x5  }
0x13b: {  	_ =	swait.ge @!p1 [sflag:s4], $0x2000  }
0x13c: {  	[sflag:s4] =	ssyncset.done @!p1 $0x0  }
0x13d: {  	s6 =	simm.s32 @!p1 $0x2980;
	[sflag:s4] =	ssyncadd.s32 @!p1 $0xFFFFE000  }
0x13e: {  	[spmem:s3] =	stream.indirect.scatter.add.f32 @!p1 [tilespmem:s0], [sflag:$0xA], $0x40, s6, s21, $0xb8;
	[tilespmem:$0x1BF00] =	vst v63  }
0x13f: {  	s0 =	simm.s32 @!p1 $0xEF00  }
0x140: {  	[spmem:s5] =	stream.indirect.scatter.add.f32 @!p1 [tilespmem:s0], [sflag:$0xA], $0x10, s6, s21, $0xb8;
	[tilespmem:$0x1BF00] =	vst v63  }
0x141: {  	_ =	swait.ge [sflag:s24], $0x2000  }
0x142: {  	[sflag:s24] =	ssyncset.done $0x0  }
0x143: {  	s30 =	simm.s32 $0x7;
	p2 =	sle.u32 s22, $0x7;
	[sflag:s24] =	ssyncadd.s32 $0xFFFFE000  }
0x144: {  	s31 =	simm.s32 $0xA00;
	s9 =	simm.s32 @!p2 $0x80;
	_ =	swait.ge [sflag:s24], $0x800  }
0x145: {  	s4 =	simm.s32 @!p2 $0x8F00;
	s6 =	simm.s32 @!p2 $0x380;
	[sflag:s24] =	ssyncset.done $0x0  }
.LBB2_4:
0x146: {  	[sflag:s24] =	ssyncadd.s32 $0xFFFFF800  }
0x147: {  	s30 =	sadd.s32 $0x5, s30;
	s0 =	smov.u32 s31;
	s31 =	sadd.s32 $0xA00, s31  }
0x148: {  	[tilespmem:s4], [sflag:$0x3] =	stream.indirect.gather @!p2 [hbm4b:s2+s9], $0x40, s6, s9, $0xb8;
	[tilespmem:$0x1BF00] =	vst v63  }
0x149: {  	p1 =	sne.s32 s31, $0xA000;
	_ =	swait.ge [sflag:s15], $0x2000  }
0x14a: {  	s25 =	sshra.s32 s0, $0x2;
	[sflag:s15] =	ssyncset.done $0x0  }
0x14b: {  	s4 =	sadd.s32 $0x2780, s25;
	[sflag:s15] =	ssyncadd.s32 $0xFFFFE000  }
0x14c: {  	[spmem:s3] =	stream.indirect.scatter.add.f32 [tilespmem:s11], [sflag:$0x6], $0x40, s4, s10, $0xb8;
	[tilespmem:$0x1BF00] =	vst v63  }
0x14d: {  	p4 =	seq.s32 s0, $0x0  }
0x14e: {  	[spmem:s5] =	stream.indirect.scatter.add.f32 [tilespmem:s7], [sflag:$0x6], $0x10, s4, s10, $0xb8;
	[tilespmem:$0x1BF00] =	vst v63  }
0x14f: {  	s4 =	simm.s32 @!p4 $0x9  }
0x150: {  	_ =	swait.ge @!p4 [sflag:s4], $0x2000  }
0x151: {  	s6 =	sadd.s32 $0xFFFFFFFC, s30;
	[sflag:s4] =	ssyncset.done @!p4 $0x0  }
0x152: {  	p3 =	sge.u32 s6, s22;
	[sflag:s4] =	ssyncadd.s32 @!p4 $0xFFFFE000  }
0x153: {  	s6 =	sshra.s32 @!p3 s0, $0x2;
	s9 =	simm.s32 @!p3 $0xAF00;
	_ =	swait.ge @!p4 [sflag:s4], $0x800  }
0x154: {  	s21 =	simm.s32 @!p3 $0x80;
	s13 =	sadd.s32 @!p3 $0x180, s6;
	[sflag:s4] =	ssyncset.done @!p4 $0x0  }
0x155: {  	[sflag:s4] =	ssyncadd.s32 @!p4 $0xFFFFF800  }
0x156: {  	[tilespmem:s9], [sflag:$0x4] =	stream.indirect.gather @!p3 [hbm4b:s2+s21], $0x40, s13, s21, $0xb8;
	[tilespmem:$0x1BF00] =	vst v63  }
0x157: {  	_ =	swait.ge [sflag:s16], $0x2000  }
0x158: {  	s4 =	sadd.s32 $0x2800, s25;
	[sflag:s16] =	ssyncset.done $0x0  }
0x159: {  	[sflag:s16] =	ssyncadd.s32 $0xFFFFE000  }
0x15a: {  	[spmem:s3] =	stream.indirect.scatter.add.f32 [tilespmem:s12], [sflag:$0x7], $0x40, s4, s10, $0xb8;
	[tilespmem:$0x1BF00] =	vst v63  }
0x15b: {  	s26 =	simm.s32 @!p4 $0xA  }
0x15c: {  	[spmem:s5] =	stream.indirect.scatter.add.f32 [tilespmem:s7], [sflag:$0x7], $0x10, s4, s10, $0xb8;
	[tilespmem:$0x1BF00] =	vst v63  }
0x15d: {  	_ =	swait.ge @!p4 [sflag:s26], $0x2000  }
0x15e: {  	s4 =	sadd.s32 $0xFFFFFFFD, s30;
	[sflag:s26] =	ssyncset.done @!p4 $0x0  }
0x15f: {  	p2 =	sge.u32 s4, s22;
	[sflag:s26] =	ssyncadd.s32 @!p4 $0xFFFFE000  }
0x160: {  	s23 =	sshra.s32 @!p2 s0, $0x2;
	s4 =	simm.s32 @!p2 $0xCF00;
	_ =	swait.ge @!p4 [sflag:s26], $0x800  }
0x161: {  	s13 =	simm.s32 @!p2 $0x80;
	s28 =	sadd.s32 @!p2 $0x200, s23;
	[sflag:s26] =	ssyncset.done @!p4 $0x0  }
0x162: {  	[sflag:s26] =	ssyncadd.s32 @!p4 $0xFFFFF800  }
0x163: {  	[tilespmem:s4], [sflag:$0x5] =	stream.indirect.gather @!p2 [hbm4b:s2+s13], $0x40, s28, s13, $0xb8;
	[tilespmem:$0x1BF00] =	vst v63  }
0x164: {  	_ =	swait.ge [sflag:s17], $0x2000  }
0x165: {  	s25 =	sadd.s32 $0x2880, s25;
	[sflag:s17] =	ssyncset.done $0x0  }
0x166: {  	[sflag:s17] =	ssyncadd.s32 $0xFFFFE000  }
0x167: {  	[spmem:s3] =	stream.indirect.scatter.add.f32 [tilespmem:s14], [sflag:$0x8], $0x40, s25, s10, $0xb8;
	[tilespmem:$0x1BF00] =	vst v63  }
0x168: {  	_ = 	snop  }
0x169: {  	[spmem:s5] =	stream.indirect.scatter.add.f32 [tilespmem:s7], [sflag:$0x8], $0x10, s25, s10, $0xb8;
	[tilespmem:$0x1BF00] =	vst v63  }
0x16a: {  	_ =	swait.ge [sflag:s18], $0x2000  }
0x16b: {  	s25 =	sadd.s32 $0xFFFFFFFE, s30;
	[sflag:s18] =	ssyncset.done $0x0  }
0x16c: {  	p4 =	sge.u32 s25, s22;
	[sflag:s18] =	ssyncadd.s32 $0xFFFFE000  }
0x16d: {  	s25 =	sshra.s32 @!p4 s0, $0x2;
	s26 =	simm.s32 @!p4 $0x4F00;
	_ =	swait.ge [sflag:s18], $0x800  }
0x16e: {  	s28 =	simm.s32 @!p4 $0x80;
	s25 =	sadd.s32 @!p4 $0x280, s25;
	[sflag:s18] =	ssyncset.done $0x0  }
0x16f: {  	s29 =	simm.s32 @!p3 $0x4;
	[sflag:s18] =	ssyncadd.s32 $0xFFFFF800  }
0x170: {  	[tilespmem:s26], [sflag:$0x1] =	stream.indirect.gather @!p4 [hbm4b:s2+s28], $0x40, s25, s28, $0xb8;
	[tilespmem:$0x1BF00] =	vst v63  }
0x171: {  	_ =	swait.ge @!p3 [sflag:s29], $0x2000  }
0x172: {  	s6 =	sadd.s32 @!p3 $0x2900, s6;
	[sflag:s29] =	ssyncset.done @!p3 $0x0  }
0x173: {  	s25 =	simm.s32 @!p3 $0xEF00;
	[sflag:s29] =	ssyncadd.s32 @!p3 $0xFFFFE000  }
0x174: {  	[spmem:s3] =	stream.indirect.scatter.add.f32 @!p3 [tilespmem:s9], [sflag:$0x9], $0x40, s6, s21, $0xb8;
	[tilespmem:$0x1BF00] =	vst v63  }
0x175: {  	_ = 	snop  }
0x176: {  	[spmem:s5] =	stream.indirect.scatter.add.f32 @!p3 [tilespmem:s25], [sflag:$0x9], $0x10, s6, s21, $0xb8;
	[tilespmem:$0x1BF00] =	vst v63  }
0x177: {  	_ =	swait.ge [sflag:s20], $0x2000  }
0x178: {  	s6 =	sadd.s32 $0xFFFFFFFF, s30;
	[sflag:s20] =	ssyncset.done $0x0  }
0x179: {  	p3 =	sge.u32 s6, s22;
	[sflag:s20] =	ssyncadd.s32 $0xFFFFE000  }
0x17a: {  	s6 =	sshra.s32 @!p3 s0, $0x2;
	s9 =	simm.s32 @!p3 $0x6F00;
	_ =	swait.ge [sflag:s20], $0x800  }
0x17b: {  	s21 =	simm.s32 @!p3 $0x80;
	s6 =	sadd.s32 @!p3 $0x300, s6;
	[sflag:s20] =	ssyncset.done $0x0  }
0x17c: {  	s25 =	simm.s32 @!p2 $0x5;
	[sflag:s20] =	ssyncadd.s32 $0xFFFFF800  }
0x17d: {  	[tilespmem:s9], [sflag:$0x2] =	stream.indirect.gather @!p3 [hbm4b:s2+s21], $0x40, s6, s21, $0xb8;
	[tilespmem:$0x1BF00] =	vst v63  }
0x17e: {  	_ =	swait.ge @!p2 [sflag:s25], $0x2000  }
0x17f: {  	s6 =	sadd.s32 @!p2 $0x2980, s23;
	[sflag:s25] =	ssyncset.done @!p2 $0x0  }
0x180: {  	s9 =	simm.s32 @!p2 $0xEF00;
	[sflag:s25] =	ssyncadd.s32 @!p2 $0xFFFFE000  }
0x181: {  	[spmem:s3] =	stream.indirect.scatter.add.f32 @!p2 [tilespmem:s4], [sflag:$0xA], $0x40, s6, s13, $0xb8;
	[tilespmem:$0x1BF00] =	vst v63  }
0x182: {  	_ = 	snop  }
0x183: {  	[spmem:s5] =	stream.indirect.scatter.add.f32 @!p2 [tilespmem:s9], [sflag:$0xA], $0x10, s6, s13, $0xb8;
	[tilespmem:$0x1BF00] =	vst v63  }
.Ltmp1:
0x184: {  	_ =	swait.ge [sflag:s24], $0x2000;
	(pc) =	sbr.rel @p1 .LBB2_4-.Ltmp1, $4  }
0x185: {  	[sflag:s24] =	ssyncset.done $0x0  }
0x186: {  	p2 =	sge.u32 s30, s22;
	[sflag:s24] =	ssyncadd.s32 $0xFFFFE000  }
0x187: {  	s0 =	sshra.s32 @!p2 s0, $0x2;
	s4 =	simm.s32 @!p2 $0x8F00;
	_ =	swait.ge [sflag:s24], $0x800  }
0x188: {  	s9 =	simm.s32 @!p2 $0x80;
	s6 =	sadd.s32 @!p2 $0x380, s0;
	[sflag:s24] =	ssyncset.done $0x0  }
0x189: {  	[sflag:s24] =	ssyncadd.s32 $0xFFFFF800;
	s0 =	simm.s32 @!p0 $0x9  }
0x18a: {  	[tilespmem:s4], [sflag:$0x3] =	stream.indirect.gather @!p2 [hbm4b:s2+s9], $0x40, s6, s9, $0xb8;
	[tilespmem:$0x1BF00] =	vst v63  }
0x18b: {  	_ =	swait.ge @!p0 [sflag:s0], $0x2000  }
0x18c: {  	[sflag:s0] =	ssyncset.done @!p0 $0x0  }
0x18d: {  	[sflag:s0] =	ssyncadd.s32 @!p0 $0xFFFFE000  }
0x18e: {  	_ =	swait.ge @!p0 [sflag:s0], $0x800  }
0x18f: {  	[sflag:s0] =	ssyncset.done @!p0 $0x0  }
0x190: {  	[sflag:s0] =	ssyncadd.s32 @!p0 $0xFFFFF800  }
0x191: {  	[bflag:$0x0] =	sbarrier.arrive $0xFFFF  }
0x192: {  	s23 =	sld [smem:$0x7FC]  }
0x193: {  	s13 =	rddreg [dreg:$0x18]  }
0x194: {  	s21 =	rddreg [dreg:$0x1f]  }
0x195: {  	[hbm:s13], [sflag:s21] =	dma.local [spmem:s23], $0x1400  }
0x196: {  	_ =	swait.ge [sflag:s8], $0x1400  }
0x197: {  	s26 =	sld [smem:$0x7FD]  }
0x198: {  	[sflag:s8] =	ssyncset.done $0x0  }
0x199: {  	s25 =	rddreg [dreg:$0x1b];
	[sflag:s8] =	ssyncadd.s32 $0xFFFFEC00  }
0x19a: {  	[hbm:s25], [sflag:s21] =	dma.local [spmem:s26], $0x500  }
0x19b: {  	_ =	swait.ge [sflag:s8], $0x500  }
0x19c: {  	[sflag:s8] =	ssyncset.done $0x0  }
0x19d: {  	s28 =	rddreg [dreg:$0x13];
	[sflag:s8] =	ssyncadd.s32 $0xFFFFFB00  }
0x19e: {  	[spmem:s23], [sflag:s21] =	dma.local [hbm:s28], $0x1400  }
0x19f: {  	_ =	swait.ge [sflag:s8], $0x1400  }
0x1a0: {  	[sflag:s8] =	ssyncset.done $0x0  }
0x1a1: {  	s29 =	rddreg [dreg:$0x14];
	[sflag:s8] =	ssyncadd.s32 $0xFFFFEC00  }
0x1a2: {  	[spmem:s26], [sflag:s21] =	dma.local [hbm:s29], $0x500  }
0x1a3: {  	_ =	swait.ge [sflag:s8], $0x500  }
0x1a4: {  	[sflag:s8] =	ssyncset.done $0x0  }
0x1a5: {  	s6 =	simm.s32 $0x0;
	s9 =	rddreg [dreg:$0xe];
	[sflag:s8] =	ssyncadd.s32 $0xFFFFFB00  }
0x1a6: {  	[tilespmem:s6], [sflag:$0xB] =	stream.linear.gather [hbm4b:s9+s6], $0x2700, $0x38;
	[tilespmem:$0x1BF00] =	vst v63  }
0x1a7: {  	_ =	swait.ge [sflag:s8], $0x2700  }
0x1a8: {  	[sflag:s8] =	ssyncset.done $0x0  }
0x1a9: {  	s21 =	simm.s32 $0x2780;
	s13 =	rddreg [dreg:$0xf];
	[sflag:s8] =	ssyncadd.s32 $0xFFFFD900  }
0x1aa: {  	[tilespmem:s21], [sflag:$0xB] =	stream.linear.gather [hbm4b:s13+s6], $0x2700, $0x38;
	[tilespmem:$0x1BF00] =	vst v63  }
0x1ab: {  	_ =	swait.ge [sflag:s8], $0x2700  }
0x1ac: {  	s4 =	simm.s32 @!p0 $0x2700;
	[sflag:s8] =	ssyncset.done $0x0  }
0x1ad: {  	s0 =	simm.s32 @!p0 $0x0;
	s6 =	rddreg [dreg:$0x10];
	[sflag:s8] =	ssyncadd.s32 $0xFFFFD900  }
0x1ae: {  	[tilespmem:s4], [sflag:$0xB] =	stream.linear.gather @!p0 [hbm4b:s6+s0], $0x80, $0x38;
	[tilespmem:$0x1BF00] =	vst v63  }
0x1af: {  	s4 =	simm.s32 @!p0 $0xB  }
0x1b0: {  	_ =	swait.ge @!p0 [sflag:s4], $0x80  }
0x1b1: {  	[sflag:s4] =	ssyncset.done @!p0 $0x0  }
0x1b2: {  	s6 =	simm.s32 @!p0 $0x4E80;
	s9 =	rddreg [dreg:$0x11];
	[sflag:s4] =	ssyncadd.s32 @!p0 $0xFFFFFF80  }
0x1b3: {  	[tilespmem:s6], [sflag:$0xB] =	stream.linear.gather @!p0 [hbm4b:s9+s0], $0x80, $0x38;
	[tilespmem:$0x1BF00] =	vst v63  }
0x1b4: {  	_ =	swait.ge @!p0 [sflag:s4], $0x80  }
0x1b5: {  	[sflag:s4] =	ssyncset.done @!p0 $0x0  }
0x1b6: {  	[sflag:s4] =	ssyncadd.s32 @!p0 $0xFFFFFF80  }
0x1b7: {  	s23 =	simm.s32 $0x0;
	[bflag:$0x0] =	sbarrier.arrive $0xFFFF  }
0x1b8: {  	[tilespmem:s11], [sflag:$0x1] =	stream.indirect.gather [hbm4b:s19+s10], $0x40, s23, s10, $0xb8;
	[tilespmem:$0x1BF00] =	vst v63  }
0x1b9: {  	_ = 	snop  }
0x1ba: {  	[tilespmem:s12], [sflag:$0x2] =	stream.indirect.gather [hbm4b:s19+s10], $0x40, s10, s10, $0xb8;
	[tilespmem:$0x1BF00] =	vst v63  }
0x1bb: {  	s25 =	simm.s32 $0x100  }
0x1bc: {  	[tilespmem:s14], [sflag:$0x3] =	stream.indirect.gather [hbm4b:s19+s10], $0x40, s25, s10, $0xb8;
	[tilespmem:$0x1BF00] =	vst v63  }
0x1bd: {  	_ =	swait.ge [sflag:s15], $0x2000  }
0x1be: {  	[sflag:s15] =	ssyncset.done $0x0  }
0x1bf: {  	p3 =	por $0x1, $0x1;
	s26 =	simm.s32 $0x2780;
	[sflag:s15] =	ssyncadd.s32 $0xFFFFE000  }
0x1c0: {  	[spmem:s3] =	stream.indirect.scatter.add.f32 [tilespmem:s11], [sflag:$0x6], $0x40, s26, s10, $0xb8;
	[tilespmem:$0x1BF00] =	vst v63  }
0x1c1: {  	s0 =	simm.s32 @!p3 $0x9  }
0x1c2: {  	[spmem:s5] =	stream.indirect.scatter.add.f32 [tilespmem:s7], [sflag:$0x6], $0x10, s26, s10, $0xb8;
	[tilespmem:$0x1BF00] =	vst v63  }
0x1c3: {  	_ =	swait.ge @!p3 [sflag:s0], $0x2000  }
0x1c4: {  	[sflag:s0] =	ssyncset.done @!p3 $0x0  }
0x1c5: {  	[sflag:s0] =	ssyncadd.s32 @!p3 $0xFFFFE000  }
0x1c6: {  	p2 =	sle.u32 s22, $0x3;
	_ =	swait.ge @!p3 [sflag:s0], $0x800  }
0x1c7: {  	s6 =	simm.s32 @!p2 $0x180;
	[sflag:s0] =	ssyncset.done @!p3 $0x0  }
0x1c8: {  	s9 =	simm.s32 @!p2 $0x80;
	s4 =	simm.s32 @!p2 $0xAF00;
	[sflag:s0] =	ssyncadd.s32 @!p3 $0xFFFFF800  }
0x1c9: {  	[tilespmem:s4], [sflag:$0x4] =	stream.indirect.gather @!p2 [hbm4b:s19+s9], $0x40, s6, s9, $0xb8;
	[tilespmem:$0x1BF00] =	vst v63  }
0x1ca: {  	_ =	swait.ge [sflag:s16], $0x2000  }
0x1cb: {  	[sflag:s16] =	ssyncset.done $0x0  }
0x1cc: {  	s28 =	simm.s32 $0x2800;
	[sflag:s16] =	ssyncadd.s32 $0xFFFFE000  }
0x1cd: {  	[spmem:s3] =	stream.indirect.scatter.add.f32 [tilespmem:s12], [sflag:$0x7], $0x40, s28, s10, $0xb8;
	[tilespmem:$0x1BF00] =	vst v63  }
0x1ce: {  	s6 =	simm.s32 @!p3 $0xA  }
0x1cf: {  	[spmem:s5] =	stream.indirect.scatter.add.f32 [tilespmem:s7], [sflag:$0x7], $0x10, s28, s10, $0xb8;
	[tilespmem:$0x1BF00] =	vst v63  }
0x1d0: {  	_ =	swait.ge @!p3 [sflag:s6], $0x2000  }
0x1d1: {  	[sflag:s6] =	ssyncset.done @!p3 $0x0  }
0x1d2: {  	[sflag:s6] =	ssyncadd.s32 @!p3 $0xFFFFE000  }
0x1d3: {  	p1 =	sle.u32 s22, $0x4;
	_ =	swait.ge @!p3 [sflag:s6], $0x800  }
0x1d4: {  	s13 =	simm.s32 @!p1 $0x200;
	[sflag:s6] =	ssyncset.done @!p3 $0x0  }
0x1d5: {  	s21 =	simm.s32 @!p1 $0x80;
	s0 =	simm.s32 @!p1 $0xCF00;
	[sflag:s6] =	ssyncadd.s32 @!p3 $0xFFFFF800  }
0x1d6: {  	[tilespmem:s0], [sflag:$0x5] =	stream.indirect.gather @!p1 [hbm4b:s19+s21], $0x40, s13, s21, $0xb8;
	[tilespmem:$0x1BF00] =	vst v63  }
0x1d7: {  	_ =	swait.ge [sflag:s17], $0x2000  }
0x1d8: {  	[sflag:s17] =	ssyncset.done $0x0  }
0x1d9: {  	s29 =	simm.s32 $0x2880;
	[sflag:s17] =	ssyncadd.s32 $0xFFFFE000  }
0x1da: {  	[spmem:s3] =	stream.indirect.scatter.add.f32 [tilespmem:s14], [sflag:$0x8], $0x40, s29, s10, $0xb8;
	[tilespmem:$0x1BF00] =	vst v63  }
0x1db: {  	_ = 	snop  }
0x1dc: {  	[spmem:s5] =	stream.indirect.scatter.add.f32 [tilespmem:s7], [sflag:$0x8], $0x10, s29, s10, $0xb8;
	[tilespmem:$0x1BF00] =	vst v63  }
0x1dd: {  	_ =	swait.ge [sflag:s18], $0x2000  }
0x1de: {  	[sflag:s18] =	ssyncset.done $0x0  }
0x1df: {  	[sflag:s18] =	ssyncadd.s32 $0xFFFFE000  }
0x1e0: {  	p3 =	sle.u32 s22, $0x5;
	_ =	swait.ge [sflag:s18], $0x800  }
0x1e1: {  	s6 =	simm.s32 @!p3 $0x4F00;
	[sflag:s18] =	ssyncset.done $0x0  }
0x1e2: {  	s13 =	simm.s32 @!p3 $0x280;
	s23 =	simm.s32 @!p3 $0x80;
	[sflag:s18] =	ssyncadd.s32 $0xFFFFF800  }
0x1e3: {  	[tilespmem:s6], [sflag:$0x1] =	stream.indirect.gather @!p3 [hbm4b:s19+s23], $0x40, s13, s23, $0xb8;
	[tilespmem:$0x1BF00] =	vst v63  }
0x1e4: {  	s6 =	simm.s32 @!p2 $0x4  }
0x1e5: {  	_ =	swait.ge @!p2 [sflag:s6], $0x2000  }
0x1e6: {  	[sflag:s6] =	ssyncset.done @!p2 $0x0  }
0x1e7: {  	[sflag:s6] =	ssyncadd.s32 @!p2 $0xFFFFE000;
	s6 =	simm.s32 @!p2 $0x2900  }
0x1e8: {  	[spmem:s3] =	stream.indirect.scatter.add.f32 @!p2 [tilespmem:s4], [sflag:$0x9], $0x40, s6, s9, $0xb8;
	[tilespmem:$0x1BF00] =	vst v63  }
0x1e9: {  	s4 =	simm.s32 @!p2 $0xEF00  }
0x1ea: {  	[spmem:s5] =	stream.indirect.scatter.add.f32 @!p2 [tilespmem:s4], [sflag:$0x9], $0x10, s6, s9, $0xb8;
	[tilespmem:$0x1BF00] =	vst v63  }
0x1eb: {  	_ =	swait.ge [sflag:s20], $0x2000  }
0x1ec: {  	[sflag:s20] =	ssyncset.done $0x0  }
0x1ed: {  	[sflag:s20] =	ssyncadd.s32 $0xFFFFE000  }
0x1ee: {  	p2 =	sle.u32 s22, $0x6;
	_ =	swait.ge [sflag:s20], $0x800  }
0x1ef: {  	s4 =	simm.s32 @!p2 $0x6F00;
	[sflag:s20] =	ssyncset.done $0x0  }
0x1f0: {  	s6 =	simm.s32 @!p2 $0x300;
	s9 =	simm.s32 @!p2 $0x80;
	[sflag:s20] =	ssyncadd.s32 $0xFFFFF800  }
0x1f1: {  	[tilespmem:s4], [sflag:$0x2] =	stream.indirect.gather @!p2 [hbm4b:s19+s9], $0x40, s6, s9, $0xb8;
	[tilespmem:$0x1BF00] =	vst v63  }
0x1f2: {  	s4 =	simm.s32 @!p1 $0x5  }
0x1f3: {  	_ =	swait.ge @!p1 [sflag:s4], $0x2000  }
0x1f4: {  	[sflag:s4] =	ssyncset.done @!p1 $0x0  }
0x1f5: {  	s6 =	simm.s32 @!p1 $0x2980;
	[sflag:s4] =	ssyncadd.s32 @!p1 $0xFFFFE000  }
0x1f6: {  	[spmem:s3] =	stream.indirect.scatter.add.f32 @!p1 [tilespmem:s0], [sflag:$0xA], $0x40, s6, s21, $0xb8;
	[tilespmem:$0x1BF00] =	vst v63  }
0x1f7: {  	s0 =	simm.s32 @!p1 $0xEF00  }
0x1f8: {  	[spmem:s5] =	stream.indirect.scatter.add.f32 @!p1 [tilespmem:s0], [sflag:$0xA], $0x10, s6, s21, $0xb8;
	[tilespmem:$0x1BF00] =	vst v63  }
0x1f9: {  	_ =	swait.ge [sflag:s24], $0x2000  }
0x1fa: {  	[sflag:s24] =	ssyncset.done $0x0  }
0x1fb: {  	s30 =	simm.s32 $0x7;
	p2 =	sle.u32 s22, $0x7;
	[sflag:s24] =	ssyncadd.s32 $0xFFFFE000  }
0x1fc: {  	s31 =	simm.s32 $0xA00;
	s9 =	simm.s32 @!p2 $0x80;
	_ =	swait.ge [sflag:s24], $0x800  }
0x1fd: {  	s4 =	simm.s32 @!p2 $0x8F00;
	s6 =	simm.s32 @!p2 $0x380;
	[sflag:s24] =	ssyncset.done $0x0  }
.LBB2_6:
0x1fe: {  	[sflag:s24] =	ssyncadd.s32 $0xFFFFF800  }
0x1ff: {  	s30 =	sadd.s32 $0x5, s30;
	s0 =	smov.u32 s31;
	s31 =	sadd.s32 $0xA00, s31  }
0x200: {  	[tilespmem:s4], [sflag:$0x3] =	stream.indirect.gather @!p2 [hbm4b:s19+s9], $0x40, s6, s9, $0xb8;
	[tilespmem:$0x1BF00] =	vst v63  }
0x201: {  	p1 =	sne.s32 s31, $0xA000;
	_ =	swait.ge [sflag:s15], $0x2000  }
0x202: {  	s25 =	sshra.s32 s0, $0x2;
	[sflag:s15] =	ssyncset.done $0x0  }
0x203: {  	s4 =	sadd.s32 $0x2780, s25;
	[sflag:s15] =	ssyncadd.s32 $0xFFFFE000  }
0x204: {  	[spmem:s3] =	stream.indirect.scatter.add.f32 [tilespmem:s11], [sflag:$0x6], $0x40, s4, s10, $0xb8;
	[tilespmem:$0x1BF00] =	vst v63  }
0x205: {  	p4 =	seq.s32 s0, $0x0  }
0x206: {  	[spmem:s5] =	stream.indirect.scatter.add.f32 [tilespmem:s7], [sflag:$0x6], $0x10, s4, s10, $0xb8;
	[tilespmem:$0x1BF00] =	vst v63  }
0x207: {  	s4 =	simm.s32 @!p4 $0x9  }
0x208: {  	_ =	swait.ge @!p4 [sflag:s4], $0x2000  }
0x209: {  	s6 =	sadd.s32 $0xFFFFFFFC, s30;
	[sflag:s4] =	ssyncset.done @!p4 $0x0  }
0x20a: {  	p3 =	sge.u32 s6, s22;
	[sflag:s4] =	ssyncadd.s32 @!p4 $0xFFFFE000  }
0x20b: {  	s6 =	sshra.s32 @!p3 s0, $0x2;
	s9 =	simm.s32 @!p3 $0xAF00;
	_ =	swait.ge @!p4 [sflag:s4], $0x800  }
0x20c: {  	s21 =	simm.s32 @!p3 $0x80;
	s13 =	sadd.s32 @!p3 $0x180, s6;
	[sflag:s4] =	ssyncset.done @!p4 $0x0  }
0x20d: {  	[sflag:s4] =	ssyncadd.s32 @!p4 $0xFFFFF800  }
0x20e: {  	[tilespmem:s9], [sflag:$0x4] =	stream.indirect.gather @!p3 [hbm4b:s19+s21], $0x40, s13, s21, $0xb8;
	[tilespmem:$0x1BF00] =	vst v63  }
0x20f: {  	_ =	swait.ge [sflag:s16], $0x2000  }
0x210: {  	s4 =	sadd.s32 $0x2800, s25;
	[sflag:s16] =	ssyncset.done $0x0  }
0x211: {  	[sflag:s16] =	ssyncadd.s32 $0xFFFFE000  }
0x212: {  	[spmem:s3] =	stream.indirect.scatter.add.f32 [tilespmem:s12], [sflag:$0x7], $0x40, s4, s10, $0xb8;
	[tilespmem:$0x1BF00] =	vst v63  }
0x213: {  	s26 =	simm.s32 @!p4 $0xA  }
0x214: {  	[spmem:s5] =	stream.indirect.scatter.add.f32 [tilespmem:s7], [sflag:$0x7], $0x10, s4, s10, $0xb8;
	[tilespmem:$0x1BF00] =	vst v63  }
0x215: {  	_ =	swait.ge @!p4 [sflag:s26], $0x2000  }
0x216: {  	s4 =	sadd.s32 $0xFFFFFFFD, s30;
	[sflag:s26] =	ssyncset.done @!p4 $0x0  }
0x217: {  	p2 =	sge.u32 s4, s22;
	[sflag:s26] =	ssyncadd.s32 @!p4 $0xFFFFE000  }
0x218: {  	s23 =	sshra.s32 @!p2 s0, $0x2;
	s4 =	simm.s32 @!p2 $0xCF00;
	_ =	swait.ge @!p4 [sflag:s26], $0x800  }
0x219: {  	s13 =	simm.s32 @!p2 $0x80;
	s28 =	sadd.s32 @!p2 $0x200, s23;
	[sflag:s26] =	ssyncset.done @!p4 $0x0  }
0x21a: {  	[sflag:s26] =	ssyncadd.s32 @!p4 $0xFFFFF800  }
0x21b: {  	[tilespmem:s4], [sflag:$0x5] =	stream.indirect.gather @!p2 [hbm4b:s19+s13], $0x40, s28, s13, $0xb8;
	[tilespmem:$0x1BF00] =	vst v63  }
0x21c: {  	_ =	swait.ge [sflag:s17], $0x2000  }
0x21d: {  	s25 =	sadd.s32 $0x2880, s25;
	[sflag:s17] =	ssyncset.done $0x0  }
0x21e: {  	[sflag:s17] =	ssyncadd.s32 $0xFFFFE000  }
0x21f: {  	[spmem:s3] =	stream.indirect.scatter.add.f32 [tilespmem:s14], [sflag:$0x8], $0x40, s25, s10, $0xb8;
	[tilespmem:$0x1BF00] =	vst v63  }
0x220: {  	_ = 	snop  }
0x221: {  	[spmem:s5] =	stream.indirect.scatter.add.f32 [tilespmem:s7], [sflag:$0x8], $0x10, s25, s10, $0xb8;
	[tilespmem:$0x1BF00] =	vst v63  }
0x222: {  	_ =	swait.ge [sflag:s18], $0x2000  }
0x223: {  	s25 =	sadd.s32 $0xFFFFFFFE, s30;
	[sflag:s18] =	ssyncset.done $0x0  }
0x224: {  	p4 =	sge.u32 s25, s22;
	[sflag:s18] =	ssyncadd.s32 $0xFFFFE000  }
0x225: {  	s25 =	sshra.s32 @!p4 s0, $0x2;
	s26 =	simm.s32 @!p4 $0x4F00;
	_ =	swait.ge [sflag:s18], $0x800  }
0x226: {  	s28 =	simm.s32 @!p4 $0x80;
	s25 =	sadd.s32 @!p4 $0x280, s25;
	[sflag:s18] =	ssyncset.done $0x0  }
0x227: {  	s29 =	simm.s32 @!p3 $0x4;
	[sflag:s18] =	ssyncadd.s32 $0xFFFFF800  }
0x228: {  	[tilespmem:s26], [sflag:$0x1] =	stream.indirect.gather @!p4 [hbm4b:s19+s28], $0x40, s25, s28, $0xb8;
	[tilespmem:$0x1BF00] =	vst v63  }
0x229: {  	_ =	swait.ge @!p3 [sflag:s29], $0x2000  }
0x22a: {  	s6 =	sadd.s32 @!p3 $0x2900, s6;
	[sflag:s29] =	ssyncset.done @!p3 $0x0  }
0x22b: {  	s25 =	simm.s32 @!p3 $0xEF00;
	[sflag:s29] =	ssyncadd.s32 @!p3 $0xFFFFE000  }
0x22c: {  	[spmem:s3] =	stream.indirect.scatter.add.f32 @!p3 [tilespmem:s9], [sflag:$0x9], $0x40, s6, s21, $0xb8;
	[tilespmem:$0x1BF00] =	vst v63  }
0x22d: {  	_ = 	snop  }
0x22e: {  	[spmem:s5] =	stream.indirect.scatter.add.f32 @!p3 [tilespmem:s25], [sflag:$0x9], $0x10, s6, s21, $0xb8;
	[tilespmem:$0x1BF00] =	vst v63  }
0x22f: {  	_ =	swait.ge [sflag:s20], $0x2000  }
0x230: {  	s6 =	sadd.s32 $0xFFFFFFFF, s30;
	[sflag:s20] =	ssyncset.done $0x0  }
0x231: {  	p3 =	sge.u32 s6, s22;
	[sflag:s20] =	ssyncadd.s32 $0xFFFFE000  }
0x232: {  	s6 =	sshra.s32 @!p3 s0, $0x2;
	s9 =	simm.s32 @!p3 $0x6F00;
	_ =	swait.ge [sflag:s20], $0x800  }
0x233: {  	s21 =	simm.s32 @!p3 $0x80;
	s6 =	sadd.s32 @!p3 $0x300, s6;
	[sflag:s20] =	ssyncset.done $0x0  }
0x234: {  	s25 =	simm.s32 @!p2 $0x5;
	[sflag:s20] =	ssyncadd.s32 $0xFFFFF800  }
0x235: {  	[tilespmem:s9], [sflag:$0x2] =	stream.indirect.gather @!p3 [hbm4b:s19+s21], $0x40, s6, s21, $0xb8;
	[tilespmem:$0x1BF00] =	vst v63  }
0x236: {  	_ =	swait.ge @!p2 [sflag:s25], $0x2000  }
0x237: {  	s6 =	sadd.s32 @!p2 $0x2980, s23;
	[sflag:s25] =	ssyncset.done @!p2 $0x0  }
0x238: {  	s9 =	simm.s32 @!p2 $0xEF00;
	[sflag:s25] =	ssyncadd.s32 @!p2 $0xFFFFE000  }
0x239: {  	[spmem:s3] =	stream.indirect.scatter.add.f32 @!p2 [tilespmem:s4], [sflag:$0xA], $0x40, s6, s13, $0xb8;
	[tilespmem:$0x1BF00] =	vst v63  }
0x23a: {  	_ = 	snop  }
0x23b: {  	[spmem:s5] =	stream.indirect.scatter.add.f32 @!p2 [tilespmem:s9], [sflag:$0xA], $0x10, s6, s13, $0xb8;
	[tilespmem:$0x1BF00] =	vst v63  }
.Ltmp2:
0x23c: {  	_ =	swait.ge [sflag:s24], $0x2000;
	(pc) =	sbr.rel @p1 .LBB2_6-.Ltmp2, $4  }
0x23d: {  	[sflag:s24] =	ssyncset.done $0x0  }
0x23e: {  	p2 =	sge.u32 s30, s22;
	[sflag:s24] =	ssyncadd.s32 $0xFFFFE000  }
0x23f: {  	s0 =	sshra.s32 @!p2 s0, $0x2;
	s4 =	simm.s32 @!p2 $0x8F00;
	_ =	swait.ge [sflag:s24], $0x800  }
0x240: {  	s9 =	simm.s32 @!p2 $0x80;
	s6 =	sadd.s32 @!p2 $0x380, s0;
	[sflag:s24] =	ssyncset.done $0x0  }
0x241: {  	[sflag:s24] =	ssyncadd.s32 $0xFFFFF800;
	s0 =	simm.s32 @!p0 $0x9  }
0x242: {  	[tilespmem:s4], [sflag:$0x3] =	stream.indirect.gather @!p2 [hbm4b:s19+s9], $0x40, s6, s9, $0xb8;
	[tilespmem:$0x1BF00] =	vst v63  }
0x243: {  	_ =	swait.ge @!p0 [sflag:s0], $0x2000  }
0x244: {  	[sflag:s0] =	ssyncset.done @!p0 $0x0  }
0x245: {  	[sflag:s0] =	ssyncadd.s32 @!p0 $0xFFFFE000  }
0x246: {  	_ =	swait.ge @!p0 [sflag:s0], $0x800  }
0x247: {  	[sflag:s0] =	ssyncset.done @!p0 $0x0  }
0x248: {  	[sflag:s0] =	ssyncadd.s32 @!p0 $0xFFFFF800  }
0x249: {  	[bflag:$0x0] =	sbarrier.arrive $0xFFFF  }
0x24a: {  	s26 =	sld [smem:$0x7FC]  }
0x24b: {  	s23 =	rddreg [dreg:$0x19]  }
0x24c: {  	s25 =	rddreg [dreg:$0x1f]  }
0x24d: {  	[hbm:s23], [sflag:s25] =	dma.local [spmem:s26], $0x1400  }
0x24e: {  	_ =	swait.ge [sflag:s8], $0x1400  }
0x24f: {  	s29 =	sld [smem:$0x7FD]  }
0x250: {  	[sflag:s8] =	ssyncset.done $0x0  }
0x251: {  	s28 =	rddreg [dreg:$0x1c];
	[sflag:s8] =	ssyncadd.s32 $0xFFFFEC00  }
0x252: {  	[hbm:s28], [sflag:s25] =	dma.local [spmem:s29], $0x500  }
0x253: {  	_ =	swait.ge [sflag:s8], $0x500  }
0x254: {  	s30 =	rddreg [dreg:$0x1e]  }
0x255: {  	s31 =	rddreg [dreg:$0x1d];
	s4 =	sadd.s32 $0x1, s30  }
0x256: {  	p1 =	sne.s32 s4, s31  }
.Ltmp3:
0x257: {  	_ = 	snop;
	(pc) =	sbr.rel @p1 .LBB2_1-.Ltmp3, $3  }
0x258: {  	_ =	sdelay $0x1  }
0x259: {  	[sflag:s8] =	ssyncset.done $0x0  }
0x25a: {  	[sflag:s8] =	ssyncadd.s32 $0xFFFFFB00  }
0x25b: {  	_ =	sfence.sel $0x180000  }
0x25c: {  	[bflag:$0x0] =	sbarrier.arrive $0xFFFF  }
0x25d: {  	_ =	strace $0x90000047  }
0x25e: {  	s0 =	stileid.u32;
	[bflag:$0x2] =	sbarrier.arrive $0xFFFF  }
0x25f: {  	p0 =	sne.s32 s0, $0x0;
	s0 =	rddreg [dreg:$0x5]  }
0x260: {  	s0 =	sadd.s32 @!p0 $0x100000, s0  }
0x261: {  	[sflag:s0] =	ssyncadd.tile.s32 @!p0 $0x1;
	_ =	shalt  }
.Lfunc_end2:
_tile_overlayer_lowered:
.L_overlay_start_2:
0x262: {  	(tag) =	ssettag $0x2  }
0x263: {  	s0 =	rddreg [dreg:$0x0];
	s2 =	stileid.u32  }
0x264: {  	s1 =	rddreg [dreg:$0x1];
	p0 =	sne.s32 s2, $0x0  }
0x265: {  	s3 =	rddreg [dreg:$0x2];
	[bflag:$0x3] =	sbarrier.arrive $0xFFFF;
	s2 =	simm.s32 @!p0 $0x1C0B  }
0x266: {  	[timem:s3], [sflag:s2] =	dma.local @!p0 [hbm:s0], s1  }
0x267: {  	s0 =	simm.s32 @!p0 $0xB  }
0x268: {  	_ =	swait.ge @!p0 [sflag:s0], s1  }
0x269: {  	s1 =	ssub.s32 @!p0 $0x0, s1;
	[sflag:s0] =	ssyncset.done @!p0 $0x0  }
0x26a: {  	[sflag:s0] =	ssyncadd.s32 @!p0 s1  }
0x26b: {  	[bflag:$0x3] =	sbarrier.arrive $0xFFFF  }
0x26c: {  	_ =	shalt  }

</sc_bundles>
